<compile_context>
chip_gen: v7x
topology: tpu7x:2x2x1
jax: 0.10.2.dev20260603
libtpu: 0.0.44.dev20260713+nightly
codegen_flags: <defaults>
</compile_context>

<pallas_src>
import jax
import jax.numpy as jnp
from jax import lax
from jax.experimental import pallas as pl
from jax.experimental.pallas import tpu as pltpu
from jax.experimental.pallas import tpu_sc as plsc

NW = 32
CHUNK = 128
NSLOT = 2
LANES = 16
T = 0.07
MOMENTUM = 0.5


def _iota16():
    return lax.iota(jnp.int32, LANES)



def _dot_chunk(buf, vv, out_v, c_base, scratch_v, lane_base, n_groups):

    ones = jnp.ones((LANES,), dtype=jnp.int32)

    def g_body(g, carry):
        row0 = g * LANES
        for r in range(0, LANES, 4):
            rows = [row0 + r + j for j in range(4)]
            ld = [[buf[rw, pl.ds(p * LANES, LANES)] for p in range(8)]
                  for rw in rows]
            for j in range(4):
                a = [ld[j][p] * vv[p] for p in range(4)]
                for p in range(4, 8):
                    a[p - 4] = a[p - 4] + ld[j][p] * vv[p]
                scratch_v[pl.ds((r + j) * LANES, LANES)] = (a[0] + a[1]) + (a[2] + a[3])
        idxc = lane_base
        tot = plsc.load_gather(scratch_v, [idxc])
        for c in range(1, LANES):
            idxc = idxc + ones
            tot = tot + plsc.load_gather(scratch_v, [idxc])
        out_v[pl.ds(c_base + row0, LANES)] = tot
        return carry

    lax.fori_loop(0, n_groups, g_body, 0)


def _sc_body(v1_hbm, v2_hbm, idx_hbm, y_hbm,
             mem1_hbm, mem2_hbm,
             o1_hbm, o2_hbm, g1_hbm, g2_hbm,
             *scr):
    idx_all, vb1, vb2, y_v = scr[0:4]
    p = 4
    bufs1 = scr[p:p + NSLOT]; p += NSLOT
    bufs2 = scr[p:p + NSLOT]; p += NSLOT
    obufs1 = scr[p:p + NSLOT]; p += NSLOT
    obufs2 = scr[p:p + NSLOT]; p += NSLOT
    scratch_v = scr[p]; p += 1
    sems1 = scr[p:p + NSLOT]; p += NSLOT
    sems2 = scr[p:p + NSLOT]; p += NSLOT
    osems1 = scr[p:p + NSLOT]; p += NSLOT
    osems2 = scr[p:p + NSLOT]; p += NSLOT
    gsem = scr[p]
    NWw, bpw, nc128, _ = idx_hbm.shape
    per128 = 128 // CHUNK
    n_chunks = nc128 * per128
    D = vb1.shape[1]
    wid = lax.axis_index("s") * 2 + lax.axis_index("c")
    inv_t = jnp.float32(1.0 / T)
    cshift = n_chunks.bit_length() - 1
    cmask = n_chunks - 1
    pshift = per128.bit_length() - 1
    pmask = per128 - 1

    lane_base = _iota16() * LANES
    n_groups = CHUNK // LANES

    pltpu.sync_copy(idx_hbm.at[wid], idx_all)
    pltpu.sync_copy(v1_hbm.at[wid], vb1)
    pltpu.sync_copy(v2_hbm.at[wid], vb2)

    pltpu.sync_copy(y_hbm.at[wid], y_v)
    gdst1 = bufs1[0].at[pl.ds(0, bpw)]
    gdst2 = bufs2[0].at[pl.ds(0, bpw)]
    pltpu.async_copy(mem1_hbm.at[y_v], gdst1, gsem).wait()
    pltpu.sync_copy(gdst1, g1_hbm.at[pl.ds(wid * bpw, bpw)])
    pltpu.async_copy(mem2_hbm.at[y_v], gdst2, gsem).wait()
    pltpu.sync_copy(gdst2, g2_hbm.at[pl.ds(wid * bpw, bpw)])

    n_units = bpw * n_chunks

    def unit_bc(u):
        return lax.shift_right_logical(u, cshift), jnp.bitwise_and(u, cmask)

    def idx_slice(u):
        bl, c = unit_bc(u)
        c2 = lax.shift_right_logical(c, pshift)
        off = jnp.bitwise_and(c, pmask) * CHUNK
        return idx_all.at[bl, c2, pl.ds(off, CHUNK)]

    def start(u, slot):
        isl = idx_slice(u)
        pltpu.async_copy(mem1_hbm.at[isl], bufs1[slot], sems1[slot])
        pltpu.async_copy(mem2_hbm.at[isl], bufs2[slot], sems2[slot])

    def wait1(u, slot):
        pltpu.make_async_copy(mem1_hbm.at[idx_slice(u)], bufs1[slot], sems1[slot]).wait()

    def wait2(u, slot):
        pltpu.make_async_copy(mem2_hbm.at[idx_slice(u)], bufs2[slot], sems2[slot]).wait()

    def owait(par):
        pltpu.make_async_copy(obufs1[par], o1_hbm.at[0, pl.ds(0, CHUNK)], osems1[par]).wait()
        pltpu.make_async_copy(obufs2[par], o2_hbm.at[0, pl.ds(0, CHUNK)], osems2[par]).wait()

    def u_quad(uq, carry2):
        for par in range(NSLOT):
            u = NSLOT * uq + par

            @pl.when(u + NSLOT - 1 < n_units)
            def _():
                start(u + NSLOT - 1, (par + NSLOT - 1) % NSLOT)

            @pl.when(u >= NSLOT)
            def _():
                owait(par)

            bl, c = unit_bc(u)
            vv1 = [vb1[bl, pl.ds(p * LANES, LANES)] * inv_t for p in range(8)]
            vv2 = [vb2[bl, pl.ds(p * LANES, LANES)] * inv_t for p in range(8)]
            wait1(u, par)
            _dot_chunk(bufs1[par], vv2, obufs2[par], 0, scratch_v,
                       lane_base, n_groups)
            wait2(u, par)
            _dot_chunk(bufs2[par], vv1, obufs1[par], 0, scratch_v,
                       lane_base, n_groups)
            b = wid * bpw + bl
            pltpu.async_copy(obufs1[par], o1_hbm.at[b, pl.ds(c * CHUNK, CHUNK)], osems1[par])
            pltpu.async_copy(obufs2[par], o2_hbm.at[b, pl.ds(c * CHUNK, CHUNK)], osems2[par])
        return carry2

    for u0 in range(NSLOT - 1):
        start(u0, u0)
    lax.fori_loop(0, n_units // NSLOT, u_quad, 0)
    for par in range(NSLOT):
        owait(par)


def _make_sc_call(B, K1, D, N, interpret=False):
    n_chunks = K1 // CHUNK
    bpw = B // NW
    mesh = plsc.VectorSubcoreMesh(core_axis_name="c", subcore_axis_name="s",
                                  num_cores=2, num_subcores=16)
    return pl.kernel(
        _sc_body,
        out_type=(
            jax.ShapeDtypeStruct((B, K1), jnp.float32),
            jax.ShapeDtypeStruct((B, K1), jnp.float32),
            jax.ShapeDtypeStruct((B, D), jnp.float32),
            jax.ShapeDtypeStruct((B, D), jnp.float32),
        ),
        mesh=mesh,
        scratch_types=(
            [
                pltpu.VMEM((bpw, K1 // 128, 128), jnp.int32),
                pltpu.VMEM((bpw, D), jnp.float32),
                pltpu.VMEM((bpw, D), jnp.float32),
                pltpu.VMEM((bpw,), jnp.int32),
            ]
            + [pltpu.VMEM((CHUNK, D), jnp.float32)] * (2 * NSLOT)
            + [pltpu.VMEM((CHUNK,), jnp.float32)] * (2 * NSLOT)
            + [pltpu.VMEM((LANES * LANES,), jnp.float32)]
            + [pltpu.SemaphoreType.DMA] * (4 * NSLOT + 1)
        ),
        compiler_params=pltpu.CompilerParams(needs_layout_passes=False),
        interpret=interpret,
    )


LAG = 32


def _tc_update_body(y_ref, w_ref, g1_ref, g2_ref, v1_ref, v2_ref,
                    m1_ref, m2_ref, o1_ref, o2_ref,
                    u1_ref, u2_ref, sem1, sem2):
    del m1_ref, m2_ref
    B = y_ref.shape[0]
    t1 = g1_ref[...] * MOMENTUM + v1_ref[...] * (1.0 - MOMENTUM)
    n1 = jnp.sum(t1 * t1, axis=1, keepdims=True)
    u1_ref[...] = t1 / jnp.sqrt(n1)
    t2 = g2_ref[...] * MOMENTUM + v2_ref[...] * (1.0 - MOMENTUM)
    n2 = jnp.sum(t2 * t2, axis=1, keepdims=True)
    u2_ref[...] = t2 / jnp.sqrt(n2)

    def _wait_one():
        pltpu.make_async_copy(u1_ref.at[pl.ds(0, 1)], o1_ref.at[pl.ds(0, 1)], sem1).wait()
        pltpu.make_async_copy(u2_ref.at[pl.ds(0, 1)], o2_ref.at[pl.ds(0, 1)], sem2).wait()

    def sbody(i, carry):
        yi = y_ref[i]
        wi = w_ref[i]
        pltpu.make_async_copy(u1_ref.at[pl.ds(wi, 1)], o1_ref.at[pl.ds(yi, 1)], sem1).start()
        pltpu.make_async_copy(u2_ref.at[pl.ds(wi, 1)], o2_ref.at[pl.ds(yi, 1)], sem2).start()

        @pl.when(i >= LAG)
        def _():
            _wait_one()

        return carry

    lax.fori_loop(0, B, sbody, 0)

    def dbody(i, carry):
        _wait_one()
        return carry

    lax.fori_loop(0, min(LAG, B), dbody, 0)


def _make_tc_update(B, D, N, interpret=False):
    return pl.pallas_call(
        _tc_update_body,
        out_shape=(
            jax.ShapeDtypeStruct((N, D), jnp.float32),
            jax.ShapeDtypeStruct((N, D), jnp.float32),
        ),
        in_specs=[
            pl.BlockSpec(memory_space=pltpu.MemorySpace.SMEM),
            pl.BlockSpec(memory_space=pltpu.MemorySpace.SMEM),
            pl.BlockSpec(memory_space=pltpu.MemorySpace.VMEM),
            pl.BlockSpec(memory_space=pltpu.MemorySpace.VMEM),
            pl.BlockSpec(memory_space=pltpu.MemorySpace.VMEM),
            pl.BlockSpec(memory_space=pltpu.MemorySpace.VMEM),
            pl.BlockSpec(memory_space=pltpu.MemorySpace.HBM),
            pl.BlockSpec(memory_space=pltpu.MemorySpace.HBM),
        ],
        out_specs=(
            pl.BlockSpec(memory_space=pltpu.MemorySpace.HBM),
            pl.BlockSpec(memory_space=pltpu.MemorySpace.HBM),
        ),
        scratch_shapes=[
            pltpu.VMEM((B, D), jnp.float32),
            pltpu.VMEM((B, D), jnp.float32),
            pltpu.SemaphoreType.DMA,
            pltpu.SemaphoreType.DMA,
        ],
        input_output_aliases={6: 0, 7: 1},
        interpret=interpret,
    )


def _impl(v1, v2, y, idx, memory_v1, memory_v2, interpret=False):
    B, D = v1.shape
    K1 = idx.shape[1]
    N = memory_v1.shape[0]

    iota_b = jnp.arange(B, dtype=jnp.int32)
    eq = y[:, None] == y[None, :]
    w = jnp.max(jnp.where(eq, iota_b[None, :], 0), axis=1).astype(jnp.int32)

    sc_call = _make_sc_call(B, K1, D, N, interpret=interpret)
    out1, out2, g1, g2 = sc_call(
        v1.reshape(NW, B // NW, D), v2.reshape(NW, B // NW, D),
        idx.reshape(NW, B // NW, K1 // 128, 128),
        y.reshape(NW, B // NW),
        memory_v1, memory_v2,
    )

    tc_call = _make_tc_update(B, D, N, interpret=interpret)
    new1, new2 = tc_call(y, w, g1, g2, v1, v2, memory_v1, memory_v2)

    return (out1[:, :, None], out2[:, :, None], new1, new2)


def kernel(v1, v2, y, idx, memory_v1, memory_v2):
    return _impl(v1, v2, y, idx, memory_v1, memory_v2, interpret=False)

# --- scband reference (transcript-rebuilt; emitter-appended) ---
"""Pipeline reference for scband-nceaverage-multiview-23081154248915 (READ-ONLY COPY).

The authoritative reference and input builder live on the scoring server;
editing this copy changes nothing except your own understanding.
"""

import jax, jax.numpy as jnp
import numpy as np
import math

B = 1024
K = 1023
D = 128
N = 100000
T = 0.07
MOMENTUM = 0.5


def setup_inputs(seed: int = 0) -> dict:
    key = jax.random.key(seed)
    k1, k2, k3, k4, k5, k6 = jax.random.split(key, 6)
    stdv = 1.0 / math.sqrt(D / 3)
    v1 = jax.random.normal(k1, (B, D), dtype=jnp.float32)
    v2 = jax.random.normal(k2, (B, D), dtype=jnp.float32)
    y = jax.random.randint(k3, (B,), 0, N, dtype=jnp.int32)
    idx = jax.random.randint(k4, (B, K + 1), 0, N, dtype=jnp.int32)
    memory_v1 = (jax.random.uniform(k5, (N, D), dtype=jnp.float32) * (2 * stdv) - stdv)
    memory_v2 = (jax.random.uniform(k6, (N, D), dtype=jnp.float32) * (2 * stdv) - stdv)
    return {"v1": v1, "v2": v2, "y": y, "idx": idx, "memory_v1": memory_v1, "memory_v2": memory_v2}


def reference(v1, v2, y, idx, memory_v1, memory_v2):
    batchSize = v1.shape[0]
    inputSize = memory_v1.shape[1]
    # gather negatives+positive rows from each memory bank (detached in torch)
    weight_v1 = jax.lax.stop_gradient(jnp.take(memory_v1, idx.reshape(-1), axis=0)).reshape(batchSize, K + 1, inputSize)
    out_v2 = jnp.einsum('bkd,bd->bk', weight_v1, v2)[:, :, None]
    weight_v2 = jax.lax.stop_gradient(jnp.take(memory_v2, idx.reshape(-1), axis=0)).reshape(batchSize, K + 1, inputSize)
    out_v1 = jnp.einsum('bkd,bd->bk', weight_v2, v1)[:, :, None]
    # use_softmax=True branch
    out_v2 = out_v2 / T
    out_v1 = out_v1 / T
    # momentum memory update (torch references self.memory_l, intended memory_v1)
    v1_pos = jnp.take(memory_v1, y, axis=0)
    v1_pos = v1_pos * MOMENTUM + v1 * (1.0 - MOMENTUM)
    v1_norm = jnp.sqrt(jnp.sum(v1_pos ** 2, axis=1, keepdims=True))
    updated_v1 = v1_pos / v1_norm
    new_memory_v1 = memory_v1.at[y].set(jax.lax.stop_gradient(updated_v1))
    v2_pos = jnp.take(memory_v2, y, axis=0)
    v2_pos = v2_pos * MOMENTUM + v2 * (1.0 - MOMENTUM)
    v2_norm = jnp.sqrt(jnp.sum(v2_pos ** 2, axis=1, keepdims=True))
    updated_v2 = v2_pos / v2_norm
    new_memory_v2 = memory_v2.at[y].set(jax.lax.stop_gradient(updated_v2))
    return (out_v1, out_v2, new_memory_v1, new_memory_v2)

if __name__ == "__main__":
    import jax
    _d = setup_inputs()
    print(jax.jit(kernel)(*tuple(_d.values())))

</pallas_src>

<mosaic_0001>
#map = affine_map<(d0, d1) -> (0, 0, 0)>
#map1 = affine_map<(d0, d1) -> (0, 0, 0, 0)>
#map2 = affine_map<(d0, d1) -> (0, 0)>
module attributes {stable_mosaic.version = 14 : i64} {
  func.func @_sc_body(%arg0: i32, %arg1: i32, %arg2: memref<32x32x128xf32, #tpu.memory_space<hbm>>, %arg3: memref<32x32x128xf32, #tpu.memory_space<hbm>>, %arg4: memref<32x32x8x128xi32, #tpu.memory_space<hbm>>, %arg5: memref<32x32xi32, #tpu.memory_space<hbm>>, %arg6: memref<100000x128xf32, #tpu.memory_space<hbm>>, %arg7: memref<100000x128xf32, #tpu.memory_space<hbm>>, %arg8: memref<1024x1024xf32, #tpu.memory_space<hbm>>, %arg9: memref<1024x1024xf32, #tpu.memory_space<hbm>>, %arg10: memref<1024x128xf32, #tpu.memory_space<hbm>>, %arg11: memref<1024x128xf32, #tpu.memory_space<hbm>>, %arg12: memref<32x8x128xi32, #tpu.memory_space<vmem>>, %arg13: memref<32x128xf32, #tpu.memory_space<vmem>>, %arg14: memref<32x128xf32, #tpu.memory_space<vmem>>, %arg15: memref<32xi32, #tpu.memory_space<vmem>>, %arg16: memref<128x128xf32, #tpu.memory_space<vmem>>, %arg17: memref<128x128xf32, #tpu.memory_space<vmem>>, %arg18: memref<128x128xf32, #tpu.memory_space<vmem>>, %arg19: memref<128x128xf32, #tpu.memory_space<vmem>>, %arg20: memref<128xf32, #tpu.memory_space<vmem>>, %arg21: memref<128xf32, #tpu.memory_space<vmem>>, %arg22: memref<128xf32, #tpu.memory_space<vmem>>, %arg23: memref<128xf32, #tpu.memory_space<vmem>>, %arg24: memref<256xf32, #tpu.memory_space<vmem>>, %arg25: memref<!tpu.dma_semaphore, #tpu.memory_space<semaphore_mem>>, %arg26: memref<!tpu.dma_semaphore, #tpu.memory_space<semaphore_mem>>, %arg27: memref<!tpu.dma_semaphore, #tpu.memory_space<semaphore_mem>>, %arg28: memref<!tpu.dma_semaphore, #tpu.memory_space<semaphore_mem>>, %arg29: memref<!tpu.dma_semaphore, #tpu.memory_space<semaphore_mem>>, %arg30: memref<!tpu.dma_semaphore, #tpu.memory_space<semaphore_mem>>, %arg31: memref<!tpu.dma_semaphore, #tpu.memory_space<semaphore_mem>>, %arg32: memref<!tpu.dma_semaphore, #tpu.memory_space<semaphore_mem>>, %arg33: memref<!tpu.dma_semaphore, #tpu.memory_space<semaphore_mem>>) attributes {dimension_semantics = [#tpu.dimension_semantics<core_parallel>, #tpu.dimension_semantics<subcore_parallel>], iteration_bounds = array<i64: 2, 16>, scalar_prefetch = 0 : i64, scratch_operands = 22 : i64, tpu.core_type = #tpu.core_type<sc_vector_subcore>, window_params = [{transform_indices = #map}, {transform_indices = #map}, {transform_indices = #map1}, {transform_indices = #map2}, {transform_indices = #map2}, {transform_indices = #map2}, {transform_indices = #map2}, {transform_indices = #map2}, {transform_indices = #map2}, {transform_indices = #map2}]} {
    %mul3A = arith.constant 2 : i32
    %mul3A_0 = arith.muli %arg1, %mul3A : i32
    %add3A = arith.addi %mul3A_0, %arg0 : i32
    %iota3A = tpu.iota {dimensions = array<i32: 0>} : vector<16xi32>
    %mul3A_1 = arith.constant 16 : i32
    %mul3A_2 = vector.broadcast %mul3A_1 : i32 to vector<16xi32>
    %mul3A_3 = arith.muli %iota3A, %mul3A_2 : vector<16xi32>
    "tpu.region"() ({
      %run_scoped3A = tpu.sem_alloc : memref<!tpu.dma_semaphore, #tpu.memory_space<semaphore_mem>>
      %dma_start3A_84 = arith.constant 0 : i32
      %dma_start3A_85 = arith.constant 0 : i32
      %dma_start3A_86 = arith.constant 0 : i32
      %dma_start3A_87 = tpu.memref_slice %arg4[%add3A, %dma_start3A_84, %dma_start3A_85, %dma_start3A_86] : memref<32x32x8x128xi32, #tpu.memory_space<hbm>> -> memref<1x32x8x128xi32, #tpu.memory_space<hbm>>
      %dma_start3A_88 = tpu.memref_squeeze %dma_start3A_87 : memref<1x32x8x128xi32, #tpu.memory_space<hbm>> -> memref<32x8x128xi32, #tpu.memory_space<hbm>>
      %dma_start3A_89 = arith.constant 0 : i32
      %dma_start3A_90 = arith.constant 0 : i32
      %dma_start3A_91 = arith.constant 0 : i32
      %dma_start3A_92 = tpu.memref_slice %arg4[%add3A, %dma_start3A_89, %dma_start3A_90, %dma_start3A_91] : memref<32x32x8x128xi32, #tpu.memory_space<hbm>> -> memref<1x32x8x128xi32, #tpu.memory_space<hbm>>
      %dma_start3A_93 = tpu.memref_squeeze %dma_start3A_92 : memref<1x32x8x128xi32, #tpu.memory_space<hbm>> -> memref<32x8x128xi32, #tpu.memory_space<hbm>>
      tpu.enqueue_dma source(%dma_start3A_93 : memref<32x8x128xi32, #tpu.memory_space<hbm>>) target(%arg12 : memref<32x8x128xi32, #tpu.memory_space<vmem>>) target_semaphore(%run_scoped3A : memref<!tpu.dma_semaphore, #tpu.memory_space<semaphore_mem>>)
      %dma_wait3A_94 = arith.constant 0 : i32
      %dma_wait3A_95 = arith.constant 0 : i32
      %dma_wait3A_96 = arith.constant 0 : i32
      %dma_wait3A_97 = tpu.memref_slice %arg4[%add3A, %dma_wait3A_94, %dma_wait3A_95, %dma_wait3A_96] : memref<32x32x8x128xi32, #tpu.memory_space<hbm>> -> memref<1x32x8x128xi32, #tpu.memory_space<hbm>>
      %dma_wait3A_98 = tpu.memref_squeeze %dma_wait3A_97 : memref<1x32x8x128xi32, #tpu.memory_space<hbm>> -> memref<32x8x128xi32, #tpu.memory_space<hbm>>
      %dma_wait3A_99 = arith.constant 0 : i32
      %dma_wait3A_100 = arith.constant 0 : i32
      %dma_wait3A_101 = arith.constant 0 : i32
      %dma_wait3A_102 = tpu.memref_slice %arg4[%add3A, %dma_wait3A_99, %dma_wait3A_100, %dma_wait3A_101] : memref<32x32x8x128xi32, #tpu.memory_space<hbm>> -> memref<1x32x8x128xi32, #tpu.memory_space<hbm>>
      %dma_wait3A_103 = tpu.memref_squeeze %dma_wait3A_102 : memref<1x32x8x128xi32, #tpu.memory_space<hbm>> -> memref<32x8x128xi32, #tpu.memory_space<hbm>>
      tpu.wait_dma2 semaphore(%run_scoped3A : memref<!tpu.dma_semaphore, #tpu.memory_space<semaphore_mem>>) src(%dma_wait3A_103 : memref<32x8x128xi32, #tpu.memory_space<hbm>>) dst(%arg12 : memref<32x8x128xi32, #tpu.memory_space<vmem>>)
      tpu.yield
    }) : () -> ()
    "tpu.region"() ({
      %run_scoped3A = tpu.sem_alloc : memref<!tpu.dma_semaphore, #tpu.memory_space<semaphore_mem>>
      %dma_start3A_84 = arith.constant 0 : i32
      %dma_start3A_85 = arith.constant 0 : i32
      %dma_start3A_86 = tpu.memref_slice %arg2[%add3A, %dma_start3A_84, %dma_start3A_85] : memref<32x32x128xf32, #tpu.memory_space<hbm>> -> memref<1x32x128xf32, #tpu.memory_space<hbm>>
      %dma_start3A_87 = tpu.memref_squeeze %dma_start3A_86 : memref<1x32x128xf32, #tpu.memory_space<hbm>> -> memref<32x128xf32, #tpu.memory_space<hbm>>
      %dma_start3A_88 = arith.constant 0 : i32
      %dma_start3A_89 = arith.constant 0 : i32
      %dma_start3A_90 = tpu.memref_slice %arg2[%add3A, %dma_start3A_88, %dma_start3A_89] : memref<32x32x128xf32, #tpu.memory_space<hbm>> -> memref<1x32x128xf32, #tpu.memory_space<hbm>>
      %dma_start3A_91 = tpu.memref_squeeze %dma_start3A_90 : memref<1x32x128xf32, #tpu.memory_space<hbm>> -> memref<32x128xf32, #tpu.memory_space<hbm>>
      tpu.enqueue_dma source(%dma_start3A_91 : memref<32x128xf32, #tpu.memory_space<hbm>>) target(%arg13 : memref<32x128xf32, #tpu.memory_space<vmem>>) target_semaphore(%run_scoped3A : memref<!tpu.dma_semaphore, #tpu.memory_space<semaphore_mem>>)
      %dma_wait3A_92 = arith.constant 0 : i32
      %dma_wait3A_93 = arith.constant 0 : i32
      %dma_wait3A_94 = tpu.memref_slice %arg2[%add3A, %dma_wait3A_92, %dma_wait3A_93] : memref<32x32x128xf32, #tpu.memory_space<hbm>> -> memref<1x32x128xf32, #tpu.memory_space<hbm>>
      %dma_wait3A_95 = tpu.memref_squeeze %dma_wait3A_94 : memref<1x32x128xf32, #tpu.memory_space<hbm>> -> memref<32x128xf32, #tpu.memory_space<hbm>>
      %dma_wait3A_96 = arith.constant 0 : i32
      %dma_wait3A_97 = arith.constant 0 : i32
      %dma_wait3A_98 = tpu.memref_slice %arg2[%add3A, %dma_wait3A_96, %dma_wait3A_97] : memref<32x32x128xf32, #tpu.memory_space<hbm>> -> memref<1x32x128xf32, #tpu.memory_space<hbm>>
      %dma_wait3A_99 = tpu.memref_squeeze %dma_wait3A_98 : memref<1x32x128xf32, #tpu.memory_space<hbm>> -> memref<32x128xf32, #tpu.memory_space<hbm>>
      tpu.wait_dma2 semaphore(%run_scoped3A : memref<!tpu.dma_semaphore, #tpu.memory_space<semaphore_mem>>) src(%dma_wait3A_99 : memref<32x128xf32, #tpu.memory_space<hbm>>) dst(%arg13 : memref<32x128xf32, #tpu.memory_space<vmem>>)
      tpu.yield
    }) : () -> ()
    "tpu.region"() ({
      %run_scoped3A = tpu.sem_alloc : memref<!tpu.dma_semaphore, #tpu.memory_space<semaphore_mem>>
      %dma_start3A_84 = arith.constant 0 : i32
      %dma_start3A_85 = arith.constant 0 : i32
      %dma_start3A_86 = tpu.memref_slice %arg3[%add3A, %dma_start3A_84, %dma_start3A_85] : memref<32x32x128xf32, #tpu.memory_space<hbm>> -> memref<1x32x128xf32, #tpu.memory_space<hbm>>
      %dma_start3A_87 = tpu.memref_squeeze %dma_start3A_86 : memref<1x32x128xf32, #tpu.memory_space<hbm>> -> memref<32x128xf32, #tpu.memory_space<hbm>>
      %dma_start3A_88 = arith.constant 0 : i32
      %dma_start3A_89 = arith.constant 0 : i32
      %dma_start3A_90 = tpu.memref_slice %arg3[%add3A, %dma_start3A_88, %dma_start3A_89] : memref<32x32x128xf32, #tpu.memory_space<hbm>> -> memref<1x32x128xf32, #tpu.memory_space<hbm>>
      %dma_start3A_91 = tpu.memref_squeeze %dma_start3A_90 : memref<1x32x128xf32, #tpu.memory_space<hbm>> -> memref<32x128xf32, #tpu.memory_space<hbm>>
      tpu.enqueue_dma source(%dma_start3A_91 : memref<32x128xf32, #tpu.memory_space<hbm>>) target(%arg14 : memref<32x128xf32, #tpu.memory_space<vmem>>) target_semaphore(%run_scoped3A : memref<!tpu.dma_semaphore, #tpu.memory_space<semaphore_mem>>)
      %dma_wait3A_92 = arith.constant 0 : i32
      %dma_wait3A_93 = arith.constant 0 : i32
      %dma_wait3A_94 = tpu.memref_slice %arg3[%add3A, %dma_wait3A_92, %dma_wait3A_93] : memref<32x32x128xf32, #tpu.memory_space<hbm>> -> memref<1x32x128xf32, #tpu.memory_space<hbm>>
      %dma_wait3A_95 = tpu.memref_squeeze %dma_wait3A_94 : memref<1x32x128xf32, #tpu.memory_space<hbm>> -> memref<32x128xf32, #tpu.memory_space<hbm>>
      %dma_wait3A_96 = arith.constant 0 : i32
      %dma_wait3A_97 = arith.constant 0 : i32
      %dma_wait3A_98 = tpu.memref_slice %arg3[%add3A, %dma_wait3A_96, %dma_wait3A_97] : memref<32x32x128xf32, #tpu.memory_space<hbm>> -> memref<1x32x128xf32, #tpu.memory_space<hbm>>
      %dma_wait3A_99 = tpu.memref_squeeze %dma_wait3A_98 : memref<1x32x128xf32, #tpu.memory_space<hbm>> -> memref<32x128xf32, #tpu.memory_space<hbm>>
      tpu.wait_dma2 semaphore(%run_scoped3A : memref<!tpu.dma_semaphore, #tpu.memory_space<semaphore_mem>>) src(%dma_wait3A_99 : memref<32x128xf32, #tpu.memory_space<hbm>>) dst(%arg14 : memref<32x128xf32, #tpu.memory_space<vmem>>)
      tpu.yield
    }) : () -> ()
    "tpu.region"() ({
      %run_scoped3A = tpu.sem_alloc : memref<!tpu.dma_semaphore, #tpu.memory_space<semaphore_mem>>
      %dma_start3A_84 = arith.constant 0 : i32
      %dma_start3A_85 = tpu.memref_slice %arg5[%add3A, %dma_start3A_84] : memref<32x32xi32, #tpu.memory_space<hbm>> -> memref<1x32xi32, #tpu.memory_space<hbm>>
      %dma_start3A_86 = tpu.memref_squeeze %dma_start3A_85 : memref<1x32xi32, #tpu.memory_space<hbm>> -> memref<32xi32, #tpu.memory_space<hbm>>
      %dma_start3A_87 = arith.constant 0 : i32
      %dma_start3A_88 = tpu.memref_slice %arg5[%add3A, %dma_start3A_87] : memref<32x32xi32, #tpu.memory_space<hbm>> -> memref<1x32xi32, #tpu.memory_space<hbm>>
      %dma_start3A_89 = tpu.memref_squeeze %dma_start3A_88 : memref<1x32xi32, #tpu.memory_space<hbm>> -> memref<32xi32, #tpu.memory_space<hbm>>
      tpu.enqueue_dma source(%dma_start3A_89 : memref<32xi32, #tpu.memory_space<hbm>>) target(%arg15 : memref<32xi32, #tpu.memory_space<vmem>>) target_semaphore(%run_scoped3A : memref<!tpu.dma_semaphore, #tpu.memory_space<semaphore_mem>>)
      %dma_wait3A_90 = arith.constant 0 : i32
      %dma_wait3A_91 = tpu.memref_slice %arg5[%add3A, %dma_wait3A_90] : memref<32x32xi32, #tpu.memory_space<hbm>> -> memref<1x32xi32, #tpu.memory_space<hbm>>
      %dma_wait3A_92 = tpu.memref_squeeze %dma_wait3A_91 : memref<1x32xi32, #tpu.memory_space<hbm>> -> memref<32xi32, #tpu.memory_space<hbm>>
      %dma_wait3A_93 = arith.constant 0 : i32
      %dma_wait3A_94 = tpu.memref_slice %arg5[%add3A, %dma_wait3A_93] : memref<32x32xi32, #tpu.memory_space<hbm>> -> memref<1x32xi32, #tpu.memory_space<hbm>>
      %dma_wait3A_95 = tpu.memref_squeeze %dma_wait3A_94 : memref<1x32xi32, #tpu.memory_space<hbm>> -> memref<32xi32, #tpu.memory_space<hbm>>
      tpu.wait_dma2 semaphore(%run_scoped3A : memref<!tpu.dma_semaphore, #tpu.memory_space<semaphore_mem>>) src(%dma_wait3A_95 : memref<32xi32, #tpu.memory_space<hbm>>) dst(%arg15 : memref<32xi32, #tpu.memory_space<vmem>>)
      tpu.yield
    }) : () -> ()
    %dma_start3A = arith.constant 0 : i32
    %dma_start3A_4 = arith.constant 0 : i32
    %dma_start3A_5 = tpu.memref_slice %arg16[%dma_start3A, %dma_start3A_4] : memref<128x128xf32, #tpu.memory_space<vmem>> -> memref<32x128xf32, #tpu.memory_space<vmem>>
    %dma_start3A_6 = arith.constant 0 : i32
    %dma_start3A_7 = arith.constant 0 : i32
    %dma_start3A_8 = tpu.memref_slice %arg6[%dma_start3A_6, %dma_start3A_7] : memref<100000x128xf32, #tpu.memory_space<hbm>> -> memref<100000x128xf32, #tpu.memory_space<hbm>>
    tpu.enqueue_indirect_dma source(%dma_start3A_8 : memref<100000x128xf32, #tpu.memory_space<hbm>>) target(%dma_start3A_5 : memref<32x128xf32, #tpu.memory_space<vmem>>) offsets(%arg15 : memref<32xi32, #tpu.memory_space<vmem>>) semaphore(%arg33 : memref<!tpu.dma_semaphore, #tpu.memory_space<semaphore_mem>>)
    %dma_wait3A = arith.constant 0 : i32
    %dma_wait3A_9 = arith.constant 0 : i32
    %dma_wait3A_10 = tpu.memref_slice %arg16[%dma_wait3A, %dma_wait3A_9] : memref<128x128xf32, #tpu.memory_space<vmem>> -> memref<32x128xf32, #tpu.memory_space<vmem>>
    %dma_wait3A_11 = arith.constant 0 : i32
    %dma_wait3A_12 = arith.constant 0 : i32
    %dma_wait3A_13 = tpu.memref_slice %arg6[%dma_wait3A_11, %dma_wait3A_12] : memref<100000x128xf32, #tpu.memory_space<hbm>> -> memref<100000x128xf32, #tpu.memory_space<hbm>>
    tpu.wait_indirect_dma semaphore(%arg33 : memref<!tpu.dma_semaphore, #tpu.memory_space<semaphore_mem>>) src(%dma_wait3A_13 : memref<100000x128xf32, #tpu.memory_space<hbm>>) dst(%dma_wait3A_10 : memref<32x128xf32, #tpu.memory_space<vmem>>)
    %mul3A_14 = arith.constant 32 : i32
    %mul3A_15 = arith.muli %add3A, %mul3A_14 : i32
    "tpu.region"() ({
      %run_scoped3A = tpu.sem_alloc : memref<!tpu.dma_semaphore, #tpu.memory_space<semaphore_mem>>
      %dma_start3A_84 = arith.constant 0 : i32
      %dma_start3A_85 = arith.constant 0 : i32
      %dma_start3A_86 = tpu.memref_slice %arg16[%dma_start3A_84, %dma_start3A_85] : memref<128x128xf32, #tpu.memory_space<vmem>> -> memref<32x128xf32, #tpu.memory_space<vmem>>
      %dma_start3A_87 = arith.constant 0 : i32
      %dma_start3A_88 = tpu.memref_slice %arg10[%mul3A_15, %dma_start3A_87] : memref<1024x128xf32, #tpu.memory_space<hbm>> -> memref<32x128xf32, #tpu.memory_space<hbm>>
      %dma_start3A_89 = arith.constant 0 : i32
      %dma_start3A_90 = tpu.memref_slice %arg10[%mul3A_15, %dma_start3A_89] : memref<1024x128xf32, #tpu.memory_space<hbm>> -> memref<32x128xf32, #tpu.memory_space<hbm>>
      %dma_start3A_91 = arith.constant 0 : i32
      %dma_start3A_92 = arith.constant 0 : i32
      %dma_start3A_93 = tpu.memref_slice %arg16[%dma_start3A_91, %dma_start3A_92] : memref<128x128xf32, #tpu.memory_space<vmem>> -> memref<32x128xf32, #tpu.memory_space<vmem>>
      tpu.enqueue_dma source(%dma_start3A_93 : memref<32x128xf32, #tpu.memory_space<vmem>>) target(%dma_start3A_90 : memref<32x128xf32, #tpu.memory_space<hbm>>) target_semaphore(%run_scoped3A : memref<!tpu.dma_semaphore, #tpu.memory_space<semaphore_mem>>)
      %dma_wait3A_94 = arith.constant 0 : i32
      %dma_wait3A_95 = arith.constant 0 : i32
      %dma_wait3A_96 = tpu.memref_slice %arg16[%dma_wait3A_94, %dma_wait3A_95] : memref<128x128xf32, #tpu.memory_space<vmem>> -> memref<32x128xf32, #tpu.memory_space<vmem>>
      %dma_wait3A_97 = arith.constant 0 : i32
      %dma_wait3A_98 = tpu.memref_slice %arg10[%mul3A_15, %dma_wait3A_97] : memref<1024x128xf32, #tpu.memory_space<hbm>> -> memref<32x128xf32, #tpu.memory_space<hbm>>
      %dma_wait3A_99 = arith.constant 0 : i32
      %dma_wait3A_100 = tpu.memref_slice %arg10[%mul3A_15, %dma_wait3A_99] : memref<1024x128xf32, #tpu.memory_space<hbm>> -> memref<32x128xf32, #tpu.memory_space<hbm>>
      %dma_wait3A_101 = arith.constant 0 : i32
      %dma_wait3A_102 = arith.constant 0 : i32
      %dma_wait3A_103 = tpu.memref_slice %arg16[%dma_wait3A_101, %dma_wait3A_102] : memref<128x128xf32, #tpu.memory_space<vmem>> -> memref<32x128xf32, #tpu.memory_space<vmem>>
      tpu.wait_dma2 semaphore(%run_scoped3A : memref<!tpu.dma_semaphore, #tpu.memory_space<semaphore_mem>>) src(%dma_wait3A_103 : memref<32x128xf32, #tpu.memory_space<vmem>>) dst(%dma_wait3A_100 : memref<32x128xf32, #tpu.memory_space<hbm>>)
      tpu.yield
    }) : () -> ()
    %dma_start3A_16 = arith.constant 0 : i32
    %dma_start3A_17 = arith.constant 0 : i32
    %dma_start3A_18 = tpu.memref_slice %arg18[%dma_start3A_16, %dma_start3A_17] : memref<128x128xf32, #tpu.memory_space<vmem>> -> memref<32x128xf32, #tpu.memory_space<vmem>>
    %dma_start3A_19 = arith.constant 0 : i32
    %dma_start3A_20 = arith.constant 0 : i32
    %dma_start3A_21 = tpu.memref_slice %arg7[%dma_start3A_19, %dma_start3A_20] : memref<100000x128xf32, #tpu.memory_space<hbm>> -> memref<100000x128xf32, #tpu.memory_space<hbm>>
    tpu.enqueue_indirect_dma source(%dma_start3A_21 : memref<100000x128xf32, #tpu.memory_space<hbm>>) target(%dma_start3A_18 : memref<32x128xf32, #tpu.memory_space<vmem>>) offsets(%arg15 : memref<32xi32, #tpu.memory_space<vmem>>) semaphore(%arg33 : memref<!tpu.dma_semaphore, #tpu.memory_space<semaphore_mem>>)
    %dma_wait3A_22 = arith.constant 0 : i32
    %dma_wait3A_23 = arith.constant 0 : i32
    %dma_wait3A_24 = tpu.memref_slice %arg18[%dma_wait3A_22, %dma_wait3A_23] : memref<128x128xf32, #tpu.memory_space<vmem>> -> memref<32x128xf32, #tpu.memory_space<vmem>>
    %dma_wait3A_25 = arith.constant 0 : i32
    %dma_wait3A_26 = arith.constant 0 : i32
    %dma_wait3A_27 = tpu.memref_slice %arg7[%dma_wait3A_25, %dma_wait3A_26] : memref<100000x128xf32, #tpu.memory_space<hbm>> -> memref<100000x128xf32, #tpu.memory_space<hbm>>
    tpu.wait_indirect_dma semaphore(%arg33 : memref<!tpu.dma_semaphore, #tpu.memory_space<semaphore_mem>>) src(%dma_wait3A_27 : memref<100000x128xf32, #tpu.memory_space<hbm>>) dst(%dma_wait3A_24 : memref<32x128xf32, #tpu.memory_space<vmem>>)
    %mul3A_28 = arith.constant 32 : i32
    %mul3A_29 = arith.muli %add3A, %mul3A_28 : i32
    "tpu.region"() ({
      %run_scoped3A = tpu.sem_alloc : memref<!tpu.dma_semaphore, #tpu.memory_space<semaphore_mem>>
      %dma_start3A_84 = arith.constant 0 : i32
      %dma_start3A_85 = arith.constant 0 : i32
      %dma_start3A_86 = tpu.memref_slice %arg18[%dma_start3A_84, %dma_start3A_85] : memref<128x128xf32, #tpu.memory_space<vmem>> -> memref<32x128xf32, #tpu.memory_space<vmem>>
      %dma_start3A_87 = arith.constant 0 : i32
      %dma_start3A_88 = tpu.memref_slice %arg11[%mul3A_29, %dma_start3A_87] : memref<1024x128xf32, #tpu.memory_space<hbm>> -> memref<32x128xf32, #tpu.memory_space<hbm>>
      %dma_start3A_89 = arith.constant 0 : i32
      %dma_start3A_90 = tpu.memref_slice %arg11[%mul3A_29, %dma_start3A_89] : memref<1024x128xf32, #tpu.memory_space<hbm>> -> memref<32x128xf32, #tpu.memory_space<hbm>>
      %dma_start3A_91 = arith.constant 0 : i32
      %dma_start3A_92 = arith.constant 0 : i32
      %dma_start3A_93 = tpu.memref_slice %arg18[%dma_start3A_91, %dma_start3A_92] : memref<128x128xf32, #tpu.memory_space<vmem>> -> memref<32x128xf32, #tpu.memory_space<vmem>>
      tpu.enqueue_dma source(%dma_start3A_93 : memref<32x128xf32, #tpu.memory_space<vmem>>) target(%dma_start3A_90 : memref<32x128xf32, #tpu.memory_space<hbm>>) target_semaphore(%run_scoped3A : memref<!tpu.dma_semaphore, #tpu.memory_space<semaphore_mem>>)
      %dma_wait3A_94 = arith.constant 0 : i32
      %dma_wait3A_95 = arith.constant 0 : i32
      %dma_wait3A_96 = tpu.memref_slice %arg18[%dma_wait3A_94, %dma_wait3A_95] : memref<128x128xf32, #tpu.memory_space<vmem>> -> memref<32x128xf32, #tpu.memory_space<vmem>>
      %dma_wait3A_97 = arith.constant 0 : i32
      %dma_wait3A_98 = tpu.memref_slice %arg11[%mul3A_29, %dma_wait3A_97] : memref<1024x128xf32, #tpu.memory_space<hbm>> -> memref<32x128xf32, #tpu.memory_space<hbm>>
      %dma_wait3A_99 = arith.constant 0 : i32
      %dma_wait3A_100 = tpu.memref_slice %arg11[%mul3A_29, %dma_wait3A_99] : memref<1024x128xf32, #tpu.memory_space<hbm>> -> memref<32x128xf32, #tpu.memory_space<hbm>>
      %dma_wait3A_101 = arith.constant 0 : i32
      %dma_wait3A_102 = arith.constant 0 : i32
      %dma_wait3A_103 = tpu.memref_slice %arg18[%dma_wait3A_101, %dma_wait3A_102] : memref<128x128xf32, #tpu.memory_space<vmem>> -> memref<32x128xf32, #tpu.memory_space<vmem>>
      tpu.wait_dma2 semaphore(%run_scoped3A : memref<!tpu.dma_semaphore, #tpu.memory_space<semaphore_mem>>) src(%dma_wait3A_103 : memref<32x128xf32, #tpu.memory_space<vmem>>) dst(%dma_wait3A_100 : memref<32x128xf32, #tpu.memory_space<hbm>>)
      tpu.yield
    }) : () -> ()
    %shift_right_logical3A = arith.constant 0 : i32
    %shift_right_logical3A_30 = arith.constant 3 : i32
    %shift_right_logical3A_31 = arith.shrui %shift_right_logical3A, %shift_right_logical3A_30 : i32
    %and3A = arith.constant 0 : i32
    %and3A_32 = arith.constant 7 : i32
    %and3A_33 = arith.andi %and3A, %and3A_32 : i32
    %shift_right_logical3A_34 = arith.constant 0 : i32
    %shift_right_logical3A_35 = arith.shrui %and3A_33, %shift_right_logical3A_34 : i32
    %and3A_36 = arith.constant 0 : i32
    %and3A_37 = arith.andi %and3A_33, %and3A_36 : i32
    %mul3A_38 = arith.constant 128 : i32
    %mul3A_39 = arith.muli %and3A_37, %mul3A_38 : i32
    %dma_start3A_40 = tpu.memref_slice %arg12[%shift_right_logical3A_31, %shift_right_logical3A_35, %mul3A_39] : memref<32x8x128xi32, #tpu.memory_space<vmem>> -> memref<1x1x128xi32, #tpu.memory_space<vmem>>
    %dma_start3A_41 = tpu.memref_squeeze %dma_start3A_40 : memref<1x1x128xi32, #tpu.memory_space<vmem>> -> memref<128xi32, #tpu.memory_space<vmem>>
    %dma_start3A_42 = arith.constant 0 : i32
    %dma_start3A_43 = arith.constant 0 : i32
    %dma_start3A_44 = tpu.memref_slice %arg6[%dma_start3A_42, %dma_start3A_43] : memref<100000x128xf32, #tpu.memory_space<hbm>> -> memref<100000x128xf32, #tpu.memory_space<hbm>>
    tpu.enqueue_indirect_dma source(%dma_start3A_44 : memref<100000x128xf32, #tpu.memory_space<hbm>>) target(%arg16 : memref<128x128xf32, #tpu.memory_space<vmem>>) offsets(%dma_start3A_41 : memref<128xi32, #tpu.memory_space<vmem>>) semaphore(%arg25 : memref<!tpu.dma_semaphore, #tpu.memory_space<semaphore_mem>>)
    %dma_start3A_45 = tpu.memref_slice %arg12[%shift_right_logical3A_31, %shift_right_logical3A_35, %mul3A_39] : memref<32x8x128xi32, #tpu.memory_space<vmem>> -> memref<1x1x128xi32, #tpu.memory_space<vmem>>
    %dma_start3A_46 = tpu.memref_squeeze %dma_start3A_45 : memref<1x1x128xi32, #tpu.memory_space<vmem>> -> memref<128xi32, #tpu.memory_space<vmem>>
    %dma_start3A_47 = arith.constant 0 : i32
    %dma_start3A_48 = arith.constant 0 : i32
    %dma_start3A_49 = tpu.memref_slice %arg7[%dma_start3A_47, %dma_start3A_48] : memref<100000x128xf32, #tpu.memory_space<hbm>> -> memref<100000x128xf32, #tpu.memory_space<hbm>>
    tpu.enqueue_indirect_dma source(%dma_start3A_49 : memref<100000x128xf32, #tpu.memory_space<hbm>>) target(%arg18 : memref<128x128xf32, #tpu.memory_space<vmem>>) offsets(%dma_start3A_46 : memref<128xi32, #tpu.memory_space<vmem>>) semaphore(%arg27 : memref<!tpu.dma_semaphore, #tpu.memory_space<semaphore_mem>>)
    %scan3A = arith.constant 0 : i32
    %scan3A_50 = arith.constant 14.2857141 : f32
    %scan3A_51 = arith.constant 0 : i32
    %scan3A_52 = arith.constant 128 : i32
    %scan3A_53 = arith.addi %scan3A_51, %scan3A_52 : i32
    %scan3A_54 = arith.constant 1 : i32
    scf.for %scan3A_84 = %scan3A_51 to %scan3A_53 step %scan3A_54  : i32 {
      %mul3A_85 = arith.constant 2 : i32
      %mul3A_86 = arith.muli %mul3A_85, %scan3A_84 : i32
      %add3A_87 = arith.constant 0 : i32
      %add3A_88 = arith.addi %mul3A_86, %add3A_87 : i32
      %add3A_89 = arith.constant 2 : i32
      %add3A_90 = arith.addi %add3A_88, %add3A_89 : i32
      %sub3A = arith.constant 1 : i32
      %sub3A_91 = arith.subi %add3A_90, %sub3A : i32
      %lt3A = arith.constant 256 : i32
      %lt3A_92 = arith.cmpi slt, %sub3A_91, %lt3A : i32
      %convert_element_type3A = arith.extui %lt3A_92 : i1 to i32
      %cond3A = arith.constant 0 : i32
      %cond3A_93 = arith.cmpi ne, %convert_element_type3A, %cond3A : i32
      scf.if %cond3A_93 {
        %add3A_404 = arith.constant 2 : i32
        %add3A_405 = arith.addi %add3A_88, %add3A_404 : i32
        %sub3A_406 = arith.constant 1 : i32
        %sub3A_407 = arith.subi %add3A_405, %sub3A_406 : i32
        %shift_right_logical3A_408 = arith.constant 3 : i32
        %shift_right_logical3A_409 = arith.shrui %sub3A_407, %shift_right_logical3A_408 : i32
        %and3A_410 = arith.constant 7 : i32
        %and3A_411 = arith.andi %sub3A_407, %and3A_410 : i32
        %shift_right_logical3A_412 = arith.constant 0 : i32
        %shift_right_logical3A_413 = arith.shrui %and3A_411, %shift_right_logical3A_412 : i32
        %and3A_414 = arith.constant 0 : i32
        %and3A_415 = arith.andi %and3A_411, %and3A_414 : i32
        %mul3A_416 = arith.constant 128 : i32
        %mul3A_417 = arith.muli %and3A_415, %mul3A_416 : i32
        %dma_start3A_418 = tpu.memref_slice %arg12[%shift_right_logical3A_409, %shift_right_logical3A_413, %mul3A_417] : memref<32x8x128xi32, #tpu.memory_space<vmem>> -> memref<1x1x128xi32, #tpu.memory_space<vmem>>
        %dma_start3A_419 = tpu.memref_squeeze %dma_start3A_418 : memref<1x1x128xi32, #tpu.memory_space<vmem>> -> memref<128xi32, #tpu.memory_space<vmem>>
        %dma_start3A_420 = arith.constant 0 : i32
        %dma_start3A_421 = arith.constant 0 : i32
        %dma_start3A_422 = tpu.memref_slice %arg6[%dma_start3A_420, %dma_start3A_421] : memref<100000x128xf32, #tpu.memory_space<hbm>> -> memref<100000x128xf32, #tpu.memory_space<hbm>>
        tpu.enqueue_indirect_dma source(%dma_start3A_422 : memref<100000x128xf32, #tpu.memory_space<hbm>>) target(%arg17 : memref<128x128xf32, #tpu.memory_space<vmem>>) offsets(%dma_start3A_419 : memref<128xi32, #tpu.memory_space<vmem>>) semaphore(%arg26 : memref<!tpu.dma_semaphore, #tpu.memory_space<semaphore_mem>>)
        %dma_start3A_423 = tpu.memref_slice %arg12[%shift_right_logical3A_409, %shift_right_logical3A_413, %mul3A_417] : memref<32x8x128xi32, #tpu.memory_space<vmem>> -> memref<1x1x128xi32, #tpu.memory_space<vmem>>
        %dma_start3A_424 = tpu.memref_squeeze %dma_start3A_423 : memref<1x1x128xi32, #tpu.memory_space<vmem>> -> memref<128xi32, #tpu.memory_space<vmem>>
        %dma_start3A_425 = arith.constant 0 : i32
        %dma_start3A_426 = arith.constant 0 : i32
        %dma_start3A_427 = tpu.memref_slice %arg7[%dma_start3A_425, %dma_start3A_426] : memref<100000x128xf32, #tpu.memory_space<hbm>> -> memref<100000x128xf32, #tpu.memory_space<hbm>>
        tpu.enqueue_indirect_dma source(%dma_start3A_427 : memref<100000x128xf32, #tpu.memory_space<hbm>>) target(%arg19 : memref<128x128xf32, #tpu.memory_space<vmem>>) offsets(%dma_start3A_424 : memref<128xi32, #tpu.memory_space<vmem>>) semaphore(%arg28 : memref<!tpu.dma_semaphore, #tpu.memory_space<semaphore_mem>>)
      } else {
      }
      %ge3A = arith.constant 2 : i32
      %ge3A_94 = arith.cmpi sge, %add3A_88, %ge3A : i32
      %convert_element_type3A_95 = arith.extui %ge3A_94 : i1 to i32
      %cond3A_96 = arith.constant 0 : i32
      %cond3A_97 = arith.cmpi ne, %convert_element_type3A_95, %cond3A_96 : i32
      scf.if %cond3A_97 {
        %dma_wait3A_404 = arith.constant 0 : i32
        %dma_wait3A_405 = arith.constant 0 : i32
        %dma_wait3A_406 = tpu.memref_slice %arg8[%dma_wait3A_404, %dma_wait3A_405] : memref<1024x1024xf32, #tpu.memory_space<hbm>> -> memref<1x128xf32, #tpu.memory_space<hbm>>
        %dma_wait3A_407 = tpu.memref_squeeze %dma_wait3A_406 : memref<1x128xf32, #tpu.memory_space<hbm>> -> memref<128xf32, #tpu.memory_space<hbm>>
        %dma_wait3A_408 = arith.constant 0 : i32
        %dma_wait3A_409 = tpu.memref_slice %arg8[%dma_wait3A_404, %dma_wait3A_408] : memref<1024x1024xf32, #tpu.memory_space<hbm>> -> memref<1x128xf32, #tpu.memory_space<hbm>>
        %dma_wait3A_410 = tpu.memref_squeeze %dma_wait3A_409 : memref<1x128xf32, #tpu.memory_space<hbm>> -> memref<128xf32, #tpu.memory_space<hbm>>
        tpu.wait_dma2 semaphore(%arg29 : memref<!tpu.dma_semaphore, #tpu.memory_space<semaphore_mem>>) src(%arg20 : memref<128xf32, #tpu.memory_space<vmem>>) dst(%dma_wait3A_410 : memref<128xf32, #tpu.memory_space<hbm>>)
        %dma_wait3A_411 = arith.constant 0 : i32
        %dma_wait3A_412 = arith.constant 0 : i32
        %dma_wait3A_413 = tpu.memref_slice %arg9[%dma_wait3A_411, %dma_wait3A_412] : memref<1024x1024xf32, #tpu.memory_space<hbm>> -> memref<1x128xf32, #tpu.memory_space<hbm>>
        %dma_wait3A_414 = tpu.memref_squeeze %dma_wait3A_413 : memref<1x128xf32, #tpu.memory_space<hbm>> -> memref<128xf32, #tpu.memory_space<hbm>>
        %dma_wait3A_415 = arith.constant 0 : i32
        %dma_wait3A_416 = tpu.memref_slice %arg9[%dma_wait3A_411, %dma_wait3A_415] : memref<1024x1024xf32, #tpu.memory_space<hbm>> -> memref<1x128xf32, #tpu.memory_space<hbm>>
        %dma_wait3A_417 = tpu.memref_squeeze %dma_wait3A_416 : memref<1x128xf32, #tpu.memory_space<hbm>> -> memref<128xf32, #tpu.memory_space<hbm>>
        tpu.wait_dma2 semaphore(%arg31 : memref<!tpu.dma_semaphore, #tpu.memory_space<semaphore_mem>>) src(%arg22 : memref<128xf32, #tpu.memory_space<vmem>>) dst(%dma_wait3A_417 : memref<128xf32, #tpu.memory_space<hbm>>)
      } else {
      }
      %shift_right_logical3A_98 = arith.constant 3 : i32
      %shift_right_logical3A_99 = arith.shrui %add3A_88, %shift_right_logical3A_98 : i32
      %and3A_100 = arith.constant 7 : i32
      %and3A_101 = arith.andi %add3A_88, %and3A_100 : i32
      %get3A = arith.index_cast %shift_right_logical3A_99 : i32 to index
      %get3A_102 = arith.constant 0 : index
      %get3A_103 = tpu.vector_load %arg13[%get3A, %get3A_102] {strides = array<i32>} : memref<32x128xf32, #tpu.memory_space<vmem>>, vector<16xf32>,
      %mul3A_104 = vector.broadcast %scan3A_50 : f32 to vector<16xf32>
      %mul3A_105 = arith.mulf %get3A_103, %mul3A_104 : vector<16xf32>
      %get3A_106 = arith.index_cast %shift_right_logical3A_99 : i32 to index
      %get3A_107 = arith.constant 16 : index
      %get3A_108 = tpu.vector_load %arg13[%get3A_106, %get3A_107] {strides = array<i32>} : memref<32x128xf32, #tpu.memory_space<vmem>>, vector<16xf32>,
      %mul3A_109 = vector.broadcast %scan3A_50 : f32 to vector<16xf32>
      %mul3A_110 = arith.mulf %get3A_108, %mul3A_109 : vector<16xf32>
      %get3A_111 = arith.index_cast %shift_right_logical3A_99 : i32 to index
      %get3A_112 = arith.constant 32 : index
      %get3A_113 = tpu.vector_load %arg13[%get3A_111, %get3A_112] {strides = array<i32>} : memref<32x128xf32, #tpu.memory_space<vmem>>, vector<16xf32>,
      %mul3A_114 = vector.broadcast %scan3A_50 : f32 to vector<16xf32>
      %mul3A_115 = arith.mulf %get3A_113, %mul3A_114 : vector<16xf32>
      %get3A_116 = arith.index_cast %shift_right_logical3A_99 : i32 to index
      %get3A_117 = arith.constant 48 : index
      %get3A_118 = tpu.vector_load %arg13[%get3A_116, %get3A_117] {strides = array<i32>} : memref<32x128xf32, #tpu.memory_space<vmem>>, vector<16xf32>,
      %mul3A_119 = vector.broadcast %scan3A_50 : f32 to vector<16xf32>
      %mul3A_120 = arith.mulf %get3A_118, %mul3A_119 : vector<16xf32>
      %get3A_121 = arith.index_cast %shift_right_logical3A_99 : i32 to index
      %get3A_122 = arith.constant 64 : index
      %get3A_123 = tpu.vector_load %arg13[%get3A_121, %get3A_122] {strides = array<i32>} : memref<32x128xf32, #tpu.memory_space<vmem>>, vector<16xf32>,
      %mul3A_124 = vector.broadcast %scan3A_50 : f32 to vector<16xf32>
      %mul3A_125 = arith.mulf %get3A_123, %mul3A_124 : vector<16xf32>
      %get3A_126 = arith.index_cast %shift_right_logical3A_99 : i32 to index
      %get3A_127 = arith.constant 80 : index
      %get3A_128 = tpu.vector_load %arg13[%get3A_126, %get3A_127] {strides = array<i32>} : memref<32x128xf32, #tpu.memory_space<vmem>>, vector<16xf32>,
      %mul3A_129 = vector.broadcast %scan3A_50 : f32 to vector<16xf32>
      %mul3A_130 = arith.mulf %get3A_128, %mul3A_129 : vector<16xf32>
      %get3A_131 = arith.index_cast %shift_right_logical3A_99 : i32 to index
      %get3A_132 = arith.constant 96 : index
      %get3A_133 = tpu.vector_load %arg13[%get3A_131, %get3A_132] {strides = array<i32>} : memref<32x128xf32, #tpu.memory_space<vmem>>, vector<16xf32>,
      %mul3A_134 = vector.broadcast %scan3A_50 : f32 to vector<16xf32>
      %mul3A_135 = arith.mulf %get3A_133, %mul3A_134 : vector<16xf32>
      %get3A_136 = arith.index_cast %shift_right_logical3A_99 : i32 to index
      %get3A_137 = arith.constant 112 : index
      %get3A_138 = tpu.vector_load %arg13[%get3A_136, %get3A_137] {strides = array<i32>} : memref<32x128xf32, #tpu.memory_space<vmem>>, vector<16xf32>,
      %mul3A_139 = vector.broadcast %scan3A_50 : f32 to vector<16xf32>
      %mul3A_140 = arith.mulf %get3A_138, %mul3A_139 : vector<16xf32>
      %get3A_141 = arith.index_cast %shift_right_logical3A_99 : i32 to index
      %get3A_142 = arith.constant 0 : index
      %get3A_143 = tpu.vector_load %arg14[%get3A_141, %get3A_142] {strides = array<i32>} : memref<32x128xf32, #tpu.memory_space<vmem>>, vector<16xf32>,
      %mul3A_144 = vector.broadcast %scan3A_50 : f32 to vector<16xf32>
      %mul3A_145 = arith.mulf %get3A_143, %mul3A_144 : vector<16xf32>
      %get3A_146 = arith.index_cast %shift_right_logical3A_99 : i32 to index
      %get3A_147 = arith.constant 16 : index
      %get3A_148 = tpu.vector_load %arg14[%get3A_146, %get3A_147] {strides = array<i32>} : memref<32x128xf32, #tpu.memory_space<vmem>>, vector<16xf32>,
      %mul3A_149 = vector.broadcast %scan3A_50 : f32 to vector<16xf32>
      %mul3A_150 = arith.mulf %get3A_148, %mul3A_149 : vector<16xf32>
      %get3A_151 = arith.index_cast %shift_right_logical3A_99 : i32 to index
      %get3A_152 = arith.constant 32 : index
      %get3A_153 = tpu.vector_load %arg14[%get3A_151, %get3A_152] {strides = array<i32>} : memref<32x128xf32, #tpu.memory_space<vmem>>, vector<16xf32>,
      %mul3A_154 = vector.broadcast %scan3A_50 : f32 to vector<16xf32>
      %mul3A_155 = arith.mulf %get3A_153, %mul3A_154 : vector<16xf32>
      %get3A_156 = arith.index_cast %shift_right_logical3A_99 : i32 to index
      %get3A_157 = arith.constant 48 : index
      %get3A_158 = tpu.vector_load %arg14[%get3A_156, %get3A_157] {strides = array<i32>} : memref<32x128xf32, #tpu.memory_space<vmem>>, vector<16xf32>,
      %mul3A_159 = vector.broadcast %scan3A_50 : f32 to vector<16xf32>
      %mul3A_160 = arith.mulf %get3A_158, %mul3A_159 : vector<16xf32>
      %get3A_161 = arith.index_cast %shift_right_logical3A_99 : i32 to index
      %get3A_162 = arith.constant 64 : index
      %get3A_163 = tpu.vector_load %arg14[%get3A_161, %get3A_162] {strides = array<i32>} : memref<32x128xf32, #tpu.memory_space<vmem>>, vector<16xf32>,
      %mul3A_164 = vector.broadcast %scan3A_50 : f32 to vector<16xf32>
      %mul3A_165 = arith.mulf %get3A_163, %mul3A_164 : vector<16xf32>
      %get3A_166 = arith.index_cast %shift_right_logical3A_99 : i32 to index
      %get3A_167 = arith.constant 80 : index
      %get3A_168 = tpu.vector_load %arg14[%get3A_166, %get3A_167] {strides = array<i32>} : memref<32x128xf32, #tpu.memory_space<vmem>>, vector<16xf32>,
      %mul3A_169 = vector.broadcast %scan3A_50 : f32 to vector<16xf32>
      %mul3A_170 = arith.mulf %get3A_168, %mul3A_169 : vector<16xf32>
      %get3A_171 = arith.index_cast %shift_right_logical3A_99 : i32 to index
      %get3A_172 = arith.constant 96 : index
      %get3A_173 = tpu.vector_load %arg14[%get3A_171, %get3A_172] {strides = array<i32>} : memref<32x128xf32, #tpu.memory_space<vmem>>, vector<16xf32>,
      %mul3A_174 = vector.broadcast %scan3A_50 : f32 to vector<16xf32>
      %mul3A_175 = arith.mulf %get3A_173, %mul3A_174 : vector<16xf32>
      %get3A_176 = arith.index_cast %shift_right_logical3A_99 : i32 to index
      %get3A_177 = arith.constant 112 : index
      %get3A_178 = tpu.vector_load %arg14[%get3A_176, %get3A_177] {strides = array<i32>} : memref<32x128xf32, #tpu.memory_space<vmem>>, vector<16xf32>,
      %mul3A_179 = vector.broadcast %scan3A_50 : f32 to vector<16xf32>
      %mul3A_180 = arith.mulf %get3A_178, %mul3A_179 : vector<16xf32>
      %shift_right_logical3A_181 = arith.constant 3 : i32
      %shift_right_logical3A_182 = arith.shrui %add3A_88, %shift_right_logical3A_181 : i32
      %and3A_183 = arith.constant 7 : i32
      %and3A_184 = arith.andi %add3A_88, %and3A_183 : i32
      %shift_right_logical3A_185 = arith.constant 0 : i32
      %shift_right_logical3A_186 = arith.shrui %and3A_184, %shift_right_logical3A_185 : i32
      %and3A_187 = arith.constant 0 : i32
      %and3A_188 = arith.andi %and3A_184, %and3A_187 : i32
      %mul3A_189 = arith.constant 128 : i32
      %mul3A_190 = arith.muli %and3A_188, %mul3A_189 : i32
      %dma_wait3A_191 = tpu.memref_slice %arg12[%shift_right_logical3A_182, %shift_right_logical3A_186, %mul3A_190] : memref<32x8x128xi32, #tpu.memory_space<vmem>> -> memref<1x1x128xi32, #tpu.memory_space<vmem>>
      %dma_wait3A_192 = tpu.memref_squeeze %dma_wait3A_191 : memref<1x1x128xi32, #tpu.memory_space<vmem>> -> memref<128xi32, #tpu.memory_space<vmem>>
      %dma_wait3A_193 = arith.constant 0 : i32
      %dma_wait3A_194 = arith.constant 0 : i32
      %dma_wait3A_195 = tpu.memref_slice %arg6[%dma_wait3A_193, %dma_wait3A_194] : memref<100000x128xf32, #tpu.memory_space<hbm>> -> memref<100000x128xf32, #tpu.memory_space<hbm>>
      tpu.wait_indirect_dma semaphore(%arg25 : memref<!tpu.dma_semaphore, #tpu.memory_space<semaphore_mem>>) src(%dma_wait3A_195 : memref<100000x128xf32, #tpu.memory_space<hbm>>) dst(%arg16 : memref<128x128xf32, #tpu.memory_space<vmem>>)
      %broadcast_in_dim3A = arith.constant 1 : i32
      %broadcast_in_dim3A_196 = vector.broadcast %broadcast_in_dim3A : i32 to vector<16xi32>
      %scan3A_197 = arith.constant 0 : i32
      %scan3A_198 = arith.constant 0 : i32
      %scan3A_199 = arith.constant 8 : i32
      %scan3A_200 = arith.addi %scan3A_198, %scan3A_199 : i32
      %scan3A_201 = arith.constant 1 : i32
      scf.for %scan3A_404 = %scan3A_198 to %scan3A_200 step %scan3A_201  : i32 {
        %mul3A_405 = arith.constant 16 : i32
        %mul3A_406 = arith.muli %scan3A_404, %mul3A_405 : i32
        %add3A_407 = arith.constant 0 : i32
        %add3A_408 = arith.addi %mul3A_406, %add3A_407 : i32
        %add3A_409 = arith.constant 0 : i32
        %add3A_410 = arith.addi %add3A_408, %add3A_409 : i32
        %add3A_411 = arith.constant 0 : i32
        %add3A_412 = arith.addi %mul3A_406, %add3A_411 : i32
        %add3A_413 = arith.constant 1 : i32
        %add3A_414 = arith.addi %add3A_412, %add3A_413 : i32
        %add3A_415 = arith.constant 0 : i32
        %add3A_416 = arith.addi %mul3A_406, %add3A_415 : i32
        %add3A_417 = arith.constant 2 : i32
        %add3A_418 = arith.addi %add3A_416, %add3A_417 : i32
        %add3A_419 = arith.constant 0 : i32
        %add3A_420 = arith.addi %mul3A_406, %add3A_419 : i32
        %add3A_421 = arith.constant 3 : i32
        %add3A_422 = arith.addi %add3A_420, %add3A_421 : i32
        %get3A_423 = arith.index_cast %add3A_410 : i32 to index
        %get3A_424 = arith.constant 0 : index
        %get3A_425 = tpu.vector_load %arg16[%get3A_423, %get3A_424] {strides = array<i32>} : memref<128x128xf32, #tpu.memory_space<vmem>>, vector<16xf32>,
        %get3A_426 = arith.index_cast %add3A_410 : i32 to index
        %get3A_427 = arith.constant 16 : index
        %get3A_428 = tpu.vector_load %arg16[%get3A_426, %get3A_427] {strides = array<i32>} : memref<128x128xf32, #tpu.memory_space<vmem>>, vector<16xf32>,
        %get3A_429 = arith.index_cast %add3A_410 : i32 to index
        %get3A_430 = arith.constant 32 : index
        %get3A_431 = tpu.vector_load %arg16[%get3A_429, %get3A_430] {strides = array<i32>} : memref<128x128xf32, #tpu.memory_space<vmem>>, vector<16xf32>,
        %get3A_432 = arith.index_cast %add3A_410 : i32 to index
        %get3A_433 = arith.constant 48 : index
        %get3A_434 = tpu.vector_load %arg16[%get3A_432, %get3A_433] {strides = array<i32>} : memref<128x128xf32, #tpu.memory_space<vmem>>, vector<16xf32>,
        %get3A_435 = arith.index_cast %add3A_410 : i32 to index
        %get3A_436 = arith.constant 64 : index
        %get3A_437 = tpu.vector_load %arg16[%get3A_435, %get3A_436] {strides = array<i32>} : memref<128x128xf32, #tpu.memory_space<vmem>>, vector<16xf32>,
        %get3A_438 = arith.index_cast %add3A_410 : i32 to index
        %get3A_439 = arith.constant 80 : index
        %get3A_440 = tpu.vector_load %arg16[%get3A_438, %get3A_439] {strides = array<i32>} : memref<128x128xf32, #tpu.memory_space<vmem>>, vector<16xf32>,
        %get3A_441 = arith.index_cast %add3A_410 : i32 to index
        %get3A_442 = arith.constant 96 : index
        %get3A_443 = tpu.vector_load %arg16[%get3A_441, %get3A_442] {strides = array<i32>} : memref<128x128xf32, #tpu.memory_space<vmem>>, vector<16xf32>,
        %get3A_444 = arith.index_cast %add3A_410 : i32 to index
        %get3A_445 = arith.constant 112 : index
        %get3A_446 = tpu.vector_load %arg16[%get3A_444, %get3A_445] {strides = array<i32>} : memref<128x128xf32, #tpu.memory_space<vmem>>, vector<16xf32>,
        %get3A_447 = arith.index_cast %add3A_414 : i32 to index
        %get3A_448 = arith.constant 0 : index
        %get3A_449 = tpu.vector_load %arg16[%get3A_447, %get3A_448] {strides = array<i32>} : memref<128x128xf32, #tpu.memory_space<vmem>>, vector<16xf32>,
        %get3A_450 = arith.index_cast %add3A_414 : i32 to index
        %get3A_451 = arith.constant 16 : index
        %get3A_452 = tpu.vector_load %arg16[%get3A_450, %get3A_451] {strides = array<i32>} : memref<128x128xf32, #tpu.memory_space<vmem>>, vector<16xf32>,
        %get3A_453 = arith.index_cast %add3A_414 : i32 to index
        %get3A_454 = arith.constant 32 : index
        %get3A_455 = tpu.vector_load %arg16[%get3A_453, %get3A_454] {strides = array<i32>} : memref<128x128xf32, #tpu.memory_space<vmem>>, vector<16xf32>,
        %get3A_456 = arith.index_cast %add3A_414 : i32 to index
        %get3A_457 = arith.constant 48 : index
        %get3A_458 = tpu.vector_load %arg16[%get3A_456, %get3A_457] {strides = array<i32>} : memref<128x128xf32, #tpu.memory_space<vmem>>, vector<16xf32>,
        %get3A_459 = arith.index_cast %add3A_414 : i32 to index
        %get3A_460 = arith.constant 64 : index
        %get3A_461 = tpu.vector_load %arg16[%get3A_459, %get3A_460] {strides = array<i32>} : memref<128x128xf32, #tpu.memory_space<vmem>>, vector<16xf32>,
        %get3A_462 = arith.index_cast %add3A_414 : i32 to index
        %get3A_463 = arith.constant 80 : index
        %get3A_464 = tpu.vector_load %arg16[%get3A_462, %get3A_463] {strides = array<i32>} : memref<128x128xf32, #tpu.memory_space<vmem>>, vector<16xf32>,
        %get3A_465 = arith.index_cast %add3A_414 : i32 to index
        %get3A_466 = arith.constant 96 : index
        %get3A_467 = tpu.vector_load %arg16[%get3A_465, %get3A_466] {strides = array<i32>} : memref<128x128xf32, #tpu.memory_space<vmem>>, vector<16xf32>,
        %get3A_468 = arith.index_cast %add3A_414 : i32 to index
        %get3A_469 = arith.constant 112 : index
        %get3A_470 = tpu.vector_load %arg16[%get3A_468, %get3A_469] {strides = array<i32>} : memref<128x128xf32, #tpu.memory_space<vmem>>, vector<16xf32>,
        %get3A_471 = arith.index_cast %add3A_418 : i32 to index
        %get3A_472 = arith.constant 0 : index
        %get3A_473 = tpu.vector_load %arg16[%get3A_471, %get3A_472] {strides = array<i32>} : memref<128x128xf32, #tpu.memory_space<vmem>>, vector<16xf32>,
        %get3A_474 = arith.index_cast %add3A_418 : i32 to index
        %get3A_475 = arith.constant 16 : index
        %get3A_476 = tpu.vector_load %arg16[%get3A_474, %get3A_475] {strides = array<i32>} : memref<128x128xf32, #tpu.memory_space<vmem>>, vector<16xf32>,
        %get3A_477 = arith.index_cast %add3A_418 : i32 to index
        %get3A_478 = arith.constant 32 : index
        %get3A_479 = tpu.vector_load %arg16[%get3A_477, %get3A_478] {strides = array<i32>} : memref<128x128xf32, #tpu.memory_space<vmem>>, vector<16xf32>,
        %get3A_480 = arith.index_cast %add3A_418 : i32 to index
        %get3A_481 = arith.constant 48 : index
        %get3A_482 = tpu.vector_load %arg16[%get3A_480, %get3A_481] {strides = array<i32>} : memref<128x128xf32, #tpu.memory_space<vmem>>, vector<16xf32>,
        %get3A_483 = arith.index_cast %add3A_418 : i32 to index
        %get3A_484 = arith.constant 64 : index
        %get3A_485 = tpu.vector_load %arg16[%get3A_483, %get3A_484] {strides = array<i32>} : memref<128x128xf32, #tpu.memory_space<vmem>>, vector<16xf32>,
        %get3A_486 = arith.index_cast %add3A_418 : i32 to index
        %get3A_487 = arith.constant 80 : index
        %get3A_488 = tpu.vector_load %arg16[%get3A_486, %get3A_487] {strides = array<i32>} : memref<128x128xf32, #tpu.memory_space<vmem>>, vector<16xf32>,
        %get3A_489 = arith.index_cast %add3A_418 : i32 to index
        %get3A_490 = arith.constant 96 : index
        %get3A_491 = tpu.vector_load %arg16[%get3A_489, %get3A_490] {strides = array<i32>} : memref<128x128xf32, #tpu.memory_space<vmem>>, vector<16xf32>,
        %get3A_492 = arith.index_cast %add3A_418 : i32 to index
        %get3A_493 = arith.constant 112 : index
        %get3A_494 = tpu.vector_load %arg16[%get3A_492, %get3A_493] {strides = array<i32>} : memref<128x128xf32, #tpu.memory_space<vmem>>, vector<16xf32>,
        %get3A_495 = arith.index_cast %add3A_422 : i32 to index
        %get3A_496 = arith.constant 0 : index
        %get3A_497 = tpu.vector_load %arg16[%get3A_495, %get3A_496] {strides = array<i32>} : memref<128x128xf32, #tpu.memory_space<vmem>>, vector<16xf32>,
        %get3A_498 = arith.index_cast %add3A_422 : i32 to index
        %get3A_499 = arith.constant 16 : index
        %get3A_500 = tpu.vector_load %arg16[%get3A_498, %get3A_499] {strides = array<i32>} : memref<128x128xf32, #tpu.memory_space<vmem>>, vector<16xf32>,
        %get3A_501 = arith.index_cast %add3A_422 : i32 to index
        %get3A_502 = arith.constant 32 : index
        %get3A_503 = tpu.vector_load %arg16[%get3A_501, %get3A_502] {strides = array<i32>} : memref<128x128xf32, #tpu.memory_space<vmem>>, vector<16xf32>,
        %get3A_504 = arith.index_cast %add3A_422 : i32 to index
        %get3A_505 = arith.constant 48 : index
        %get3A_506 = tpu.vector_load %arg16[%get3A_504, %get3A_505] {strides = array<i32>} : memref<128x128xf32, #tpu.memory_space<vmem>>, vector<16xf32>,
        %get3A_507 = arith.index_cast %add3A_422 : i32 to index
        %get3A_508 = arith.constant 64 : index
        %get3A_509 = tpu.vector_load %arg16[%get3A_507, %get3A_508] {strides = array<i32>} : memref<128x128xf32, #tpu.memory_space<vmem>>, vector<16xf32>,
        %get3A_510 = arith.index_cast %add3A_422 : i32 to index
        %get3A_511 = arith.constant 80 : index
        %get3A_512 = tpu.vector_load %arg16[%get3A_510, %get3A_511] {strides = array<i32>} : memref<128x128xf32, #tpu.memory_space<vmem>>, vector<16xf32>,
        %get3A_513 = arith.index_cast %add3A_422 : i32 to index
        %get3A_514 = arith.constant 96 : index
        %get3A_515 = tpu.vector_load %arg16[%get3A_513, %get3A_514] {strides = array<i32>} : memref<128x128xf32, #tpu.memory_space<vmem>>, vector<16xf32>,
        %get3A_516 = arith.index_cast %add3A_422 : i32 to index
        %get3A_517 = arith.constant 112 : index
        %get3A_518 = tpu.vector_load %arg16[%get3A_516, %get3A_517] {strides = array<i32>} : memref<128x128xf32, #tpu.memory_space<vmem>>, vector<16xf32>,
        %mul3A_519 = arith.mulf %get3A_425, %mul3A_145 : vector<16xf32>
        %mul3A_520 = arith.mulf %get3A_428, %mul3A_150 : vector<16xf32>
        %mul3A_521 = arith.mulf %get3A_431, %mul3A_155 : vector<16xf32>
        %mul3A_522 = arith.mulf %get3A_434, %mul3A_160 : vector<16xf32>
        %mul3A_523 = arith.mulf %get3A_437, %mul3A_165 : vector<16xf32>
        %add3A_524 = arith.addf %mul3A_519, %mul3A_523 : vector<16xf32>
        %mul3A_525 = arith.mulf %get3A_440, %mul3A_170 : vector<16xf32>
        %add3A_526 = arith.addf %mul3A_520, %mul3A_525 : vector<16xf32>
        %mul3A_527 = arith.mulf %get3A_443, %mul3A_175 : vector<16xf32>
        %add3A_528 = arith.addf %mul3A_521, %mul3A_527 : vector<16xf32>
        %mul3A_529 = arith.mulf %get3A_446, %mul3A_180 : vector<16xf32>
        %add3A_530 = arith.addf %mul3A_522, %mul3A_529 : vector<16xf32>
        %add3A_531 = arith.addf %add3A_524, %add3A_526 : vector<16xf32>
        %add3A_532 = arith.addf %add3A_528, %add3A_530 : vector<16xf32>
        %add3A_533 = arith.addf %add3A_531, %add3A_532 : vector<16xf32>
        %swap3A = arith.constant 0 : index
        %swap3A_534 = tpu.vector_load %arg24[%swap3A] {strides = array<i32>} : memref<256xf32, #tpu.memory_space<vmem>>, vector<16xf32>,
        tpu.vector_store %arg24[%swap3A], %add3A_533 {strides = array<i32>} : memref<256xf32, #tpu.memory_space<vmem>>, vector<16xf32>,
        %mul3A_535 = arith.mulf %get3A_449, %mul3A_145 : vector<16xf32>
        %mul3A_536 = arith.mulf %get3A_452, %mul3A_150 : vector<16xf32>
        %mul3A_537 = arith.mulf %get3A_455, %mul3A_155 : vector<16xf32>
        %mul3A_538 = arith.mulf %get3A_458, %mul3A_160 : vector<16xf32>
        %mul3A_539 = arith.mulf %get3A_461, %mul3A_165 : vector<16xf32>
        %add3A_540 = arith.addf %mul3A_535, %mul3A_539 : vector<16xf32>
        %mul3A_541 = arith.mulf %get3A_464, %mul3A_170 : vector<16xf32>
        %add3A_542 = arith.addf %mul3A_536, %mul3A_541 : vector<16xf32>
        %mul3A_543 = arith.mulf %get3A_467, %mul3A_175 : vector<16xf32>
        %add3A_544 = arith.addf %mul3A_537, %mul3A_543 : vector<16xf32>
        %mul3A_545 = arith.mulf %get3A_470, %mul3A_180 : vector<16xf32>
        %add3A_546 = arith.addf %mul3A_538, %mul3A_545 : vector<16xf32>
        %add3A_547 = arith.addf %add3A_540, %add3A_542 : vector<16xf32>
        %add3A_548 = arith.addf %add3A_544, %add3A_546 : vector<16xf32>
        %add3A_549 = arith.addf %add3A_547, %add3A_548 : vector<16xf32>
        %swap3A_550 = arith.constant 16 : index
        %swap3A_551 = tpu.vector_load %arg24[%swap3A_550] {strides = array<i32>} : memref<256xf32, #tpu.memory_space<vmem>>, vector<16xf32>,
        tpu.vector_store %arg24[%swap3A_550], %add3A_549 {strides = array<i32>} : memref<256xf32, #tpu.memory_space<vmem>>, vector<16xf32>,
        %mul3A_552 = arith.mulf %get3A_473, %mul3A_145 : vector<16xf32>
        %mul3A_553 = arith.mulf %get3A_476, %mul3A_150 : vector<16xf32>
        %mul3A_554 = arith.mulf %get3A_479, %mul3A_155 : vector<16xf32>
        %mul3A_555 = arith.mulf %get3A_482, %mul3A_160 : vector<16xf32>
        %mul3A_556 = arith.mulf %get3A_485, %mul3A_165 : vector<16xf32>
        %add3A_557 = arith.addf %mul3A_552, %mul3A_556 : vector<16xf32>
        %mul3A_558 = arith.mulf %get3A_488, %mul3A_170 : vector<16xf32>
        %add3A_559 = arith.addf %mul3A_553, %mul3A_558 : vector<16xf32>
        %mul3A_560 = arith.mulf %get3A_491, %mul3A_175 : vector<16xf32>
        %add3A_561 = arith.addf %mul3A_554, %mul3A_560 : vector<16xf32>
        %mul3A_562 = arith.mulf %get3A_494, %mul3A_180 : vector<16xf32>
        %add3A_563 = arith.addf %mul3A_555, %mul3A_562 : vector<16xf32>
        %add3A_564 = arith.addf %add3A_557, %add3A_559 : vector<16xf32>
        %add3A_565 = arith.addf %add3A_561, %add3A_563 : vector<16xf32>
        %add3A_566 = arith.addf %add3A_564, %add3A_565 : vector<16xf32>
        %swap3A_567 = arith.constant 32 : index
        %swap3A_568 = tpu.vector_load %arg24[%swap3A_567] {strides = array<i32>} : memref<256xf32, #tpu.memory_space<vmem>>, vector<16xf32>,
        tpu.vector_store %arg24[%swap3A_567], %add3A_566 {strides = array<i32>} : memref<256xf32, #tpu.memory_space<vmem>>, vector<16xf32>,
        %mul3A_569 = arith.mulf %get3A_497, %mul3A_145 : vector<16xf32>
        %mul3A_570 = arith.mulf %get3A_500, %mul3A_150 : vector<16xf32>
        %mul3A_571 = arith.mulf %get3A_503, %mul3A_155 : vector<16xf32>
        %mul3A_572 = arith.mulf %get3A_506, %mul3A_160 : vector<16xf32>
        %mul3A_573 = arith.mulf %get3A_509, %mul3A_165 : vector<16xf32>
        %add3A_574 = arith.addf %mul3A_569, %mul3A_573 : vector<16xf32>
        %mul3A_575 = arith.mulf %get3A_512, %mul3A_170 : vector<16xf32>
        %add3A_576 = arith.addf %mul3A_570, %mul3A_575 : vector<16xf32>
        %mul3A_577 = arith.mulf %get3A_515, %mul3A_175 : vector<16xf32>
        %add3A_578 = arith.addf %mul3A_571, %mul3A_577 : vector<16xf32>
        %mul3A_579 = arith.mulf %get3A_518, %mul3A_180 : vector<16xf32>
        %add3A_580 = arith.addf %mul3A_572, %mul3A_579 : vector<16xf32>
        %add3A_581 = arith.addf %add3A_574, %add3A_576 : vector<16xf32>
        %add3A_582 = arith.addf %add3A_578, %add3A_580 : vector<16xf32>
        %add3A_583 = arith.addf %add3A_581, %add3A_582 : vector<16xf32>
        %swap3A_584 = arith.constant 48 : index
        %swap3A_585 = tpu.vector_load %arg24[%swap3A_584] {strides = array<i32>} : memref<256xf32, #tpu.memory_space<vmem>>, vector<16xf32>,
        tpu.vector_store %arg24[%swap3A_584], %add3A_583 {strides = array<i32>} : memref<256xf32, #tpu.memory_space<vmem>>, vector<16xf32>,
        %add3A_586 = arith.constant 4 : i32
        %add3A_587 = arith.addi %mul3A_406, %add3A_586 : i32
        %add3A_588 = arith.constant 0 : i32
        %add3A_589 = arith.addi %add3A_587, %add3A_588 : i32
        %add3A_590 = arith.constant 4 : i32
        %add3A_591 = arith.addi %mul3A_406, %add3A_590 : i32
        %add3A_592 = arith.constant 1 : i32
        %add3A_593 = arith.addi %add3A_591, %add3A_592 : i32
        %add3A_594 = arith.constant 4 : i32
        %add3A_595 = arith.addi %mul3A_406, %add3A_594 : i32
        %add3A_596 = arith.constant 2 : i32
        %add3A_597 = arith.addi %add3A_595, %add3A_596 : i32
        %add3A_598 = arith.constant 4 : i32
        %add3A_599 = arith.addi %mul3A_406, %add3A_598 : i32
        %add3A_600 = arith.constant 3 : i32
        %add3A_601 = arith.addi %add3A_599, %add3A_600 : i32
        %get3A_602 = arith.index_cast %add3A_589 : i32 to index
        %get3A_603 = arith.constant 0 : index
        %get3A_604 = tpu.vector_load %arg16[%get3A_602, %get3A_603] {strides = array<i32>} : memref<128x128xf32, #tpu.memory_space<vmem>>, vector<16xf32>,
        %get3A_605 = arith.index_cast %add3A_589 : i32 to index
        %get3A_606 = arith.constant 16 : index
        %get3A_607 = tpu.vector_load %arg16[%get3A_605, %get3A_606] {strides = array<i32>} : memref<128x128xf32, #tpu.memory_space<vmem>>, vector<16xf32>,
        %get3A_608 = arith.index_cast %add3A_589 : i32 to index
        %get3A_609 = arith.constant 32 : index
        %get3A_610 = tpu.vector_load %arg16[%get3A_608, %get3A_609] {strides = array<i32>} : memref<128x128xf32, #tpu.memory_space<vmem>>, vector<16xf32>,
        %get3A_611 = arith.index_cast %add3A_589 : i32 to index
        %get3A_612 = arith.constant 48 : index
        %get3A_613 = tpu.vector_load %arg16[%get3A_611, %get3A_612] {strides = array<i32>} : memref<128x128xf32, #tpu.memory_space<vmem>>, vector<16xf32>,
        %get3A_614 = arith.index_cast %add3A_589 : i32 to index
        %get3A_615 = arith.constant 64 : index
        %get3A_616 = tpu.vector_load %arg16[%get3A_614, %get3A_615] {strides = array<i32>} : memref<128x128xf32, #tpu.memory_space<vmem>>, vector<16xf32>,
        %get3A_617 = arith.index_cast %add3A_589 : i32 to index
        %get3A_618 = arith.constant 80 : index
        %get3A_619 = tpu.vector_load %arg16[%get3A_617, %get3A_618] {strides = array<i32>} : memref<128x128xf32, #tpu.memory_space<vmem>>, vector<16xf32>,
        %get3A_620 = arith.index_cast %add3A_589 : i32 to index
        %get3A_621 = arith.constant 96 : index
        %get3A_622 = tpu.vector_load %arg16[%get3A_620, %get3A_621] {strides = array<i32>} : memref<128x128xf32, #tpu.memory_space<vmem>>, vector<16xf32>,
        %get3A_623 = arith.index_cast %add3A_589 : i32 to index
        %get3A_624 = arith.constant 112 : index
        %get3A_625 = tpu.vector_load %arg16[%get3A_623, %get3A_624] {strides = array<i32>} : memref<128x128xf32, #tpu.memory_space<vmem>>, vector<16xf32>,
        %get3A_626 = arith.index_cast %add3A_593 : i32 to index
        %get3A_627 = arith.constant 0 : index
        %get3A_628 = tpu.vector_load %arg16[%get3A_626, %get3A_627] {strides = array<i32>} : memref<128x128xf32, #tpu.memory_space<vmem>>, vector<16xf32>,
        %get3A_629 = arith.index_cast %add3A_593 : i32 to index
        %get3A_630 = arith.constant 16 : index
        %get3A_631 = tpu.vector_load %arg16[%get3A_629, %get3A_630] {strides = array<i32>} : memref<128x128xf32, #tpu.memory_space<vmem>>, vector<16xf32>,
        %get3A_632 = arith.index_cast %add3A_593 : i32 to index
        %get3A_633 = arith.constant 32 : index
        %get3A_634 = tpu.vector_load %arg16[%get3A_632, %get3A_633] {strides = array<i32>} : memref<128x128xf32, #tpu.memory_space<vmem>>, vector<16xf32>,
        %get3A_635 = arith.index_cast %add3A_593 : i32 to index
        %get3A_636 = arith.constant 48 : index
        %get3A_637 = tpu.vector_load %arg16[%get3A_635, %get3A_636] {strides = array<i32>} : memref<128x128xf32, #tpu.memory_space<vmem>>, vector<16xf32>,
        %get3A_638 = arith.index_cast %add3A_593 : i32 to index
        %get3A_639 = arith.constant 64 : index
        %get3A_640 = tpu.vector_load %arg16[%get3A_638, %get3A_639] {strides = array<i32>} : memref<128x128xf32, #tpu.memory_space<vmem>>, vector<16xf32>,
        %get3A_641 = arith.index_cast %add3A_593 : i32 to index
        %get3A_642 = arith.constant 80 : index
        %get3A_643 = tpu.vector_load %arg16[%get3A_641, %get3A_642] {strides = array<i32>} : memref<128x128xf32, #tpu.memory_space<vmem>>, vector<16xf32>,
        %get3A_644 = arith.index_cast %add3A_593 : i32 to index
        %get3A_645 = arith.constant 96 : index
        %get3A_646 = tpu.vector_load %arg16[%get3A_644, %get3A_645] {strides = array<i32>} : memref<128x128xf32, #tpu.memory_space<vmem>>, vector<16xf32>,
        %get3A_647 = arith.index_cast %add3A_593 : i32 to index
        %get3A_648 = arith.constant 112 : index
        %get3A_649 = tpu.vector_load %arg16[%get3A_647, %get3A_648] {strides = array<i32>} : memref<128x128xf32, #tpu.memory_space<vmem>>, vector<16xf32>,
        %get3A_650 = arith.index_cast %add3A_597 : i32 to index
        %get3A_651 = arith.constant 0 : index
        %get3A_652 = tpu.vector_load %arg16[%get3A_650, %get3A_651] {strides = array<i32>} : memref<128x128xf32, #tpu.memory_space<vmem>>, vector<16xf32>,
        %get3A_653 = arith.index_cast %add3A_597 : i32 to index
        %get3A_654 = arith.constant 16 : index
        %get3A_655 = tpu.vector_load %arg16[%get3A_653, %get3A_654] {strides = array<i32>} : memref<128x128xf32, #tpu.memory_space<vmem>>, vector<16xf32>,
        %get3A_656 = arith.index_cast %add3A_597 : i32 to index
        %get3A_657 = arith.constant 32 : index
        %get3A_658 = tpu.vector_load %arg16[%get3A_656, %get3A_657] {strides = array<i32>} : memref<128x128xf32, #tpu.memory_space<vmem>>, vector<16xf32>,
        %get3A_659 = arith.index_cast %add3A_597 : i32 to index
        %get3A_660 = arith.constant 48 : index
        %get3A_661 = tpu.vector_load %arg16[%get3A_659, %get3A_660] {strides = array<i32>} : memref<128x128xf32, #tpu.memory_space<vmem>>, vector<16xf32>,
        %get3A_662 = arith.index_cast %add3A_597 : i32 to index
        %get3A_663 = arith.constant 64 : index
        %get3A_664 = tpu.vector_load %arg16[%get3A_662, %get3A_663] {strides = array<i32>} : memref<128x128xf32, #tpu.memory_space<vmem>>, vector<16xf32>,
        %get3A_665 = arith.index_cast %add3A_597 : i32 to index
        %get3A_666 = arith.constant 80 : index
        %get3A_667 = tpu.vector_load %arg16[%get3A_665, %get3A_666] {strides = array<i32>} : memref<128x128xf32, #tpu.memory_space<vmem>>, vector<16xf32>,
        %get3A_668 = arith.index_cast %add3A_597 : i32 to index
        %get3A_669 = arith.constant 96 : index
        %get3A_670 = tpu.vector_load %arg16[%get3A_668, %get3A_669] {strides = array<i32>} : memref<128x128xf32, #tpu.memory_space<vmem>>, vector<16xf32>,
        %get3A_671 = arith.index_cast %add3A_597 : i32 to index
        %get3A_672 = arith.constant 112 : index
        %get3A_673 = tpu.vector_load %arg16[%get3A_671, %get3A_672] {strides = array<i32>} : memref<128x128xf32, #tpu.memory_space<vmem>>, vector<16xf32>,
        %get3A_674 = arith.index_cast %add3A_601 : i32 to index
        %get3A_675 = arith.constant 0 : index
        %get3A_676 = tpu.vector_load %arg16[%get3A_674, %get3A_675] {strides = array<i32>} : memref<128x128xf32, #tpu.memory_space<vmem>>, vector<16xf32>,
        %get3A_677 = arith.index_cast %add3A_601 : i32 to index
        %get3A_678 = arith.constant 16 : index
        %get3A_679 = tpu.vector_load %arg16[%get3A_677, %get3A_678] {strides = array<i32>} : memref<128x128xf32, #tpu.memory_space<vmem>>, vector<16xf32>,
        %get3A_680 = arith.index_cast %add3A_601 : i32 to index
        %get3A_681 = arith.constant 32 : index
        %get3A_682 = tpu.vector_load %arg16[%get3A_680, %get3A_681] {strides = array<i32>} : memref<128x128xf32, #tpu.memory_space<vmem>>, vector<16xf32>,
        %get3A_683 = arith.index_cast %add3A_601 : i32 to index
        %get3A_684 = arith.constant 48 : index
        %get3A_685 = tpu.vector_load %arg16[%get3A_683, %get3A_684] {strides = array<i32>} : memref<128x128xf32, #tpu.memory_space<vmem>>, vector<16xf32>,
        %get3A_686 = arith.index_cast %add3A_601 : i32 to index
        %get3A_687 = arith.constant 64 : index
        %get3A_688 = tpu.vector_load %arg16[%get3A_686, %get3A_687] {strides = array<i32>} : memref<128x128xf32, #tpu.memory_space<vmem>>, vector<16xf32>,
        %get3A_689 = arith.index_cast %add3A_601 : i32 to index
        %get3A_690 = arith.constant 80 : index
        %get3A_691 = tpu.vector_load %arg16[%get3A_689, %get3A_690] {strides = array<i32>} : memref<128x128xf32, #tpu.memory_space<vmem>>, vector<16xf32>,
        %get3A_692 = arith.index_cast %add3A_601 : i32 to index
        %get3A_693 = arith.constant 96 : index
        %get3A_694 = tpu.vector_load %arg16[%get3A_692, %get3A_693] {strides = array<i32>} : memref<128x128xf32, #tpu.memory_space<vmem>>, vector<16xf32>,
        %get3A_695 = arith.index_cast %add3A_601 : i32 to index
        %get3A_696 = arith.constant 112 : index
        %get3A_697 = tpu.vector_load %arg16[%get3A_695, %get3A_696] {strides = array<i32>} : memref<128x128xf32, #tpu.memory_space<vmem>>, vector<16xf32>,
        %mul3A_698 = arith.mulf %get3A_604, %mul3A_145 : vector<16xf32>
        %mul3A_699 = arith.mulf %get3A_607, %mul3A_150 : vector<16xf32>
        %mul3A_700 = arith.mulf %get3A_610, %mul3A_155 : vector<16xf32>
        %mul3A_701 = arith.mulf %get3A_613, %mul3A_160 : vector<16xf32>
        %mul3A_702 = arith.mulf %get3A_616, %mul3A_165 : vector<16xf32>
        %add3A_703 = arith.addf %mul3A_698, %mul3A_702 : vector<16xf32>
        %mul3A_704 = arith.mulf %get3A_619, %mul3A_170 : vector<16xf32>
        %add3A_705 = arith.addf %mul3A_699, %mul3A_704 : vector<16xf32>
        %mul3A_706 = arith.mulf %get3A_622, %mul3A_175 : vector<16xf32>
        %add3A_707 = arith.addf %mul3A_700, %mul3A_706 : vector<16xf32>
        %mul3A_708 = arith.mulf %get3A_625, %mul3A_180 : vector<16xf32>
        %add3A_709 = arith.addf %mul3A_701, %mul3A_708 : vector<16xf32>
        %add3A_710 = arith.addf %add3A_703, %add3A_705 : vector<16xf32>
        %add3A_711 = arith.addf %add3A_707, %add3A_709 : vector<16xf32>
        %add3A_712 = arith.addf %add3A_710, %add3A_711 : vector<16xf32>
        %swap3A_713 = arith.constant 64 : index
        %swap3A_714 = tpu.vector_load %arg24[%swap3A_713] {strides = array<i32>} : memref<256xf32, #tpu.memory_space<vmem>>, vector<16xf32>,
        tpu.vector_store %arg24[%swap3A_713], %add3A_712 {strides = array<i32>} : memref<256xf32, #tpu.memory_space<vmem>>, vector<16xf32>,
        %mul3A_715 = arith.mulf %get3A_628, %mul3A_145 : vector<16xf32>
        %mul3A_716 = arith.mulf %get3A_631, %mul3A_150 : vector<16xf32>
        %mul3A_717 = arith.mulf %get3A_634, %mul3A_155 : vector<16xf32>
        %mul3A_718 = arith.mulf %get3A_637, %mul3A_160 : vector<16xf32>
        %mul3A_719 = arith.mulf %get3A_640, %mul3A_165 : vector<16xf32>
        %add3A_720 = arith.addf %mul3A_715, %mul3A_719 : vector<16xf32>
        %mul3A_721 = arith.mulf %get3A_643, %mul3A_170 : vector<16xf32>
        %add3A_722 = arith.addf %mul3A_716, %mul3A_721 : vector<16xf32>
        %mul3A_723 = arith.mulf %get3A_646, %mul3A_175 : vector<16xf32>
        %add3A_724 = arith.addf %mul3A_717, %mul3A_723 : vector<16xf32>
        %mul3A_725 = arith.mulf %get3A_649, %mul3A_180 : vector<16xf32>
        %add3A_726 = arith.addf %mul3A_718, %mul3A_725 : vector<16xf32>
        %add3A_727 = arith.addf %add3A_720, %add3A_722 : vector<16xf32>
        %add3A_728 = arith.addf %add3A_724, %add3A_726 : vector<16xf32>
        %add3A_729 = arith.addf %add3A_727, %add3A_728 : vector<16xf32>
        %swap3A_730 = arith.constant 80 : index
        %swap3A_731 = tpu.vector_load %arg24[%swap3A_730] {strides = array<i32>} : memref<256xf32, #tpu.memory_space<vmem>>, vector<16xf32>,
        tpu.vector_store %arg24[%swap3A_730], %add3A_729 {strides = array<i32>} : memref<256xf32, #tpu.memory_space<vmem>>, vector<16xf32>,
        %mul3A_732 = arith.mulf %get3A_652, %mul3A_145 : vector<16xf32>
        %mul3A_733 = arith.mulf %get3A_655, %mul3A_150 : vector<16xf32>
        %mul3A_734 = arith.mulf %get3A_658, %mul3A_155 : vector<16xf32>
        %mul3A_735 = arith.mulf %get3A_661, %mul3A_160 : vector<16xf32>
        %mul3A_736 = arith.mulf %get3A_664, %mul3A_165 : vector<16xf32>
        %add3A_737 = arith.addf %mul3A_732, %mul3A_736 : vector<16xf32>
        %mul3A_738 = arith.mulf %get3A_667, %mul3A_170 : vector<16xf32>
        %add3A_739 = arith.addf %mul3A_733, %mul3A_738 : vector<16xf32>
        %mul3A_740 = arith.mulf %get3A_670, %mul3A_175 : vector<16xf32>
        %add3A_741 = arith.addf %mul3A_734, %mul3A_740 : vector<16xf32>
        %mul3A_742 = arith.mulf %get3A_673, %mul3A_180 : vector<16xf32>
        %add3A_743 = arith.addf %mul3A_735, %mul3A_742 : vector<16xf32>
        %add3A_744 = arith.addf %add3A_737, %add3A_739 : vector<16xf32>
        %add3A_745 = arith.addf %add3A_741, %add3A_743 : vector<16xf32>
        %add3A_746 = arith.addf %add3A_744, %add3A_745 : vector<16xf32>
        %swap3A_747 = arith.constant 96 : index
        %swap3A_748 = tpu.vector_load %arg24[%swap3A_747] {strides = array<i32>} : memref<256xf32, #tpu.memory_space<vmem>>, vector<16xf32>,
        tpu.vector_store %arg24[%swap3A_747], %add3A_746 {strides = array<i32>} : memref<256xf32, #tpu.memory_space<vmem>>, vector<16xf32>,
        %mul3A_749 = arith.mulf %get3A_676, %mul3A_145 : vector<16xf32>
        %mul3A_750 = arith.mulf %get3A_679, %mul3A_150 : vector<16xf32>
        %mul3A_751 = arith.mulf %get3A_682, %mul3A_155 : vector<16xf32>
        %mul3A_752 = arith.mulf %get3A_685, %mul3A_160 : vector<16xf32>
        %mul3A_753 = arith.mulf %get3A_688, %mul3A_165 : vector<16xf32>
        %add3A_754 = arith.addf %mul3A_749, %mul3A_753 : vector<16xf32>
        %mul3A_755 = arith.mulf %get3A_691, %mul3A_170 : vector<16xf32>
        %add3A_756 = arith.addf %mul3A_750, %mul3A_755 : vector<16xf32>
        %mul3A_757 = arith.mulf %get3A_694, %mul3A_175 : vector<16xf32>
        %add3A_758 = arith.addf %mul3A_751, %mul3A_757 : vector<16xf32>
        %mul3A_759 = arith.mulf %get3A_697, %mul3A_180 : vector<16xf32>
        %add3A_760 = arith.addf %mul3A_752, %mul3A_759 : vector<16xf32>
        %add3A_761 = arith.addf %add3A_754, %add3A_756 : vector<16xf32>
        %add3A_762 = arith.addf %add3A_758, %add3A_760 : vector<16xf32>
        %add3A_763 = arith.addf %add3A_761, %add3A_762 : vector<16xf32>
        %swap3A_764 = arith.constant 112 : index
        %swap3A_765 = tpu.vector_load %arg24[%swap3A_764] {strides = array<i32>} : memref<256xf32, #tpu.memory_space<vmem>>, vector<16xf32>,
        tpu.vector_store %arg24[%swap3A_764], %add3A_763 {strides = array<i32>} : memref<256xf32, #tpu.memory_space<vmem>>, vector<16xf32>,
        %add3A_766 = arith.constant 8 : i32
        %add3A_767 = arith.addi %mul3A_406, %add3A_766 : i32
        %add3A_768 = arith.constant 0 : i32
        %add3A_769 = arith.addi %add3A_767, %add3A_768 : i32
        %add3A_770 = arith.constant 8 : i32
        %add3A_771 = arith.addi %mul3A_406, %add3A_770 : i32
        %add3A_772 = arith.constant 1 : i32
        %add3A_773 = arith.addi %add3A_771, %add3A_772 : i32
        %add3A_774 = arith.constant 8 : i32
        %add3A_775 = arith.addi %mul3A_406, %add3A_774 : i32
        %add3A_776 = arith.constant 2 : i32
        %add3A_777 = arith.addi %add3A_775, %add3A_776 : i32
        %add3A_778 = arith.constant 8 : i32
        %add3A_779 = arith.addi %mul3A_406, %add3A_778 : i32
        %add3A_780 = arith.constant 3 : i32
        %add3A_781 = arith.addi %add3A_779, %add3A_780 : i32
        %get3A_782 = arith.index_cast %add3A_769 : i32 to index
        %get3A_783 = arith.constant 0 : index
        %get3A_784 = tpu.vector_load %arg16[%get3A_782, %get3A_783] {strides = array<i32>} : memref<128x128xf32, #tpu.memory_space<vmem>>, vector<16xf32>,
        %get3A_785 = arith.index_cast %add3A_769 : i32 to index
        %get3A_786 = arith.constant 16 : index
        %get3A_787 = tpu.vector_load %arg16[%get3A_785, %get3A_786] {strides = array<i32>} : memref<128x128xf32, #tpu.memory_space<vmem>>, vector<16xf32>,
        %get3A_788 = arith.index_cast %add3A_769 : i32 to index
        %get3A_789 = arith.constant 32 : index
        %get3A_790 = tpu.vector_load %arg16[%get3A_788, %get3A_789] {strides = array<i32>} : memref<128x128xf32, #tpu.memory_space<vmem>>, vector<16xf32>,
        %get3A_791 = arith.index_cast %add3A_769 : i32 to index
        %get3A_792 = arith.constant 48 : index
        %get3A_793 = tpu.vector_load %arg16[%get3A_791, %get3A_792] {strides = array<i32>} : memref<128x128xf32, #tpu.memory_space<vmem>>, vector<16xf32>,
        %get3A_794 = arith.index_cast %add3A_769 : i32 to index
        %get3A_795 = arith.constant 64 : index
        %get3A_796 = tpu.vector_load %arg16[%get3A_794, %get3A_795] {strides = array<i32>} : memref<128x128xf32, #tpu.memory_space<vmem>>, vector<16xf32>,
        %get3A_797 = arith.index_cast %add3A_769 : i32 to index
        %get3A_798 = arith.constant 80 : index
        %get3A_799 = tpu.vector_load %arg16[%get3A_797, %get3A_798] {strides = array<i32>} : memref<128x128xf32, #tpu.memory_space<vmem>>, vector<16xf32>,
        %get3A_800 = arith.index_cast %add3A_769 : i32 to index
        %get3A_801 = arith.constant 96 : index
        %get3A_802 = tpu.vector_load %arg16[%get3A_800, %get3A_801] {strides = array<i32>} : memref<128x128xf32, #tpu.memory_space<vmem>>, vector<16xf32>,
        %get3A_803 = arith.index_cast %add3A_769 : i32 to index
        %get3A_804 = arith.constant 112 : index
        %get3A_805 = tpu.vector_load %arg16[%get3A_803, %get3A_804] {strides = array<i32>} : memref<128x128xf32, #tpu.memory_space<vmem>>, vector<16xf32>,
        %get3A_806 = arith.index_cast %add3A_773 : i32 to index
        %get3A_807 = arith.constant 0 : index
        %get3A_808 = tpu.vector_load %arg16[%get3A_806, %get3A_807] {strides = array<i32>} : memref<128x128xf32, #tpu.memory_space<vmem>>, vector<16xf32>,
        %get3A_809 = arith.index_cast %add3A_773 : i32 to index
        %get3A_810 = arith.constant 16 : index
        %get3A_811 = tpu.vector_load %arg16[%get3A_809, %get3A_810] {strides = array<i32>} : memref<128x128xf32, #tpu.memory_space<vmem>>, vector<16xf32>,
        %get3A_812 = arith.index_cast %add3A_773 : i32 to index
        %get3A_813 = arith.constant 32 : index
        %get3A_814 = tpu.vector_load %arg16[%get3A_812, %get3A_813] {strides = array<i32>} : memref<128x128xf32, #tpu.memory_space<vmem>>, vector<16xf32>,
        %get3A_815 = arith.index_cast %add3A_773 : i32 to index
        %get3A_816 = arith.constant 48 : index
        %get3A_817 = tpu.vector_load %arg16[%get3A_815, %get3A_816] {strides = array<i32>} : memref<128x128xf32, #tpu.memory_space<vmem>>, vector<16xf32>,
        %get3A_818 = arith.index_cast %add3A_773 : i32 to index
        %get3A_819 = arith.constant 64 : index
        %get3A_820 = tpu.vector_load %arg16[%get3A_818, %get3A_819] {strides = array<i32>} : memref<128x128xf32, #tpu.memory_space<vmem>>, vector<16xf32>,
        %get3A_821 = arith.index_cast %add3A_773 : i32 to index
        %get3A_822 = arith.constant 80 : index
        %get3A_823 = tpu.vector_load %arg16[%get3A_821, %get3A_822] {strides = array<i32>} : memref<128x128xf32, #tpu.memory_space<vmem>>, vector<16xf32>,
        %get3A_824 = arith.index_cast %add3A_773 : i32 to index
        %get3A_825 = arith.constant 96 : index
        %get3A_826 = tpu.vector_load %arg16[%get3A_824, %get3A_825] {strides = array<i32>} : memref<128x128xf32, #tpu.memory_space<vmem>>, vector<16xf32>,
        %get3A_827 = arith.index_cast %add3A_773 : i32 to index
        %get3A_828 = arith.constant 112 : index
        %get3A_829 = tpu.vector_load %arg16[%get3A_827, %get3A_828] {strides = array<i32>} : memref<128x128xf32, #tpu.memory_space<vmem>>, vector<16xf32>,
        %get3A_830 = arith.index_cast %add3A_777 : i32 to index
        %get3A_831 = arith.constant 0 : index
        %get3A_832 = tpu.vector_load %arg16[%get3A_830, %get3A_831] {strides = array<i32>} : memref<128x128xf32, #tpu.memory_space<vmem>>, vector<16xf32>,
        %get3A_833 = arith.index_cast %add3A_777 : i32 to index
        %get3A_834 = arith.constant 16 : index
        %get3A_835 = tpu.vector_load %arg16[%get3A_833, %get3A_834] {strides = array<i32>} : memref<128x128xf32, #tpu.memory_space<vmem>>, vector<16xf32>,
        %get3A_836 = arith.index_cast %add3A_777 : i32 to index
        %get3A_837 = arith.constant 32 : index
        %get3A_838 = tpu.vector_load %arg16[%get3A_836, %get3A_837] {strides = array<i32>} : memref<128x128xf32, #tpu.memory_space<vmem>>, vector<16xf32>,
        %get3A_839 = arith.index_cast %add3A_777 : i32 to index
        %get3A_840 = arith.constant 48 : index
        %get3A_841 = tpu.vector_load %arg16[%get3A_839, %get3A_840] {strides = array<i32>} : memref<128x128xf32, #tpu.memory_space<vmem>>, vector<16xf32>,
        %get3A_842 = arith.index_cast %add3A_777 : i32 to index
        %get3A_843 = arith.constant 64 : index
        %get3A_844 = tpu.vector_load %arg16[%get3A_842, %get3A_843] {strides = array<i32>} : memref<128x128xf32, #tpu.memory_space<vmem>>, vector<16xf32>,
        %get3A_845 = arith.index_cast %add3A_777 : i32 to index
        %get3A_846 = arith.constant 80 : index
        %get3A_847 = tpu.vector_load %arg16[%get3A_845, %get3A_846] {strides = array<i32>} : memref<128x128xf32, #tpu.memory_space<vmem>>, vector<16xf32>,
        %get3A_848 = arith.index_cast %add3A_777 : i32 to index
        %get3A_849 = arith.constant 96 : index
        %get3A_850 = tpu.vector_load %arg16[%get3A_848, %get3A_849] {strides = array<i32>} : memref<128x128xf32, #tpu.memory_space<vmem>>, vector<16xf32>,
        %get3A_851 = arith.index_cast %add3A_777 : i32 to index
        %get3A_852 = arith.constant 112 : index
        %get3A_853 = tpu.vector_load %arg16[%get3A_851, %get3A_852] {strides = array<i32>} : memref<128x128xf32, #tpu.memory_space<vmem>>, vector<16xf32>,
        %get3A_854 = arith.index_cast %add3A_781 : i32 to index
        %get3A_855 = arith.constant 0 : index
        %get3A_856 = tpu.vector_load %arg16[%get3A_854, %get3A_855] {strides = array<i32>} : memref<128x128xf32, #tpu.memory_space<vmem>>, vector<16xf32>,
        %get3A_857 = arith.index_cast %add3A_781 : i32 to index
        %get3A_858 = arith.constant 16 : index
        %get3A_859 = tpu.vector_load %arg16[%get3A_857, %get3A_858] {strides = array<i32>} : memref<128x128xf32, #tpu.memory_space<vmem>>, vector<16xf32>,
        %get3A_860 = arith.index_cast %add3A_781 : i32 to index
        %get3A_861 = arith.constant 32 : index
        %get3A_862 = tpu.vector_load %arg16[%get3A_860, %get3A_861] {strides = array<i32>} : memref<128x128xf32, #tpu.memory_space<vmem>>, vector<16xf32>,
        %get3A_863 = arith.index_cast %add3A_781 : i32 to index
        %get3A_864 = arith.constant 48 : index
        %get3A_865 = tpu.vector_load %arg16[%get3A_863, %get3A_864] {strides = array<i32>} : memref<128x128xf32, #tpu.memory_space<vmem>>, vector<16xf32>,
        %get3A_866 = arith.index_cast %add3A_781 : i32 to index
        %get3A_867 = arith.constant 64 : index
        %get3A_868 = tpu.vector_load %arg16[%get3A_866, %get3A_867] {strides = array<i32>} : memref<128x128xf32, #tpu.memory_space<vmem>>, vector<16xf32>,
        %get3A_869 = arith.index_cast %add3A_781 : i32 to index
        %get3A_870 = arith.constant 80 : index
        %get3A_871 = tpu.vector_load %arg16[%get3A_869, %get3A_870] {strides = array<i32>} : memref<128x128xf32, #tpu.memory_space<vmem>>, vector<16xf32>,
        %get3A_872 = arith.index_cast %add3A_781 : i32 to index
        %get3A_873 = arith.constant 96 : index
        %get3A_874 = tpu.vector_load %arg16[%get3A_872, %get3A_873] {strides = array<i32>} : memref<128x128xf32, #tpu.memory_space<vmem>>, vector<16xf32>,
        %get3A_875 = arith.index_cast %add3A_781 : i32 to index
        %get3A_876 = arith.constant 112 : index
        %get3A_877 = tpu.vector_load %arg16[%get3A_875, %get3A_876] {strides = array<i32>} : memref<128x128xf32, #tpu.memory_space<vmem>>, vector<16xf32>,
        %mul3A_878 = arith.mulf %get3A_784, %mul3A_145 : vector<16xf32>
        %mul3A_879 = arith.mulf %get3A_787, %mul3A_150 : vector<16xf32>
        %mul3A_880 = arith.mulf %get3A_790, %mul3A_155 : vector<16xf32>
        %mul3A_881 = arith.mulf %get3A_793, %mul3A_160 : vector<16xf32>
        %mul3A_882 = arith.mulf %get3A_796, %mul3A_165 : vector<16xf32>
        %add3A_883 = arith.addf %mul3A_878, %mul3A_882 : vector<16xf32>
        %mul3A_884 = arith.mulf %get3A_799, %mul3A_170 : vector<16xf32>
        %add3A_885 = arith.addf %mul3A_879, %mul3A_884 : vector<16xf32>
        %mul3A_886 = arith.mulf %get3A_802, %mul3A_175 : vector<16xf32>
        %add3A_887 = arith.addf %mul3A_880, %mul3A_886 : vector<16xf32>
        %mul3A_888 = arith.mulf %get3A_805, %mul3A_180 : vector<16xf32>
        %add3A_889 = arith.addf %mul3A_881, %mul3A_888 : vector<16xf32>
        %add3A_890 = arith.addf %add3A_883, %add3A_885 : vector<16xf32>
        %add3A_891 = arith.addf %add3A_887, %add3A_889 : vector<16xf32>
        %add3A_892 = arith.addf %add3A_890, %add3A_891 : vector<16xf32>
        %swap3A_893 = arith.constant 128 : index
        %swap3A_894 = tpu.vector_load %arg24[%swap3A_893] {strides = array<i32>} : memref<256xf32, #tpu.memory_space<vmem>>, vector<16xf32>,
        tpu.vector_store %arg24[%swap3A_893], %add3A_892 {strides = array<i32>} : memref<256xf32, #tpu.memory_space<vmem>>, vector<16xf32>,
        %mul3A_895 = arith.mulf %get3A_808, %mul3A_145 : vector<16xf32>
        %mul3A_896 = arith.mulf %get3A_811, %mul3A_150 : vector<16xf32>
        %mul3A_897 = arith.mulf %get3A_814, %mul3A_155 : vector<16xf32>
        %mul3A_898 = arith.mulf %get3A_817, %mul3A_160 : vector<16xf32>
        %mul3A_899 = arith.mulf %get3A_820, %mul3A_165 : vector<16xf32>
        %add3A_900 = arith.addf %mul3A_895, %mul3A_899 : vector<16xf32>
        %mul3A_901 = arith.mulf %get3A_823, %mul3A_170 : vector<16xf32>
        %add3A_902 = arith.addf %mul3A_896, %mul3A_901 : vector<16xf32>
        %mul3A_903 = arith.mulf %get3A_826, %mul3A_175 : vector<16xf32>
        %add3A_904 = arith.addf %mul3A_897, %mul3A_903 : vector<16xf32>
        %mul3A_905 = arith.mulf %get3A_829, %mul3A_180 : vector<16xf32>
        %add3A_906 = arith.addf %mul3A_898, %mul3A_905 : vector<16xf32>
        %add3A_907 = arith.addf %add3A_900, %add3A_902 : vector<16xf32>
        %add3A_908 = arith.addf %add3A_904, %add3A_906 : vector<16xf32>
        %add3A_909 = arith.addf %add3A_907, %add3A_908 : vector<16xf32>
        %swap3A_910 = arith.constant 144 : index
        %swap3A_911 = tpu.vector_load %arg24[%swap3A_910] {strides = array<i32>} : memref<256xf32, #tpu.memory_space<vmem>>, vector<16xf32>,
        tpu.vector_store %arg24[%swap3A_910], %add3A_909 {strides = array<i32>} : memref<256xf32, #tpu.memory_space<vmem>>, vector<16xf32>,
        %mul3A_912 = arith.mulf %get3A_832, %mul3A_145 : vector<16xf32>
        %mul3A_913 = arith.mulf %get3A_835, %mul3A_150 : vector<16xf32>
        %mul3A_914 = arith.mulf %get3A_838, %mul3A_155 : vector<16xf32>
        %mul3A_915 = arith.mulf %get3A_841, %mul3A_160 : vector<16xf32>
        %mul3A_916 = arith.mulf %get3A_844, %mul3A_165 : vector<16xf32>
        %add3A_917 = arith.addf %mul3A_912, %mul3A_916 : vector<16xf32>
        %mul3A_918 = arith.mulf %get3A_847, %mul3A_170 : vector<16xf32>
        %add3A_919 = arith.addf %mul3A_913, %mul3A_918 : vector<16xf32>
        %mul3A_920 = arith.mulf %get3A_850, %mul3A_175 : vector<16xf32>
        %add3A_921 = arith.addf %mul3A_914, %mul3A_920 : vector<16xf32>
        %mul3A_922 = arith.mulf %get3A_853, %mul3A_180 : vector<16xf32>
        %add3A_923 = arith.addf %mul3A_915, %mul3A_922 : vector<16xf32>
        %add3A_924 = arith.addf %add3A_917, %add3A_919 : vector<16xf32>
        %add3A_925 = arith.addf %add3A_921, %add3A_923 : vector<16xf32>
        %add3A_926 = arith.addf %add3A_924, %add3A_925 : vector<16xf32>
        %swap3A_927 = arith.constant 160 : index
        %swap3A_928 = tpu.vector_load %arg24[%swap3A_927] {strides = array<i32>} : memref<256xf32, #tpu.memory_space<vmem>>, vector<16xf32>,
        tpu.vector_store %arg24[%swap3A_927], %add3A_926 {strides = array<i32>} : memref<256xf32, #tpu.memory_space<vmem>>, vector<16xf32>,
        %mul3A_929 = arith.mulf %get3A_856, %mul3A_145 : vector<16xf32>
        %mul3A_930 = arith.mulf %get3A_859, %mul3A_150 : vector<16xf32>
        %mul3A_931 = arith.mulf %get3A_862, %mul3A_155 : vector<16xf32>
        %mul3A_932 = arith.mulf %get3A_865, %mul3A_160 : vector<16xf32>
        %mul3A_933 = arith.mulf %get3A_868, %mul3A_165 : vector<16xf32>
        %add3A_934 = arith.addf %mul3A_929, %mul3A_933 : vector<16xf32>
        %mul3A_935 = arith.mulf %get3A_871, %mul3A_170 : vector<16xf32>
        %add3A_936 = arith.addf %mul3A_930, %mul3A_935 : vector<16xf32>
        %mul3A_937 = arith.mulf %get3A_874, %mul3A_175 : vector<16xf32>
        %add3A_938 = arith.addf %mul3A_931, %mul3A_937 : vector<16xf32>
        %mul3A_939 = arith.mulf %get3A_877, %mul3A_180 : vector<16xf32>
        %add3A_940 = arith.addf %mul3A_932, %mul3A_939 : vector<16xf32>
        %add3A_941 = arith.addf %add3A_934, %add3A_936 : vector<16xf32>
        %add3A_942 = arith.addf %add3A_938, %add3A_940 : vector<16xf32>
        %add3A_943 = arith.addf %add3A_941, %add3A_942 : vector<16xf32>
        %swap3A_944 = arith.constant 176 : index
        %swap3A_945 = tpu.vector_load %arg24[%swap3A_944] {strides = array<i32>} : memref<256xf32, #tpu.memory_space<vmem>>, vector<16xf32>,
        tpu.vector_store %arg24[%swap3A_944], %add3A_943 {strides = array<i32>} : memref<256xf32, #tpu.memory_space<vmem>>, vector<16xf32>,
        %add3A_946 = arith.constant 12 : i32
        %add3A_947 = arith.addi %mul3A_406, %add3A_946 : i32
        %add3A_948 = arith.constant 0 : i32
        %add3A_949 = arith.addi %add3A_947, %add3A_948 : i32
        %add3A_950 = arith.constant 12 : i32
        %add3A_951 = arith.addi %mul3A_406, %add3A_950 : i32
        %add3A_952 = arith.constant 1 : i32
        %add3A_953 = arith.addi %add3A_951, %add3A_952 : i32
        %add3A_954 = arith.constant 12 : i32
        %add3A_955 = arith.addi %mul3A_406, %add3A_954 : i32
        %add3A_956 = arith.constant 2 : i32
        %add3A_957 = arith.addi %add3A_955, %add3A_956 : i32
        %add3A_958 = arith.constant 12 : i32
        %add3A_959 = arith.addi %mul3A_406, %add3A_958 : i32
        %add3A_960 = arith.constant 3 : i32
        %add3A_961 = arith.addi %add3A_959, %add3A_960 : i32
        %get3A_962 = arith.index_cast %add3A_949 : i32 to index
        %get3A_963 = arith.constant 0 : index
        %get3A_964 = tpu.vector_load %arg16[%get3A_962, %get3A_963] {strides = array<i32>} : memref<128x128xf32, #tpu.memory_space<vmem>>, vector<16xf32>,
        %get3A_965 = arith.index_cast %add3A_949 : i32 to index
        %get3A_966 = arith.constant 16 : index
        %get3A_967 = tpu.vector_load %arg16[%get3A_965, %get3A_966] {strides = array<i32>} : memref<128x128xf32, #tpu.memory_space<vmem>>, vector<16xf32>,
        %get3A_968 = arith.index_cast %add3A_949 : i32 to index
        %get3A_969 = arith.constant 32 : index
        %get3A_970 = tpu.vector_load %arg16[%get3A_968, %get3A_969] {strides = array<i32>} : memref<128x128xf32, #tpu.memory_space<vmem>>, vector<16xf32>,
        %get3A_971 = arith.index_cast %add3A_949 : i32 to index
        %get3A_972 = arith.constant 48 : index
        %get3A_973 = tpu.vector_load %arg16[%get3A_971, %get3A_972] {strides = array<i32>} : memref<128x128xf32, #tpu.memory_space<vmem>>, vector<16xf32>,
        %get3A_974 = arith.index_cast %add3A_949 : i32 to index
        %get3A_975 = arith.constant 64 : index
        %get3A_976 = tpu.vector_load %arg16[%get3A_974, %get3A_975] {strides = array<i32>} : memref<128x128xf32, #tpu.memory_space<vmem>>, vector<16xf32>,
        %get3A_977 = arith.index_cast %add3A_949 : i32 to index
        %get3A_978 = arith.constant 80 : index
        %get3A_979 = tpu.vector_load %arg16[%get3A_977, %get3A_978] {strides = array<i32>} : memref<128x128xf32, #tpu.memory_space<vmem>>, vector<16xf32>,
        %get3A_980 = arith.index_cast %add3A_949 : i32 to index
        %get3A_981 = arith.constant 96 : index
        %get3A_982 = tpu.vector_load %arg16[%get3A_980, %get3A_981] {strides = array<i32>} : memref<128x128xf32, #tpu.memory_space<vmem>>, vector<16xf32>,
        %get3A_983 = arith.index_cast %add3A_949 : i32 to index
        %get3A_984 = arith.constant 112 : index
        %get3A_985 = tpu.vector_load %arg16[%get3A_983, %get3A_984] {strides = array<i32>} : memref<128x128xf32, #tpu.memory_space<vmem>>, vector<16xf32>,
        %get3A_986 = arith.index_cast %add3A_953 : i32 to index
        %get3A_987 = arith.constant 0 : index
        %get3A_988 = tpu.vector_load %arg16[%get3A_986, %get3A_987] {strides = array<i32>} : memref<128x128xf32, #tpu.memory_space<vmem>>, vector<16xf32>,
        %get3A_989 = arith.index_cast %add3A_953 : i32 to index
        %get3A_990 = arith.constant 16 : index
        %get3A_991 = tpu.vector_load %arg16[%get3A_989, %get3A_990] {strides = array<i32>} : memref<128x128xf32, #tpu.memory_space<vmem>>, vector<16xf32>,
        %get3A_992 = arith.index_cast %add3A_953 : i32 to index
        %get3A_993 = arith.constant 32 : index
        %get3A_994 = tpu.vector_load %arg16[%get3A_992, %get3A_993] {strides = array<i32>} : memref<128x128xf32, #tpu.memory_space<vmem>>, vector<16xf32>,
        %get3A_995 = arith.index_cast %add3A_953 : i32 to index
        %get3A_996 = arith.constant 48 : index
        %get3A_997 = tpu.vector_load %arg16[%get3A_995, %get3A_996] {strides = array<i32>} : memref<128x128xf32, #tpu.memory_space<vmem>>, vector<16xf32>,
        %get3A_998 = arith.index_cast %add3A_953 : i32 to index
        %get3A_999 = arith.constant 64 : index
        %get3A_1000 = tpu.vector_load %arg16[%get3A_998, %get3A_999] {strides = array<i32>} : memref<128x128xf32, #tpu.memory_space<vmem>>, vector<16xf32>,
        %get3A_1001 = arith.index_cast %add3A_953 : i32 to index
        %get3A_1002 = arith.constant 80 : index
        %get3A_1003 = tpu.vector_load %arg16[%get3A_1001, %get3A_1002] {strides = array<i32>} : memref<128x128xf32, #tpu.memory_space<vmem>>, vector<16xf32>,
        %get3A_1004 = arith.index_cast %add3A_953 : i32 to index
        %get3A_1005 = arith.constant 96 : index
        %get3A_1006 = tpu.vector_load %arg16[%get3A_1004, %get3A_1005] {strides = array<i32>} : memref<128x128xf32, #tpu.memory_space<vmem>>, vector<16xf32>,
        %get3A_1007 = arith.index_cast %add3A_953 : i32 to index
        %get3A_1008 = arith.constant 112 : index
        %get3A_1009 = tpu.vector_load %arg16[%get3A_1007, %get3A_1008] {strides = array<i32>} : memref<128x128xf32, #tpu.memory_space<vmem>>, vector<16xf32>,
        %get3A_1010 = arith.index_cast %add3A_957 : i32 to index
        %get3A_1011 = arith.constant 0 : index
        %get3A_1012 = tpu.vector_load %arg16[%get3A_1010, %get3A_1011] {strides = array<i32>} : memref<128x128xf32, #tpu.memory_space<vmem>>, vector<16xf32>,
        %get3A_1013 = arith.index_cast %add3A_957 : i32 to index
        %get3A_1014 = arith.constant 16 : index
        %get3A_1015 = tpu.vector_load %arg16[%get3A_1013, %get3A_1014] {strides = array<i32>} : memref<128x128xf32, #tpu.memory_space<vmem>>, vector<16xf32>,
        %get3A_1016 = arith.index_cast %add3A_957 : i32 to index
        %get3A_1017 = arith.constant 32 : index
        %get3A_1018 = tpu.vector_load %arg16[%get3A_1016, %get3A_1017] {strides = array<i32>} : memref<128x128xf32, #tpu.memory_space<vmem>>, vector<16xf32>,
        %get3A_1019 = arith.index_cast %add3A_957 : i32 to index
        %get3A_1020 = arith.constant 48 : index
        %get3A_1021 = tpu.vector_load %arg16[%get3A_1019, %get3A_1020] {strides = array<i32>} : memref<128x128xf32, #tpu.memory_space<vmem>>, vector<16xf32>,
        %get3A_1022 = arith.index_cast %add3A_957 : i32 to index
        %get3A_1023 = arith.constant 64 : index
        %get3A_1024 = tpu.vector_load %arg16[%get3A_1022, %get3A_1023] {strides = array<i32>} : memref<128x128xf32, #tpu.memory_space<vmem>>, vector<16xf32>,
        %get3A_1025 = arith.index_cast %add3A_957 : i32 to index
        %get3A_1026 = arith.constant 80 : index
        %get3A_1027 = tpu.vector_load %arg16[%get3A_1025, %get3A_1026] {strides = array<i32>} : memref<128x128xf32, #tpu.memory_space<vmem>>, vector<16xf32>,
        %get3A_1028 = arith.index_cast %add3A_957 : i32 to index
        %get3A_1029 = arith.constant 96 : index
        %get3A_1030 = tpu.vector_load %arg16[%get3A_1028, %get3A_1029] {strides = array<i32>} : memref<128x128xf32, #tpu.memory_space<vmem>>, vector<16xf32>,
        %get3A_1031 = arith.index_cast %add3A_957 : i32 to index
        %get3A_1032 = arith.constant 112 : index
        %get3A_1033 = tpu.vector_load %arg16[%get3A_1031, %get3A_1032] {strides = array<i32>} : memref<128x128xf32, #tpu.memory_space<vmem>>, vector<16xf32>,
        %get3A_1034 = arith.index_cast %add3A_961 : i32 to index
        %get3A_1035 = arith.constant 0 : index
        %get3A_1036 = tpu.vector_load %arg16[%get3A_1034, %get3A_1035] {strides = array<i32>} : memref<128x128xf32, #tpu.memory_space<vmem>>, vector<16xf32>,
        %get3A_1037 = arith.index_cast %add3A_961 : i32 to index
        %get3A_1038 = arith.constant 16 : index
        %get3A_1039 = tpu.vector_load %arg16[%get3A_1037, %get3A_1038] {strides = array<i32>} : memref<128x128xf32, #tpu.memory_space<vmem>>, vector<16xf32>,
        %get3A_1040 = arith.index_cast %add3A_961 : i32 to index
        %get3A_1041 = arith.constant 32 : index
        %get3A_1042 = tpu.vector_load %arg16[%get3A_1040, %get3A_1041] {strides = array<i32>} : memref<128x128xf32, #tpu.memory_space<vmem>>, vector<16xf32>,
        %get3A_1043 = arith.index_cast %add3A_961 : i32 to index
        %get3A_1044 = arith.constant 48 : index
        %get3A_1045 = tpu.vector_load %arg16[%get3A_1043, %get3A_1044] {strides = array<i32>} : memref<128x128xf32, #tpu.memory_space<vmem>>, vector<16xf32>,
        %get3A_1046 = arith.index_cast %add3A_961 : i32 to index
        %get3A_1047 = arith.constant 64 : index
        %get3A_1048 = tpu.vector_load %arg16[%get3A_1046, %get3A_1047] {strides = array<i32>} : memref<128x128xf32, #tpu.memory_space<vmem>>, vector<16xf32>,
        %get3A_1049 = arith.index_cast %add3A_961 : i32 to index
        %get3A_1050 = arith.constant 80 : index
        %get3A_1051 = tpu.vector_load %arg16[%get3A_1049, %get3A_1050] {strides = array<i32>} : memref<128x128xf32, #tpu.memory_space<vmem>>, vector<16xf32>,
        %get3A_1052 = arith.index_cast %add3A_961 : i32 to index
        %get3A_1053 = arith.constant 96 : index
        %get3A_1054 = tpu.vector_load %arg16[%get3A_1052, %get3A_1053] {strides = array<i32>} : memref<128x128xf32, #tpu.memory_space<vmem>>, vector<16xf32>,
        %get3A_1055 = arith.index_cast %add3A_961 : i32 to index
        %get3A_1056 = arith.constant 112 : index
        %get3A_1057 = tpu.vector_load %arg16[%get3A_1055, %get3A_1056] {strides = array<i32>} : memref<128x128xf32, #tpu.memory_space<vmem>>, vector<16xf32>,
        %mul3A_1058 = arith.mulf %get3A_964, %mul3A_145 : vector<16xf32>
        %mul3A_1059 = arith.mulf %get3A_967, %mul3A_150 : vector<16xf32>
        %mul3A_1060 = arith.mulf %get3A_970, %mul3A_155 : vector<16xf32>
        %mul3A_1061 = arith.mulf %get3A_973, %mul3A_160 : vector<16xf32>
        %mul3A_1062 = arith.mulf %get3A_976, %mul3A_165 : vector<16xf32>
        %add3A_1063 = arith.addf %mul3A_1058, %mul3A_1062 : vector<16xf32>
        %mul3A_1064 = arith.mulf %get3A_979, %mul3A_170 : vector<16xf32>
        %add3A_1065 = arith.addf %mul3A_1059, %mul3A_1064 : vector<16xf32>
        %mul3A_1066 = arith.mulf %get3A_982, %mul3A_175 : vector<16xf32>
        %add3A_1067 = arith.addf %mul3A_1060, %mul3A_1066 : vector<16xf32>
        %mul3A_1068 = arith.mulf %get3A_985, %mul3A_180 : vector<16xf32>
        %add3A_1069 = arith.addf %mul3A_1061, %mul3A_1068 : vector<16xf32>
        %add3A_1070 = arith.addf %add3A_1063, %add3A_1065 : vector<16xf32>
        %add3A_1071 = arith.addf %add3A_1067, %add3A_1069 : vector<16xf32>
        %add3A_1072 = arith.addf %add3A_1070, %add3A_1071 : vector<16xf32>
        %swap3A_1073 = arith.constant 192 : index
        %swap3A_1074 = tpu.vector_load %arg24[%swap3A_1073] {strides = array<i32>} : memref<256xf32, #tpu.memory_space<vmem>>, vector<16xf32>,
        tpu.vector_store %arg24[%swap3A_1073], %add3A_1072 {strides = array<i32>} : memref<256xf32, #tpu.memory_space<vmem>>, vector<16xf32>,
        %mul3A_1075 = arith.mulf %get3A_988, %mul3A_145 : vector<16xf32>
        %mul3A_1076 = arith.mulf %get3A_991, %mul3A_150 : vector<16xf32>
        %mul3A_1077 = arith.mulf %get3A_994, %mul3A_155 : vector<16xf32>
        %mul3A_1078 = arith.mulf %get3A_997, %mul3A_160 : vector<16xf32>
        %mul3A_1079 = arith.mulf %get3A_1000, %mul3A_165 : vector<16xf32>
        %add3A_1080 = arith.addf %mul3A_1075, %mul3A_1079 : vector<16xf32>
        %mul3A_1081 = arith.mulf %get3A_1003, %mul3A_170 : vector<16xf32>
        %add3A_1082 = arith.addf %mul3A_1076, %mul3A_1081 : vector<16xf32>
        %mul3A_1083 = arith.mulf %get3A_1006, %mul3A_175 : vector<16xf32>
        %add3A_1084 = arith.addf %mul3A_1077, %mul3A_1083 : vector<16xf32>
        %mul3A_1085 = arith.mulf %get3A_1009, %mul3A_180 : vector<16xf32>
        %add3A_1086 = arith.addf %mul3A_1078, %mul3A_1085 : vector<16xf32>
        %add3A_1087 = arith.addf %add3A_1080, %add3A_1082 : vector<16xf32>
        %add3A_1088 = arith.addf %add3A_1084, %add3A_1086 : vector<16xf32>
        %add3A_1089 = arith.addf %add3A_1087, %add3A_1088 : vector<16xf32>
        %swap3A_1090 = arith.constant 208 : index
        %swap3A_1091 = tpu.vector_load %arg24[%swap3A_1090] {strides = array<i32>} : memref<256xf32, #tpu.memory_space<vmem>>, vector<16xf32>,
        tpu.vector_store %arg24[%swap3A_1090], %add3A_1089 {strides = array<i32>} : memref<256xf32, #tpu.memory_space<vmem>>, vector<16xf32>,
        %mul3A_1092 = arith.mulf %get3A_1012, %mul3A_145 : vector<16xf32>
        %mul3A_1093 = arith.mulf %get3A_1015, %mul3A_150 : vector<16xf32>
        %mul3A_1094 = arith.mulf %get3A_1018, %mul3A_155 : vector<16xf32>
        %mul3A_1095 = arith.mulf %get3A_1021, %mul3A_160 : vector<16xf32>
        %mul3A_1096 = arith.mulf %get3A_1024, %mul3A_165 : vector<16xf32>
        %add3A_1097 = arith.addf %mul3A_1092, %mul3A_1096 : vector<16xf32>
        %mul3A_1098 = arith.mulf %get3A_1027, %mul3A_170 : vector<16xf32>
        %add3A_1099 = arith.addf %mul3A_1093, %mul3A_1098 : vector<16xf32>
        %mul3A_1100 = arith.mulf %get3A_1030, %mul3A_175 : vector<16xf32>
        %add3A_1101 = arith.addf %mul3A_1094, %mul3A_1100 : vector<16xf32>
        %mul3A_1102 = arith.mulf %get3A_1033, %mul3A_180 : vector<16xf32>
        %add3A_1103 = arith.addf %mul3A_1095, %mul3A_1102 : vector<16xf32>
        %add3A_1104 = arith.addf %add3A_1097, %add3A_1099 : vector<16xf32>
        %add3A_1105 = arith.addf %add3A_1101, %add3A_1103 : vector<16xf32>
        %add3A_1106 = arith.addf %add3A_1104, %add3A_1105 : vector<16xf32>
        %swap3A_1107 = arith.constant 224 : index
        %swap3A_1108 = tpu.vector_load %arg24[%swap3A_1107] {strides = array<i32>} : memref<256xf32, #tpu.memory_space<vmem>>, vector<16xf32>,
        tpu.vector_store %arg24[%swap3A_1107], %add3A_1106 {strides = array<i32>} : memref<256xf32, #tpu.memory_space<vmem>>, vector<16xf32>,
        %mul3A_1109 = arith.mulf %get3A_1036, %mul3A_145 : vector<16xf32>
        %mul3A_1110 = arith.mulf %get3A_1039, %mul3A_150 : vector<16xf32>
        %mul3A_1111 = arith.mulf %get3A_1042, %mul3A_155 : vector<16xf32>
        %mul3A_1112 = arith.mulf %get3A_1045, %mul3A_160 : vector<16xf32>
        %mul3A_1113 = arith.mulf %get3A_1048, %mul3A_165 : vector<16xf32>
        %add3A_1114 = arith.addf %mul3A_1109, %mul3A_1113 : vector<16xf32>
        %mul3A_1115 = arith.mulf %get3A_1051, %mul3A_170 : vector<16xf32>
        %add3A_1116 = arith.addf %mul3A_1110, %mul3A_1115 : vector<16xf32>
        %mul3A_1117 = arith.mulf %get3A_1054, %mul3A_175 : vector<16xf32>
        %add3A_1118 = arith.addf %mul3A_1111, %mul3A_1117 : vector<16xf32>
        %mul3A_1119 = arith.mulf %get3A_1057, %mul3A_180 : vector<16xf32>
        %add3A_1120 = arith.addf %mul3A_1112, %mul3A_1119 : vector<16xf32>
        %add3A_1121 = arith.addf %add3A_1114, %add3A_1116 : vector<16xf32>
        %add3A_1122 = arith.addf %add3A_1118, %add3A_1120 : vector<16xf32>
        %add3A_1123 = arith.addf %add3A_1121, %add3A_1122 : vector<16xf32>
        %swap3A_1124 = arith.constant 240 : index
        %swap3A_1125 = tpu.vector_load %arg24[%swap3A_1124] {strides = array<i32>} : memref<256xf32, #tpu.memory_space<vmem>>, vector<16xf32>,
        tpu.vector_store %arg24[%swap3A_1124], %add3A_1123 {strides = array<i32>} : memref<256xf32, #tpu.memory_space<vmem>>, vector<16xf32>,
        %gather3A = tpu.vector_load_idx %arg24[%mul3A_3] : memref<256xf32, #tpu.memory_space<vmem>>[vector<16xi32>], vector<16xf32>,
        %add3A_1126 = arith.addi %mul3A_3, %broadcast_in_dim3A_196 : vector<16xi32>
        %gather3A_1127 = tpu.vector_load_idx %arg24[%add3A_1126] : memref<256xf32, #tpu.memory_space<vmem>>[vector<16xi32>], vector<16xf32>,
        %add3A_1128 = arith.addf %gather3A, %gather3A_1127 : vector<16xf32>
        %add3A_1129 = arith.addi %add3A_1126, %broadcast_in_dim3A_196 : vector<16xi32>
        %gather3A_1130 = tpu.vector_load_idx %arg24[%add3A_1129] : memref<256xf32, #tpu.memory_space<vmem>>[vector<16xi32>], vector<16xf32>,
        %add3A_1131 = arith.addf %add3A_1128, %gather3A_1130 : vector<16xf32>
        %add3A_1132 = arith.addi %add3A_1129, %broadcast_in_dim3A_196 : vector<16xi32>
        %gather3A_1133 = tpu.vector_load_idx %arg24[%add3A_1132] : memref<256xf32, #tpu.memory_space<vmem>>[vector<16xi32>], vector<16xf32>,
        %add3A_1134 = arith.addf %add3A_1131, %gather3A_1133 : vector<16xf32>
        %add3A_1135 = arith.addi %add3A_1132, %broadcast_in_dim3A_196 : vector<16xi32>
        %gather3A_1136 = tpu.vector_load_idx %arg24[%add3A_1135] : memref<256xf32, #tpu.memory_space<vmem>>[vector<16xi32>], vector<16xf32>,
        %add3A_1137 = arith.addf %add3A_1134, %gather3A_1136 : vector<16xf32>
        %add3A_1138 = arith.addi %add3A_1135, %broadcast_in_dim3A_196 : vector<16xi32>
        %gather3A_1139 = tpu.vector_load_idx %arg24[%add3A_1138] : memref<256xf32, #tpu.memory_space<vmem>>[vector<16xi32>], vector<16xf32>,
        %add3A_1140 = arith.addf %add3A_1137, %gather3A_1139 : vector<16xf32>
        %add3A_1141 = arith.addi %add3A_1138, %broadcast_in_dim3A_196 : vector<16xi32>
        %gather3A_1142 = tpu.vector_load_idx %arg24[%add3A_1141] : memref<256xf32, #tpu.memory_space<vmem>>[vector<16xi32>], vector<16xf32>,
        %add3A_1143 = arith.addf %add3A_1140, %gather3A_1142 : vector<16xf32>
        %add3A_1144 = arith.addi %add3A_1141, %broadcast_in_dim3A_196 : vector<16xi32>
        %gather3A_1145 = tpu.vector_load_idx %arg24[%add3A_1144] : memref<256xf32, #tpu.memory_space<vmem>>[vector<16xi32>], vector<16xf32>,
        %add3A_1146 = arith.addf %add3A_1143, %gather3A_1145 : vector<16xf32>
        %add3A_1147 = arith.addi %add3A_1144, %broadcast_in_dim3A_196 : vector<16xi32>
        %gather3A_1148 = tpu.vector_load_idx %arg24[%add3A_1147] : memref<256xf32, #tpu.memory_space<vmem>>[vector<16xi32>], vector<16xf32>,
        %add3A_1149 = arith.addf %add3A_1146, %gather3A_1148 : vector<16xf32>
        %add3A_1150 = arith.addi %add3A_1147, %broadcast_in_dim3A_196 : vector<16xi32>
        %gather3A_1151 = tpu.vector_load_idx %arg24[%add3A_1150] : memref<256xf32, #tpu.memory_space<vmem>>[vector<16xi32>], vector<16xf32>,
        %add3A_1152 = arith.addf %add3A_1149, %gather3A_1151 : vector<16xf32>
        %add3A_1153 = arith.addi %add3A_1150, %broadcast_in_dim3A_196 : vector<16xi32>
        %gather3A_1154 = tpu.vector_load_idx %arg24[%add3A_1153] : memref<256xf32, #tpu.memory_space<vmem>>[vector<16xi32>], vector<16xf32>,
        %add3A_1155 = arith.addf %add3A_1152, %gather3A_1154 : vector<16xf32>
        %add3A_1156 = arith.addi %add3A_1153, %broadcast_in_dim3A_196 : vector<16xi32>
        %gather3A_1157 = tpu.vector_load_idx %arg24[%add3A_1156] : memref<256xf32, #tpu.memory_space<vmem>>[vector<16xi32>], vector<16xf32>,
        %add3A_1158 = arith.addf %add3A_1155, %gather3A_1157 : vector<16xf32>
        %add3A_1159 = arith.addi %add3A_1156, %broadcast_in_dim3A_196 : vector<16xi32>
        %gather3A_1160 = tpu.vector_load_idx %arg24[%add3A_1159] : memref<256xf32, #tpu.memory_space<vmem>>[vector<16xi32>], vector<16xf32>,
        %add3A_1161 = arith.addf %add3A_1158, %gather3A_1160 : vector<16xf32>
        %add3A_1162 = arith.addi %add3A_1159, %broadcast_in_dim3A_196 : vector<16xi32>
        %gather3A_1163 = tpu.vector_load_idx %arg24[%add3A_1162] : memref<256xf32, #tpu.memory_space<vmem>>[vector<16xi32>], vector<16xf32>,
        %add3A_1164 = arith.addf %add3A_1161, %gather3A_1163 : vector<16xf32>
        %add3A_1165 = arith.addi %add3A_1162, %broadcast_in_dim3A_196 : vector<16xi32>
        %gather3A_1166 = tpu.vector_load_idx %arg24[%add3A_1165] : memref<256xf32, #tpu.memory_space<vmem>>[vector<16xi32>], vector<16xf32>,
        %add3A_1167 = arith.addf %add3A_1164, %gather3A_1166 : vector<16xf32>
        %add3A_1168 = arith.addi %add3A_1165, %broadcast_in_dim3A_196 : vector<16xi32>
        %gather3A_1169 = tpu.vector_load_idx %arg24[%add3A_1168] : memref<256xf32, #tpu.memory_space<vmem>>[vector<16xi32>], vector<16xf32>,
        %add3A_1170 = arith.addf %add3A_1167, %gather3A_1169 : vector<16xf32>
        %add3A_1171 = arith.constant 0 : i32
        %add3A_1172 = arith.addi %add3A_1171, %mul3A_406 : i32
        %swap3A_1173 = arith.index_cast %add3A_1172 : i32 to index
        %swap3A_1174 = tpu.vector_load %arg22[%swap3A_1173] {strides = array<i32>} : memref<128xf32, #tpu.memory_space<vmem>>, vector<16xf32>,
        tpu.vector_store %arg22[%swap3A_1173], %add3A_1170 {strides = array<i32>} : memref<128xf32, #tpu.memory_space<vmem>>, vector<16xf32>,
      }
      %scan3A_202 = arith.constant 8 : i32
      %shift_right_logical3A_203 = arith.constant 3 : i32
      %shift_right_logical3A_204 = arith.shrui %add3A_88, %shift_right_logical3A_203 : i32
      %and3A_205 = arith.constant 7 : i32
      %and3A_206 = arith.andi %add3A_88, %and3A_205 : i32
      %shift_right_logical3A_207 = arith.constant 0 : i32
      %shift_right_logical3A_208 = arith.shrui %and3A_206, %shift_right_logical3A_207 : i32
      %and3A_209 = arith.constant 0 : i32
      %and3A_210 = arith.andi %and3A_206, %and3A_209 : i32
      %mul3A_211 = arith.constant 128 : i32
      %mul3A_212 = arith.muli %and3A_210, %mul3A_211 : i32
      %dma_wait3A_213 = tpu.memref_slice %arg12[%shift_right_logical3A_204, %shift_right_logical3A_208, %mul3A_212] : memref<32x8x128xi32, #tpu.memory_space<vmem>> -> memref<1x1x128xi32, #tpu.memory_space<vmem>>
      %dma_wait3A_214 = tpu.memref_squeeze %dma_wait3A_213 : memref<1x1x128xi32, #tpu.memory_space<vmem>> -> memref<128xi32, #tpu.memory_space<vmem>>
      %dma_wait3A_215 = arith.constant 0 : i32
      %dma_wait3A_216 = arith.constant 0 : i32
      %dma_wait3A_217 = tpu.memref_slice %arg7[%dma_wait3A_215, %dma_wait3A_216] : memref<100000x128xf32, #tpu.memory_space<hbm>> -> memref<100000x128xf32, #tpu.memory_space<hbm>>
      tpu.wait_indirect_dma semaphore(%arg27 : memref<!tpu.dma_semaphore, #tpu.memory_space<semaphore_mem>>) src(%dma_wait3A_217 : memref<100000x128xf32, #tpu.memory_space<hbm>>) dst(%arg18 : memref<128x128xf32, #tpu.memory_space<vmem>>)
      %broadcast_in_dim3A_218 = arith.constant 1 : i32
      %broadcast_in_dim3A_219 = vector.broadcast %broadcast_in_dim3A_218 : i32 to vector<16xi32>
      %scan3A_220 = arith.constant 0 : i32
      %scan3A_221 = arith.constant 0 : i32
      %scan3A_222 = arith.constant 8 : i32
      %scan3A_223 = arith.addi %scan3A_221, %scan3A_222 : i32
      %scan3A_224 = arith.constant 1 : i32
      scf.for %scan3A_404 = %scan3A_221 to %scan3A_223 step %scan3A_224  : i32 {
        %mul3A_405 = arith.constant 16 : i32
        %mul3A_406 = arith.muli %scan3A_404, %mul3A_405 : i32
        %add3A_407 = arith.constant 0 : i32
        %add3A_408 = arith.addi %mul3A_406, %add3A_407 : i32
        %add3A_409 = arith.constant 0 : i32
        %add3A_410 = arith.addi %add3A_408, %add3A_409 : i32
        %add3A_411 = arith.constant 0 : i32
        %add3A_412 = arith.addi %mul3A_406, %add3A_411 : i32
        %add3A_413 = arith.constant 1 : i32
        %add3A_414 = arith.addi %add3A_412, %add3A_413 : i32
        %add3A_415 = arith.constant 0 : i32
        %add3A_416 = arith.addi %mul3A_406, %add3A_415 : i32
        %add3A_417 = arith.constant 2 : i32
        %add3A_418 = arith.addi %add3A_416, %add3A_417 : i32
        %add3A_419 = arith.constant 0 : i32
        %add3A_420 = arith.addi %mul3A_406, %add3A_419 : i32
        %add3A_421 = arith.constant 3 : i32
        %add3A_422 = arith.addi %add3A_420, %add3A_421 : i32
        %get3A_423 = arith.index_cast %add3A_410 : i32 to index
        %get3A_424 = arith.constant 0 : index
        %get3A_425 = tpu.vector_load %arg18[%get3A_423, %get3A_424] {strides = array<i32>} : memref<128x128xf32, #tpu.memory_space<vmem>>, vector<16xf32>,
        %get3A_426 = arith.index_cast %add3A_410 : i32 to index
        %get3A_427 = arith.constant 16 : index
        %get3A_428 = tpu.vector_load %arg18[%get3A_426, %get3A_427] {strides = array<i32>} : memref<128x128xf32, #tpu.memory_space<vmem>>, vector<16xf32>,
        %get3A_429 = arith.index_cast %add3A_410 : i32 to index
        %get3A_430 = arith.constant 32 : index
        %get3A_431 = tpu.vector_load %arg18[%get3A_429, %get3A_430] {strides = array<i32>} : memref<128x128xf32, #tpu.memory_space<vmem>>, vector<16xf32>,
        %get3A_432 = arith.index_cast %add3A_410 : i32 to index
        %get3A_433 = arith.constant 48 : index
        %get3A_434 = tpu.vector_load %arg18[%get3A_432, %get3A_433] {strides = array<i32>} : memref<128x128xf32, #tpu.memory_space<vmem>>, vector<16xf32>,
        %get3A_435 = arith.index_cast %add3A_410 : i32 to index
        %get3A_436 = arith.constant 64 : index
        %get3A_437 = tpu.vector_load %arg18[%get3A_435, %get3A_436] {strides = array<i32>} : memref<128x128xf32, #tpu.memory_space<vmem>>, vector<16xf32>,
        %get3A_438 = arith.index_cast %add3A_410 : i32 to index
        %get3A_439 = arith.constant 80 : index
        %get3A_440 = tpu.vector_load %arg18[%get3A_438, %get3A_439] {strides = array<i32>} : memref<128x128xf32, #tpu.memory_space<vmem>>, vector<16xf32>,
        %get3A_441 = arith.index_cast %add3A_410 : i32 to index
        %get3A_442 = arith.constant 96 : index
        %get3A_443 = tpu.vector_load %arg18[%get3A_441, %get3A_442] {strides = array<i32>} : memref<128x128xf32, #tpu.memory_space<vmem>>, vector<16xf32>,
        %get3A_444 = arith.index_cast %add3A_410 : i32 to index
        %get3A_445 = arith.constant 112 : index
        %get3A_446 = tpu.vector_load %arg18[%get3A_444, %get3A_445] {strides = array<i32>} : memref<128x128xf32, #tpu.memory_space<vmem>>, vector<16xf32>,
        %get3A_447 = arith.index_cast %add3A_414 : i32 to index
        %get3A_448 = arith.constant 0 : index
        %get3A_449 = tpu.vector_load %arg18[%get3A_447, %get3A_448] {strides = array<i32>} : memref<128x128xf32, #tpu.memory_space<vmem>>, vector<16xf32>,
        %get3A_450 = arith.index_cast %add3A_414 : i32 to index
        %get3A_451 = arith.constant 16 : index
        %get3A_452 = tpu.vector_load %arg18[%get3A_450, %get3A_451] {strides = array<i32>} : memref<128x128xf32, #tpu.memory_space<vmem>>, vector<16xf32>,
        %get3A_453 = arith.index_cast %add3A_414 : i32 to index
        %get3A_454 = arith.constant 32 : index
        %get3A_455 = tpu.vector_load %arg18[%get3A_453, %get3A_454] {strides = array<i32>} : memref<128x128xf32, #tpu.memory_space<vmem>>, vector<16xf32>,
        %get3A_456 = arith.index_cast %add3A_414 : i32 to index
        %get3A_457 = arith.constant 48 : index
        %get3A_458 = tpu.vector_load %arg18[%get3A_456, %get3A_457] {strides = array<i32>} : memref<128x128xf32, #tpu.memory_space<vmem>>, vector<16xf32>,
        %get3A_459 = arith.index_cast %add3A_414 : i32 to index
        %get3A_460 = arith.constant 64 : index
        %get3A_461 = tpu.vector_load %arg18[%get3A_459, %get3A_460] {strides = array<i32>} : memref<128x128xf32, #tpu.memory_space<vmem>>, vector<16xf32>,
        %get3A_462 = arith.index_cast %add3A_414 : i32 to index
        %get3A_463 = arith.constant 80 : index
        %get3A_464 = tpu.vector_load %arg18[%get3A_462, %get3A_463] {strides = array<i32>} : memref<128x128xf32, #tpu.memory_space<vmem>>, vector<16xf32>,
        %get3A_465 = arith.index_cast %add3A_414 : i32 to index
        %get3A_466 = arith.constant 96 : index
        %get3A_467 = tpu.vector_load %arg18[%get3A_465, %get3A_466] {strides = array<i32>} : memref<128x128xf32, #tpu.memory_space<vmem>>, vector<16xf32>,
        %get3A_468 = arith.index_cast %add3A_414 : i32 to index
        %get3A_469 = arith.constant 112 : index
        %get3A_470 = tpu.vector_load %arg18[%get3A_468, %get3A_469] {strides = array<i32>} : memref<128x128xf32, #tpu.memory_space<vmem>>, vector<16xf32>,
        %get3A_471 = arith.index_cast %add3A_418 : i32 to index
        %get3A_472 = arith.constant 0 : index
        %get3A_473 = tpu.vector_load %arg18[%get3A_471, %get3A_472] {strides = array<i32>} : memref<128x128xf32, #tpu.memory_space<vmem>>, vector<16xf32>,
        %get3A_474 = arith.index_cast %add3A_418 : i32 to index
        %get3A_475 = arith.constant 16 : index
        %get3A_476 = tpu.vector_load %arg18[%get3A_474, %get3A_475] {strides = array<i32>} : memref<128x128xf32, #tpu.memory_space<vmem>>, vector<16xf32>,
        %get3A_477 = arith.index_cast %add3A_418 : i32 to index
        %get3A_478 = arith.constant 32 : index
        %get3A_479 = tpu.vector_load %arg18[%get3A_477, %get3A_478] {strides = array<i32>} : memref<128x128xf32, #tpu.memory_space<vmem>>, vector<16xf32>,
        %get3A_480 = arith.index_cast %add3A_418 : i32 to index
        %get3A_481 = arith.constant 48 : index
        %get3A_482 = tpu.vector_load %arg18[%get3A_480, %get3A_481] {strides = array<i32>} : memref<128x128xf32, #tpu.memory_space<vmem>>, vector<16xf32>,
        %get3A_483 = arith.index_cast %add3A_418 : i32 to index
        %get3A_484 = arith.constant 64 : index
        %get3A_485 = tpu.vector_load %arg18[%get3A_483, %get3A_484] {strides = array<i32>} : memref<128x128xf32, #tpu.memory_space<vmem>>, vector<16xf32>,
        %get3A_486 = arith.index_cast %add3A_418 : i32 to index
        %get3A_487 = arith.constant 80 : index
        %get3A_488 = tpu.vector_load %arg18[%get3A_486, %get3A_487] {strides = array<i32>} : memref<128x128xf32, #tpu.memory_space<vmem>>, vector<16xf32>,
        %get3A_489 = arith.index_cast %add3A_418 : i32 to index
        %get3A_490 = arith.constant 96 : index
        %get3A_491 = tpu.vector_load %arg18[%get3A_489, %get3A_490] {strides = array<i32>} : memref<128x128xf32, #tpu.memory_space<vmem>>, vector<16xf32>,
        %get3A_492 = arith.index_cast %add3A_418 : i32 to index
        %get3A_493 = arith.constant 112 : index
        %get3A_494 = tpu.vector_load %arg18[%get3A_492, %get3A_493] {strides = array<i32>} : memref<128x128xf32, #tpu.memory_space<vmem>>, vector<16xf32>,
        %get3A_495 = arith.index_cast %add3A_422 : i32 to index
        %get3A_496 = arith.constant 0 : index
        %get3A_497 = tpu.vector_load %arg18[%get3A_495, %get3A_496] {strides = array<i32>} : memref<128x128xf32, #tpu.memory_space<vmem>>, vector<16xf32>,
        %get3A_498 = arith.index_cast %add3A_422 : i32 to index
        %get3A_499 = arith.constant 16 : index
        %get3A_500 = tpu.vector_load %arg18[%get3A_498, %get3A_499] {strides = array<i32>} : memref<128x128xf32, #tpu.memory_space<vmem>>, vector<16xf32>,
        %get3A_501 = arith.index_cast %add3A_422 : i32 to index
        %get3A_502 = arith.constant 32 : index
        %get3A_503 = tpu.vector_load %arg18[%get3A_501, %get3A_502] {strides = array<i32>} : memref<128x128xf32, #tpu.memory_space<vmem>>, vector<16xf32>,
        %get3A_504 = arith.index_cast %add3A_422 : i32 to index
        %get3A_505 = arith.constant 48 : index
        %get3A_506 = tpu.vector_load %arg18[%get3A_504, %get3A_505] {strides = array<i32>} : memref<128x128xf32, #tpu.memory_space<vmem>>, vector<16xf32>,
        %get3A_507 = arith.index_cast %add3A_422 : i32 to index
        %get3A_508 = arith.constant 64 : index
        %get3A_509 = tpu.vector_load %arg18[%get3A_507, %get3A_508] {strides = array<i32>} : memref<128x128xf32, #tpu.memory_space<vmem>>, vector<16xf32>,
        %get3A_510 = arith.index_cast %add3A_422 : i32 to index
        %get3A_511 = arith.constant 80 : index
        %get3A_512 = tpu.vector_load %arg18[%get3A_510, %get3A_511] {strides = array<i32>} : memref<128x128xf32, #tpu.memory_space<vmem>>, vector<16xf32>,
        %get3A_513 = arith.index_cast %add3A_422 : i32 to index
        %get3A_514 = arith.constant 96 : index
        %get3A_515 = tpu.vector_load %arg18[%get3A_513, %get3A_514] {strides = array<i32>} : memref<128x128xf32, #tpu.memory_space<vmem>>, vector<16xf32>,
        %get3A_516 = arith.index_cast %add3A_422 : i32 to index
        %get3A_517 = arith.constant 112 : index
        %get3A_518 = tpu.vector_load %arg18[%get3A_516, %get3A_517] {strides = array<i32>} : memref<128x128xf32, #tpu.memory_space<vmem>>, vector<16xf32>,
        %mul3A_519 = arith.mulf %get3A_425, %mul3A_105 : vector<16xf32>
        %mul3A_520 = arith.mulf %get3A_428, %mul3A_110 : vector<16xf32>
        %mul3A_521 = arith.mulf %get3A_431, %mul3A_115 : vector<16xf32>
        %mul3A_522 = arith.mulf %get3A_434, %mul3A_120 : vector<16xf32>
        %mul3A_523 = arith.mulf %get3A_437, %mul3A_125 : vector<16xf32>
        %add3A_524 = arith.addf %mul3A_519, %mul3A_523 : vector<16xf32>
        %mul3A_525 = arith.mulf %get3A_440, %mul3A_130 : vector<16xf32>
        %add3A_526 = arith.addf %mul3A_520, %mul3A_525 : vector<16xf32>
        %mul3A_527 = arith.mulf %get3A_443, %mul3A_135 : vector<16xf32>
        %add3A_528 = arith.addf %mul3A_521, %mul3A_527 : vector<16xf32>
        %mul3A_529 = arith.mulf %get3A_446, %mul3A_140 : vector<16xf32>
        %add3A_530 = arith.addf %mul3A_522, %mul3A_529 : vector<16xf32>
        %add3A_531 = arith.addf %add3A_524, %add3A_526 : vector<16xf32>
        %add3A_532 = arith.addf %add3A_528, %add3A_530 : vector<16xf32>
        %add3A_533 = arith.addf %add3A_531, %add3A_532 : vector<16xf32>
        %swap3A = arith.constant 0 : index
        %swap3A_534 = tpu.vector_load %arg24[%swap3A] {strides = array<i32>} : memref<256xf32, #tpu.memory_space<vmem>>, vector<16xf32>,
        tpu.vector_store %arg24[%swap3A], %add3A_533 {strides = array<i32>} : memref<256xf32, #tpu.memory_space<vmem>>, vector<16xf32>,
        %mul3A_535 = arith.mulf %get3A_449, %mul3A_105 : vector<16xf32>
        %mul3A_536 = arith.mulf %get3A_452, %mul3A_110 : vector<16xf32>
        %mul3A_537 = arith.mulf %get3A_455, %mul3A_115 : vector<16xf32>
        %mul3A_538 = arith.mulf %get3A_458, %mul3A_120 : vector<16xf32>
        %mul3A_539 = arith.mulf %get3A_461, %mul3A_125 : vector<16xf32>
        %add3A_540 = arith.addf %mul3A_535, %mul3A_539 : vector<16xf32>
        %mul3A_541 = arith.mulf %get3A_464, %mul3A_130 : vector<16xf32>
        %add3A_542 = arith.addf %mul3A_536, %mul3A_541 : vector<16xf32>
        %mul3A_543 = arith.mulf %get3A_467, %mul3A_135 : vector<16xf32>
        %add3A_544 = arith.addf %mul3A_537, %mul3A_543 : vector<16xf32>
        %mul3A_545 = arith.mulf %get3A_470, %mul3A_140 : vector<16xf32>
        %add3A_546 = arith.addf %mul3A_538, %mul3A_545 : vector<16xf32>
        %add3A_547 = arith.addf %add3A_540, %add3A_542 : vector<16xf32>
        %add3A_548 = arith.addf %add3A_544, %add3A_546 : vector<16xf32>
        %add3A_549 = arith.addf %add3A_547, %add3A_548 : vector<16xf32>
        %swap3A_550 = arith.constant 16 : index
        %swap3A_551 = tpu.vector_load %arg24[%swap3A_550] {strides = array<i32>} : memref<256xf32, #tpu.memory_space<vmem>>, vector<16xf32>,
        tpu.vector_store %arg24[%swap3A_550], %add3A_549 {strides = array<i32>} : memref<256xf32, #tpu.memory_space<vmem>>, vector<16xf32>,
        %mul3A_552 = arith.mulf %get3A_473, %mul3A_105 : vector<16xf32>
        %mul3A_553 = arith.mulf %get3A_476, %mul3A_110 : vector<16xf32>
        %mul3A_554 = arith.mulf %get3A_479, %mul3A_115 : vector<16xf32>
        %mul3A_555 = arith.mulf %get3A_482, %mul3A_120 : vector<16xf32>
        %mul3A_556 = arith.mulf %get3A_485, %mul3A_125 : vector<16xf32>
        %add3A_557 = arith.addf %mul3A_552, %mul3A_556 : vector<16xf32>
        %mul3A_558 = arith.mulf %get3A_488, %mul3A_130 : vector<16xf32>
        %add3A_559 = arith.addf %mul3A_553, %mul3A_558 : vector<16xf32>
        %mul3A_560 = arith.mulf %get3A_491, %mul3A_135 : vector<16xf32>
        %add3A_561 = arith.addf %mul3A_554, %mul3A_560 : vector<16xf32>
        %mul3A_562 = arith.mulf %get3A_494, %mul3A_140 : vector<16xf32>
        %add3A_563 = arith.addf %mul3A_555, %mul3A_562 : vector<16xf32>
        %add3A_564 = arith.addf %add3A_557, %add3A_559 : vector<16xf32>
        %add3A_565 = arith.addf %add3A_561, %add3A_563 : vector<16xf32>
        %add3A_566 = arith.addf %add3A_564, %add3A_565 : vector<16xf32>
        %swap3A_567 = arith.constant 32 : index
        %swap3A_568 = tpu.vector_load %arg24[%swap3A_567] {strides = array<i32>} : memref<256xf32, #tpu.memory_space<vmem>>, vector<16xf32>,
        tpu.vector_store %arg24[%swap3A_567], %add3A_566 {strides = array<i32>} : memref<256xf32, #tpu.memory_space<vmem>>, vector<16xf32>,
        %mul3A_569 = arith.mulf %get3A_497, %mul3A_105 : vector<16xf32>
        %mul3A_570 = arith.mulf %get3A_500, %mul3A_110 : vector<16xf32>
        %mul3A_571 = arith.mulf %get3A_503, %mul3A_115 : vector<16xf32>
        %mul3A_572 = arith.mulf %get3A_506, %mul3A_120 : vector<16xf32>
        %mul3A_573 = arith.mulf %get3A_509, %mul3A_125 : vector<16xf32>
        %add3A_574 = arith.addf %mul3A_569, %mul3A_573 : vector<16xf32>
        %mul3A_575 = arith.mulf %get3A_512, %mul3A_130 : vector<16xf32>
        %add3A_576 = arith.addf %mul3A_570, %mul3A_575 : vector<16xf32>
        %mul3A_577 = arith.mulf %get3A_515, %mul3A_135 : vector<16xf32>
        %add3A_578 = arith.addf %mul3A_571, %mul3A_577 : vector<16xf32>
        %mul3A_579 = arith.mulf %get3A_518, %mul3A_140 : vector<16xf32>
        %add3A_580 = arith.addf %mul3A_572, %mul3A_579 : vector<16xf32>
        %add3A_581 = arith.addf %add3A_574, %add3A_576 : vector<16xf32>
        %add3A_582 = arith.addf %add3A_578, %add3A_580 : vector<16xf32>
        %add3A_583 = arith.addf %add3A_581, %add3A_582 : vector<16xf32>
        %swap3A_584 = arith.constant 48 : index
        %swap3A_585 = tpu.vector_load %arg24[%swap3A_584] {strides = array<i32>} : memref<256xf32, #tpu.memory_space<vmem>>, vector<16xf32>,
        tpu.vector_store %arg24[%swap3A_584], %add3A_583 {strides = array<i32>} : memref<256xf32, #tpu.memory_space<vmem>>, vector<16xf32>,
        %add3A_586 = arith.constant 4 : i32
        %add3A_587 = arith.addi %mul3A_406, %add3A_586 : i32
        %add3A_588 = arith.constant 0 : i32
        %add3A_589 = arith.addi %add3A_587, %add3A_588 : i32
        %add3A_590 = arith.constant 4 : i32
        %add3A_591 = arith.addi %mul3A_406, %add3A_590 : i32
        %add3A_592 = arith.constant 1 : i32
        %add3A_593 = arith.addi %add3A_591, %add3A_592 : i32
        %add3A_594 = arith.constant 4 : i32
        %add3A_595 = arith.addi %mul3A_406, %add3A_594 : i32
        %add3A_596 = arith.constant 2 : i32
        %add3A_597 = arith.addi %add3A_595, %add3A_596 : i32
        %add3A_598 = arith.constant 4 : i32
        %add3A_599 = arith.addi %mul3A_406, %add3A_598 : i32
        %add3A_600 = arith.constant 3 : i32
        %add3A_601 = arith.addi %add3A_599, %add3A_600 : i32
        %get3A_602 = arith.index_cast %add3A_589 : i32 to index
        %get3A_603 = arith.constant 0 : index
        %get3A_604 = tpu.vector_load %arg18[%get3A_602, %get3A_603] {strides = array<i32>} : memref<128x128xf32, #tpu.memory_space<vmem>>, vector<16xf32>,
        %get3A_605 = arith.index_cast %add3A_589 : i32 to index
        %get3A_606 = arith.constant 16 : index
        %get3A_607 = tpu.vector_load %arg18[%get3A_605, %get3A_606] {strides = array<i32>} : memref<128x128xf32, #tpu.memory_space<vmem>>, vector<16xf32>,
        %get3A_608 = arith.index_cast %add3A_589 : i32 to index
        %get3A_609 = arith.constant 32 : index
        %get3A_610 = tpu.vector_load %arg18[%get3A_608, %get3A_609] {strides = array<i32>} : memref<128x128xf32, #tpu.memory_space<vmem>>, vector<16xf32>,
        %get3A_611 = arith.index_cast %add3A_589 : i32 to index
        %get3A_612 = arith.constant 48 : index
        %get3A_613 = tpu.vector_load %arg18[%get3A_611, %get3A_612] {strides = array<i32>} : memref<128x128xf32, #tpu.memory_space<vmem>>, vector<16xf32>,
        %get3A_614 = arith.index_cast %add3A_589 : i32 to index
        %get3A_615 = arith.constant 64 : index
        %get3A_616 = tpu.vector_load %arg18[%get3A_614, %get3A_615] {strides = array<i32>} : memref<128x128xf32, #tpu.memory_space<vmem>>, vector<16xf32>,
        %get3A_617 = arith.index_cast %add3A_589 : i32 to index
        %get3A_618 = arith.constant 80 : index
        %get3A_619 = tpu.vector_load %arg18[%get3A_617, %get3A_618] {strides = array<i32>} : memref<128x128xf32, #tpu.memory_space<vmem>>, vector<16xf32>,
        %get3A_620 = arith.index_cast %add3A_589 : i32 to index
        %get3A_621 = arith.constant 96 : index
        %get3A_622 = tpu.vector_load %arg18[%get3A_620, %get3A_621] {strides = array<i32>} : memref<128x128xf32, #tpu.memory_space<vmem>>, vector<16xf32>,
        %get3A_623 = arith.index_cast %add3A_589 : i32 to index
        %get3A_624 = arith.constant 112 : index
        %get3A_625 = tpu.vector_load %arg18[%get3A_623, %get3A_624] {strides = array<i32>} : memref<128x128xf32, #tpu.memory_space<vmem>>, vector<16xf32>,
        %get3A_626 = arith.index_cast %add3A_593 : i32 to index
        %get3A_627 = arith.constant 0 : index
        %get3A_628 = tpu.vector_load %arg18[%get3A_626, %get3A_627] {strides = array<i32>} : memref<128x128xf32, #tpu.memory_space<vmem>>, vector<16xf32>,
        %get3A_629 = arith.index_cast %add3A_593 : i32 to index
        %get3A_630 = arith.constant 16 : index
        %get3A_631 = tpu.vector_load %arg18[%get3A_629, %get3A_630] {strides = array<i32>} : memref<128x128xf32, #tpu.memory_space<vmem>>, vector<16xf32>,
        %get3A_632 = arith.index_cast %add3A_593 : i32 to index
        %get3A_633 = arith.constant 32 : index
        %get3A_634 = tpu.vector_load %arg18[%get3A_632, %get3A_633] {strides = array<i32>} : memref<128x128xf32, #tpu.memory_space<vmem>>, vector<16xf32>,
        %get3A_635 = arith.index_cast %add3A_593 : i32 to index
        %get3A_636 = arith.constant 48 : index
        %get3A_637 = tpu.vector_load %arg18[%get3A_635, %get3A_636] {strides = array<i32>} : memref<128x128xf32, #tpu.memory_space<vmem>>, vector<16xf32>,
        %get3A_638 = arith.index_cast %add3A_593 : i32 to index
        %get3A_639 = arith.constant 64 : index
        %get3A_640 = tpu.vector_load %arg18[%get3A_638, %get3A_639] {strides = array<i32>} : memref<128x128xf32, #tpu.memory_space<vmem>>, vector<16xf32>,
        %get3A_641 = arith.index_cast %add3A_593 : i32 to index
        %get3A_642 = arith.constant 80 : index
        %get3A_643 = tpu.vector_load %arg18[%get3A_641, %get3A_642] {strides = array<i32>} : memref<128x128xf32, #tpu.memory_space<vmem>>, vector<16xf32>,
        %get3A_644 = arith.index_cast %add3A_593 : i32 to index
        %get3A_645 = arith.constant 96 : index
        %get3A_646 = tpu.vector_load %arg18[%get3A_644, %get3A_645] {strides = array<i32>} : memref<128x128xf32, #tpu.memory_space<vmem>>, vector<16xf32>,
        %get3A_647 = arith.index_cast %add3A_593 : i32 to index
        %get3A_648 = arith.constant 112 : index
        %get3A_649 = tpu.vector_load %arg18[%get3A_647, %get3A_648] {strides = array<i32>} : memref<128x128xf32, #tpu.memory_space<vmem>>, vector<16xf32>,
        %get3A_650 = arith.index_cast %add3A_597 : i32 to index
        %get3A_651 = arith.constant 0 : index
        %get3A_652 = tpu.vector_load %arg18[%get3A_650, %get3A_651] {strides = array<i32>} : memref<128x128xf32, #tpu.memory_space<vmem>>, vector<16xf32>,
        %get3A_653 = arith.index_cast %add3A_597 : i32 to index
        %get3A_654 = arith.constant 16 : index
        %get3A_655 = tpu.vector_load %arg18[%get3A_653, %get3A_654] {strides = array<i32>} : memref<128x128xf32, #tpu.memory_space<vmem>>, vector<16xf32>,
        %get3A_656 = arith.index_cast %add3A_597 : i32 to index
        %get3A_657 = arith.constant 32 : index
        %get3A_658 = tpu.vector_load %arg18[%get3A_656, %get3A_657] {strides = array<i32>} : memref<128x128xf32, #tpu.memory_space<vmem>>, vector<16xf32>,
        %get3A_659 = arith.index_cast %add3A_597 : i32 to index
        %get3A_660 = arith.constant 48 : index
        %get3A_661 = tpu.vector_load %arg18[%get3A_659, %get3A_660] {strides = array<i32>} : memref<128x128xf32, #tpu.memory_space<vmem>>, vector<16xf32>,
        %get3A_662 = arith.index_cast %add3A_597 : i32 to index
        %get3A_663 = arith.constant 64 : index
        %get3A_664 = tpu.vector_load %arg18[%get3A_662, %get3A_663] {strides = array<i32>} : memref<128x128xf32, #tpu.memory_space<vmem>>, vector<16xf32>,
        %get3A_665 = arith.index_cast %add3A_597 : i32 to index
        %get3A_666 = arith.constant 80 : index
        %get3A_667 = tpu.vector_load %arg18[%get3A_665, %get3A_666] {strides = array<i32>} : memref<128x128xf32, #tpu.memory_space<vmem>>, vector<16xf32>,
        %get3A_668 = arith.index_cast %add3A_597 : i32 to index
        %get3A_669 = arith.constant 96 : index
        %get3A_670 = tpu.vector_load %arg18[%get3A_668, %get3A_669] {strides = array<i32>} : memref<128x128xf32, #tpu.memory_space<vmem>>, vector<16xf32>,
        %get3A_671 = arith.index_cast %add3A_597 : i32 to index
        %get3A_672 = arith.constant 112 : index
        %get3A_673 = tpu.vector_load %arg18[%get3A_671, %get3A_672] {strides = array<i32>} : memref<128x128xf32, #tpu.memory_space<vmem>>, vector<16xf32>,
        %get3A_674 = arith.index_cast %add3A_601 : i32 to index
        %get3A_675 = arith.constant 0 : index
        %get3A_676 = tpu.vector_load %arg18[%get3A_674, %get3A_675] {strides = array<i32>} : memref<128x128xf32, #tpu.memory_space<vmem>>, vector<16xf32>,
        %get3A_677 = arith.index_cast %add3A_601 : i32 to index
        %get3A_678 = arith.constant 16 : index
        %get3A_679 = tpu.vector_load %arg18[%get3A_677, %get3A_678] {strides = array<i32>} : memref<128x128xf32, #tpu.memory_space<vmem>>, vector<16xf32>,
        %get3A_680 = arith.index_cast %add3A_601 : i32 to index
        %get3A_681 = arith.constant 32 : index
        %get3A_682 = tpu.vector_load %arg18[%get3A_680, %get3A_681] {strides = array<i32>} : memref<128x128xf32, #tpu.memory_space<vmem>>, vector<16xf32>,
        %get3A_683 = arith.index_cast %add3A_601 : i32 to index
        %get3A_684 = arith.constant 48 : index
        %get3A_685 = tpu.vector_load %arg18[%get3A_683, %get3A_684] {strides = array<i32>} : memref<128x128xf32, #tpu.memory_space<vmem>>, vector<16xf32>,
        %get3A_686 = arith.index_cast %add3A_601 : i32 to index
        %get3A_687 = arith.constant 64 : index
        %get3A_688 = tpu.vector_load %arg18[%get3A_686, %get3A_687] {strides = array<i32>} : memref<128x128xf32, #tpu.memory_space<vmem>>, vector<16xf32>,
        %get3A_689 = arith.index_cast %add3A_601 : i32 to index
        %get3A_690 = arith.constant 80 : index
        %get3A_691 = tpu.vector_load %arg18[%get3A_689, %get3A_690] {strides = array<i32>} : memref<128x128xf32, #tpu.memory_space<vmem>>, vector<16xf32>,
        %get3A_692 = arith.index_cast %add3A_601 : i32 to index
        %get3A_693 = arith.constant 96 : index
        %get3A_694 = tpu.vector_load %arg18[%get3A_692, %get3A_693] {strides = array<i32>} : memref<128x128xf32, #tpu.memory_space<vmem>>, vector<16xf32>,
        %get3A_695 = arith.index_cast %add3A_601 : i32 to index
        %get3A_696 = arith.constant 112 : index
        %get3A_697 = tpu.vector_load %arg18[%get3A_695, %get3A_696] {strides = array<i32>} : memref<128x128xf32, #tpu.memory_space<vmem>>, vector<16xf32>,
        %mul3A_698 = arith.mulf %get3A_604, %mul3A_105 : vector<16xf32>
        %mul3A_699 = arith.mulf %get3A_607, %mul3A_110 : vector<16xf32>
        %mul3A_700 = arith.mulf %get3A_610, %mul3A_115 : vector<16xf32>
        %mul3A_701 = arith.mulf %get3A_613, %mul3A_120 : vector<16xf32>
        %mul3A_702 = arith.mulf %get3A_616, %mul3A_125 : vector<16xf32>
        %add3A_703 = arith.addf %mul3A_698, %mul3A_702 : vector<16xf32>
        %mul3A_704 = arith.mulf %get3A_619, %mul3A_130 : vector<16xf32>
        %add3A_705 = arith.addf %mul3A_699, %mul3A_704 : vector<16xf32>
        %mul3A_706 = arith.mulf %get3A_622, %mul3A_135 : vector<16xf32>
        %add3A_707 = arith.addf %mul3A_700, %mul3A_706 : vector<16xf32>
        %mul3A_708 = arith.mulf %get3A_625, %mul3A_140 : vector<16xf32>
        %add3A_709 = arith.addf %mul3A_701, %mul3A_708 : vector<16xf32>
        %add3A_710 = arith.addf %add3A_703, %add3A_705 : vector<16xf32>
        %add3A_711 = arith.addf %add3A_707, %add3A_709 : vector<16xf32>
        %add3A_712 = arith.addf %add3A_710, %add3A_711 : vector<16xf32>
        %swap3A_713 = arith.constant 64 : index
        %swap3A_714 = tpu.vector_load %arg24[%swap3A_713] {strides = array<i32>} : memref<256xf32, #tpu.memory_space<vmem>>, vector<16xf32>,
        tpu.vector_store %arg24[%swap3A_713], %add3A_712 {strides = array<i32>} : memref<256xf32, #tpu.memory_space<vmem>>, vector<16xf32>,
        %mul3A_715 = arith.mulf %get3A_628, %mul3A_105 : vector<16xf32>
        %mul3A_716 = arith.mulf %get3A_631, %mul3A_110 : vector<16xf32>
        %mul3A_717 = arith.mulf %get3A_634, %mul3A_115 : vector<16xf32>
        %mul3A_718 = arith.mulf %get3A_637, %mul3A_120 : vector<16xf32>
        %mul3A_719 = arith.mulf %get3A_640, %mul3A_125 : vector<16xf32>
        %add3A_720 = arith.addf %mul3A_715, %mul3A_719 : vector<16xf32>
        %mul3A_721 = arith.mulf %get3A_643, %mul3A_130 : vector<16xf32>
        %add3A_722 = arith.addf %mul3A_716, %mul3A_721 : vector<16xf32>
        %mul3A_723 = arith.mulf %get3A_646, %mul3A_135 : vector<16xf32>
        %add3A_724 = arith.addf %mul3A_717, %mul3A_723 : vector<16xf32>
        %mul3A_725 = arith.mulf %get3A_649, %mul3A_140 : vector<16xf32>
        %add3A_726 = arith.addf %mul3A_718, %mul3A_725 : vector<16xf32>
        %add3A_727 = arith.addf %add3A_720, %add3A_722 : vector<16xf32>
        %add3A_728 = arith.addf %add3A_724, %add3A_726 : vector<16xf32>
        %add3A_729 = arith.addf %add3A_727, %add3A_728 : vector<16xf32>
        %swap3A_730 = arith.constant 80 : index
        %swap3A_731 = tpu.vector_load %arg24[%swap3A_730] {strides = array<i32>} : memref<256xf32, #tpu.memory_space<vmem>>, vector<16xf32>,
        tpu.vector_store %arg24[%swap3A_730], %add3A_729 {strides = array<i32>} : memref<256xf32, #tpu.memory_space<vmem>>, vector<16xf32>,
        %mul3A_732 = arith.mulf %get3A_652, %mul3A_105 : vector<16xf32>
        %mul3A_733 = arith.mulf %get3A_655, %mul3A_110 : vector<16xf32>
        %mul3A_734 = arith.mulf %get3A_658, %mul3A_115 : vector<16xf32>
        %mul3A_735 = arith.mulf %get3A_661, %mul3A_120 : vector<16xf32>
        %mul3A_736 = arith.mulf %get3A_664, %mul3A_125 : vector<16xf32>
        %add3A_737 = arith.addf %mul3A_732, %mul3A_736 : vector<16xf32>
        %mul3A_738 = arith.mulf %get3A_667, %mul3A_130 : vector<16xf32>
        %add3A_739 = arith.addf %mul3A_733, %mul3A_738 : vector<16xf32>
        %mul3A_740 = arith.mulf %get3A_670, %mul3A_135 : vector<16xf32>
        %add3A_741 = arith.addf %mul3A_734, %mul3A_740 : vector<16xf32>
        %mul3A_742 = arith.mulf %get3A_673, %mul3A_140 : vector<16xf32>
        %add3A_743 = arith.addf %mul3A_735, %mul3A_742 : vector<16xf32>
        %add3A_744 = arith.addf %add3A_737, %add3A_739 : vector<16xf32>
        %add3A_745 = arith.addf %add3A_741, %add3A_743 : vector<16xf32>
        %add3A_746 = arith.addf %add3A_744, %add3A_745 : vector<16xf32>
        %swap3A_747 = arith.constant 96 : index
        %swap3A_748 = tpu.vector_load %arg24[%swap3A_747] {strides = array<i32>} : memref<256xf32, #tpu.memory_space<vmem>>, vector<16xf32>,
        tpu.vector_store %arg24[%swap3A_747], %add3A_746 {strides = array<i32>} : memref<256xf32, #tpu.memory_space<vmem>>, vector<16xf32>,
        %mul3A_749 = arith.mulf %get3A_676, %mul3A_105 : vector<16xf32>
        %mul3A_750 = arith.mulf %get3A_679, %mul3A_110 : vector<16xf32>
        %mul3A_751 = arith.mulf %get3A_682, %mul3A_115 : vector<16xf32>
        %mul3A_752 = arith.mulf %get3A_685, %mul3A_120 : vector<16xf32>
        %mul3A_753 = arith.mulf %get3A_688, %mul3A_125 : vector<16xf32>
        %add3A_754 = arith.addf %mul3A_749, %mul3A_753 : vector<16xf32>
        %mul3A_755 = arith.mulf %get3A_691, %mul3A_130 : vector<16xf32>
        %add3A_756 = arith.addf %mul3A_750, %mul3A_755 : vector<16xf32>
        %mul3A_757 = arith.mulf %get3A_694, %mul3A_135 : vector<16xf32>
        %add3A_758 = arith.addf %mul3A_751, %mul3A_757 : vector<16xf32>
        %mul3A_759 = arith.mulf %get3A_697, %mul3A_140 : vector<16xf32>
        %add3A_760 = arith.addf %mul3A_752, %mul3A_759 : vector<16xf32>
        %add3A_761 = arith.addf %add3A_754, %add3A_756 : vector<16xf32>
        %add3A_762 = arith.addf %add3A_758, %add3A_760 : vector<16xf32>
        %add3A_763 = arith.addf %add3A_761, %add3A_762 : vector<16xf32>
        %swap3A_764 = arith.constant 112 : index
        %swap3A_765 = tpu.vector_load %arg24[%swap3A_764] {strides = array<i32>} : memref<256xf32, #tpu.memory_space<vmem>>, vector<16xf32>,
        tpu.vector_store %arg24[%swap3A_764], %add3A_763 {strides = array<i32>} : memref<256xf32, #tpu.memory_space<vmem>>, vector<16xf32>,
        %add3A_766 = arith.constant 8 : i32
        %add3A_767 = arith.addi %mul3A_406, %add3A_766 : i32
        %add3A_768 = arith.constant 0 : i32
        %add3A_769 = arith.addi %add3A_767, %add3A_768 : i32
        %add3A_770 = arith.constant 8 : i32
        %add3A_771 = arith.addi %mul3A_406, %add3A_770 : i32
        %add3A_772 = arith.constant 1 : i32
        %add3A_773 = arith.addi %add3A_771, %add3A_772 : i32
        %add3A_774 = arith.constant 8 : i32
        %add3A_775 = arith.addi %mul3A_406, %add3A_774 : i32
        %add3A_776 = arith.constant 2 : i32
        %add3A_777 = arith.addi %add3A_775, %add3A_776 : i32
        %add3A_778 = arith.constant 8 : i32
        %add3A_779 = arith.addi %mul3A_406, %add3A_778 : i32
        %add3A_780 = arith.constant 3 : i32
        %add3A_781 = arith.addi %add3A_779, %add3A_780 : i32
        %get3A_782 = arith.index_cast %add3A_769 : i32 to index
        %get3A_783 = arith.constant 0 : index
        %get3A_784 = tpu.vector_load %arg18[%get3A_782, %get3A_783] {strides = array<i32>} : memref<128x128xf32, #tpu.memory_space<vmem>>, vector<16xf32>,
        %get3A_785 = arith.index_cast %add3A_769 : i32 to index
        %get3A_786 = arith.constant 16 : index
        %get3A_787 = tpu.vector_load %arg18[%get3A_785, %get3A_786] {strides = array<i32>} : memref<128x128xf32, #tpu.memory_space<vmem>>, vector<16xf32>,
        %get3A_788 = arith.index_cast %add3A_769 : i32 to index
        %get3A_789 = arith.constant 32 : index
        %get3A_790 = tpu.vector_load %arg18[%get3A_788, %get3A_789] {strides = array<i32>} : memref<128x128xf32, #tpu.memory_space<vmem>>, vector<16xf32>,
        %get3A_791 = arith.index_cast %add3A_769 : i32 to index
        %get3A_792 = arith.constant 48 : index
        %get3A_793 = tpu.vector_load %arg18[%get3A_791, %get3A_792] {strides = array<i32>} : memref<128x128xf32, #tpu.memory_space<vmem>>, vector<16xf32>,
        %get3A_794 = arith.index_cast %add3A_769 : i32 to index
        %get3A_795 = arith.constant 64 : index
        %get3A_796 = tpu.vector_load %arg18[%get3A_794, %get3A_795] {strides = array<i32>} : memref<128x128xf32, #tpu.memory_space<vmem>>, vector<16xf32>,
        %get3A_797 = arith.index_cast %add3A_769 : i32 to index
        %get3A_798 = arith.constant 80 : index
        %get3A_799 = tpu.vector_load %arg18[%get3A_797, %get3A_798] {strides = array<i32>} : memref<128x128xf32, #tpu.memory_space<vmem>>, vector<16xf32>,
        %get3A_800 = arith.index_cast %add3A_769 : i32 to index
        %get3A_801 = arith.constant 96 : index
        %get3A_802 = tpu.vector_load %arg18[%get3A_800, %get3A_801] {strides = array<i32>} : memref<128x128xf32, #tpu.memory_space<vmem>>, vector<16xf32>,
        %get3A_803 = arith.index_cast %add3A_769 : i32 to index
        %get3A_804 = arith.constant 112 : index
        %get3A_805 = tpu.vector_load %arg18[%get3A_803, %get3A_804] {strides = array<i32>} : memref<128x128xf32, #tpu.memory_space<vmem>>, vector<16xf32>,
        %get3A_806 = arith.index_cast %add3A_773 : i32 to index
        %get3A_807 = arith.constant 0 : index
        %get3A_808 = tpu.vector_load %arg18[%get3A_806, %get3A_807] {strides = array<i32>} : memref<128x128xf32, #tpu.memory_space<vmem>>, vector<16xf32>,
        %get3A_809 = arith.index_cast %add3A_773 : i32 to index
        %get3A_810 = arith.constant 16 : index
        %get3A_811 = tpu.vector_load %arg18[%get3A_809, %get3A_810] {strides = array<i32>} : memref<128x128xf32, #tpu.memory_space<vmem>>, vector<16xf32>,
        %get3A_812 = arith.index_cast %add3A_773 : i32 to index
        %get3A_813 = arith.constant 32 : index
        %get3A_814 = tpu.vector_load %arg18[%get3A_812, %get3A_813] {strides = array<i32>} : memref<128x128xf32, #tpu.memory_space<vmem>>, vector<16xf32>,
        %get3A_815 = arith.index_cast %add3A_773 : i32 to index
        %get3A_816 = arith.constant 48 : index
        %get3A_817 = tpu.vector_load %arg18[%get3A_815, %get3A_816] {strides = array<i32>} : memref<128x128xf32, #tpu.memory_space<vmem>>, vector<16xf32>,
        %get3A_818 = arith.index_cast %add3A_773 : i32 to index
        %get3A_819 = arith.constant 64 : index
        %get3A_820 = tpu.vector_load %arg18[%get3A_818, %get3A_819] {strides = array<i32>} : memref<128x128xf32, #tpu.memory_space<vmem>>, vector<16xf32>,
        %get3A_821 = arith.index_cast %add3A_773 : i32 to index
        %get3A_822 = arith.constant 80 : index
        %get3A_823 = tpu.vector_load %arg18[%get3A_821, %get3A_822] {strides = array<i32>} : memref<128x128xf32, #tpu.memory_space<vmem>>, vector<16xf32>,
        %get3A_824 = arith.index_cast %add3A_773 : i32 to index
        %get3A_825 = arith.constant 96 : index
        %get3A_826 = tpu.vector_load %arg18[%get3A_824, %get3A_825] {strides = array<i32>} : memref<128x128xf32, #tpu.memory_space<vmem>>, vector<16xf32>,
        %get3A_827 = arith.index_cast %add3A_773 : i32 to index
        %get3A_828 = arith.constant 112 : index
        %get3A_829 = tpu.vector_load %arg18[%get3A_827, %get3A_828] {strides = array<i32>} : memref<128x128xf32, #tpu.memory_space<vmem>>, vector<16xf32>,
        %get3A_830 = arith.index_cast %add3A_777 : i32 to index
        %get3A_831 = arith.constant 0 : index
        %get3A_832 = tpu.vector_load %arg18[%get3A_830, %get3A_831] {strides = array<i32>} : memref<128x128xf32, #tpu.memory_space<vmem>>, vector<16xf32>,
        %get3A_833 = arith.index_cast %add3A_777 : i32 to index
        %get3A_834 = arith.constant 16 : index
        %get3A_835 = tpu.vector_load %arg18[%get3A_833, %get3A_834] {strides = array<i32>} : memref<128x128xf32, #tpu.memory_space<vmem>>, vector<16xf32>,
        %get3A_836 = arith.index_cast %add3A_777 : i32 to index
        %get3A_837 = arith.constant 32 : index
        %get3A_838 = tpu.vector_load %arg18[%get3A_836, %get3A_837] {strides = array<i32>} : memref<128x128xf32, #tpu.memory_space<vmem>>, vector<16xf32>,
        %get3A_839 = arith.index_cast %add3A_777 : i32 to index
        %get3A_840 = arith.constant 48 : index
        %get3A_841 = tpu.vector_load %arg18[%get3A_839, %get3A_840] {strides = array<i32>} : memref<128x128xf32, #tpu.memory_space<vmem>>, vector<16xf32>,
        %get3A_842 = arith.index_cast %add3A_777 : i32 to index
        %get3A_843 = arith.constant 64 : index
        %get3A_844 = tpu.vector_load %arg18[%get3A_842, %get3A_843] {strides = array<i32>} : memref<128x128xf32, #tpu.memory_space<vmem>>, vector<16xf32>,
        %get3A_845 = arith.index_cast %add3A_777 : i32 to index
        %get3A_846 = arith.constant 80 : index
        %get3A_847 = tpu.vector_load %arg18[%get3A_845, %get3A_846] {strides = array<i32>} : memref<128x128xf32, #tpu.memory_space<vmem>>, vector<16xf32>,
        %get3A_848 = arith.index_cast %add3A_777 : i32 to index
        %get3A_849 = arith.constant 96 : index
        %get3A_850 = tpu.vector_load %arg18[%get3A_848, %get3A_849] {strides = array<i32>} : memref<128x128xf32, #tpu.memory_space<vmem>>, vector<16xf32>,
        %get3A_851 = arith.index_cast %add3A_777 : i32 to index
        %get3A_852 = arith.constant 112 : index
        %get3A_853 = tpu.vector_load %arg18[%get3A_851, %get3A_852] {strides = array<i32>} : memref<128x128xf32, #tpu.memory_space<vmem>>, vector<16xf32>,
        %get3A_854 = arith.index_cast %add3A_781 : i32 to index
        %get3A_855 = arith.constant 0 : index
        %get3A_856 = tpu.vector_load %arg18[%get3A_854, %get3A_855] {strides = array<i32>} : memref<128x128xf32, #tpu.memory_space<vmem>>, vector<16xf32>,
        %get3A_857 = arith.index_cast %add3A_781 : i32 to index
        %get3A_858 = arith.constant 16 : index
        %get3A_859 = tpu.vector_load %arg18[%get3A_857, %get3A_858] {strides = array<i32>} : memref<128x128xf32, #tpu.memory_space<vmem>>, vector<16xf32>,
        %get3A_860 = arith.index_cast %add3A_781 : i32 to index
        %get3A_861 = arith.constant 32 : index
        %get3A_862 = tpu.vector_load %arg18[%get3A_860, %get3A_861] {strides = array<i32>} : memref<128x128xf32, #tpu.memory_space<vmem>>, vector<16xf32>,
        %get3A_863 = arith.index_cast %add3A_781 : i32 to index
        %get3A_864 = arith.constant 48 : index
        %get3A_865 = tpu.vector_load %arg18[%get3A_863, %get3A_864] {strides = array<i32>} : memref<128x128xf32, #tpu.memory_space<vmem>>, vector<16xf32>,
        %get3A_866 = arith.index_cast %add3A_781 : i32 to index
        %get3A_867 = arith.constant 64 : index
        %get3A_868 = tpu.vector_load %arg18[%get3A_866, %get3A_867] {strides = array<i32>} : memref<128x128xf32, #tpu.memory_space<vmem>>, vector<16xf32>,
        %get3A_869 = arith.index_cast %add3A_781 : i32 to index
        %get3A_870 = arith.constant 80 : index
        %get3A_871 = tpu.vector_load %arg18[%get3A_869, %get3A_870] {strides = array<i32>} : memref<128x128xf32, #tpu.memory_space<vmem>>, vector<16xf32>,
        %get3A_872 = arith.index_cast %add3A_781 : i32 to index
        %get3A_873 = arith.constant 96 : index
        %get3A_874 = tpu.vector_load %arg18[%get3A_872, %get3A_873] {strides = array<i32>} : memref<128x128xf32, #tpu.memory_space<vmem>>, vector<16xf32>,
        %get3A_875 = arith.index_cast %add3A_781 : i32 to index
        %get3A_876 = arith.constant 112 : index
        %get3A_877 = tpu.vector_load %arg18[%get3A_875, %get3A_876] {strides = array<i32>} : memref<128x128xf32, #tpu.memory_space<vmem>>, vector<16xf32>,
        %mul3A_878 = arith.mulf %get3A_784, %mul3A_105 : vector<16xf32>
        %mul3A_879 = arith.mulf %get3A_787, %mul3A_110 : vector<16xf32>
        %mul3A_880 = arith.mulf %get3A_790, %mul3A_115 : vector<16xf32>
        %mul3A_881 = arith.mulf %get3A_793, %mul3A_120 : vector<16xf32>
        %mul3A_882 = arith.mulf %get3A_796, %mul3A_125 : vector<16xf32>
        %add3A_883 = arith.addf %mul3A_878, %mul3A_882 : vector<16xf32>
        %mul3A_884 = arith.mulf %get3A_799, %mul3A_130 : vector<16xf32>
        %add3A_885 = arith.addf %mul3A_879, %mul3A_884 : vector<16xf32>
        %mul3A_886 = arith.mulf %get3A_802, %mul3A_135 : vector<16xf32>
        %add3A_887 = arith.addf %mul3A_880, %mul3A_886 : vector<16xf32>
        %mul3A_888 = arith.mulf %get3A_805, %mul3A_140 : vector<16xf32>
        %add3A_889 = arith.addf %mul3A_881, %mul3A_888 : vector<16xf32>
        %add3A_890 = arith.addf %add3A_883, %add3A_885 : vector<16xf32>
        %add3A_891 = arith.addf %add3A_887, %add3A_889 : vector<16xf32>
        %add3A_892 = arith.addf %add3A_890, %add3A_891 : vector<16xf32>
        %swap3A_893 = arith.constant 128 : index
        %swap3A_894 = tpu.vector_load %arg24[%swap3A_893] {strides = array<i32>} : memref<256xf32, #tpu.memory_space<vmem>>, vector<16xf32>,
        tpu.vector_store %arg24[%swap3A_893], %add3A_892 {strides = array<i32>} : memref<256xf32, #tpu.memory_space<vmem>>, vector<16xf32>,
        %mul3A_895 = arith.mulf %get3A_808, %mul3A_105 : vector<16xf32>
        %mul3A_896 = arith.mulf %get3A_811, %mul3A_110 : vector<16xf32>
        %mul3A_897 = arith.mulf %get3A_814, %mul3A_115 : vector<16xf32>
        %mul3A_898 = arith.mulf %get3A_817, %mul3A_120 : vector<16xf32>
        %mul3A_899 = arith.mulf %get3A_820, %mul3A_125 : vector<16xf32>
        %add3A_900 = arith.addf %mul3A_895, %mul3A_899 : vector<16xf32>
        %mul3A_901 = arith.mulf %get3A_823, %mul3A_130 : vector<16xf32>
        %add3A_902 = arith.addf %mul3A_896, %mul3A_901 : vector<16xf32>
        %mul3A_903 = arith.mulf %get3A_826, %mul3A_135 : vector<16xf32>
        %add3A_904 = arith.addf %mul3A_897, %mul3A_903 : vector<16xf32>
        %mul3A_905 = arith.mulf %get3A_829, %mul3A_140 : vector<16xf32>
        %add3A_906 = arith.addf %mul3A_898, %mul3A_905 : vector<16xf32>
        %add3A_907 = arith.addf %add3A_900, %add3A_902 : vector<16xf32>
        %add3A_908 = arith.addf %add3A_904, %add3A_906 : vector<16xf32>
        %add3A_909 = arith.addf %add3A_907, %add3A_908 : vector<16xf32>
        %swap3A_910 = arith.constant 144 : index
        %swap3A_911 = tpu.vector_load %arg24[%swap3A_910] {strides = array<i32>} : memref<256xf32, #tpu.memory_space<vmem>>, vector<16xf32>,
        tpu.vector_store %arg24[%swap3A_910], %add3A_909 {strides = array<i32>} : memref<256xf32, #tpu.memory_space<vmem>>, vector<16xf32>,
        %mul3A_912 = arith.mulf %get3A_832, %mul3A_105 : vector<16xf32>
        %mul3A_913 = arith.mulf %get3A_835, %mul3A_110 : vector<16xf32>
        %mul3A_914 = arith.mulf %get3A_838, %mul3A_115 : vector<16xf32>
        %mul3A_915 = arith.mulf %get3A_841, %mul3A_120 : vector<16xf32>
        %mul3A_916 = arith.mulf %get3A_844, %mul3A_125 : vector<16xf32>
        %add3A_917 = arith.addf %mul3A_912, %mul3A_916 : vector<16xf32>
        %mul3A_918 = arith.mulf %get3A_847, %mul3A_130 : vector<16xf32>
        %add3A_919 = arith.addf %mul3A_913, %mul3A_918 : vector<16xf32>
        %mul3A_920 = arith.mulf %get3A_850, %mul3A_135 : vector<16xf32>
        %add3A_921 = arith.addf %mul3A_914, %mul3A_920 : vector<16xf32>
        %mul3A_922 = arith.mulf %get3A_853, %mul3A_140 : vector<16xf32>
        %add3A_923 = arith.addf %mul3A_915, %mul3A_922 : vector<16xf32>
        %add3A_924 = arith.addf %add3A_917, %add3A_919 : vector<16xf32>
        %add3A_925 = arith.addf %add3A_921, %add3A_923 : vector<16xf32>
        %add3A_926 = arith.addf %add3A_924, %add3A_925 : vector<16xf32>
        %swap3A_927 = arith.constant 160 : index
        %swap3A_928 = tpu.vector_load %arg24[%swap3A_927] {strides = array<i32>} : memref<256xf32, #tpu.memory_space<vmem>>, vector<16xf32>,
        tpu.vector_store %arg24[%swap3A_927], %add3A_926 {strides = array<i32>} : memref<256xf32, #tpu.memory_space<vmem>>, vector<16xf32>,
        %mul3A_929 = arith.mulf %get3A_856, %mul3A_105 : vector<16xf32>
        %mul3A_930 = arith.mulf %get3A_859, %mul3A_110 : vector<16xf32>
        %mul3A_931 = arith.mulf %get3A_862, %mul3A_115 : vector<16xf32>
        %mul3A_932 = arith.mulf %get3A_865, %mul3A_120 : vector<16xf32>
        %mul3A_933 = arith.mulf %get3A_868, %mul3A_125 : vector<16xf32>
        %add3A_934 = arith.addf %mul3A_929, %mul3A_933 : vector<16xf32>
        %mul3A_935 = arith.mulf %get3A_871, %mul3A_130 : vector<16xf32>
        %add3A_936 = arith.addf %mul3A_930, %mul3A_935 : vector<16xf32>
        %mul3A_937 = arith.mulf %get3A_874, %mul3A_135 : vector<16xf32>
        %add3A_938 = arith.addf %mul3A_931, %mul3A_937 : vector<16xf32>
        %mul3A_939 = arith.mulf %get3A_877, %mul3A_140 : vector<16xf32>
        %add3A_940 = arith.addf %mul3A_932, %mul3A_939 : vector<16xf32>
        %add3A_941 = arith.addf %add3A_934, %add3A_936 : vector<16xf32>
        %add3A_942 = arith.addf %add3A_938, %add3A_940 : vector<16xf32>
        %add3A_943 = arith.addf %add3A_941, %add3A_942 : vector<16xf32>
        %swap3A_944 = arith.constant 176 : index
        %swap3A_945 = tpu.vector_load %arg24[%swap3A_944] {strides = array<i32>} : memref<256xf32, #tpu.memory_space<vmem>>, vector<16xf32>,
        tpu.vector_store %arg24[%swap3A_944], %add3A_943 {strides = array<i32>} : memref<256xf32, #tpu.memory_space<vmem>>, vector<16xf32>,
        %add3A_946 = arith.constant 12 : i32
        %add3A_947 = arith.addi %mul3A_406, %add3A_946 : i32
        %add3A_948 = arith.constant 0 : i32
        %add3A_949 = arith.addi %add3A_947, %add3A_948 : i32
        %add3A_950 = arith.constant 12 : i32
        %add3A_951 = arith.addi %mul3A_406, %add3A_950 : i32
        %add3A_952 = arith.constant 1 : i32
        %add3A_953 = arith.addi %add3A_951, %add3A_952 : i32
        %add3A_954 = arith.constant 12 : i32
        %add3A_955 = arith.addi %mul3A_406, %add3A_954 : i32
        %add3A_956 = arith.constant 2 : i32
        %add3A_957 = arith.addi %add3A_955, %add3A_956 : i32
        %add3A_958 = arith.constant 12 : i32
        %add3A_959 = arith.addi %mul3A_406, %add3A_958 : i32
        %add3A_960 = arith.constant 3 : i32
        %add3A_961 = arith.addi %add3A_959, %add3A_960 : i32
        %get3A_962 = arith.index_cast %add3A_949 : i32 to index
        %get3A_963 = arith.constant 0 : index
        %get3A_964 = tpu.vector_load %arg18[%get3A_962, %get3A_963] {strides = array<i32>} : memref<128x128xf32, #tpu.memory_space<vmem>>, vector<16xf32>,
        %get3A_965 = arith.index_cast %add3A_949 : i32 to index
        %get3A_966 = arith.constant 16 : index
        %get3A_967 = tpu.vector_load %arg18[%get3A_965, %get3A_966] {strides = array<i32>} : memref<128x128xf32, #tpu.memory_space<vmem>>, vector<16xf32>,
        %get3A_968 = arith.index_cast %add3A_949 : i32 to index
        %get3A_969 = arith.constant 32 : index
        %get3A_970 = tpu.vector_load %arg18[%get3A_968, %get3A_969] {strides = array<i32>} : memref<128x128xf32, #tpu.memory_space<vmem>>, vector<16xf32>,
        %get3A_971 = arith.index_cast %add3A_949 : i32 to index
        %get3A_972 = arith.constant 48 : index
        %get3A_973 = tpu.vector_load %arg18[%get3A_971, %get3A_972] {strides = array<i32>} : memref<128x128xf32, #tpu.memory_space<vmem>>, vector<16xf32>,
        %get3A_974 = arith.index_cast %add3A_949 : i32 to index
        %get3A_975 = arith.constant 64 : index
        %get3A_976 = tpu.vector_load %arg18[%get3A_974, %get3A_975] {strides = array<i32>} : memref<128x128xf32, #tpu.memory_space<vmem>>, vector<16xf32>,
        %get3A_977 = arith.index_cast %add3A_949 : i32 to index
        %get3A_978 = arith.constant 80 : index
        %get3A_979 = tpu.vector_load %arg18[%get3A_977, %get3A_978] {strides = array<i32>} : memref<128x128xf32, #tpu.memory_space<vmem>>, vector<16xf32>,
        %get3A_980 = arith.index_cast %add3A_949 : i32 to index
        %get3A_981 = arith.constant 96 : index
        %get3A_982 = tpu.vector_load %arg18[%get3A_980, %get3A_981] {strides = array<i32>} : memref<128x128xf32, #tpu.memory_space<vmem>>, vector<16xf32>,
        %get3A_983 = arith.index_cast %add3A_949 : i32 to index
        %get3A_984 = arith.constant 112 : index
        %get3A_985 = tpu.vector_load %arg18[%get3A_983, %get3A_984] {strides = array<i32>} : memref<128x128xf32, #tpu.memory_space<vmem>>, vector<16xf32>,
        %get3A_986 = arith.index_cast %add3A_953 : i32 to index
        %get3A_987 = arith.constant 0 : index
        %get3A_988 = tpu.vector_load %arg18[%get3A_986, %get3A_987] {strides = array<i32>} : memref<128x128xf32, #tpu.memory_space<vmem>>, vector<16xf32>,
        %get3A_989 = arith.index_cast %add3A_953 : i32 to index
        %get3A_990 = arith.constant 16 : index
        %get3A_991 = tpu.vector_load %arg18[%get3A_989, %get3A_990] {strides = array<i32>} : memref<128x128xf32, #tpu.memory_space<vmem>>, vector<16xf32>,
        %get3A_992 = arith.index_cast %add3A_953 : i32 to index
        %get3A_993 = arith.constant 32 : index
        %get3A_994 = tpu.vector_load %arg18[%get3A_992, %get3A_993] {strides = array<i32>} : memref<128x128xf32, #tpu.memory_space<vmem>>, vector<16xf32>,
        %get3A_995 = arith.index_cast %add3A_953 : i32 to index
        %get3A_996 = arith.constant 48 : index
        %get3A_997 = tpu.vector_load %arg18[%get3A_995, %get3A_996] {strides = array<i32>} : memref<128x128xf32, #tpu.memory_space<vmem>>, vector<16xf32>,
        %get3A_998 = arith.index_cast %add3A_953 : i32 to index
        %get3A_999 = arith.constant 64 : index
        %get3A_1000 = tpu.vector_load %arg18[%get3A_998, %get3A_999] {strides = array<i32>} : memref<128x128xf32, #tpu.memory_space<vmem>>, vector<16xf32>,
        %get3A_1001 = arith.index_cast %add3A_953 : i32 to index
        %get3A_1002 = arith.constant 80 : index
        %get3A_1003 = tpu.vector_load %arg18[%get3A_1001, %get3A_1002] {strides = array<i32>} : memref<128x128xf32, #tpu.memory_space<vmem>>, vector<16xf32>,
        %get3A_1004 = arith.index_cast %add3A_953 : i32 to index
        %get3A_1005 = arith.constant 96 : index
        %get3A_1006 = tpu.vector_load %arg18[%get3A_1004, %get3A_1005] {strides = array<i32>} : memref<128x128xf32, #tpu.memory_space<vmem>>, vector<16xf32>,
        %get3A_1007 = arith.index_cast %add3A_953 : i32 to index
        %get3A_1008 = arith.constant 112 : index
        %get3A_1009 = tpu.vector_load %arg18[%get3A_1007, %get3A_1008] {strides = array<i32>} : memref<128x128xf32, #tpu.memory_space<vmem>>, vector<16xf32>,
        %get3A_1010 = arith.index_cast %add3A_957 : i32 to index
        %get3A_1011 = arith.constant 0 : index
        %get3A_1012 = tpu.vector_load %arg18[%get3A_1010, %get3A_1011] {strides = array<i32>} : memref<128x128xf32, #tpu.memory_space<vmem>>, vector<16xf32>,
        %get3A_1013 = arith.index_cast %add3A_957 : i32 to index
        %get3A_1014 = arith.constant 16 : index
        %get3A_1015 = tpu.vector_load %arg18[%get3A_1013, %get3A_1014] {strides = array<i32>} : memref<128x128xf32, #tpu.memory_space<vmem>>, vector<16xf32>,
        %get3A_1016 = arith.index_cast %add3A_957 : i32 to index
        %get3A_1017 = arith.constant 32 : index
        %get3A_1018 = tpu.vector_load %arg18[%get3A_1016, %get3A_1017] {strides = array<i32>} : memref<128x128xf32, #tpu.memory_space<vmem>>, vector<16xf32>,
        %get3A_1019 = arith.index_cast %add3A_957 : i32 to index
        %get3A_1020 = arith.constant 48 : index
        %get3A_1021 = tpu.vector_load %arg18[%get3A_1019, %get3A_1020] {strides = array<i32>} : memref<128x128xf32, #tpu.memory_space<vmem>>, vector<16xf32>,
        %get3A_1022 = arith.index_cast %add3A_957 : i32 to index
        %get3A_1023 = arith.constant 64 : index
        %get3A_1024 = tpu.vector_load %arg18[%get3A_1022, %get3A_1023] {strides = array<i32>} : memref<128x128xf32, #tpu.memory_space<vmem>>, vector<16xf32>,
        %get3A_1025 = arith.index_cast %add3A_957 : i32 to index
        %get3A_1026 = arith.constant 80 : index
        %get3A_1027 = tpu.vector_load %arg18[%get3A_1025, %get3A_1026] {strides = array<i32>} : memref<128x128xf32, #tpu.memory_space<vmem>>, vector<16xf32>,
        %get3A_1028 = arith.index_cast %add3A_957 : i32 to index
        %get3A_1029 = arith.constant 96 : index
        %get3A_1030 = tpu.vector_load %arg18[%get3A_1028, %get3A_1029] {strides = array<i32>} : memref<128x128xf32, #tpu.memory_space<vmem>>, vector<16xf32>,
        %get3A_1031 = arith.index_cast %add3A_957 : i32 to index
        %get3A_1032 = arith.constant 112 : index
        %get3A_1033 = tpu.vector_load %arg18[%get3A_1031, %get3A_1032] {strides = array<i32>} : memref<128x128xf32, #tpu.memory_space<vmem>>, vector<16xf32>,
        %get3A_1034 = arith.index_cast %add3A_961 : i32 to index
        %get3A_1035 = arith.constant 0 : index
        %get3A_1036 = tpu.vector_load %arg18[%get3A_1034, %get3A_1035] {strides = array<i32>} : memref<128x128xf32, #tpu.memory_space<vmem>>, vector<16xf32>,
        %get3A_1037 = arith.index_cast %add3A_961 : i32 to index
        %get3A_1038 = arith.constant 16 : index
        %get3A_1039 = tpu.vector_load %arg18[%get3A_1037, %get3A_1038] {strides = array<i32>} : memref<128x128xf32, #tpu.memory_space<vmem>>, vector<16xf32>,
        %get3A_1040 = arith.index_cast %add3A_961 : i32 to index
        %get3A_1041 = arith.constant 32 : index
        %get3A_1042 = tpu.vector_load %arg18[%get3A_1040, %get3A_1041] {strides = array<i32>} : memref<128x128xf32, #tpu.memory_space<vmem>>, vector<16xf32>,
        %get3A_1043 = arith.index_cast %add3A_961 : i32 to index
        %get3A_1044 = arith.constant 48 : index
        %get3A_1045 = tpu.vector_load %arg18[%get3A_1043, %get3A_1044] {strides = array<i32>} : memref<128x128xf32, #tpu.memory_space<vmem>>, vector<16xf32>,
        %get3A_1046 = arith.index_cast %add3A_961 : i32 to index
        %get3A_1047 = arith.constant 64 : index
        %get3A_1048 = tpu.vector_load %arg18[%get3A_1046, %get3A_1047] {strides = array<i32>} : memref<128x128xf32, #tpu.memory_space<vmem>>, vector<16xf32>,
        %get3A_1049 = arith.index_cast %add3A_961 : i32 to index
        %get3A_1050 = arith.constant 80 : index
        %get3A_1051 = tpu.vector_load %arg18[%get3A_1049, %get3A_1050] {strides = array<i32>} : memref<128x128xf32, #tpu.memory_space<vmem>>, vector<16xf32>,
        %get3A_1052 = arith.index_cast %add3A_961 : i32 to index
        %get3A_1053 = arith.constant 96 : index
        %get3A_1054 = tpu.vector_load %arg18[%get3A_1052, %get3A_1053] {strides = array<i32>} : memref<128x128xf32, #tpu.memory_space<vmem>>, vector<16xf32>,
        %get3A_1055 = arith.index_cast %add3A_961 : i32 to index
        %get3A_1056 = arith.constant 112 : index
        %get3A_1057 = tpu.vector_load %arg18[%get3A_1055, %get3A_1056] {strides = array<i32>} : memref<128x128xf32, #tpu.memory_space<vmem>>, vector<16xf32>,
        %mul3A_1058 = arith.mulf %get3A_964, %mul3A_105 : vector<16xf32>
        %mul3A_1059 = arith.mulf %get3A_967, %mul3A_110 : vector<16xf32>
        %mul3A_1060 = arith.mulf %get3A_970, %mul3A_115 : vector<16xf32>
        %mul3A_1061 = arith.mulf %get3A_973, %mul3A_120 : vector<16xf32>
        %mul3A_1062 = arith.mulf %get3A_976, %mul3A_125 : vector<16xf32>
        %add3A_1063 = arith.addf %mul3A_1058, %mul3A_1062 : vector<16xf32>
        %mul3A_1064 = arith.mulf %get3A_979, %mul3A_130 : vector<16xf32>
        %add3A_1065 = arith.addf %mul3A_1059, %mul3A_1064 : vector<16xf32>
        %mul3A_1066 = arith.mulf %get3A_982, %mul3A_135 : vector<16xf32>
        %add3A_1067 = arith.addf %mul3A_1060, %mul3A_1066 : vector<16xf32>
        %mul3A_1068 = arith.mulf %get3A_985, %mul3A_140 : vector<16xf32>
        %add3A_1069 = arith.addf %mul3A_1061, %mul3A_1068 : vector<16xf32>
        %add3A_1070 = arith.addf %add3A_1063, %add3A_1065 : vector<16xf32>
        %add3A_1071 = arith.addf %add3A_1067, %add3A_1069 : vector<16xf32>
        %add3A_1072 = arith.addf %add3A_1070, %add3A_1071 : vector<16xf32>
        %swap3A_1073 = arith.constant 192 : index
        %swap3A_1074 = tpu.vector_load %arg24[%swap3A_1073] {strides = array<i32>} : memref<256xf32, #tpu.memory_space<vmem>>, vector<16xf32>,
        tpu.vector_store %arg24[%swap3A_1073], %add3A_1072 {strides = array<i32>} : memref<256xf32, #tpu.memory_space<vmem>>, vector<16xf32>,
        %mul3A_1075 = arith.mulf %get3A_988, %mul3A_105 : vector<16xf32>
        %mul3A_1076 = arith.mulf %get3A_991, %mul3A_110 : vector<16xf32>
        %mul3A_1077 = arith.mulf %get3A_994, %mul3A_115 : vector<16xf32>
        %mul3A_1078 = arith.mulf %get3A_997, %mul3A_120 : vector<16xf32>
        %mul3A_1079 = arith.mulf %get3A_1000, %mul3A_125 : vector<16xf32>
        %add3A_1080 = arith.addf %mul3A_1075, %mul3A_1079 : vector<16xf32>
        %mul3A_1081 = arith.mulf %get3A_1003, %mul3A_130 : vector<16xf32>
        %add3A_1082 = arith.addf %mul3A_1076, %mul3A_1081 : vector<16xf32>
        %mul3A_1083 = arith.mulf %get3A_1006, %mul3A_135 : vector<16xf32>
        %add3A_1084 = arith.addf %mul3A_1077, %mul3A_1083 : vector<16xf32>
        %mul3A_1085 = arith.mulf %get3A_1009, %mul3A_140 : vector<16xf32>
        %add3A_1086 = arith.addf %mul3A_1078, %mul3A_1085 : vector<16xf32>
        %add3A_1087 = arith.addf %add3A_1080, %add3A_1082 : vector<16xf32>
        %add3A_1088 = arith.addf %add3A_1084, %add3A_1086 : vector<16xf32>
        %add3A_1089 = arith.addf %add3A_1087, %add3A_1088 : vector<16xf32>
        %swap3A_1090 = arith.constant 208 : index
        %swap3A_1091 = tpu.vector_load %arg24[%swap3A_1090] {strides = array<i32>} : memref<256xf32, #tpu.memory_space<vmem>>, vector<16xf32>,
        tpu.vector_store %arg24[%swap3A_1090], %add3A_1089 {strides = array<i32>} : memref<256xf32, #tpu.memory_space<vmem>>, vector<16xf32>,
        %mul3A_1092 = arith.mulf %get3A_1012, %mul3A_105 : vector<16xf32>
        %mul3A_1093 = arith.mulf %get3A_1015, %mul3A_110 : vector<16xf32>
        %mul3A_1094 = arith.mulf %get3A_1018, %mul3A_115 : vector<16xf32>
        %mul3A_1095 = arith.mulf %get3A_1021, %mul3A_120 : vector<16xf32>
        %mul3A_1096 = arith.mulf %get3A_1024, %mul3A_125 : vector<16xf32>
        %add3A_1097 = arith.addf %mul3A_1092, %mul3A_1096 : vector<16xf32>
        %mul3A_1098 = arith.mulf %get3A_1027, %mul3A_130 : vector<16xf32>
        %add3A_1099 = arith.addf %mul3A_1093, %mul3A_1098 : vector<16xf32>
        %mul3A_1100 = arith.mulf %get3A_1030, %mul3A_135 : vector<16xf32>
        %add3A_1101 = arith.addf %mul3A_1094, %mul3A_1100 : vector<16xf32>
        %mul3A_1102 = arith.mulf %get3A_1033, %mul3A_140 : vector<16xf32>
        %add3A_1103 = arith.addf %mul3A_1095, %mul3A_1102 : vector<16xf32>
        %add3A_1104 = arith.addf %add3A_1097, %add3A_1099 : vector<16xf32>
        %add3A_1105 = arith.addf %add3A_1101, %add3A_1103 : vector<16xf32>
        %add3A_1106 = arith.addf %add3A_1104, %add3A_1105 : vector<16xf32>
        %swap3A_1107 = arith.constant 224 : index
        %swap3A_1108 = tpu.vector_load %arg24[%swap3A_1107] {strides = array<i32>} : memref<256xf32, #tpu.memory_space<vmem>>, vector<16xf32>,
        tpu.vector_store %arg24[%swap3A_1107], %add3A_1106 {strides = array<i32>} : memref<256xf32, #tpu.memory_space<vmem>>, vector<16xf32>,
        %mul3A_1109 = arith.mulf %get3A_1036, %mul3A_105 : vector<16xf32>
        %mul3A_1110 = arith.mulf %get3A_1039, %mul3A_110 : vector<16xf32>
        %mul3A_1111 = arith.mulf %get3A_1042, %mul3A_115 : vector<16xf32>
        %mul3A_1112 = arith.mulf %get3A_1045, %mul3A_120 : vector<16xf32>
        %mul3A_1113 = arith.mulf %get3A_1048, %mul3A_125 : vector<16xf32>
        %add3A_1114 = arith.addf %mul3A_1109, %mul3A_1113 : vector<16xf32>
        %mul3A_1115 = arith.mulf %get3A_1051, %mul3A_130 : vector<16xf32>
        %add3A_1116 = arith.addf %mul3A_1110, %mul3A_1115 : vector<16xf32>
        %mul3A_1117 = arith.mulf %get3A_1054, %mul3A_135 : vector<16xf32>
        %add3A_1118 = arith.addf %mul3A_1111, %mul3A_1117 : vector<16xf32>
        %mul3A_1119 = arith.mulf %get3A_1057, %mul3A_140 : vector<16xf32>
        %add3A_1120 = arith.addf %mul3A_1112, %mul3A_1119 : vector<16xf32>
        %add3A_1121 = arith.addf %add3A_1114, %add3A_1116 : vector<16xf32>
        %add3A_1122 = arith.addf %add3A_1118, %add3A_1120 : vector<16xf32>
        %add3A_1123 = arith.addf %add3A_1121, %add3A_1122 : vector<16xf32>
        %swap3A_1124 = arith.constant 240 : index
        %swap3A_1125 = tpu.vector_load %arg24[%swap3A_1124] {strides = array<i32>} : memref<256xf32, #tpu.memory_space<vmem>>, vector<16xf32>,
        tpu.vector_store %arg24[%swap3A_1124], %add3A_1123 {strides = array<i32>} : memref<256xf32, #tpu.memory_space<vmem>>, vector<16xf32>,
        %gather3A = tpu.vector_load_idx %arg24[%mul3A_3] : memref<256xf32, #tpu.memory_space<vmem>>[vector<16xi32>], vector<16xf32>,
        %add3A_1126 = arith.addi %mul3A_3, %broadcast_in_dim3A_219 : vector<16xi32>
        %gather3A_1127 = tpu.vector_load_idx %arg24[%add3A_1126] : memref<256xf32, #tpu.memory_space<vmem>>[vector<16xi32>], vector<16xf32>,
        %add3A_1128 = arith.addf %gather3A, %gather3A_1127 : vector<16xf32>
        %add3A_1129 = arith.addi %add3A_1126, %broadcast_in_dim3A_219 : vector<16xi32>
        %gather3A_1130 = tpu.vector_load_idx %arg24[%add3A_1129] : memref<256xf32, #tpu.memory_space<vmem>>[vector<16xi32>], vector<16xf32>,
        %add3A_1131 = arith.addf %add3A_1128, %gather3A_1130 : vector<16xf32>
        %add3A_1132 = arith.addi %add3A_1129, %broadcast_in_dim3A_219 : vector<16xi32>
        %gather3A_1133 = tpu.vector_load_idx %arg24[%add3A_1132] : memref<256xf32, #tpu.memory_space<vmem>>[vector<16xi32>], vector<16xf32>,
        %add3A_1134 = arith.addf %add3A_1131, %gather3A_1133 : vector<16xf32>
        %add3A_1135 = arith.addi %add3A_1132, %broadcast_in_dim3A_219 : vector<16xi32>
        %gather3A_1136 = tpu.vector_load_idx %arg24[%add3A_1135] : memref<256xf32, #tpu.memory_space<vmem>>[vector<16xi32>], vector<16xf32>,
        %add3A_1137 = arith.addf %add3A_1134, %gather3A_1136 : vector<16xf32>
        %add3A_1138 = arith.addi %add3A_1135, %broadcast_in_dim3A_219 : vector<16xi32>
        %gather3A_1139 = tpu.vector_load_idx %arg24[%add3A_1138] : memref<256xf32, #tpu.memory_space<vmem>>[vector<16xi32>], vector<16xf32>,
        %add3A_1140 = arith.addf %add3A_1137, %gather3A_1139 : vector<16xf32>
        %add3A_1141 = arith.addi %add3A_1138, %broadcast_in_dim3A_219 : vector<16xi32>
        %gather3A_1142 = tpu.vector_load_idx %arg24[%add3A_1141] : memref<256xf32, #tpu.memory_space<vmem>>[vector<16xi32>], vector<16xf32>,
        %add3A_1143 = arith.addf %add3A_1140, %gather3A_1142 : vector<16xf32>
        %add3A_1144 = arith.addi %add3A_1141, %broadcast_in_dim3A_219 : vector<16xi32>
        %gather3A_1145 = tpu.vector_load_idx %arg24[%add3A_1144] : memref<256xf32, #tpu.memory_space<vmem>>[vector<16xi32>], vector<16xf32>,
        %add3A_1146 = arith.addf %add3A_1143, %gather3A_1145 : vector<16xf32>
        %add3A_1147 = arith.addi %add3A_1144, %broadcast_in_dim3A_219 : vector<16xi32>
        %gather3A_1148 = tpu.vector_load_idx %arg24[%add3A_1147] : memref<256xf32, #tpu.memory_space<vmem>>[vector<16xi32>], vector<16xf32>,
        %add3A_1149 = arith.addf %add3A_1146, %gather3A_1148 : vector<16xf32>
        %add3A_1150 = arith.addi %add3A_1147, %broadcast_in_dim3A_219 : vector<16xi32>
        %gather3A_1151 = tpu.vector_load_idx %arg24[%add3A_1150] : memref<256xf32, #tpu.memory_space<vmem>>[vector<16xi32>], vector<16xf32>,
        %add3A_1152 = arith.addf %add3A_1149, %gather3A_1151 : vector<16xf32>
        %add3A_1153 = arith.addi %add3A_1150, %broadcast_in_dim3A_219 : vector<16xi32>
        %gather3A_1154 = tpu.vector_load_idx %arg24[%add3A_1153] : memref<256xf32, #tpu.memory_space<vmem>>[vector<16xi32>], vector<16xf32>,
        %add3A_1155 = arith.addf %add3A_1152, %gather3A_1154 : vector<16xf32>
        %add3A_1156 = arith.addi %add3A_1153, %broadcast_in_dim3A_219 : vector<16xi32>
        %gather3A_1157 = tpu.vector_load_idx %arg24[%add3A_1156] : memref<256xf32, #tpu.memory_space<vmem>>[vector<16xi32>], vector<16xf32>,
        %add3A_1158 = arith.addf %add3A_1155, %gather3A_1157 : vector<16xf32>
        %add3A_1159 = arith.addi %add3A_1156, %broadcast_in_dim3A_219 : vector<16xi32>
        %gather3A_1160 = tpu.vector_load_idx %arg24[%add3A_1159] : memref<256xf32, #tpu.memory_space<vmem>>[vector<16xi32>], vector<16xf32>,
        %add3A_1161 = arith.addf %add3A_1158, %gather3A_1160 : vector<16xf32>
        %add3A_1162 = arith.addi %add3A_1159, %broadcast_in_dim3A_219 : vector<16xi32>
        %gather3A_1163 = tpu.vector_load_idx %arg24[%add3A_1162] : memref<256xf32, #tpu.memory_space<vmem>>[vector<16xi32>], vector<16xf32>,
        %add3A_1164 = arith.addf %add3A_1161, %gather3A_1163 : vector<16xf32>
        %add3A_1165 = arith.addi %add3A_1162, %broadcast_in_dim3A_219 : vector<16xi32>
        %gather3A_1166 = tpu.vector_load_idx %arg24[%add3A_1165] : memref<256xf32, #tpu.memory_space<vmem>>[vector<16xi32>], vector<16xf32>,
        %add3A_1167 = arith.addf %add3A_1164, %gather3A_1166 : vector<16xf32>
        %add3A_1168 = arith.addi %add3A_1165, %broadcast_in_dim3A_219 : vector<16xi32>
        %gather3A_1169 = tpu.vector_load_idx %arg24[%add3A_1168] : memref<256xf32, #tpu.memory_space<vmem>>[vector<16xi32>], vector<16xf32>,
        %add3A_1170 = arith.addf %add3A_1167, %gather3A_1169 : vector<16xf32>
        %add3A_1171 = arith.constant 0 : i32
        %add3A_1172 = arith.addi %add3A_1171, %mul3A_406 : i32
        %swap3A_1173 = arith.index_cast %add3A_1172 : i32 to index
        %swap3A_1174 = tpu.vector_load %arg20[%swap3A_1173] {strides = array<i32>} : memref<128xf32, #tpu.memory_space<vmem>>, vector<16xf32>,
        tpu.vector_store %arg20[%swap3A_1173], %add3A_1170 {strides = array<i32>} : memref<128xf32, #tpu.memory_space<vmem>>, vector<16xf32>,
      }
      %scan3A_225 = arith.constant 8 : i32
      %mul3A_226 = arith.constant 32 : i32
      %mul3A_227 = arith.muli %add3A, %mul3A_226 : i32
      %add3A_228 = arith.addi %mul3A_227, %shift_right_logical3A_99 : i32
      %mul3A_229 = arith.constant 128 : i32
      %mul3A_230 = arith.muli %and3A_101, %mul3A_229 : i32
      %dma_start3A_231 = tpu.memref_slice %arg8[%add3A_228, %mul3A_230] : memref<1024x1024xf32, #tpu.memory_space<hbm>> -> memref<1x128xf32, #tpu.memory_space<hbm>>
      %dma_start3A_232 = tpu.memref_squeeze %dma_start3A_231 : memref<1x128xf32, #tpu.memory_space<hbm>> -> memref<128xf32, #tpu.memory_space<hbm>>
      %dma_start3A_233 = tpu.memref_slice %arg8[%add3A_228, %mul3A_230] : memref<1024x1024xf32, #tpu.memory_space<hbm>> -> memref<1x128xf32, #tpu.memory_space<hbm>>
      %dma_start3A_234 = tpu.memref_squeeze %dma_start3A_233 : memref<1x128xf32, #tpu.memory_space<hbm>> -> memref<128xf32, #tpu.memory_space<hbm>>
      tpu.enqueue_dma source(%arg20 : memref<128xf32, #tpu.memory_space<vmem>>) target(%dma_start3A_234 : memref<128xf32, #tpu.memory_space<hbm>>) target_semaphore(%arg29 : memref<!tpu.dma_semaphore, #tpu.memory_space<semaphore_mem>>)
      %mul3A_235 = arith.constant 128 : i32
      %mul3A_236 = arith.muli %and3A_101, %mul3A_235 : i32
      %dma_start3A_237 = tpu.memref_slice %arg9[%add3A_228, %mul3A_236] : memref<1024x1024xf32, #tpu.memory_space<hbm>> -> memref<1x128xf32, #tpu.memory_space<hbm>>
      %dma_start3A_238 = tpu.memref_squeeze %dma_start3A_237 : memref<1x128xf32, #tpu.memory_space<hbm>> -> memref<128xf32, #tpu.memory_space<hbm>>
      %dma_start3A_239 = tpu.memref_slice %arg9[%add3A_228, %mul3A_236] : memref<1024x1024xf32, #tpu.memory_space<hbm>> -> memref<1x128xf32, #tpu.memory_space<hbm>>
      %dma_start3A_240 = tpu.memref_squeeze %dma_start3A_239 : memref<1x128xf32, #tpu.memory_space<hbm>> -> memref<128xf32, #tpu.memory_space<hbm>>
      tpu.enqueue_dma source(%arg22 : memref<128xf32, #tpu.memory_space<vmem>>) target(%dma_start3A_240 : memref<128xf32, #tpu.memory_space<hbm>>) target_semaphore(%arg31 : memref<!tpu.dma_semaphore, #tpu.memory_space<semaphore_mem>>)
      %mul3A_241 = arith.constant 2 : i32
      %mul3A_242 = arith.muli %mul3A_241, %scan3A_84 : i32
      %add3A_243 = arith.constant 1 : i32
      %add3A_244 = arith.addi %mul3A_242, %add3A_243 : i32
      %add3A_245 = arith.constant 2 : i32
      %add3A_246 = arith.addi %add3A_244, %add3A_245 : i32
      %sub3A_247 = arith.constant 1 : i32
      %sub3A_248 = arith.subi %add3A_246, %sub3A_247 : i32
      %lt3A_249 = arith.constant 256 : i32
      %lt3A_250 = arith.cmpi slt, %sub3A_248, %lt3A_249 : i32
      %convert_element_type3A_251 = arith.extui %lt3A_250 : i1 to i32
      %cond3A_252 = arith.constant 0 : i32
      %cond3A_253 = arith.cmpi ne, %convert_element_type3A_251, %cond3A_252 : i32
      scf.if %cond3A_253 {
        %add3A_404 = arith.constant 2 : i32
        %add3A_405 = arith.addi %add3A_244, %add3A_404 : i32
        %sub3A_406 = arith.constant 1 : i32
        %sub3A_407 = arith.subi %add3A_405, %sub3A_406 : i32
        %shift_right_logical3A_408 = arith.constant 3 : i32
        %shift_right_logical3A_409 = arith.shrui %sub3A_407, %shift_right_logical3A_408 : i32
        %and3A_410 = arith.constant 7 : i32
        %and3A_411 = arith.andi %sub3A_407, %and3A_410 : i32
        %shift_right_logical3A_412 = arith.constant 0 : i32
        %shift_right_logical3A_413 = arith.shrui %and3A_411, %shift_right_logical3A_412 : i32
        %and3A_414 = arith.constant 0 : i32
        %and3A_415 = arith.andi %and3A_411, %and3A_414 : i32
        %mul3A_416 = arith.constant 128 : i32
        %mul3A_417 = arith.muli %and3A_415, %mul3A_416 : i32
        %dma_start3A_418 = tpu.memref_slice %arg12[%shift_right_logical3A_409, %shift_right_logical3A_413, %mul3A_417] : memref<32x8x128xi32, #tpu.memory_space<vmem>> -> memref<1x1x128xi32, #tpu.memory_space<vmem>>
        %dma_start3A_419 = tpu.memref_squeeze %dma_start3A_418 : memref<1x1x128xi32, #tpu.memory_space<vmem>> -> memref<128xi32, #tpu.memory_space<vmem>>
        %dma_start3A_420 = arith.constant 0 : i32
        %dma_start3A_421 = arith.constant 0 : i32
        %dma_start3A_422 = tpu.memref_slice %arg6[%dma_start3A_420, %dma_start3A_421] : memref<100000x128xf32, #tpu.memory_space<hbm>> -> memref<100000x128xf32, #tpu.memory_space<hbm>>
        tpu.enqueue_indirect_dma source(%dma_start3A_422 : memref<100000x128xf32, #tpu.memory_space<hbm>>) target(%arg16 : memref<128x128xf32, #tpu.memory_space<vmem>>) offsets(%dma_start3A_419 : memref<128xi32, #tpu.memory_space<vmem>>) semaphore(%arg25 : memref<!tpu.dma_semaphore, #tpu.memory_space<semaphore_mem>>)
        %dma_start3A_423 = tpu.memref_slice %arg12[%shift_right_logical3A_409, %shift_right_logical3A_413, %mul3A_417] : memref<32x8x128xi32, #tpu.memory_space<vmem>> -> memref<1x1x128xi32, #tpu.memory_space<vmem>>
        %dma_start3A_424 = tpu.memref_squeeze %dma_start3A_423 : memref<1x1x128xi32, #tpu.memory_space<vmem>> -> memref<128xi32, #tpu.memory_space<vmem>>
        %dma_start3A_425 = arith.constant 0 : i32
        %dma_start3A_426 = arith.constant 0 : i32
        %dma_start3A_427 = tpu.memref_slice %arg7[%dma_start3A_425, %dma_start3A_426] : memref<100000x128xf32, #tpu.memory_space<hbm>> -> memref<100000x128xf32, #tpu.memory_space<hbm>>
        tpu.enqueue_indirect_dma source(%dma_start3A_427 : memref<100000x128xf32, #tpu.memory_space<hbm>>) target(%arg18 : memref<128x128xf32, #tpu.memory_space<vmem>>) offsets(%dma_start3A_424 : memref<128xi32, #tpu.memory_space<vmem>>) semaphore(%arg27 : memref<!tpu.dma_semaphore, #tpu.memory_space<semaphore_mem>>)
      } else {
      }
      %ge3A_254 = arith.constant 2 : i32
      %ge3A_255 = arith.cmpi sge, %add3A_244, %ge3A_254 : i32
      %convert_element_type3A_256 = arith.extui %ge3A_255 : i1 to i32
      %cond3A_257 = arith.constant 0 : i32
      %cond3A_258 = arith.cmpi ne, %convert_element_type3A_256, %cond3A_257 : i32
      scf.if %cond3A_258 {
        %dma_wait3A_404 = arith.constant 0 : i32
        %dma_wait3A_405 = arith.constant 0 : i32
        %dma_wait3A_406 = tpu.memref_slice %arg8[%dma_wait3A_404, %dma_wait3A_405] : memref<1024x1024xf32, #tpu.memory_space<hbm>> -> memref<1x128xf32, #tpu.memory_space<hbm>>
        %dma_wait3A_407 = tpu.memref_squeeze %dma_wait3A_406 : memref<1x128xf32, #tpu.memory_space<hbm>> -> memref<128xf32, #tpu.memory_space<hbm>>
        %dma_wait3A_408 = arith.constant 0 : i32
        %dma_wait3A_409 = tpu.memref_slice %arg8[%dma_wait3A_404, %dma_wait3A_408] : memref<1024x1024xf32, #tpu.memory_space<hbm>> -> memref<1x128xf32, #tpu.memory_space<hbm>>
        %dma_wait3A_410 = tpu.memref_squeeze %dma_wait3A_409 : memref<1x128xf32, #tpu.memory_space<hbm>> -> memref<128xf32, #tpu.memory_space<hbm>>
        tpu.wait_dma2 semaphore(%arg30 : memref<!tpu.dma_semaphore, #tpu.memory_space<semaphore_mem>>) src(%arg21 : memref<128xf32, #tpu.memory_space<vmem>>) dst(%dma_wait3A_410 : memref<128xf32, #tpu.memory_space<hbm>>)
        %dma_wait3A_411 = arith.constant 0 : i32
        %dma_wait3A_412 = arith.constant 0 : i32
        %dma_wait3A_413 = tpu.memref_slice %arg9[%dma_wait3A_411, %dma_wait3A_412] : memref<1024x1024xf32, #tpu.memory_space<hbm>> -> memref<1x128xf32, #tpu.memory_space<hbm>>
        %dma_wait3A_414 = tpu.memref_squeeze %dma_wait3A_413 : memref<1x128xf32, #tpu.memory_space<hbm>> -> memref<128xf32, #tpu.memory_space<hbm>>
        %dma_wait3A_415 = arith.constant 0 : i32
        %dma_wait3A_416 = tpu.memref_slice %arg9[%dma_wait3A_411, %dma_wait3A_415] : memref<1024x1024xf32, #tpu.memory_space<hbm>> -> memref<1x128xf32, #tpu.memory_space<hbm>>
        %dma_wait3A_417 = tpu.memref_squeeze %dma_wait3A_416 : memref<1x128xf32, #tpu.memory_space<hbm>> -> memref<128xf32, #tpu.memory_space<hbm>>
        tpu.wait_dma2 semaphore(%arg32 : memref<!tpu.dma_semaphore, #tpu.memory_space<semaphore_mem>>) src(%arg23 : memref<128xf32, #tpu.memory_space<vmem>>) dst(%dma_wait3A_417 : memref<128xf32, #tpu.memory_space<hbm>>)
      } else {
      }
      %shift_right_logical3A_259 = arith.constant 3 : i32
      %shift_right_logical3A_260 = arith.shrui %add3A_244, %shift_right_logical3A_259 : i32
      %and3A_261 = arith.constant 7 : i32
      %and3A_262 = arith.andi %add3A_244, %and3A_261 : i32
      %get3A_263 = arith.index_cast %shift_right_logical3A_260 : i32 to index
      %get3A_264 = arith.constant 0 : index
      %get3A_265 = tpu.vector_load %arg13[%get3A_263, %get3A_264] {strides = array<i32>} : memref<32x128xf32, #tpu.memory_space<vmem>>, vector<16xf32>,
      %mul3A_266 = vector.broadcast %scan3A_50 : f32 to vector<16xf32>
      %mul3A_267 = arith.mulf %get3A_265, %mul3A_266 : vector<16xf32>
      %get3A_268 = arith.index_cast %shift_right_logical3A_260 : i32 to index
      %get3A_269 = arith.constant 16 : index
      %get3A_270 = tpu.vector_load %arg13[%get3A_268, %get3A_269] {strides = array<i32>} : memref<32x128xf32, #tpu.memory_space<vmem>>, vector<16xf32>,
      %mul3A_271 = vector.broadcast %scan3A_50 : f32 to vector<16xf32>
      %mul3A_272 = arith.mulf %get3A_270, %mul3A_271 : vector<16xf32>
      %get3A_273 = arith.index_cast %shift_right_logical3A_260 : i32 to index
      %get3A_274 = arith.constant 32 : index
      %get3A_275 = tpu.vector_load %arg13[%get3A_273, %get3A_274] {strides = array<i32>} : memref<32x128xf32, #tpu.memory_space<vmem>>, vector<16xf32>,
      %mul3A_276 = vector.broadcast %scan3A_50 : f32 to vector<16xf32>
      %mul3A_277 = arith.mulf %get3A_275, %mul3A_276 : vector<16xf32>
      %get3A_278 = arith.index_cast %shift_right_logical3A_260 : i32 to index
      %get3A_279 = arith.constant 48 : index
      %get3A_280 = tpu.vector_load %arg13[%get3A_278, %get3A_279] {strides = array<i32>} : memref<32x128xf32, #tpu.memory_space<vmem>>, vector<16xf32>,
      %mul3A_281 = vector.broadcast %scan3A_50 : f32 to vector<16xf32>
      %mul3A_282 = arith.mulf %get3A_280, %mul3A_281 : vector<16xf32>
      %get3A_283 = arith.index_cast %shift_right_logical3A_260 : i32 to index
      %get3A_284 = arith.constant 64 : index
      %get3A_285 = tpu.vector_load %arg13[%get3A_283, %get3A_284] {strides = array<i32>} : memref<32x128xf32, #tpu.memory_space<vmem>>, vector<16xf32>,
      %mul3A_286 = vector.broadcast %scan3A_50 : f32 to vector<16xf32>
      %mul3A_287 = arith.mulf %get3A_285, %mul3A_286 : vector<16xf32>
      %get3A_288 = arith.index_cast %shift_right_logical3A_260 : i32 to index
      %get3A_289 = arith.constant 80 : index
      %get3A_290 = tpu.vector_load %arg13[%get3A_288, %get3A_289] {strides = array<i32>} : memref<32x128xf32, #tpu.memory_space<vmem>>, vector<16xf32>,
      %mul3A_291 = vector.broadcast %scan3A_50 : f32 to vector<16xf32>
      %mul3A_292 = arith.mulf %get3A_290, %mul3A_291 : vector<16xf32>
      %get3A_293 = arith.index_cast %shift_right_logical3A_260 : i32 to index
      %get3A_294 = arith.constant 96 : index
      %get3A_295 = tpu.vector_load %arg13[%get3A_293, %get3A_294] {strides = array<i32>} : memref<32x128xf32, #tpu.memory_space<vmem>>, vector<16xf32>,
      %mul3A_296 = vector.broadcast %scan3A_50 : f32 to vector<16xf32>
      %mul3A_297 = arith.mulf %get3A_295, %mul3A_296 : vector<16xf32>
      %get3A_298 = arith.index_cast %shift_right_logical3A_260 : i32 to index
      %get3A_299 = arith.constant 112 : index
      %get3A_300 = tpu.vector_load %arg13[%get3A_298, %get3A_299] {strides = array<i32>} : memref<32x128xf32, #tpu.memory_space<vmem>>, vector<16xf32>,
      %mul3A_301 = vector.broadcast %scan3A_50 : f32 to vector<16xf32>
      %mul3A_302 = arith.mulf %get3A_300, %mul3A_301 : vector<16xf32>
      %get3A_303 = arith.index_cast %shift_right_logical3A_260 : i32 to index
      %get3A_304 = arith.constant 0 : index
      %get3A_305 = tpu.vector_load %arg14[%get3A_303, %get3A_304] {strides = array<i32>} : memref<32x128xf32, #tpu.memory_space<vmem>>, vector<16xf32>,
      %mul3A_306 = vector.broadcast %scan3A_50 : f32 to vector<16xf32>
      %mul3A_307 = arith.mulf %get3A_305, %mul3A_306 : vector<16xf32>
      %get3A_308 = arith.index_cast %shift_right_logical3A_260 : i32 to index
      %get3A_309 = arith.constant 16 : index
      %get3A_310 = tpu.vector_load %arg14[%get3A_308, %get3A_309] {strides = array<i32>} : memref<32x128xf32, #tpu.memory_space<vmem>>, vector<16xf32>,
      %mul3A_311 = vector.broadcast %scan3A_50 : f32 to vector<16xf32>
      %mul3A_312 = arith.mulf %get3A_310, %mul3A_311 : vector<16xf32>
      %get3A_313 = arith.index_cast %shift_right_logical3A_260 : i32 to index
      %get3A_314 = arith.constant 32 : index
      %get3A_315 = tpu.vector_load %arg14[%get3A_313, %get3A_314] {strides = array<i32>} : memref<32x128xf32, #tpu.memory_space<vmem>>, vector<16xf32>,
      %mul3A_316 = vector.broadcast %scan3A_50 : f32 to vector<16xf32>
      %mul3A_317 = arith.mulf %get3A_315, %mul3A_316 : vector<16xf32>
      %get3A_318 = arith.index_cast %shift_right_logical3A_260 : i32 to index
      %get3A_319 = arith.constant 48 : index
      %get3A_320 = tpu.vector_load %arg14[%get3A_318, %get3A_319] {strides = array<i32>} : memref<32x128xf32, #tpu.memory_space<vmem>>, vector<16xf32>,
      %mul3A_321 = vector.broadcast %scan3A_50 : f32 to vector<16xf32>
      %mul3A_322 = arith.mulf %get3A_320, %mul3A_321 : vector<16xf32>
      %get3A_323 = arith.index_cast %shift_right_logical3A_260 : i32 to index
      %get3A_324 = arith.constant 64 : index
      %get3A_325 = tpu.vector_load %arg14[%get3A_323, %get3A_324] {strides = array<i32>} : memref<32x128xf32, #tpu.memory_space<vmem>>, vector<16xf32>,
      %mul3A_326 = vector.broadcast %scan3A_50 : f32 to vector<16xf32>
      %mul3A_327 = arith.mulf %get3A_325, %mul3A_326 : vector<16xf32>
      %get3A_328 = arith.index_cast %shift_right_logical3A_260 : i32 to index
      %get3A_329 = arith.constant 80 : index
      %get3A_330 = tpu.vector_load %arg14[%get3A_328, %get3A_329] {strides = array<i32>} : memref<32x128xf32, #tpu.memory_space<vmem>>, vector<16xf32>,
      %mul3A_331 = vector.broadcast %scan3A_50 : f32 to vector<16xf32>
      %mul3A_332 = arith.mulf %get3A_330, %mul3A_331 : vector<16xf32>
      %get3A_333 = arith.index_cast %shift_right_logical3A_260 : i32 to index
      %get3A_334 = arith.constant 96 : index
      %get3A_335 = tpu.vector_load %arg14[%get3A_333, %get3A_334] {strides = array<i32>} : memref<32x128xf32, #tpu.memory_space<vmem>>, vector<16xf32>,
      %mul3A_336 = vector.broadcast %scan3A_50 : f32 to vector<16xf32>
      %mul3A_337 = arith.mulf %get3A_335, %mul3A_336 : vector<16xf32>
      %get3A_338 = arith.index_cast %shift_right_logical3A_260 : i32 to index
      %get3A_339 = arith.constant 112 : index
      %get3A_340 = tpu.vector_load %arg14[%get3A_338, %get3A_339] {strides = array<i32>} : memref<32x128xf32, #tpu.memory_space<vmem>>, vector<16xf32>,
      %mul3A_341 = vector.broadcast %scan3A_50 : f32 to vector<16xf32>
      %mul3A_342 = arith.mulf %get3A_340, %mul3A_341 : vector<16xf32>
      %shift_right_logical3A_343 = arith.constant 3 : i32
      %shift_right_logical3A_344 = arith.shrui %add3A_244, %shift_right_logical3A_343 : i32
      %and3A_345 = arith.constant 7 : i32
      %and3A_346 = arith.andi %add3A_244, %and3A_345 : i32
      %shift_right_logical3A_347 = arith.constant 0 : i32
      %shift_right_logical3A_348 = arith.shrui %and3A_346, %shift_right_logical3A_347 : i32
      %and3A_349 = arith.constant 0 : i32
      %and3A_350 = arith.andi %and3A_346, %and3A_349 : i32
      %mul3A_351 = arith.constant 128 : i32
      %mul3A_352 = arith.muli %and3A_350, %mul3A_351 : i32
      %dma_wait3A_353 = tpu.memref_slice %arg12[%shift_right_logical3A_344, %shift_right_logical3A_348, %mul3A_352] : memref<32x8x128xi32, #tpu.memory_space<vmem>> -> memref<1x1x128xi32, #tpu.memory_space<vmem>>
      %dma_wait3A_354 = tpu.memref_squeeze %dma_wait3A_353 : memref<1x1x128xi32, #tpu.memory_space<vmem>> -> memref<128xi32, #tpu.memory_space<vmem>>
      %dma_wait3A_355 = arith.constant 0 : i32
      %dma_wait3A_356 = arith.constant 0 : i32
      %dma_wait3A_357 = tpu.memref_slice %arg6[%dma_wait3A_355, %dma_wait3A_356] : memref<100000x128xf32, #tpu.memory_space<hbm>> -> memref<100000x128xf32, #tpu.memory_space<hbm>>
      tpu.wait_indirect_dma semaphore(%arg26 : memref<!tpu.dma_semaphore, #tpu.memory_space<semaphore_mem>>) src(%dma_wait3A_357 : memref<100000x128xf32, #tpu.memory_space<hbm>>) dst(%arg17 : memref<128x128xf32, #tpu.memory_space<vmem>>)
      %broadcast_in_dim3A_358 = arith.constant 1 : i32
      %broadcast_in_dim3A_359 = vector.broadcast %broadcast_in_dim3A_358 : i32 to vector<16xi32>
      %scan3A_360 = arith.constant 0 : i32
      %scan3A_361 = arith.constant 0 : i32
      %scan3A_362 = arith.constant 8 : i32
      %scan3A_363 = arith.addi %scan3A_361, %scan3A_362 : i32
      %scan3A_364 = arith.constant 1 : i32
      scf.for %scan3A_404 = %scan3A_361 to %scan3A_363 step %scan3A_364  : i32 {
        %mul3A_405 = arith.constant 16 : i32
        %mul3A_406 = arith.muli %scan3A_404, %mul3A_405 : i32
        %add3A_407 = arith.constant 0 : i32
        %add3A_408 = arith.addi %mul3A_406, %add3A_407 : i32
        %add3A_409 = arith.constant 0 : i32
        %add3A_410 = arith.addi %add3A_408, %add3A_409 : i32
        %add3A_411 = arith.constant 0 : i32
        %add3A_412 = arith.addi %mul3A_406, %add3A_411 : i32
        %add3A_413 = arith.constant 1 : i32
        %add3A_414 = arith.addi %add3A_412, %add3A_413 : i32
        %add3A_415 = arith.constant 0 : i32
        %add3A_416 = arith.addi %mul3A_406, %add3A_415 : i32
        %add3A_417 = arith.constant 2 : i32
        %add3A_418 = arith.addi %add3A_416, %add3A_417 : i32
        %add3A_419 = arith.constant 0 : i32
        %add3A_420 = arith.addi %mul3A_406, %add3A_419 : i32
        %add3A_421 = arith.constant 3 : i32
        %add3A_422 = arith.addi %add3A_420, %add3A_421 : i32
        %get3A_423 = arith.index_cast %add3A_410 : i32 to index
        %get3A_424 = arith.constant 0 : index
        %get3A_425 = tpu.vector_load %arg17[%get3A_423, %get3A_424] {strides = array<i32>} : memref<128x128xf32, #tpu.memory_space<vmem>>, vector<16xf32>,
        %get3A_426 = arith.index_cast %add3A_410 : i32 to index
        %get3A_427 = arith.constant 16 : index
        %get3A_428 = tpu.vector_load %arg17[%get3A_426, %get3A_427] {strides = array<i32>} : memref<128x128xf32, #tpu.memory_space<vmem>>, vector<16xf32>,
        %get3A_429 = arith.index_cast %add3A_410 : i32 to index
        %get3A_430 = arith.constant 32 : index
        %get3A_431 = tpu.vector_load %arg17[%get3A_429, %get3A_430] {strides = array<i32>} : memref<128x128xf32, #tpu.memory_space<vmem>>, vector<16xf32>,
        %get3A_432 = arith.index_cast %add3A_410 : i32 to index
        %get3A_433 = arith.constant 48 : index
        %get3A_434 = tpu.vector_load %arg17[%get3A_432, %get3A_433] {strides = array<i32>} : memref<128x128xf32, #tpu.memory_space<vmem>>, vector<16xf32>,
        %get3A_435 = arith.index_cast %add3A_410 : i32 to index
        %get3A_436 = arith.constant 64 : index
        %get3A_437 = tpu.vector_load %arg17[%get3A_435, %get3A_436] {strides = array<i32>} : memref<128x128xf32, #tpu.memory_space<vmem>>, vector<16xf32>,
        %get3A_438 = arith.index_cast %add3A_410 : i32 to index
        %get3A_439 = arith.constant 80 : index
        %get3A_440 = tpu.vector_load %arg17[%get3A_438, %get3A_439] {strides = array<i32>} : memref<128x128xf32, #tpu.memory_space<vmem>>, vector<16xf32>,
        %get3A_441 = arith.index_cast %add3A_410 : i32 to index
        %get3A_442 = arith.constant 96 : index
        %get3A_443 = tpu.vector_load %arg17[%get3A_441, %get3A_442] {strides = array<i32>} : memref<128x128xf32, #tpu.memory_space<vmem>>, vector<16xf32>,
        %get3A_444 = arith.index_cast %add3A_410 : i32 to index
        %get3A_445 = arith.constant 112 : index
        %get3A_446 = tpu.vector_load %arg17[%get3A_444, %get3A_445] {strides = array<i32>} : memref<128x128xf32, #tpu.memory_space<vmem>>, vector<16xf32>,
        %get3A_447 = arith.index_cast %add3A_414 : i32 to index
        %get3A_448 = arith.constant 0 : index
        %get3A_449 = tpu.vector_load %arg17[%get3A_447, %get3A_448] {strides = array<i32>} : memref<128x128xf32, #tpu.memory_space<vmem>>, vector<16xf32>,
        %get3A_450 = arith.index_cast %add3A_414 : i32 to index
        %get3A_451 = arith.constant 16 : index
        %get3A_452 = tpu.vector_load %arg17[%get3A_450, %get3A_451] {strides = array<i32>} : memref<128x128xf32, #tpu.memory_space<vmem>>, vector<16xf32>,
        %get3A_453 = arith.index_cast %add3A_414 : i32 to index
        %get3A_454 = arith.constant 32 : index
        %get3A_455 = tpu.vector_load %arg17[%get3A_453, %get3A_454] {strides = array<i32>} : memref<128x128xf32, #tpu.memory_space<vmem>>, vector<16xf32>,
        %get3A_456 = arith.index_cast %add3A_414 : i32 to index
        %get3A_457 = arith.constant 48 : index
        %get3A_458 = tpu.vector_load %arg17[%get3A_456, %get3A_457] {strides = array<i32>} : memref<128x128xf32, #tpu.memory_space<vmem>>, vector<16xf32>,
        %get3A_459 = arith.index_cast %add3A_414 : i32 to index
        %get3A_460 = arith.constant 64 : index
        %get3A_461 = tpu.vector_load %arg17[%get3A_459, %get3A_460] {strides = array<i32>} : memref<128x128xf32, #tpu.memory_space<vmem>>, vector<16xf32>,
        %get3A_462 = arith.index_cast %add3A_414 : i32 to index
        %get3A_463 = arith.constant 80 : index
        %get3A_464 = tpu.vector_load %arg17[%get3A_462, %get3A_463] {strides = array<i32>} : memref<128x128xf32, #tpu.memory_space<vmem>>, vector<16xf32>,
        %get3A_465 = arith.index_cast %add3A_414 : i32 to index
        %get3A_466 = arith.constant 96 : index
        %get3A_467 = tpu.vector_load %arg17[%get3A_465, %get3A_466] {strides = array<i32>} : memref<128x128xf32, #tpu.memory_space<vmem>>, vector<16xf32>,
        %get3A_468 = arith.index_cast %add3A_414 : i32 to index
        %get3A_469 = arith.constant 112 : index
        %get3A_470 = tpu.vector_load %arg17[%get3A_468, %get3A_469] {strides = array<i32>} : memref<128x128xf32, #tpu.memory_space<vmem>>, vector<16xf32>,
        %get3A_471 = arith.index_cast %add3A_418 : i32 to index
        %get3A_472 = arith.constant 0 : index
        %get3A_473 = tpu.vector_load %arg17[%get3A_471, %get3A_472] {strides = array<i32>} : memref<128x128xf32, #tpu.memory_space<vmem>>, vector<16xf32>,
        %get3A_474 = arith.index_cast %add3A_418 : i32 to index
        %get3A_475 = arith.constant 16 : index
        %get3A_476 = tpu.vector_load %arg17[%get3A_474, %get3A_475] {strides = array<i32>} : memref<128x128xf32, #tpu.memory_space<vmem>>, vector<16xf32>,
        %get3A_477 = arith.index_cast %add3A_418 : i32 to index
        %get3A_478 = arith.constant 32 : index
        %get3A_479 = tpu.vector_load %arg17[%get3A_477, %get3A_478] {strides = array<i32>} : memref<128x128xf32, #tpu.memory_space<vmem>>, vector<16xf32>,
        %get3A_480 = arith.index_cast %add3A_418 : i32 to index
        %get3A_481 = arith.constant 48 : index
        %get3A_482 = tpu.vector_load %arg17[%get3A_480, %get3A_481] {strides = array<i32>} : memref<128x128xf32, #tpu.memory_space<vmem>>, vector<16xf32>,
        %get3A_483 = arith.index_cast %add3A_418 : i32 to index
        %get3A_484 = arith.constant 64 : index
        %get3A_485 = tpu.vector_load %arg17[%get3A_483, %get3A_484] {strides = array<i32>} : memref<128x128xf32, #tpu.memory_space<vmem>>, vector<16xf32>,
        %get3A_486 = arith.index_cast %add3A_418 : i32 to index
        %get3A_487 = arith.constant 80 : index
        %get3A_488 = tpu.vector_load %arg17[%get3A_486, %get3A_487] {strides = array<i32>} : memref<128x128xf32, #tpu.memory_space<vmem>>, vector<16xf32>,
        %get3A_489 = arith.index_cast %add3A_418 : i32 to index
        %get3A_490 = arith.constant 96 : index
        %get3A_491 = tpu.vector_load %arg17[%get3A_489, %get3A_490] {strides = array<i32>} : memref<128x128xf32, #tpu.memory_space<vmem>>, vector<16xf32>,
        %get3A_492 = arith.index_cast %add3A_418 : i32 to index
        %get3A_493 = arith.constant 112 : index
        %get3A_494 = tpu.vector_load %arg17[%get3A_492, %get3A_493] {strides = array<i32>} : memref<128x128xf32, #tpu.memory_space<vmem>>, vector<16xf32>,
        %get3A_495 = arith.index_cast %add3A_422 : i32 to index
        %get3A_496 = arith.constant 0 : index
        %get3A_497 = tpu.vector_load %arg17[%get3A_495, %get3A_496] {strides = array<i32>} : memref<128x128xf32, #tpu.memory_space<vmem>>, vector<16xf32>,
        %get3A_498 = arith.index_cast %add3A_422 : i32 to index
        %get3A_499 = arith.constant 16 : index
        %get3A_500 = tpu.vector_load %arg17[%get3A_498, %get3A_499] {strides = array<i32>} : memref<128x128xf32, #tpu.memory_space<vmem>>, vector<16xf32>,
        %get3A_501 = arith.index_cast %add3A_422 : i32 to index
        %get3A_502 = arith.constant 32 : index
        %get3A_503 = tpu.vector_load %arg17[%get3A_501, %get3A_502] {strides = array<i32>} : memref<128x128xf32, #tpu.memory_space<vmem>>, vector<16xf32>,
        %get3A_504 = arith.index_cast %add3A_422 : i32 to index
        %get3A_505 = arith.constant 48 : index
        %get3A_506 = tpu.vector_load %arg17[%get3A_504, %get3A_505] {strides = array<i32>} : memref<128x128xf32, #tpu.memory_space<vmem>>, vector<16xf32>,
        %get3A_507 = arith.index_cast %add3A_422 : i32 to index
        %get3A_508 = arith.constant 64 : index
        %get3A_509 = tpu.vector_load %arg17[%get3A_507, %get3A_508] {strides = array<i32>} : memref<128x128xf32, #tpu.memory_space<vmem>>, vector<16xf32>,
        %get3A_510 = arith.index_cast %add3A_422 : i32 to index
        %get3A_511 = arith.constant 80 : index
        %get3A_512 = tpu.vector_load %arg17[%get3A_510, %get3A_511] {strides = array<i32>} : memref<128x128xf32, #tpu.memory_space<vmem>>, vector<16xf32>,
        %get3A_513 = arith.index_cast %add3A_422 : i32 to index
        %get3A_514 = arith.constant 96 : index
        %get3A_515 = tpu.vector_load %arg17[%get3A_513, %get3A_514] {strides = array<i32>} : memref<128x128xf32, #tpu.memory_space<vmem>>, vector<16xf32>,
        %get3A_516 = arith.index_cast %add3A_422 : i32 to index
        %get3A_517 = arith.constant 112 : index
        %get3A_518 = tpu.vector_load %arg17[%get3A_516, %get3A_517] {strides = array<i32>} : memref<128x128xf32, #tpu.memory_space<vmem>>, vector<16xf32>,
        %mul3A_519 = arith.mulf %get3A_425, %mul3A_307 : vector<16xf32>
        %mul3A_520 = arith.mulf %get3A_428, %mul3A_312 : vector<16xf32>
        %mul3A_521 = arith.mulf %get3A_431, %mul3A_317 : vector<16xf32>
        %mul3A_522 = arith.mulf %get3A_434, %mul3A_322 : vector<16xf32>
        %mul3A_523 = arith.mulf %get3A_437, %mul3A_327 : vector<16xf32>
        %add3A_524 = arith.addf %mul3A_519, %mul3A_523 : vector<16xf32>
        %mul3A_525 = arith.mulf %get3A_440, %mul3A_332 : vector<16xf32>
        %add3A_526 = arith.addf %mul3A_520, %mul3A_525 : vector<16xf32>
        %mul3A_527 = arith.mulf %get3A_443, %mul3A_337 : vector<16xf32>
        %add3A_528 = arith.addf %mul3A_521, %mul3A_527 : vector<16xf32>
        %mul3A_529 = arith.mulf %get3A_446, %mul3A_342 : vector<16xf32>
        %add3A_530 = arith.addf %mul3A_522, %mul3A_529 : vector<16xf32>
        %add3A_531 = arith.addf %add3A_524, %add3A_526 : vector<16xf32>
        %add3A_532 = arith.addf %add3A_528, %add3A_530 : vector<16xf32>
        %add3A_533 = arith.addf %add3A_531, %add3A_532 : vector<16xf32>
        %swap3A = arith.constant 0 : index
        %swap3A_534 = tpu.vector_load %arg24[%swap3A] {strides = array<i32>} : memref<256xf32, #tpu.memory_space<vmem>>, vector<16xf32>,
        tpu.vector_store %arg24[%swap3A], %add3A_533 {strides = array<i32>} : memref<256xf32, #tpu.memory_space<vmem>>, vector<16xf32>,
        %mul3A_535 = arith.mulf %get3A_449, %mul3A_307 : vector<16xf32>
        %mul3A_536 = arith.mulf %get3A_452, %mul3A_312 : vector<16xf32>
        %mul3A_537 = arith.mulf %get3A_455, %mul3A_317 : vector<16xf32>
        %mul3A_538 = arith.mulf %get3A_458, %mul3A_322 : vector<16xf32>
        %mul3A_539 = arith.mulf %get3A_461, %mul3A_327 : vector<16xf32>
        %add3A_540 = arith.addf %mul3A_535, %mul3A_539 : vector<16xf32>
        %mul3A_541 = arith.mulf %get3A_464, %mul3A_332 : vector<16xf32>
        %add3A_542 = arith.addf %mul3A_536, %mul3A_541 : vector<16xf32>
        %mul3A_543 = arith.mulf %get3A_467, %mul3A_337 : vector<16xf32>
        %add3A_544 = arith.addf %mul3A_537, %mul3A_543 : vector<16xf32>
        %mul3A_545 = arith.mulf %get3A_470, %mul3A_342 : vector<16xf32>
        %add3A_546 = arith.addf %mul3A_538, %mul3A_545 : vector<16xf32>
        %add3A_547 = arith.addf %add3A_540, %add3A_542 : vector<16xf32>
        %add3A_548 = arith.addf %add3A_544, %add3A_546 : vector<16xf32>
        %add3A_549 = arith.addf %add3A_547, %add3A_548 : vector<16xf32>
        %swap3A_550 = arith.constant 16 : index
        %swap3A_551 = tpu.vector_load %arg24[%swap3A_550] {strides = array<i32>} : memref<256xf32, #tpu.memory_space<vmem>>, vector<16xf32>,
        tpu.vector_store %arg24[%swap3A_550], %add3A_549 {strides = array<i32>} : memref<256xf32, #tpu.memory_space<vmem>>, vector<16xf32>,
        %mul3A_552 = arith.mulf %get3A_473, %mul3A_307 : vector<16xf32>
        %mul3A_553 = arith.mulf %get3A_476, %mul3A_312 : vector<16xf32>
        %mul3A_554 = arith.mulf %get3A_479, %mul3A_317 : vector<16xf32>
        %mul3A_555 = arith.mulf %get3A_482, %mul3A_322 : vector<16xf32>
        %mul3A_556 = arith.mulf %get3A_485, %mul3A_327 : vector<16xf32>
        %add3A_557 = arith.addf %mul3A_552, %mul3A_556 : vector<16xf32>
        %mul3A_558 = arith.mulf %get3A_488, %mul3A_332 : vector<16xf32>
        %add3A_559 = arith.addf %mul3A_553, %mul3A_558 : vector<16xf32>
        %mul3A_560 = arith.mulf %get3A_491, %mul3A_337 : vector<16xf32>
        %add3A_561 = arith.addf %mul3A_554, %mul3A_560 : vector<16xf32>
        %mul3A_562 = arith.mulf %get3A_494, %mul3A_342 : vector<16xf32>
        %add3A_563 = arith.addf %mul3A_555, %mul3A_562 : vector<16xf32>
        %add3A_564 = arith.addf %add3A_557, %add3A_559 : vector<16xf32>
        %add3A_565 = arith.addf %add3A_561, %add3A_563 : vector<16xf32>
        %add3A_566 = arith.addf %add3A_564, %add3A_565 : vector<16xf32>
        %swap3A_567 = arith.constant 32 : index
        %swap3A_568 = tpu.vector_load %arg24[%swap3A_567] {strides = array<i32>} : memref<256xf32, #tpu.memory_space<vmem>>, vector<16xf32>,
        tpu.vector_store %arg24[%swap3A_567], %add3A_566 {strides = array<i32>} : memref<256xf32, #tpu.memory_space<vmem>>, vector<16xf32>,
        %mul3A_569 = arith.mulf %get3A_497, %mul3A_307 : vector<16xf32>
        %mul3A_570 = arith.mulf %get3A_500, %mul3A_312 : vector<16xf32>
        %mul3A_571 = arith.mulf %get3A_503, %mul3A_317 : vector<16xf32>
        %mul3A_572 = arith.mulf %get3A_506, %mul3A_322 : vector<16xf32>
        %mul3A_573 = arith.mulf %get3A_509, %mul3A_327 : vector<16xf32>
        %add3A_574 = arith.addf %mul3A_569, %mul3A_573 : vector<16xf32>
        %mul3A_575 = arith.mulf %get3A_512, %mul3A_332 : vector<16xf32>
        %add3A_576 = arith.addf %mul3A_570, %mul3A_575 : vector<16xf32>
        %mul3A_577 = arith.mulf %get3A_515, %mul3A_337 : vector<16xf32>
        %add3A_578 = arith.addf %mul3A_571, %mul3A_577 : vector<16xf32>
        %mul3A_579 = arith.mulf %get3A_518, %mul3A_342 : vector<16xf32>
        %add3A_580 = arith.addf %mul3A_572, %mul3A_579 : vector<16xf32>
        %add3A_581 = arith.addf %add3A_574, %add3A_576 : vector<16xf32>
        %add3A_582 = arith.addf %add3A_578, %add3A_580 : vector<16xf32>
        %add3A_583 = arith.addf %add3A_581, %add3A_582 : vector<16xf32>
        %swap3A_584 = arith.constant 48 : index
        %swap3A_585 = tpu.vector_load %arg24[%swap3A_584] {strides = array<i32>} : memref<256xf32, #tpu.memory_space<vmem>>, vector<16xf32>,
        tpu.vector_store %arg24[%swap3A_584], %add3A_583 {strides = array<i32>} : memref<256xf32, #tpu.memory_space<vmem>>, vector<16xf32>,
        %add3A_586 = arith.constant 4 : i32
        %add3A_587 = arith.addi %mul3A_406, %add3A_586 : i32
        %add3A_588 = arith.constant 0 : i32
        %add3A_589 = arith.addi %add3A_587, %add3A_588 : i32
        %add3A_590 = arith.constant 4 : i32
        %add3A_591 = arith.addi %mul3A_406, %add3A_590 : i32
        %add3A_592 = arith.constant 1 : i32
        %add3A_593 = arith.addi %add3A_591, %add3A_592 : i32
        %add3A_594 = arith.constant 4 : i32
        %add3A_595 = arith.addi %mul3A_406, %add3A_594 : i32
        %add3A_596 = arith.constant 2 : i32
        %add3A_597 = arith.addi %add3A_595, %add3A_596 : i32
        %add3A_598 = arith.constant 4 : i32
        %add3A_599 = arith.addi %mul3A_406, %add3A_598 : i32
        %add3A_600 = arith.constant 3 : i32
        %add3A_601 = arith.addi %add3A_599, %add3A_600 : i32
        %get3A_602 = arith.index_cast %add3A_589 : i32 to index
        %get3A_603 = arith.constant 0 : index
        %get3A_604 = tpu.vector_load %arg17[%get3A_602, %get3A_603] {strides = array<i32>} : memref<128x128xf32, #tpu.memory_space<vmem>>, vector<16xf32>,
        %get3A_605 = arith.index_cast %add3A_589 : i32 to index
        %get3A_606 = arith.constant 16 : index
        %get3A_607 = tpu.vector_load %arg17[%get3A_605, %get3A_606] {strides = array<i32>} : memref<128x128xf32, #tpu.memory_space<vmem>>, vector<16xf32>,
        %get3A_608 = arith.index_cast %add3A_589 : i32 to index
        %get3A_609 = arith.constant 32 : index
        %get3A_610 = tpu.vector_load %arg17[%get3A_608, %get3A_609] {strides = array<i32>} : memref<128x128xf32, #tpu.memory_space<vmem>>, vector<16xf32>,
        %get3A_611 = arith.index_cast %add3A_589 : i32 to index
        %get3A_612 = arith.constant 48 : index
        %get3A_613 = tpu.vector_load %arg17[%get3A_611, %get3A_612] {strides = array<i32>} : memref<128x128xf32, #tpu.memory_space<vmem>>, vector<16xf32>,
        %get3A_614 = arith.index_cast %add3A_589 : i32 to index
        %get3A_615 = arith.constant 64 : index
        %get3A_616 = tpu.vector_load %arg17[%get3A_614, %get3A_615] {strides = array<i32>} : memref<128x128xf32, #tpu.memory_space<vmem>>, vector<16xf32>,
        %get3A_617 = arith.index_cast %add3A_589 : i32 to index
        %get3A_618 = arith.constant 80 : index
        %get3A_619 = tpu.vector_load %arg17[%get3A_617, %get3A_618] {strides = array<i32>} : memref<128x128xf32, #tpu.memory_space<vmem>>, vector<16xf32>,
        %get3A_620 = arith.index_cast %add3A_589 : i32 to index
        %get3A_621 = arith.constant 96 : index
        %get3A_622 = tpu.vector_load %arg17[%get3A_620, %get3A_621] {strides = array<i32>} : memref<128x128xf32, #tpu.memory_space<vmem>>, vector<16xf32>,
        %get3A_623 = arith.index_cast %add3A_589 : i32 to index
        %get3A_624 = arith.constant 112 : index
        %get3A_625 = tpu.vector_load %arg17[%get3A_623, %get3A_624] {strides = array<i32>} : memref<128x128xf32, #tpu.memory_space<vmem>>, vector<16xf32>,
        %get3A_626 = arith.index_cast %add3A_593 : i32 to index
        %get3A_627 = arith.constant 0 : index
        %get3A_628 = tpu.vector_load %arg17[%get3A_626, %get3A_627] {strides = array<i32>} : memref<128x128xf32, #tpu.memory_space<vmem>>, vector<16xf32>,
        %get3A_629 = arith.index_cast %add3A_593 : i32 to index
        %get3A_630 = arith.constant 16 : index
        %get3A_631 = tpu.vector_load %arg17[%get3A_629, %get3A_630] {strides = array<i32>} : memref<128x128xf32, #tpu.memory_space<vmem>>, vector<16xf32>,
        %get3A_632 = arith.index_cast %add3A_593 : i32 to index
        %get3A_633 = arith.constant 32 : index
        %get3A_634 = tpu.vector_load %arg17[%get3A_632, %get3A_633] {strides = array<i32>} : memref<128x128xf32, #tpu.memory_space<vmem>>, vector<16xf32>,
        %get3A_635 = arith.index_cast %add3A_593 : i32 to index
        %get3A_636 = arith.constant 48 : index
        %get3A_637 = tpu.vector_load %arg17[%get3A_635, %get3A_636] {strides = array<i32>} : memref<128x128xf32, #tpu.memory_space<vmem>>, vector<16xf32>,
        %get3A_638 = arith.index_cast %add3A_593 : i32 to index
        %get3A_639 = arith.constant 64 : index
        %get3A_640 = tpu.vector_load %arg17[%get3A_638, %get3A_639] {strides = array<i32>} : memref<128x128xf32, #tpu.memory_space<vmem>>, vector<16xf32>,
        %get3A_641 = arith.index_cast %add3A_593 : i32 to index
        %get3A_642 = arith.constant 80 : index
        %get3A_643 = tpu.vector_load %arg17[%get3A_641, %get3A_642] {strides = array<i32>} : memref<128x128xf32, #tpu.memory_space<vmem>>, vector<16xf32>,
        %get3A_644 = arith.index_cast %add3A_593 : i32 to index
        %get3A_645 = arith.constant 96 : index
        %get3A_646 = tpu.vector_load %arg17[%get3A_644, %get3A_645] {strides = array<i32>} : memref<128x128xf32, #tpu.memory_space<vmem>>, vector<16xf32>,
        %get3A_647 = arith.index_cast %add3A_593 : i32 to index
        %get3A_648 = arith.constant 112 : index
        %get3A_649 = tpu.vector_load %arg17[%get3A_647, %get3A_648] {strides = array<i32>} : memref<128x128xf32, #tpu.memory_space<vmem>>, vector<16xf32>,
        %get3A_650 = arith.index_cast %add3A_597 : i32 to index
        %get3A_651 = arith.constant 0 : index
        %get3A_652 = tpu.vector_load %arg17[%get3A_650, %get3A_651] {strides = array<i32>} : memref<128x128xf32, #tpu.memory_space<vmem>>, vector<16xf32>,
        %get3A_653 = arith.index_cast %add3A_597 : i32 to index
        %get3A_654 = arith.constant 16 : index
        %get3A_655 = tpu.vector_load %arg17[%get3A_653, %get3A_654] {strides = array<i32>} : memref<128x128xf32, #tpu.memory_space<vmem>>, vector<16xf32>,
        %get3A_656 = arith.index_cast %add3A_597 : i32 to index
        %get3A_657 = arith.constant 32 : index
        %get3A_658 = tpu.vector_load %arg17[%get3A_656, %get3A_657] {strides = array<i32>} : memref<128x128xf32, #tpu.memory_space<vmem>>, vector<16xf32>,
        %get3A_659 = arith.index_cast %add3A_597 : i32 to index
        %get3A_660 = arith.constant 48 : index
        %get3A_661 = tpu.vector_load %arg17[%get3A_659, %get3A_660] {strides = array<i32>} : memref<128x128xf32, #tpu.memory_space<vmem>>, vector<16xf32>,
        %get3A_662 = arith.index_cast %add3A_597 : i32 to index
        %get3A_663 = arith.constant 64 : index
        %get3A_664 = tpu.vector_load %arg17[%get3A_662, %get3A_663] {strides = array<i32>} : memref<128x128xf32, #tpu.memory_space<vmem>>, vector<16xf32>,
        %get3A_665 = arith.index_cast %add3A_597 : i32 to index
        %get3A_666 = arith.constant 80 : index
        %get3A_667 = tpu.vector_load %arg17[%get3A_665, %get3A_666] {strides = array<i32>} : memref<128x128xf32, #tpu.memory_space<vmem>>, vector<16xf32>,
        %get3A_668 = arith.index_cast %add3A_597 : i32 to index
        %get3A_669 = arith.constant 96 : index
        %get3A_670 = tpu.vector_load %arg17[%get3A_668, %get3A_669] {strides = array<i32>} : memref<128x128xf32, #tpu.memory_space<vmem>>, vector<16xf32>,
        %get3A_671 = arith.index_cast %add3A_597 : i32 to index
        %get3A_672 = arith.constant 112 : index
        %get3A_673 = tpu.vector_load %arg17[%get3A_671, %get3A_672] {strides = array<i32>} : memref<128x128xf32, #tpu.memory_space<vmem>>, vector<16xf32>,
        %get3A_674 = arith.index_cast %add3A_601 : i32 to index
        %get3A_675 = arith.constant 0 : index
        %get3A_676 = tpu.vector_load %arg17[%get3A_674, %get3A_675] {strides = array<i32>} : memref<128x128xf32, #tpu.memory_space<vmem>>, vector<16xf32>,
        %get3A_677 = arith.index_cast %add3A_601 : i32 to index
        %get3A_678 = arith.constant 16 : index
        %get3A_679 = tpu.vector_load %arg17[%get3A_677, %get3A_678] {strides = array<i32>} : memref<128x128xf32, #tpu.memory_space<vmem>>, vector<16xf32>,
        %get3A_680 = arith.index_cast %add3A_601 : i32 to index
        %get3A_681 = arith.constant 32 : index
        %get3A_682 = tpu.vector_load %arg17[%get3A_680, %get3A_681] {strides = array<i32>} : memref<128x128xf32, #tpu.memory_space<vmem>>, vector<16xf32>,
        %get3A_683 = arith.index_cast %add3A_601 : i32 to index
        %get3A_684 = arith.constant 48 : index
        %get3A_685 = tpu.vector_load %arg17[%get3A_683, %get3A_684] {strides = array<i32>} : memref<128x128xf32, #tpu.memory_space<vmem>>, vector<16xf32>,
        %get3A_686 = arith.index_cast %add3A_601 : i32 to index
        %get3A_687 = arith.constant 64 : index
        %get3A_688 = tpu.vector_load %arg17[%get3A_686, %get3A_687] {strides = array<i32>} : memref<128x128xf32, #tpu.memory_space<vmem>>, vector<16xf32>,
        %get3A_689 = arith.index_cast %add3A_601 : i32 to index
        %get3A_690 = arith.constant 80 : index
        %get3A_691 = tpu.vector_load %arg17[%get3A_689, %get3A_690] {strides = array<i32>} : memref<128x128xf32, #tpu.memory_space<vmem>>, vector<16xf32>,
        %get3A_692 = arith.index_cast %add3A_601 : i32 to index
        %get3A_693 = arith.constant 96 : index
        %get3A_694 = tpu.vector_load %arg17[%get3A_692, %get3A_693] {strides = array<i32>} : memref<128x128xf32, #tpu.memory_space<vmem>>, vector<16xf32>,
        %get3A_695 = arith.index_cast %add3A_601 : i32 to index
        %get3A_696 = arith.constant 112 : index
        %get3A_697 = tpu.vector_load %arg17[%get3A_695, %get3A_696] {strides = array<i32>} : memref<128x128xf32, #tpu.memory_space<vmem>>, vector<16xf32>,
        %mul3A_698 = arith.mulf %get3A_604, %mul3A_307 : vector<16xf32>
        %mul3A_699 = arith.mulf %get3A_607, %mul3A_312 : vector<16xf32>
        %mul3A_700 = arith.mulf %get3A_610, %mul3A_317 : vector<16xf32>
        %mul3A_701 = arith.mulf %get3A_613, %mul3A_322 : vector<16xf32>
        %mul3A_702 = arith.mulf %get3A_616, %mul3A_327 : vector<16xf32>
        %add3A_703 = arith.addf %mul3A_698, %mul3A_702 : vector<16xf32>
        %mul3A_704 = arith.mulf %get3A_619, %mul3A_332 : vector<16xf32>
        %add3A_705 = arith.addf %mul3A_699, %mul3A_704 : vector<16xf32>
        %mul3A_706 = arith.mulf %get3A_622, %mul3A_337 : vector<16xf32>
        %add3A_707 = arith.addf %mul3A_700, %mul3A_706 : vector<16xf32>
        %mul3A_708 = arith.mulf %get3A_625, %mul3A_342 : vector<16xf32>
        %add3A_709 = arith.addf %mul3A_701, %mul3A_708 : vector<16xf32>
        %add3A_710 = arith.addf %add3A_703, %add3A_705 : vector<16xf32>
        %add3A_711 = arith.addf %add3A_707, %add3A_709 : vector<16xf32>
        %add3A_712 = arith.addf %add3A_710, %add3A_711 : vector<16xf32>
        %swap3A_713 = arith.constant 64 : index
        %swap3A_714 = tpu.vector_load %arg24[%swap3A_713] {strides = array<i32>} : memref<256xf32, #tpu.memory_space<vmem>>, vector<16xf32>,
        tpu.vector_store %arg24[%swap3A_713], %add3A_712 {strides = array<i32>} : memref<256xf32, #tpu.memory_space<vmem>>, vector<16xf32>,
        %mul3A_715 = arith.mulf %get3A_628, %mul3A_307 : vector<16xf32>
        %mul3A_716 = arith.mulf %get3A_631, %mul3A_312 : vector<16xf32>
        %mul3A_717 = arith.mulf %get3A_634, %mul3A_317 : vector<16xf32>
        %mul3A_718 = arith.mulf %get3A_637, %mul3A_322 : vector<16xf32>
        %mul3A_719 = arith.mulf %get3A_640, %mul3A_327 : vector<16xf32>
        %add3A_720 = arith.addf %mul3A_715, %mul3A_719 : vector<16xf32>
        %mul3A_721 = arith.mulf %get3A_643, %mul3A_332 : vector<16xf32>
        %add3A_722 = arith.addf %mul3A_716, %mul3A_721 : vector<16xf32>
        %mul3A_723 = arith.mulf %get3A_646, %mul3A_337 : vector<16xf32>
        %add3A_724 = arith.addf %mul3A_717, %mul3A_723 : vector<16xf32>
        %mul3A_725 = arith.mulf %get3A_649, %mul3A_342 : vector<16xf32>
        %add3A_726 = arith.addf %mul3A_718, %mul3A_725 : vector<16xf32>
        %add3A_727 = arith.addf %add3A_720, %add3A_722 : vector<16xf32>
        %add3A_728 = arith.addf %add3A_724, %add3A_726 : vector<16xf32>
        %add3A_729 = arith.addf %add3A_727, %add3A_728 : vector<16xf32>
        %swap3A_730 = arith.constant 80 : index
        %swap3A_731 = tpu.vector_load %arg24[%swap3A_730] {strides = array<i32>} : memref<256xf32, #tpu.memory_space<vmem>>, vector<16xf32>,
        tpu.vector_store %arg24[%swap3A_730], %add3A_729 {strides = array<i32>} : memref<256xf32, #tpu.memory_space<vmem>>, vector<16xf32>,
        %mul3A_732 = arith.mulf %get3A_652, %mul3A_307 : vector<16xf32>
        %mul3A_733 = arith.mulf %get3A_655, %mul3A_312 : vector<16xf32>
        %mul3A_734 = arith.mulf %get3A_658, %mul3A_317 : vector<16xf32>
        %mul3A_735 = arith.mulf %get3A_661, %mul3A_322 : vector<16xf32>
        %mul3A_736 = arith.mulf %get3A_664, %mul3A_327 : vector<16xf32>
        %add3A_737 = arith.addf %mul3A_732, %mul3A_736 : vector<16xf32>
        %mul3A_738 = arith.mulf %get3A_667, %mul3A_332 : vector<16xf32>
        %add3A_739 = arith.addf %mul3A_733, %mul3A_738 : vector<16xf32>
        %mul3A_740 = arith.mulf %get3A_670, %mul3A_337 : vector<16xf32>
        %add3A_741 = arith.addf %mul3A_734, %mul3A_740 : vector<16xf32>
        %mul3A_742 = arith.mulf %get3A_673, %mul3A_342 : vector<16xf32>
        %add3A_743 = arith.addf %mul3A_735, %mul3A_742 : vector<16xf32>
        %add3A_744 = arith.addf %add3A_737, %add3A_739 : vector<16xf32>
        %add3A_745 = arith.addf %add3A_741, %add3A_743 : vector<16xf32>
        %add3A_746 = arith.addf %add3A_744, %add3A_745 : vector<16xf32>
        %swap3A_747 = arith.constant 96 : index
        %swap3A_748 = tpu.vector_load %arg24[%swap3A_747] {strides = array<i32>} : memref<256xf32, #tpu.memory_space<vmem>>, vector<16xf32>,
        tpu.vector_store %arg24[%swap3A_747], %add3A_746 {strides = array<i32>} : memref<256xf32, #tpu.memory_space<vmem>>, vector<16xf32>,
        %mul3A_749 = arith.mulf %get3A_676, %mul3A_307 : vector<16xf32>
        %mul3A_750 = arith.mulf %get3A_679, %mul3A_312 : vector<16xf32>
        %mul3A_751 = arith.mulf %get3A_682, %mul3A_317 : vector<16xf32>
        %mul3A_752 = arith.mulf %get3A_685, %mul3A_322 : vector<16xf32>
        %mul3A_753 = arith.mulf %get3A_688, %mul3A_327 : vector<16xf32>
        %add3A_754 = arith.addf %mul3A_749, %mul3A_753 : vector<16xf32>
        %mul3A_755 = arith.mulf %get3A_691, %mul3A_332 : vector<16xf32>
        %add3A_756 = arith.addf %mul3A_750, %mul3A_755 : vector<16xf32>
        %mul3A_757 = arith.mulf %get3A_694, %mul3A_337 : vector<16xf32>
        %add3A_758 = arith.addf %mul3A_751, %mul3A_757 : vector<16xf32>
        %mul3A_759 = arith.mulf %get3A_697, %mul3A_342 : vector<16xf32>
        %add3A_760 = arith.addf %mul3A_752, %mul3A_759 : vector<16xf32>
        %add3A_761 = arith.addf %add3A_754, %add3A_756 : vector<16xf32>
        %add3A_762 = arith.addf %add3A_758, %add3A_760 : vector<16xf32>
        %add3A_763 = arith.addf %add3A_761, %add3A_762 : vector<16xf32>
        %swap3A_764 = arith.constant 112 : index
        %swap3A_765 = tpu.vector_load %arg24[%swap3A_764] {strides = array<i32>} : memref<256xf32, #tpu.memory_space<vmem>>, vector<16xf32>,
        tpu.vector_store %arg24[%swap3A_764], %add3A_763 {strides = array<i32>} : memref<256xf32, #tpu.memory_space<vmem>>, vector<16xf32>,
        %add3A_766 = arith.constant 8 : i32
        %add3A_767 = arith.addi %mul3A_406, %add3A_766 : i32
        %add3A_768 = arith.constant 0 : i32
        %add3A_769 = arith.addi %add3A_767, %add3A_768 : i32
        %add3A_770 = arith.constant 8 : i32
        %add3A_771 = arith.addi %mul3A_406, %add3A_770 : i32
        %add3A_772 = arith.constant 1 : i32
        %add3A_773 = arith.addi %add3A_771, %add3A_772 : i32
        %add3A_774 = arith.constant 8 : i32
        %add3A_775 = arith.addi %mul3A_406, %add3A_774 : i32
        %add3A_776 = arith.constant 2 : i32
        %add3A_777 = arith.addi %add3A_775, %add3A_776 : i32
        %add3A_778 = arith.constant 8 : i32
        %add3A_779 = arith.addi %mul3A_406, %add3A_778 : i32
        %add3A_780 = arith.constant 3 : i32
        %add3A_781 = arith.addi %add3A_779, %add3A_780 : i32
        %get3A_782 = arith.index_cast %add3A_769 : i32 to index
        %get3A_783 = arith.constant 0 : index
        %get3A_784 = tpu.vector_load %arg17[%get3A_782, %get3A_783] {strides = array<i32>} : memref<128x128xf32, #tpu.memory_space<vmem>>, vector<16xf32>,
        %get3A_785 = arith.index_cast %add3A_769 : i32 to index
        %get3A_786 = arith.constant 16 : index
        %get3A_787 = tpu.vector_load %arg17[%get3A_785, %get3A_786] {strides = array<i32>} : memref<128x128xf32, #tpu.memory_space<vmem>>, vector<16xf32>,
        %get3A_788 = arith.index_cast %add3A_769 : i32 to index
        %get3A_789 = arith.constant 32 : index
        %get3A_790 = tpu.vector_load %arg17[%get3A_788, %get3A_789] {strides = array<i32>} : memref<128x128xf32, #tpu.memory_space<vmem>>, vector<16xf32>,
        %get3A_791 = arith.index_cast %add3A_769 : i32 to index
        %get3A_792 = arith.constant 48 : index
        %get3A_793 = tpu.vector_load %arg17[%get3A_791, %get3A_792] {strides = array<i32>} : memref<128x128xf32, #tpu.memory_space<vmem>>, vector<16xf32>,
        %get3A_794 = arith.index_cast %add3A_769 : i32 to index
        %get3A_795 = arith.constant 64 : index
        %get3A_796 = tpu.vector_load %arg17[%get3A_794, %get3A_795] {strides = array<i32>} : memref<128x128xf32, #tpu.memory_space<vmem>>, vector<16xf32>,
        %get3A_797 = arith.index_cast %add3A_769 : i32 to index
        %get3A_798 = arith.constant 80 : index
        %get3A_799 = tpu.vector_load %arg17[%get3A_797, %get3A_798] {strides = array<i32>} : memref<128x128xf32, #tpu.memory_space<vmem>>, vector<16xf32>,
        %get3A_800 = arith.index_cast %add3A_769 : i32 to index
        %get3A_801 = arith.constant 96 : index
        %get3A_802 = tpu.vector_load %arg17[%get3A_800, %get3A_801] {strides = array<i32>} : memref<128x128xf32, #tpu.memory_space<vmem>>, vector<16xf32>,
        %get3A_803 = arith.index_cast %add3A_769 : i32 to index
        %get3A_804 = arith.constant 112 : index
        %get3A_805 = tpu.vector_load %arg17[%get3A_803, %get3A_804] {strides = array<i32>} : memref<128x128xf32, #tpu.memory_space<vmem>>, vector<16xf32>,
        %get3A_806 = arith.index_cast %add3A_773 : i32 to index
        %get3A_807 = arith.constant 0 : index
        %get3A_808 = tpu.vector_load %arg17[%get3A_806, %get3A_807] {strides = array<i32>} : memref<128x128xf32, #tpu.memory_space<vmem>>, vector<16xf32>,
        %get3A_809 = arith.index_cast %add3A_773 : i32 to index
        %get3A_810 = arith.constant 16 : index
        %get3A_811 = tpu.vector_load %arg17[%get3A_809, %get3A_810] {strides = array<i32>} : memref<128x128xf32, #tpu.memory_space<vmem>>, vector<16xf32>,
        %get3A_812 = arith.index_cast %add3A_773 : i32 to index
        %get3A_813 = arith.constant 32 : index
        %get3A_814 = tpu.vector_load %arg17[%get3A_812, %get3A_813] {strides = array<i32>} : memref<128x128xf32, #tpu.memory_space<vmem>>, vector<16xf32>,
        %get3A_815 = arith.index_cast %add3A_773 : i32 to index
        %get3A_816 = arith.constant 48 : index
        %get3A_817 = tpu.vector_load %arg17[%get3A_815, %get3A_816] {strides = array<i32>} : memref<128x128xf32, #tpu.memory_space<vmem>>, vector<16xf32>,
        %get3A_818 = arith.index_cast %add3A_773 : i32 to index
        %get3A_819 = arith.constant 64 : index
        %get3A_820 = tpu.vector_load %arg17[%get3A_818, %get3A_819] {strides = array<i32>} : memref<128x128xf32, #tpu.memory_space<vmem>>, vector<16xf32>,
        %get3A_821 = arith.index_cast %add3A_773 : i32 to index
        %get3A_822 = arith.constant 80 : index
        %get3A_823 = tpu.vector_load %arg17[%get3A_821, %get3A_822] {strides = array<i32>} : memref<128x128xf32, #tpu.memory_space<vmem>>, vector<16xf32>,
        %get3A_824 = arith.index_cast %add3A_773 : i32 to index
        %get3A_825 = arith.constant 96 : index
        %get3A_826 = tpu.vector_load %arg17[%get3A_824, %get3A_825] {strides = array<i32>} : memref<128x128xf32, #tpu.memory_space<vmem>>, vector<16xf32>,
        %get3A_827 = arith.index_cast %add3A_773 : i32 to index
        %get3A_828 = arith.constant 112 : index
        %get3A_829 = tpu.vector_load %arg17[%get3A_827, %get3A_828] {strides = array<i32>} : memref<128x128xf32, #tpu.memory_space<vmem>>, vector<16xf32>,
        %get3A_830 = arith.index_cast %add3A_777 : i32 to index
        %get3A_831 = arith.constant 0 : index
        %get3A_832 = tpu.vector_load %arg17[%get3A_830, %get3A_831] {strides = array<i32>} : memref<128x128xf32, #tpu.memory_space<vmem>>, vector<16xf32>,
        %get3A_833 = arith.index_cast %add3A_777 : i32 to index
        %get3A_834 = arith.constant 16 : index
        %get3A_835 = tpu.vector_load %arg17[%get3A_833, %get3A_834] {strides = array<i32>} : memref<128x128xf32, #tpu.memory_space<vmem>>, vector<16xf32>,
        %get3A_836 = arith.index_cast %add3A_777 : i32 to index
        %get3A_837 = arith.constant 32 : index
        %get3A_838 = tpu.vector_load %arg17[%get3A_836, %get3A_837] {strides = array<i32>} : memref<128x128xf32, #tpu.memory_space<vmem>>, vector<16xf32>,
        %get3A_839 = arith.index_cast %add3A_777 : i32 to index
        %get3A_840 = arith.constant 48 : index
        %get3A_841 = tpu.vector_load %arg17[%get3A_839, %get3A_840] {strides = array<i32>} : memref<128x128xf32, #tpu.memory_space<vmem>>, vector<16xf32>,
        %get3A_842 = arith.index_cast %add3A_777 : i32 to index
        %get3A_843 = arith.constant 64 : index
        %get3A_844 = tpu.vector_load %arg17[%get3A_842, %get3A_843] {strides = array<i32>} : memref<128x128xf32, #tpu.memory_space<vmem>>, vector<16xf32>,
        %get3A_845 = arith.index_cast %add3A_777 : i32 to index
        %get3A_846 = arith.constant 80 : index
        %get3A_847 = tpu.vector_load %arg17[%get3A_845, %get3A_846] {strides = array<i32>} : memref<128x128xf32, #tpu.memory_space<vmem>>, vector<16xf32>,
        %get3A_848 = arith.index_cast %add3A_777 : i32 to index
        %get3A_849 = arith.constant 96 : index
        %get3A_850 = tpu.vector_load %arg17[%get3A_848, %get3A_849] {strides = array<i32>} : memref<128x128xf32, #tpu.memory_space<vmem>>, vector<16xf32>,
        %get3A_851 = arith.index_cast %add3A_777 : i32 to index
        %get3A_852 = arith.constant 112 : index
        %get3A_853 = tpu.vector_load %arg17[%get3A_851, %get3A_852] {strides = array<i32>} : memref<128x128xf32, #tpu.memory_space<vmem>>, vector<16xf32>,
        %get3A_854 = arith.index_cast %add3A_781 : i32 to index
        %get3A_855 = arith.constant 0 : index
        %get3A_856 = tpu.vector_load %arg17[%get3A_854, %get3A_855] {strides = array<i32>} : memref<128x128xf32, #tpu.memory_space<vmem>>, vector<16xf32>,
        %get3A_857 = arith.index_cast %add3A_781 : i32 to index
        %get3A_858 = arith.constant 16 : index
        %get3A_859 = tpu.vector_load %arg17[%get3A_857, %get3A_858] {strides = array<i32>} : memref<128x128xf32, #tpu.memory_space<vmem>>, vector<16xf32>,
        %get3A_860 = arith.index_cast %add3A_781 : i32 to index
        %get3A_861 = arith.constant 32 : index
        %get3A_862 = tpu.vector_load %arg17[%get3A_860, %get3A_861] {strides = array<i32>} : memref<128x128xf32, #tpu.memory_space<vmem>>, vector<16xf32>,
        %get3A_863 = arith.index_cast %add3A_781 : i32 to index
        %get3A_864 = arith.constant 48 : index
        %get3A_865 = tpu.vector_load %arg17[%get3A_863, %get3A_864] {strides = array<i32>} : memref<128x128xf32, #tpu.memory_space<vmem>>, vector<16xf32>,
        %get3A_866 = arith.index_cast %add3A_781 : i32 to index
        %get3A_867 = arith.constant 64 : index
        %get3A_868 = tpu.vector_load %arg17[%get3A_866, %get3A_867] {strides = array<i32>} : memref<128x128xf32, #tpu.memory_space<vmem>>, vector<16xf32>,
        %get3A_869 = arith.index_cast %add3A_781 : i32 to index
        %get3A_870 = arith.constant 80 : index
        %get3A_871 = tpu.vector_load %arg17[%get3A_869, %get3A_870] {strides = array<i32>} : memref<128x128xf32, #tpu.memory_space<vmem>>, vector<16xf32>,
        %get3A_872 = arith.index_cast %add3A_781 : i32 to index
        %get3A_873 = arith.constant 96 : index
        %get3A_874 = tpu.vector_load %arg17[%get3A_872, %get3A_873] {strides = array<i32>} : memref<128x128xf32, #tpu.memory_space<vmem>>, vector<16xf32>,
        %get3A_875 = arith.index_cast %add3A_781 : i32 to index
        %get3A_876 = arith.constant 112 : index
        %get3A_877 = tpu.vector_load %arg17[%get3A_875, %get3A_876] {strides = array<i32>} : memref<128x128xf32, #tpu.memory_space<vmem>>, vector<16xf32>,
        %mul3A_878 = arith.mulf %get3A_784, %mul3A_307 : vector<16xf32>
        %mul3A_879 = arith.mulf %get3A_787, %mul3A_312 : vector<16xf32>
        %mul3A_880 = arith.mulf %get3A_790, %mul3A_317 : vector<16xf32>
        %mul3A_881 = arith.mulf %get3A_793, %mul3A_322 : vector<16xf32>
        %mul3A_882 = arith.mulf %get3A_796, %mul3A_327 : vector<16xf32>
        %add3A_883 = arith.addf %mul3A_878, %mul3A_882 : vector<16xf32>
        %mul3A_884 = arith.mulf %get3A_799, %mul3A_332 : vector<16xf32>
        %add3A_885 = arith.addf %mul3A_879, %mul3A_884 : vector<16xf32>
        %mul3A_886 = arith.mulf %get3A_802, %mul3A_337 : vector<16xf32>
        %add3A_887 = arith.addf %mul3A_880, %mul3A_886 : vector<16xf32>
        %mul3A_888 = arith.mulf %get3A_805, %mul3A_342 : vector<16xf32>
        %add3A_889 = arith.addf %mul3A_881, %mul3A_888 : vector<16xf32>
        %add3A_890 = arith.addf %add3A_883, %add3A_885 : vector<16xf32>
        %add3A_891 = arith.addf %add3A_887, %add3A_889 : vector<16xf32>
        %add3A_892 = arith.addf %add3A_890, %add3A_891 : vector<16xf32>
        %swap3A_893 = arith.constant 128 : index
        %swap3A_894 = tpu.vector_load %arg24[%swap3A_893] {strides = array<i32>} : memref<256xf32, #tpu.memory_space<vmem>>, vector<16xf32>,
        tpu.vector_store %arg24[%swap3A_893], %add3A_892 {strides = array<i32>} : memref<256xf32, #tpu.memory_space<vmem>>, vector<16xf32>,
        %mul3A_895 = arith.mulf %get3A_808, %mul3A_307 : vector<16xf32>
        %mul3A_896 = arith.mulf %get3A_811, %mul3A_312 : vector<16xf32>
        %mul3A_897 = arith.mulf %get3A_814, %mul3A_317 : vector<16xf32>
        %mul3A_898 = arith.mulf %get3A_817, %mul3A_322 : vector<16xf32>
        %mul3A_899 = arith.mulf %get3A_820, %mul3A_327 : vector<16xf32>
        %add3A_900 = arith.addf %mul3A_895, %mul3A_899 : vector<16xf32>
        %mul3A_901 = arith.mulf %get3A_823, %mul3A_332 : vector<16xf32>
        %add3A_902 = arith.addf %mul3A_896, %mul3A_901 : vector<16xf32>
        %mul3A_903 = arith.mulf %get3A_826, %mul3A_337 : vector<16xf32>
        %add3A_904 = arith.addf %mul3A_897, %mul3A_903 : vector<16xf32>
        %mul3A_905 = arith.mulf %get3A_829, %mul3A_342 : vector<16xf32>
        %add3A_906 = arith.addf %mul3A_898, %mul3A_905 : vector<16xf32>
        %add3A_907 = arith.addf %add3A_900, %add3A_902 : vector<16xf32>
        %add3A_908 = arith.addf %add3A_904, %add3A_906 : vector<16xf32>
        %add3A_909 = arith.addf %add3A_907, %add3A_908 : vector<16xf32>
        %swap3A_910 = arith.constant 144 : index
        %swap3A_911 = tpu.vector_load %arg24[%swap3A_910] {strides = array<i32>} : memref<256xf32, #tpu.memory_space<vmem>>, vector<16xf32>,
        tpu.vector_store %arg24[%swap3A_910], %add3A_909 {strides = array<i32>} : memref<256xf32, #tpu.memory_space<vmem>>, vector<16xf32>,
        %mul3A_912 = arith.mulf %get3A_832, %mul3A_307 : vector<16xf32>
        %mul3A_913 = arith.mulf %get3A_835, %mul3A_312 : vector<16xf32>
        %mul3A_914 = arith.mulf %get3A_838, %mul3A_317 : vector<16xf32>
        %mul3A_915 = arith.mulf %get3A_841, %mul3A_322 : vector<16xf32>
        %mul3A_916 = arith.mulf %get3A_844, %mul3A_327 : vector<16xf32>
        %add3A_917 = arith.addf %mul3A_912, %mul3A_916 : vector<16xf32>
        %mul3A_918 = arith.mulf %get3A_847, %mul3A_332 : vector<16xf32>
        %add3A_919 = arith.addf %mul3A_913, %mul3A_918 : vector<16xf32>
        %mul3A_920 = arith.mulf %get3A_850, %mul3A_337 : vector<16xf32>
        %add3A_921 = arith.addf %mul3A_914, %mul3A_920 : vector<16xf32>
        %mul3A_922 = arith.mulf %get3A_853, %mul3A_342 : vector<16xf32>
        %add3A_923 = arith.addf %mul3A_915, %mul3A_922 : vector<16xf32>
        %add3A_924 = arith.addf %add3A_917, %add3A_919 : vector<16xf32>
        %add3A_925 = arith.addf %add3A_921, %add3A_923 : vector<16xf32>
        %add3A_926 = arith.addf %add3A_924, %add3A_925 : vector<16xf32>
        %swap3A_927 = arith.constant 160 : index
        %swap3A_928 = tpu.vector_load %arg24[%swap3A_927] {strides = array<i32>} : memref<256xf32, #tpu.memory_space<vmem>>, vector<16xf32>,
        tpu.vector_store %arg24[%swap3A_927], %add3A_926 {strides = array<i32>} : memref<256xf32, #tpu.memory_space<vmem>>, vector<16xf32>,
        %mul3A_929 = arith.mulf %get3A_856, %mul3A_307 : vector<16xf32>
        %mul3A_930 = arith.mulf %get3A_859, %mul3A_312 : vector<16xf32>
        %mul3A_931 = arith.mulf %get3A_862, %mul3A_317 : vector<16xf32>
        %mul3A_932 = arith.mulf %get3A_865, %mul3A_322 : vector<16xf32>
        %mul3A_933 = arith.mulf %get3A_868, %mul3A_327 : vector<16xf32>
        %add3A_934 = arith.addf %mul3A_929, %mul3A_933 : vector<16xf32>
        %mul3A_935 = arith.mulf %get3A_871, %mul3A_332 : vector<16xf32>
        %add3A_936 = arith.addf %mul3A_930, %mul3A_935 : vector<16xf32>
        %mul3A_937 = arith.mulf %get3A_874, %mul3A_337 : vector<16xf32>
        %add3A_938 = arith.addf %mul3A_931, %mul3A_937 : vector<16xf32>
        %mul3A_939 = arith.mulf %get3A_877, %mul3A_342 : vector<16xf32>
        %add3A_940 = arith.addf %mul3A_932, %mul3A_939 : vector<16xf32>
        %add3A_941 = arith.addf %add3A_934, %add3A_936 : vector<16xf32>
        %add3A_942 = arith.addf %add3A_938, %add3A_940 : vector<16xf32>
        %add3A_943 = arith.addf %add3A_941, %add3A_942 : vector<16xf32>
        %swap3A_944 = arith.constant 176 : index
        %swap3A_945 = tpu.vector_load %arg24[%swap3A_944] {strides = array<i32>} : memref<256xf32, #tpu.memory_space<vmem>>, vector<16xf32>,
        tpu.vector_store %arg24[%swap3A_944], %add3A_943 {strides = array<i32>} : memref<256xf32, #tpu.memory_space<vmem>>, vector<16xf32>,
        %add3A_946 = arith.constant 12 : i32
        %add3A_947 = arith.addi %mul3A_406, %add3A_946 : i32
        %add3A_948 = arith.constant 0 : i32
        %add3A_949 = arith.addi %add3A_947, %add3A_948 : i32
        %add3A_950 = arith.constant 12 : i32
        %add3A_951 = arith.addi %mul3A_406, %add3A_950 : i32
        %add3A_952 = arith.constant 1 : i32
        %add3A_953 = arith.addi %add3A_951, %add3A_952 : i32
        %add3A_954 = arith.constant 12 : i32
        %add3A_955 = arith.addi %mul3A_406, %add3A_954 : i32
        %add3A_956 = arith.constant 2 : i32
        %add3A_957 = arith.addi %add3A_955, %add3A_956 : i32
        %add3A_958 = arith.constant 12 : i32
        %add3A_959 = arith.addi %mul3A_406, %add3A_958 : i32
        %add3A_960 = arith.constant 3 : i32
        %add3A_961 = arith.addi %add3A_959, %add3A_960 : i32
        %get3A_962 = arith.index_cast %add3A_949 : i32 to index
        %get3A_963 = arith.constant 0 : index
        %get3A_964 = tpu.vector_load %arg17[%get3A_962, %get3A_963] {strides = array<i32>} : memref<128x128xf32, #tpu.memory_space<vmem>>, vector<16xf32>,
        %get3A_965 = arith.index_cast %add3A_949 : i32 to index
        %get3A_966 = arith.constant 16 : index
        %get3A_967 = tpu.vector_load %arg17[%get3A_965, %get3A_966] {strides = array<i32>} : memref<128x128xf32, #tpu.memory_space<vmem>>, vector<16xf32>,
        %get3A_968 = arith.index_cast %add3A_949 : i32 to index
        %get3A_969 = arith.constant 32 : index
        %get3A_970 = tpu.vector_load %arg17[%get3A_968, %get3A_969] {strides = array<i32>} : memref<128x128xf32, #tpu.memory_space<vmem>>, vector<16xf32>,
        %get3A_971 = arith.index_cast %add3A_949 : i32 to index
        %get3A_972 = arith.constant 48 : index
        %get3A_973 = tpu.vector_load %arg17[%get3A_971, %get3A_972] {strides = array<i32>} : memref<128x128xf32, #tpu.memory_space<vmem>>, vector<16xf32>,
        %get3A_974 = arith.index_cast %add3A_949 : i32 to index
        %get3A_975 = arith.constant 64 : index
        %get3A_976 = tpu.vector_load %arg17[%get3A_974, %get3A_975] {strides = array<i32>} : memref<128x128xf32, #tpu.memory_space<vmem>>, vector<16xf32>,
        %get3A_977 = arith.index_cast %add3A_949 : i32 to index
        %get3A_978 = arith.constant 80 : index
        %get3A_979 = tpu.vector_load %arg17[%get3A_977, %get3A_978] {strides = array<i32>} : memref<128x128xf32, #tpu.memory_space<vmem>>, vector<16xf32>,
        %get3A_980 = arith.index_cast %add3A_949 : i32 to index
        %get3A_981 = arith.constant 96 : index
        %get3A_982 = tpu.vector_load %arg17[%get3A_980, %get3A_981] {strides = array<i32>} : memref<128x128xf32, #tpu.memory_space<vmem>>, vector<16xf32>,
        %get3A_983 = arith.index_cast %add3A_949 : i32 to index
        %get3A_984 = arith.constant 112 : index
        %get3A_985 = tpu.vector_load %arg17[%get3A_983, %get3A_984] {strides = array<i32>} : memref<128x128xf32, #tpu.memory_space<vmem>>, vector<16xf32>,
        %get3A_986 = arith.index_cast %add3A_953 : i32 to index
        %get3A_987 = arith.constant 0 : index
        %get3A_988 = tpu.vector_load %arg17[%get3A_986, %get3A_987] {strides = array<i32>} : memref<128x128xf32, #tpu.memory_space<vmem>>, vector<16xf32>,
        %get3A_989 = arith.index_cast %add3A_953 : i32 to index
        %get3A_990 = arith.constant 16 : index
        %get3A_991 = tpu.vector_load %arg17[%get3A_989, %get3A_990] {strides = array<i32>} : memref<128x128xf32, #tpu.memory_space<vmem>>, vector<16xf32>,
        %get3A_992 = arith.index_cast %add3A_953 : i32 to index
        %get3A_993 = arith.constant 32 : index
        %get3A_994 = tpu.vector_load %arg17[%get3A_992, %get3A_993] {strides = array<i32>} : memref<128x128xf32, #tpu.memory_space<vmem>>, vector<16xf32>,
        %get3A_995 = arith.index_cast %add3A_953 : i32 to index
        %get3A_996 = arith.constant 48 : index
        %get3A_997 = tpu.vector_load %arg17[%get3A_995, %get3A_996] {strides = array<i32>} : memref<128x128xf32, #tpu.memory_space<vmem>>, vector<16xf32>,
        %get3A_998 = arith.index_cast %add3A_953 : i32 to index
        %get3A_999 = arith.constant 64 : index
        %get3A_1000 = tpu.vector_load %arg17[%get3A_998, %get3A_999] {strides = array<i32>} : memref<128x128xf32, #tpu.memory_space<vmem>>, vector<16xf32>,
        %get3A_1001 = arith.index_cast %add3A_953 : i32 to index
        %get3A_1002 = arith.constant 80 : index
        %get3A_1003 = tpu.vector_load %arg17[%get3A_1001, %get3A_1002] {strides = array<i32>} : memref<128x128xf32, #tpu.memory_space<vmem>>, vector<16xf32>,
        %get3A_1004 = arith.index_cast %add3A_953 : i32 to index
        %get3A_1005 = arith.constant 96 : index
        %get3A_1006 = tpu.vector_load %arg17[%get3A_1004, %get3A_1005] {strides = array<i32>} : memref<128x128xf32, #tpu.memory_space<vmem>>, vector<16xf32>,
        %get3A_1007 = arith.index_cast %add3A_953 : i32 to index
        %get3A_1008 = arith.constant 112 : index
        %get3A_1009 = tpu.vector_load %arg17[%get3A_1007, %get3A_1008] {strides = array<i32>} : memref<128x128xf32, #tpu.memory_space<vmem>>, vector<16xf32>,
        %get3A_1010 = arith.index_cast %add3A_957 : i32 to index
        %get3A_1011 = arith.constant 0 : index
        %get3A_1012 = tpu.vector_load %arg17[%get3A_1010, %get3A_1011] {strides = array<i32>} : memref<128x128xf32, #tpu.memory_space<vmem>>, vector<16xf32>,
        %get3A_1013 = arith.index_cast %add3A_957 : i32 to index
        %get3A_1014 = arith.constant 16 : index
        %get3A_1015 = tpu.vector_load %arg17[%get3A_1013, %get3A_1014] {strides = array<i32>} : memref<128x128xf32, #tpu.memory_space<vmem>>, vector<16xf32>,
        %get3A_1016 = arith.index_cast %add3A_957 : i32 to index
        %get3A_1017 = arith.constant 32 : index
        %get3A_1018 = tpu.vector_load %arg17[%get3A_1016, %get3A_1017] {strides = array<i32>} : memref<128x128xf32, #tpu.memory_space<vmem>>, vector<16xf32>,
        %get3A_1019 = arith.index_cast %add3A_957 : i32 to index
        %get3A_1020 = arith.constant 48 : index
        %get3A_1021 = tpu.vector_load %arg17[%get3A_1019, %get3A_1020] {strides = array<i32>} : memref<128x128xf32, #tpu.memory_space<vmem>>, vector<16xf32>,
        %get3A_1022 = arith.index_cast %add3A_957 : i32 to index
        %get3A_1023 = arith.constant 64 : index
        %get3A_1024 = tpu.vector_load %arg17[%get3A_1022, %get3A_1023] {strides = array<i32>} : memref<128x128xf32, #tpu.memory_space<vmem>>, vector<16xf32>,
        %get3A_1025 = arith.index_cast %add3A_957 : i32 to index
        %get3A_1026 = arith.constant 80 : index
        %get3A_1027 = tpu.vector_load %arg17[%get3A_1025, %get3A_1026] {strides = array<i32>} : memref<128x128xf32, #tpu.memory_space<vmem>>, vector<16xf32>,
        %get3A_1028 = arith.index_cast %add3A_957 : i32 to index
        %get3A_1029 = arith.constant 96 : index
        %get3A_1030 = tpu.vector_load %arg17[%get3A_1028, %get3A_1029] {strides = array<i32>} : memref<128x128xf32, #tpu.memory_space<vmem>>, vector<16xf32>,
        %get3A_1031 = arith.index_cast %add3A_957 : i32 to index
        %get3A_1032 = arith.constant 112 : index
        %get3A_1033 = tpu.vector_load %arg17[%get3A_1031, %get3A_1032] {strides = array<i32>} : memref<128x128xf32, #tpu.memory_space<vmem>>, vector<16xf32>,
        %get3A_1034 = arith.index_cast %add3A_961 : i32 to index
        %get3A_1035 = arith.constant 0 : index
        %get3A_1036 = tpu.vector_load %arg17[%get3A_1034, %get3A_1035] {strides = array<i32>} : memref<128x128xf32, #tpu.memory_space<vmem>>, vector<16xf32>,
        %get3A_1037 = arith.index_cast %add3A_961 : i32 to index
        %get3A_1038 = arith.constant 16 : index
        %get3A_1039 = tpu.vector_load %arg17[%get3A_1037, %get3A_1038] {strides = array<i32>} : memref<128x128xf32, #tpu.memory_space<vmem>>, vector<16xf32>,
        %get3A_1040 = arith.index_cast %add3A_961 : i32 to index
        %get3A_1041 = arith.constant 32 : index
        %get3A_1042 = tpu.vector_load %arg17[%get3A_1040, %get3A_1041] {strides = array<i32>} : memref<128x128xf32, #tpu.memory_space<vmem>>, vector<16xf32>,
        %get3A_1043 = arith.index_cast %add3A_961 : i32 to index
        %get3A_1044 = arith.constant 48 : index
        %get3A_1045 = tpu.vector_load %arg17[%get3A_1043, %get3A_1044] {strides = array<i32>} : memref<128x128xf32, #tpu.memory_space<vmem>>, vector<16xf32>,
        %get3A_1046 = arith.index_cast %add3A_961 : i32 to index
        %get3A_1047 = arith.constant 64 : index
        %get3A_1048 = tpu.vector_load %arg17[%get3A_1046, %get3A_1047] {strides = array<i32>} : memref<128x128xf32, #tpu.memory_space<vmem>>, vector<16xf32>,
        %get3A_1049 = arith.index_cast %add3A_961 : i32 to index
        %get3A_1050 = arith.constant 80 : index
        %get3A_1051 = tpu.vector_load %arg17[%get3A_1049, %get3A_1050] {strides = array<i32>} : memref<128x128xf32, #tpu.memory_space<vmem>>, vector<16xf32>,
        %get3A_1052 = arith.index_cast %add3A_961 : i32 to index
        %get3A_1053 = arith.constant 96 : index
        %get3A_1054 = tpu.vector_load %arg17[%get3A_1052, %get3A_1053] {strides = array<i32>} : memref<128x128xf32, #tpu.memory_space<vmem>>, vector<16xf32>,
        %get3A_1055 = arith.index_cast %add3A_961 : i32 to index
        %get3A_1056 = arith.constant 112 : index
        %get3A_1057 = tpu.vector_load %arg17[%get3A_1055, %get3A_1056] {strides = array<i32>} : memref<128x128xf32, #tpu.memory_space<vmem>>, vector<16xf32>,
        %mul3A_1058 = arith.mulf %get3A_964, %mul3A_307 : vector<16xf32>
        %mul3A_1059 = arith.mulf %get3A_967, %mul3A_312 : vector<16xf32>
        %mul3A_1060 = arith.mulf %get3A_970, %mul3A_317 : vector<16xf32>
        %mul3A_1061 = arith.mulf %get3A_973, %mul3A_322 : vector<16xf32>
        %mul3A_1062 = arith.mulf %get3A_976, %mul3A_327 : vector<16xf32>
        %add3A_1063 = arith.addf %mul3A_1058, %mul3A_1062 : vector<16xf32>
        %mul3A_1064 = arith.mulf %get3A_979, %mul3A_332 : vector<16xf32>
        %add3A_1065 = arith.addf %mul3A_1059, %mul3A_1064 : vector<16xf32>
        %mul3A_1066 = arith.mulf %get3A_982, %mul3A_337 : vector<16xf32>
        %add3A_1067 = arith.addf %mul3A_1060, %mul3A_1066 : vector<16xf32>
        %mul3A_1068 = arith.mulf %get3A_985, %mul3A_342 : vector<16xf32>
        %add3A_1069 = arith.addf %mul3A_1061, %mul3A_1068 : vector<16xf32>
        %add3A_1070 = arith.addf %add3A_1063, %add3A_1065 : vector<16xf32>
        %add3A_1071 = arith.addf %add3A_1067, %add3A_1069 : vector<16xf32>
        %add3A_1072 = arith.addf %add3A_1070, %add3A_1071 : vector<16xf32>
        %swap3A_1073 = arith.constant 192 : index
        %swap3A_1074 = tpu.vector_load %arg24[%swap3A_1073] {strides = array<i32>} : memref<256xf32, #tpu.memory_space<vmem>>, vector<16xf32>,
        tpu.vector_store %arg24[%swap3A_1073], %add3A_1072 {strides = array<i32>} : memref<256xf32, #tpu.memory_space<vmem>>, vector<16xf32>,
        %mul3A_1075 = arith.mulf %get3A_988, %mul3A_307 : vector<16xf32>
        %mul3A_1076 = arith.mulf %get3A_991, %mul3A_312 : vector<16xf32>
        %mul3A_1077 = arith.mulf %get3A_994, %mul3A_317 : vector<16xf32>
        %mul3A_1078 = arith.mulf %get3A_997, %mul3A_322 : vector<16xf32>
        %mul3A_1079 = arith.mulf %get3A_1000, %mul3A_327 : vector<16xf32>
        %add3A_1080 = arith.addf %mul3A_1075, %mul3A_1079 : vector<16xf32>
        %mul3A_1081 = arith.mulf %get3A_1003, %mul3A_332 : vector<16xf32>
        %add3A_1082 = arith.addf %mul3A_1076, %mul3A_1081 : vector<16xf32>
        %mul3A_1083 = arith.mulf %get3A_1006, %mul3A_337 : vector<16xf32>
        %add3A_1084 = arith.addf %mul3A_1077, %mul3A_1083 : vector<16xf32>
        %mul3A_1085 = arith.mulf %get3A_1009, %mul3A_342 : vector<16xf32>
        %add3A_1086 = arith.addf %mul3A_1078, %mul3A_1085 : vector<16xf32>
        %add3A_1087 = arith.addf %add3A_1080, %add3A_1082 : vector<16xf32>
        %add3A_1088 = arith.addf %add3A_1084, %add3A_1086 : vector<16xf32>
        %add3A_1089 = arith.addf %add3A_1087, %add3A_1088 : vector<16xf32>
        %swap3A_1090 = arith.constant 208 : index
        %swap3A_1091 = tpu.vector_load %arg24[%swap3A_1090] {strides = array<i32>} : memref<256xf32, #tpu.memory_space<vmem>>, vector<16xf32>,
        tpu.vector_store %arg24[%swap3A_1090], %add3A_1089 {strides = array<i32>} : memref<256xf32, #tpu.memory_space<vmem>>, vector<16xf32>,
        %mul3A_1092 = arith.mulf %get3A_1012, %mul3A_307 : vector<16xf32>
        %mul3A_1093 = arith.mulf %get3A_1015, %mul3A_312 : vector<16xf32>
        %mul3A_1094 = arith.mulf %get3A_1018, %mul3A_317 : vector<16xf32>
        %mul3A_1095 = arith.mulf %get3A_1021, %mul3A_322 : vector<16xf32>
        %mul3A_1096 = arith.mulf %get3A_1024, %mul3A_327 : vector<16xf32>
        %add3A_1097 = arith.addf %mul3A_1092, %mul3A_1096 : vector<16xf32>
        %mul3A_1098 = arith.mulf %get3A_1027, %mul3A_332 : vector<16xf32>
        %add3A_1099 = arith.addf %mul3A_1093, %mul3A_1098 : vector<16xf32>
        %mul3A_1100 = arith.mulf %get3A_1030, %mul3A_337 : vector<16xf32>
        %add3A_1101 = arith.addf %mul3A_1094, %mul3A_1100 : vector<16xf32>
        %mul3A_1102 = arith.mulf %get3A_1033, %mul3A_342 : vector<16xf32>
        %add3A_1103 = arith.addf %mul3A_1095, %mul3A_1102 : vector<16xf32>
        %add3A_1104 = arith.addf %add3A_1097, %add3A_1099 : vector<16xf32>
        %add3A_1105 = arith.addf %add3A_1101, %add3A_1103 : vector<16xf32>
        %add3A_1106 = arith.addf %add3A_1104, %add3A_1105 : vector<16xf32>
        %swap3A_1107 = arith.constant 224 : index
        %swap3A_1108 = tpu.vector_load %arg24[%swap3A_1107] {strides = array<i32>} : memref<256xf32, #tpu.memory_space<vmem>>, vector<16xf32>,
        tpu.vector_store %arg24[%swap3A_1107], %add3A_1106 {strides = array<i32>} : memref<256xf32, #tpu.memory_space<vmem>>, vector<16xf32>,
        %mul3A_1109 = arith.mulf %get3A_1036, %mul3A_307 : vector<16xf32>
        %mul3A_1110 = arith.mulf %get3A_1039, %mul3A_312 : vector<16xf32>
        %mul3A_1111 = arith.mulf %get3A_1042, %mul3A_317 : vector<16xf32>
        %mul3A_1112 = arith.mulf %get3A_1045, %mul3A_322 : vector<16xf32>
        %mul3A_1113 = arith.mulf %get3A_1048, %mul3A_327 : vector<16xf32>
        %add3A_1114 = arith.addf %mul3A_1109, %mul3A_1113 : vector<16xf32>
        %mul3A_1115 = arith.mulf %get3A_1051, %mul3A_332 : vector<16xf32>
        %add3A_1116 = arith.addf %mul3A_1110, %mul3A_1115 : vector<16xf32>
        %mul3A_1117 = arith.mulf %get3A_1054, %mul3A_337 : vector<16xf32>
        %add3A_1118 = arith.addf %mul3A_1111, %mul3A_1117 : vector<16xf32>
        %mul3A_1119 = arith.mulf %get3A_1057, %mul3A_342 : vector<16xf32>
        %add3A_1120 = arith.addf %mul3A_1112, %mul3A_1119 : vector<16xf32>
        %add3A_1121 = arith.addf %add3A_1114, %add3A_1116 : vector<16xf32>
        %add3A_1122 = arith.addf %add3A_1118, %add3A_1120 : vector<16xf32>
        %add3A_1123 = arith.addf %add3A_1121, %add3A_1122 : vector<16xf32>
        %swap3A_1124 = arith.constant 240 : index
        %swap3A_1125 = tpu.vector_load %arg24[%swap3A_1124] {strides = array<i32>} : memref<256xf32, #tpu.memory_space<vmem>>, vector<16xf32>,
        tpu.vector_store %arg24[%swap3A_1124], %add3A_1123 {strides = array<i32>} : memref<256xf32, #tpu.memory_space<vmem>>, vector<16xf32>,
        %gather3A = tpu.vector_load_idx %arg24[%mul3A_3] : memref<256xf32, #tpu.memory_space<vmem>>[vector<16xi32>], vector<16xf32>,
        %add3A_1126 = arith.addi %mul3A_3, %broadcast_in_dim3A_359 : vector<16xi32>
        %gather3A_1127 = tpu.vector_load_idx %arg24[%add3A_1126] : memref<256xf32, #tpu.memory_space<vmem>>[vector<16xi32>], vector<16xf32>,
        %add3A_1128 = arith.addf %gather3A, %gather3A_1127 : vector<16xf32>
        %add3A_1129 = arith.addi %add3A_1126, %broadcast_in_dim3A_359 : vector<16xi32>
        %gather3A_1130 = tpu.vector_load_idx %arg24[%add3A_1129] : memref<256xf32, #tpu.memory_space<vmem>>[vector<16xi32>], vector<16xf32>,
        %add3A_1131 = arith.addf %add3A_1128, %gather3A_1130 : vector<16xf32>
        %add3A_1132 = arith.addi %add3A_1129, %broadcast_in_dim3A_359 : vector<16xi32>
        %gather3A_1133 = tpu.vector_load_idx %arg24[%add3A_1132] : memref<256xf32, #tpu.memory_space<vmem>>[vector<16xi32>], vector<16xf32>,
        %add3A_1134 = arith.addf %add3A_1131, %gather3A_1133 : vector<16xf32>
        %add3A_1135 = arith.addi %add3A_1132, %broadcast_in_dim3A_359 : vector<16xi32>
        %gather3A_1136 = tpu.vector_load_idx %arg24[%add3A_1135] : memref<256xf32, #tpu.memory_space<vmem>>[vector<16xi32>], vector<16xf32>,
        %add3A_1137 = arith.addf %add3A_1134, %gather3A_1136 : vector<16xf32>
        %add3A_1138 = arith.addi %add3A_1135, %broadcast_in_dim3A_359 : vector<16xi32>
        %gather3A_1139 = tpu.vector_load_idx %arg24[%add3A_1138] : memref<256xf32, #tpu.memory_space<vmem>>[vector<16xi32>], vector<16xf32>,
        %add3A_1140 = arith.addf %add3A_1137, %gather3A_1139 : vector<16xf32>
        %add3A_1141 = arith.addi %add3A_1138, %broadcast_in_dim3A_359 : vector<16xi32>
        %gather3A_1142 = tpu.vector_load_idx %arg24[%add3A_1141] : memref<256xf32, #tpu.memory_space<vmem>>[vector<16xi32>], vector<16xf32>,
        %add3A_1143 = arith.addf %add3A_1140, %gather3A_1142 : vector<16xf32>
        %add3A_1144 = arith.addi %add3A_1141, %broadcast_in_dim3A_359 : vector<16xi32>
        %gather3A_1145 = tpu.vector_load_idx %arg24[%add3A_1144] : memref<256xf32, #tpu.memory_space<vmem>>[vector<16xi32>], vector<16xf32>,
        %add3A_1146 = arith.addf %add3A_1143, %gather3A_1145 : vector<16xf32>
        %add3A_1147 = arith.addi %add3A_1144, %broadcast_in_dim3A_359 : vector<16xi32>
        %gather3A_1148 = tpu.vector_load_idx %arg24[%add3A_1147] : memref<256xf32, #tpu.memory_space<vmem>>[vector<16xi32>], vector<16xf32>,
        %add3A_1149 = arith.addf %add3A_1146, %gather3A_1148 : vector<16xf32>
        %add3A_1150 = arith.addi %add3A_1147, %broadcast_in_dim3A_359 : vector<16xi32>
        %gather3A_1151 = tpu.vector_load_idx %arg24[%add3A_1150] : memref<256xf32, #tpu.memory_space<vmem>>[vector<16xi32>], vector<16xf32>,
        %add3A_1152 = arith.addf %add3A_1149, %gather3A_1151 : vector<16xf32>
        %add3A_1153 = arith.addi %add3A_1150, %broadcast_in_dim3A_359 : vector<16xi32>
        %gather3A_1154 = tpu.vector_load_idx %arg24[%add3A_1153] : memref<256xf32, #tpu.memory_space<vmem>>[vector<16xi32>], vector<16xf32>,
        %add3A_1155 = arith.addf %add3A_1152, %gather3A_1154 : vector<16xf32>
        %add3A_1156 = arith.addi %add3A_1153, %broadcast_in_dim3A_359 : vector<16xi32>
        %gather3A_1157 = tpu.vector_load_idx %arg24[%add3A_1156] : memref<256xf32, #tpu.memory_space<vmem>>[vector<16xi32>], vector<16xf32>,
        %add3A_1158 = arith.addf %add3A_1155, %gather3A_1157 : vector<16xf32>
        %add3A_1159 = arith.addi %add3A_1156, %broadcast_in_dim3A_359 : vector<16xi32>
        %gather3A_1160 = tpu.vector_load_idx %arg24[%add3A_1159] : memref<256xf32, #tpu.memory_space<vmem>>[vector<16xi32>], vector<16xf32>,
        %add3A_1161 = arith.addf %add3A_1158, %gather3A_1160 : vector<16xf32>
        %add3A_1162 = arith.addi %add3A_1159, %broadcast_in_dim3A_359 : vector<16xi32>
        %gather3A_1163 = tpu.vector_load_idx %arg24[%add3A_1162] : memref<256xf32, #tpu.memory_space<vmem>>[vector<16xi32>], vector<16xf32>,
        %add3A_1164 = arith.addf %add3A_1161, %gather3A_1163 : vector<16xf32>
        %add3A_1165 = arith.addi %add3A_1162, %broadcast_in_dim3A_359 : vector<16xi32>
        %gather3A_1166 = tpu.vector_load_idx %arg24[%add3A_1165] : memref<256xf32, #tpu.memory_space<vmem>>[vector<16xi32>], vector<16xf32>,
        %add3A_1167 = arith.addf %add3A_1164, %gather3A_1166 : vector<16xf32>
        %add3A_1168 = arith.addi %add3A_1165, %broadcast_in_dim3A_359 : vector<16xi32>
        %gather3A_1169 = tpu.vector_load_idx %arg24[%add3A_1168] : memref<256xf32, #tpu.memory_space<vmem>>[vector<16xi32>], vector<16xf32>,
        %add3A_1170 = arith.addf %add3A_1167, %gather3A_1169 : vector<16xf32>
        %add3A_1171 = arith.constant 0 : i32
        %add3A_1172 = arith.addi %add3A_1171, %mul3A_406 : i32
        %swap3A_1173 = arith.index_cast %add3A_1172 : i32 to index
        %swap3A_1174 = tpu.vector_load %arg23[%swap3A_1173] {strides = array<i32>} : memref<128xf32, #tpu.memory_space<vmem>>, vector<16xf32>,
        tpu.vector_store %arg23[%swap3A_1173], %add3A_1170 {strides = array<i32>} : memref<128xf32, #tpu.memory_space<vmem>>, vector<16xf32>,
      }
      %scan3A_365 = arith.constant 8 : i32
      %shift_right_logical3A_366 = arith.constant 3 : i32
      %shift_right_logical3A_367 = arith.shrui %add3A_244, %shift_right_logical3A_366 : i32
      %and3A_368 = arith.constant 7 : i32
      %and3A_369 = arith.andi %add3A_244, %and3A_368 : i32
      %shift_right_logical3A_370 = arith.constant 0 : i32
      %shift_right_logical3A_371 = arith.shrui %and3A_369, %shift_right_logical3A_370 : i32
      %and3A_372 = arith.constant 0 : i32
      %and3A_373 = arith.andi %and3A_369, %and3A_372 : i32
      %mul3A_374 = arith.constant 128 : i32
      %mul3A_375 = arith.muli %and3A_373, %mul3A_374 : i32
      %dma_wait3A_376 = tpu.memref_slice %arg12[%shift_right_logical3A_367, %shift_right_logical3A_371, %mul3A_375] : memref<32x8x128xi32, #tpu.memory_space<vmem>> -> memref<1x1x128xi32, #tpu.memory_space<vmem>>
      %dma_wait3A_377 = tpu.memref_squeeze %dma_wait3A_376 : memref<1x1x128xi32, #tpu.memory_space<vmem>> -> memref<128xi32, #tpu.memory_space<vmem>>
      %dma_wait3A_378 = arith.constant 0 : i32
      %dma_wait3A_379 = arith.constant 0 : i32
      %dma_wait3A_380 = tpu.memref_slice %arg7[%dma_wait3A_378, %dma_wait3A_379] : memref<100000x128xf32, #tpu.memory_space<hbm>> -> memref<100000x128xf32, #tpu.memory_space<hbm>>
      tpu.wait_indirect_dma semaphore(%arg28 : memref<!tpu.dma_semaphore, #tpu.memory_space<semaphore_mem>>) src(%dma_wait3A_380 : memref<100000x128xf32, #tpu.memory_space<hbm>>) dst(%arg19 : memref<128x128xf32, #tpu.memory_space<vmem>>)
      %broadcast_in_dim3A_381 = arith.constant 1 : i32
      %broadcast_in_dim3A_382 = vector.broadcast %broadcast_in_dim3A_381 : i32 to vector<16xi32>
      %scan3A_383 = arith.constant 0 : i32
      %scan3A_384 = arith.constant 0 : i32
      %scan3A_385 = arith.constant 8 : i32
      %scan3A_386 = arith.addi %scan3A_384, %scan3A_385 : i32
      %scan3A_387 = arith.constant 1 : i32
      scf.for %scan3A_404 = %scan3A_384 to %scan3A_386 step %scan3A_387  : i32 {
        %mul3A_405 = arith.constant 16 : i32
        %mul3A_406 = arith.muli %scan3A_404, %mul3A_405 : i32
        %add3A_407 = arith.constant 0 : i32
        %add3A_408 = arith.addi %mul3A_406, %add3A_407 : i32
        %add3A_409 = arith.constant 0 : i32
        %add3A_410 = arith.addi %add3A_408, %add3A_409 : i32
        %add3A_411 = arith.constant 0 : i32
        %add3A_412 = arith.addi %mul3A_406, %add3A_411 : i32
        %add3A_413 = arith.constant 1 : i32
        %add3A_414 = arith.addi %add3A_412, %add3A_413 : i32
        %add3A_415 = arith.constant 0 : i32
        %add3A_416 = arith.addi %mul3A_406, %add3A_415 : i32
        %add3A_417 = arith.constant 2 : i32
        %add3A_418 = arith.addi %add3A_416, %add3A_417 : i32
        %add3A_419 = arith.constant 0 : i32
        %add3A_420 = arith.addi %mul3A_406, %add3A_419 : i32
        %add3A_421 = arith.constant 3 : i32
        %add3A_422 = arith.addi %add3A_420, %add3A_421 : i32
        %get3A_423 = arith.index_cast %add3A_410 : i32 to index
        %get3A_424 = arith.constant 0 : index
        %get3A_425 = tpu.vector_load %arg19[%get3A_423, %get3A_424] {strides = array<i32>} : memref<128x128xf32, #tpu.memory_space<vmem>>, vector<16xf32>,
        %get3A_426 = arith.index_cast %add3A_410 : i32 to index
        %get3A_427 = arith.constant 16 : index
        %get3A_428 = tpu.vector_load %arg19[%get3A_426, %get3A_427] {strides = array<i32>} : memref<128x128xf32, #tpu.memory_space<vmem>>, vector<16xf32>,
        %get3A_429 = arith.index_cast %add3A_410 : i32 to index
        %get3A_430 = arith.constant 32 : index
        %get3A_431 = tpu.vector_load %arg19[%get3A_429, %get3A_430] {strides = array<i32>} : memref<128x128xf32, #tpu.memory_space<vmem>>, vector<16xf32>,
        %get3A_432 = arith.index_cast %add3A_410 : i32 to index
        %get3A_433 = arith.constant 48 : index
        %get3A_434 = tpu.vector_load %arg19[%get3A_432, %get3A_433] {strides = array<i32>} : memref<128x128xf32, #tpu.memory_space<vmem>>, vector<16xf32>,
        %get3A_435 = arith.index_cast %add3A_410 : i32 to index
        %get3A_436 = arith.constant 64 : index
        %get3A_437 = tpu.vector_load %arg19[%get3A_435, %get3A_436] {strides = array<i32>} : memref<128x128xf32, #tpu.memory_space<vmem>>, vector<16xf32>,
        %get3A_438 = arith.index_cast %add3A_410 : i32 to index
        %get3A_439 = arith.constant 80 : index
        %get3A_440 = tpu.vector_load %arg19[%get3A_438, %get3A_439] {strides = array<i32>} : memref<128x128xf32, #tpu.memory_space<vmem>>, vector<16xf32>,
        %get3A_441 = arith.index_cast %add3A_410 : i32 to index
        %get3A_442 = arith.constant 96 : index
        %get3A_443 = tpu.vector_load %arg19[%get3A_441, %get3A_442] {strides = array<i32>} : memref<128x128xf32, #tpu.memory_space<vmem>>, vector<16xf32>,
        %get3A_444 = arith.index_cast %add3A_410 : i32 to index
        %get3A_445 = arith.constant 112 : index
        %get3A_446 = tpu.vector_load %arg19[%get3A_444, %get3A_445] {strides = array<i32>} : memref<128x128xf32, #tpu.memory_space<vmem>>, vector<16xf32>,
        %get3A_447 = arith.index_cast %add3A_414 : i32 to index
        %get3A_448 = arith.constant 0 : index
        %get3A_449 = tpu.vector_load %arg19[%get3A_447, %get3A_448] {strides = array<i32>} : memref<128x128xf32, #tpu.memory_space<vmem>>, vector<16xf32>,
        %get3A_450 = arith.index_cast %add3A_414 : i32 to index
        %get3A_451 = arith.constant 16 : index
        %get3A_452 = tpu.vector_load %arg19[%get3A_450, %get3A_451] {strides = array<i32>} : memref<128x128xf32, #tpu.memory_space<vmem>>, vector<16xf32>,
        %get3A_453 = arith.index_cast %add3A_414 : i32 to index
        %get3A_454 = arith.constant 32 : index
        %get3A_455 = tpu.vector_load %arg19[%get3A_453, %get3A_454] {strides = array<i32>} : memref<128x128xf32, #tpu.memory_space<vmem>>, vector<16xf32>,
        %get3A_456 = arith.index_cast %add3A_414 : i32 to index
        %get3A_457 = arith.constant 48 : index
        %get3A_458 = tpu.vector_load %arg19[%get3A_456, %get3A_457] {strides = array<i32>} : memref<128x128xf32, #tpu.memory_space<vmem>>, vector<16xf32>,
        %get3A_459 = arith.index_cast %add3A_414 : i32 to index
        %get3A_460 = arith.constant 64 : index
        %get3A_461 = tpu.vector_load %arg19[%get3A_459, %get3A_460] {strides = array<i32>} : memref<128x128xf32, #tpu.memory_space<vmem>>, vector<16xf32>,
        %get3A_462 = arith.index_cast %add3A_414 : i32 to index
        %get3A_463 = arith.constant 80 : index
        %get3A_464 = tpu.vector_load %arg19[%get3A_462, %get3A_463] {strides = array<i32>} : memref<128x128xf32, #tpu.memory_space<vmem>>, vector<16xf32>,
        %get3A_465 = arith.index_cast %add3A_414 : i32 to index
        %get3A_466 = arith.constant 96 : index
        %get3A_467 = tpu.vector_load %arg19[%get3A_465, %get3A_466] {strides = array<i32>} : memref<128x128xf32, #tpu.memory_space<vmem>>, vector<16xf32>,
        %get3A_468 = arith.index_cast %add3A_414 : i32 to index
        %get3A_469 = arith.constant 112 : index
        %get3A_470 = tpu.vector_load %arg19[%get3A_468, %get3A_469] {strides = array<i32>} : memref<128x128xf32, #tpu.memory_space<vmem>>, vector<16xf32>,
        %get3A_471 = arith.index_cast %add3A_418 : i32 to index
        %get3A_472 = arith.constant 0 : index
        %get3A_473 = tpu.vector_load %arg19[%get3A_471, %get3A_472] {strides = array<i32>} : memref<128x128xf32, #tpu.memory_space<vmem>>, vector<16xf32>,
        %get3A_474 = arith.index_cast %add3A_418 : i32 to index
        %get3A_475 = arith.constant 16 : index
        %get3A_476 = tpu.vector_load %arg19[%get3A_474, %get3A_475] {strides = array<i32>} : memref<128x128xf32, #tpu.memory_space<vmem>>, vector<16xf32>,
        %get3A_477 = arith.index_cast %add3A_418 : i32 to index
        %get3A_478 = arith.constant 32 : index
        %get3A_479 = tpu.vector_load %arg19[%get3A_477, %get3A_478] {strides = array<i32>} : memref<128x128xf32, #tpu.memory_space<vmem>>, vector<16xf32>,
        %get3A_480 = arith.index_cast %add3A_418 : i32 to index
        %get3A_481 = arith.constant 48 : index
        %get3A_482 = tpu.vector_load %arg19[%get3A_480, %get3A_481] {strides = array<i32>} : memref<128x128xf32, #tpu.memory_space<vmem>>, vector<16xf32>,
        %get3A_483 = arith.index_cast %add3A_418 : i32 to index
        %get3A_484 = arith.constant 64 : index
        %get3A_485 = tpu.vector_load %arg19[%get3A_483, %get3A_484] {strides = array<i32>} : memref<128x128xf32, #tpu.memory_space<vmem>>, vector<16xf32>,
        %get3A_486 = arith.index_cast %add3A_418 : i32 to index
        %get3A_487 = arith.constant 80 : index
        %get3A_488 = tpu.vector_load %arg19[%get3A_486, %get3A_487] {strides = array<i32>} : memref<128x128xf32, #tpu.memory_space<vmem>>, vector<16xf32>,
        %get3A_489 = arith.index_cast %add3A_418 : i32 to index
        %get3A_490 = arith.constant 96 : index
        %get3A_491 = tpu.vector_load %arg19[%get3A_489, %get3A_490] {strides = array<i32>} : memref<128x128xf32, #tpu.memory_space<vmem>>, vector<16xf32>,
        %get3A_492 = arith.index_cast %add3A_418 : i32 to index
        %get3A_493 = arith.constant 112 : index
        %get3A_494 = tpu.vector_load %arg19[%get3A_492, %get3A_493] {strides = array<i32>} : memref<128x128xf32, #tpu.memory_space<vmem>>, vector<16xf32>,
        %get3A_495 = arith.index_cast %add3A_422 : i32 to index
        %get3A_496 = arith.constant 0 : index
        %get3A_497 = tpu.vector_load %arg19[%get3A_495, %get3A_496] {strides = array<i32>} : memref<128x128xf32, #tpu.memory_space<vmem>>, vector<16xf32>,
        %get3A_498 = arith.index_cast %add3A_422 : i32 to index
        %get3A_499 = arith.constant 16 : index
        %get3A_500 = tpu.vector_load %arg19[%get3A_498, %get3A_499] {strides = array<i32>} : memref<128x128xf32, #tpu.memory_space<vmem>>, vector<16xf32>,
        %get3A_501 = arith.index_cast %add3A_422 : i32 to index
        %get3A_502 = arith.constant 32 : index
        %get3A_503 = tpu.vector_load %arg19[%get3A_501, %get3A_502] {strides = array<i32>} : memref<128x128xf32, #tpu.memory_space<vmem>>, vector<16xf32>,
        %get3A_504 = arith.index_cast %add3A_422 : i32 to index
        %get3A_505 = arith.constant 48 : index
        %get3A_506 = tpu.vector_load %arg19[%get3A_504, %get3A_505] {strides = array<i32>} : memref<128x128xf32, #tpu.memory_space<vmem>>, vector<16xf32>,
        %get3A_507 = arith.index_cast %add3A_422 : i32 to index
        %get3A_508 = arith.constant 64 : index
        %get3A_509 = tpu.vector_load %arg19[%get3A_507, %get3A_508] {strides = array<i32>} : memref<128x128xf32, #tpu.memory_space<vmem>>, vector<16xf32>,
        %get3A_510 = arith.index_cast %add3A_422 : i32 to index
        %get3A_511 = arith.constant 80 : index
        %get3A_512 = tpu.vector_load %arg19[%get3A_510, %get3A_511] {strides = array<i32>} : memref<128x128xf32, #tpu.memory_space<vmem>>, vector<16xf32>,
        %get3A_513 = arith.index_cast %add3A_422 : i32 to index
        %get3A_514 = arith.constant 96 : index
        %get3A_515 = tpu.vector_load %arg19[%get3A_513, %get3A_514] {strides = array<i32>} : memref<128x128xf32, #tpu.memory_space<vmem>>, vector<16xf32>,
        %get3A_516 = arith.index_cast %add3A_422 : i32 to index
        %get3A_517 = arith.constant 112 : index
        %get3A_518 = tpu.vector_load %arg19[%get3A_516, %get3A_517] {strides = array<i32>} : memref<128x128xf32, #tpu.memory_space<vmem>>, vector<16xf32>,
        %mul3A_519 = arith.mulf %get3A_425, %mul3A_267 : vector<16xf32>
        %mul3A_520 = arith.mulf %get3A_428, %mul3A_272 : vector<16xf32>
        %mul3A_521 = arith.mulf %get3A_431, %mul3A_277 : vector<16xf32>
        %mul3A_522 = arith.mulf %get3A_434, %mul3A_282 : vector<16xf32>
        %mul3A_523 = arith.mulf %get3A_437, %mul3A_287 : vector<16xf32>
        %add3A_524 = arith.addf %mul3A_519, %mul3A_523 : vector<16xf32>
        %mul3A_525 = arith.mulf %get3A_440, %mul3A_292 : vector<16xf32>
        %add3A_526 = arith.addf %mul3A_520, %mul3A_525 : vector<16xf32>
        %mul3A_527 = arith.mulf %get3A_443, %mul3A_297 : vector<16xf32>
        %add3A_528 = arith.addf %mul3A_521, %mul3A_527 : vector<16xf32>
        %mul3A_529 = arith.mulf %get3A_446, %mul3A_302 : vector<16xf32>
        %add3A_530 = arith.addf %mul3A_522, %mul3A_529 : vector<16xf32>
        %add3A_531 = arith.addf %add3A_524, %add3A_526 : vector<16xf32>
        %add3A_532 = arith.addf %add3A_528, %add3A_530 : vector<16xf32>
        %add3A_533 = arith.addf %add3A_531, %add3A_532 : vector<16xf32>
        %swap3A = arith.constant 0 : index
        %swap3A_534 = tpu.vector_load %arg24[%swap3A] {strides = array<i32>} : memref<256xf32, #tpu.memory_space<vmem>>, vector<16xf32>,
        tpu.vector_store %arg24[%swap3A], %add3A_533 {strides = array<i32>} : memref<256xf32, #tpu.memory_space<vmem>>, vector<16xf32>,
        %mul3A_535 = arith.mulf %get3A_449, %mul3A_267 : vector<16xf32>
        %mul3A_536 = arith.mulf %get3A_452, %mul3A_272 : vector<16xf32>
        %mul3A_537 = arith.mulf %get3A_455, %mul3A_277 : vector<16xf32>
        %mul3A_538 = arith.mulf %get3A_458, %mul3A_282 : vector<16xf32>
        %mul3A_539 = arith.mulf %get3A_461, %mul3A_287 : vector<16xf32>
        %add3A_540 = arith.addf %mul3A_535, %mul3A_539 : vector<16xf32>
        %mul3A_541 = arith.mulf %get3A_464, %mul3A_292 : vector<16xf32>
        %add3A_542 = arith.addf %mul3A_536, %mul3A_541 : vector<16xf32>
        %mul3A_543 = arith.mulf %get3A_467, %mul3A_297 : vector<16xf32>
        %add3A_544 = arith.addf %mul3A_537, %mul3A_543 : vector<16xf32>
        %mul3A_545 = arith.mulf %get3A_470, %mul3A_302 : vector<16xf32>
        %add3A_546 = arith.addf %mul3A_538, %mul3A_545 : vector<16xf32>
        %add3A_547 = arith.addf %add3A_540, %add3A_542 : vector<16xf32>
        %add3A_548 = arith.addf %add3A_544, %add3A_546 : vector<16xf32>
        %add3A_549 = arith.addf %add3A_547, %add3A_548 : vector<16xf32>
        %swap3A_550 = arith.constant 16 : index
        %swap3A_551 = tpu.vector_load %arg24[%swap3A_550] {strides = array<i32>} : memref<256xf32, #tpu.memory_space<vmem>>, vector<16xf32>,
        tpu.vector_store %arg24[%swap3A_550], %add3A_549 {strides = array<i32>} : memref<256xf32, #tpu.memory_space<vmem>>, vector<16xf32>,
        %mul3A_552 = arith.mulf %get3A_473, %mul3A_267 : vector<16xf32>
        %mul3A_553 = arith.mulf %get3A_476, %mul3A_272 : vector<16xf32>
        %mul3A_554 = arith.mulf %get3A_479, %mul3A_277 : vector<16xf32>
        %mul3A_555 = arith.mulf %get3A_482, %mul3A_282 : vector<16xf32>
        %mul3A_556 = arith.mulf %get3A_485, %mul3A_287 : vector<16xf32>
        %add3A_557 = arith.addf %mul3A_552, %mul3A_556 : vector<16xf32>
        %mul3A_558 = arith.mulf %get3A_488, %mul3A_292 : vector<16xf32>
        %add3A_559 = arith.addf %mul3A_553, %mul3A_558 : vector<16xf32>
        %mul3A_560 = arith.mulf %get3A_491, %mul3A_297 : vector<16xf32>
        %add3A_561 = arith.addf %mul3A_554, %mul3A_560 : vector<16xf32>
        %mul3A_562 = arith.mulf %get3A_494, %mul3A_302 : vector<16xf32>
        %add3A_563 = arith.addf %mul3A_555, %mul3A_562 : vector<16xf32>
        %add3A_564 = arith.addf %add3A_557, %add3A_559 : vector<16xf32>
        %add3A_565 = arith.addf %add3A_561, %add3A_563 : vector<16xf32>
        %add3A_566 = arith.addf %add3A_564, %add3A_565 : vector<16xf32>
        %swap3A_567 = arith.constant 32 : index
        %swap3A_568 = tpu.vector_load %arg24[%swap3A_567] {strides = array<i32>} : memref<256xf32, #tpu.memory_space<vmem>>, vector<16xf32>,
        tpu.vector_store %arg24[%swap3A_567], %add3A_566 {strides = array<i32>} : memref<256xf32, #tpu.memory_space<vmem>>, vector<16xf32>,
        %mul3A_569 = arith.mulf %get3A_497, %mul3A_267 : vector<16xf32>
        %mul3A_570 = arith.mulf %get3A_500, %mul3A_272 : vector<16xf32>
        %mul3A_571 = arith.mulf %get3A_503, %mul3A_277 : vector<16xf32>
        %mul3A_572 = arith.mulf %get3A_506, %mul3A_282 : vector<16xf32>
        %mul3A_573 = arith.mulf %get3A_509, %mul3A_287 : vector<16xf32>
        %add3A_574 = arith.addf %mul3A_569, %mul3A_573 : vector<16xf32>
        %mul3A_575 = arith.mulf %get3A_512, %mul3A_292 : vector<16xf32>
        %add3A_576 = arith.addf %mul3A_570, %mul3A_575 : vector<16xf32>
        %mul3A_577 = arith.mulf %get3A_515, %mul3A_297 : vector<16xf32>
        %add3A_578 = arith.addf %mul3A_571, %mul3A_577 : vector<16xf32>
        %mul3A_579 = arith.mulf %get3A_518, %mul3A_302 : vector<16xf32>
        %add3A_580 = arith.addf %mul3A_572, %mul3A_579 : vector<16xf32>
        %add3A_581 = arith.addf %add3A_574, %add3A_576 : vector<16xf32>
        %add3A_582 = arith.addf %add3A_578, %add3A_580 : vector<16xf32>
        %add3A_583 = arith.addf %add3A_581, %add3A_582 : vector<16xf32>
        %swap3A_584 = arith.constant 48 : index
        %swap3A_585 = tpu.vector_load %arg24[%swap3A_584] {strides = array<i32>} : memref<256xf32, #tpu.memory_space<vmem>>, vector<16xf32>,
        tpu.vector_store %arg24[%swap3A_584], %add3A_583 {strides = array<i32>} : memref<256xf32, #tpu.memory_space<vmem>>, vector<16xf32>,
        %add3A_586 = arith.constant 4 : i32
        %add3A_587 = arith.addi %mul3A_406, %add3A_586 : i32
        %add3A_588 = arith.constant 0 : i32
        %add3A_589 = arith.addi %add3A_587, %add3A_588 : i32
        %add3A_590 = arith.constant 4 : i32
        %add3A_591 = arith.addi %mul3A_406, %add3A_590 : i32
        %add3A_592 = arith.constant 1 : i32
        %add3A_593 = arith.addi %add3A_591, %add3A_592 : i32
        %add3A_594 = arith.constant 4 : i32
        %add3A_595 = arith.addi %mul3A_406, %add3A_594 : i32
        %add3A_596 = arith.constant 2 : i32
        %add3A_597 = arith.addi %add3A_595, %add3A_596 : i32
        %add3A_598 = arith.constant 4 : i32
        %add3A_599 = arith.addi %mul3A_406, %add3A_598 : i32
        %add3A_600 = arith.constant 3 : i32
        %add3A_601 = arith.addi %add3A_599, %add3A_600 : i32
        %get3A_602 = arith.index_cast %add3A_589 : i32 to index
        %get3A_603 = arith.constant 0 : index
        %get3A_604 = tpu.vector_load %arg19[%get3A_602, %get3A_603] {strides = array<i32>} : memref<128x128xf32, #tpu.memory_space<vmem>>, vector<16xf32>,
        %get3A_605 = arith.index_cast %add3A_589 : i32 to index
        %get3A_606 = arith.constant 16 : index
        %get3A_607 = tpu.vector_load %arg19[%get3A_605, %get3A_606] {strides = array<i32>} : memref<128x128xf32, #tpu.memory_space<vmem>>, vector<16xf32>,
        %get3A_608 = arith.index_cast %add3A_589 : i32 to index
        %get3A_609 = arith.constant 32 : index
        %get3A_610 = tpu.vector_load %arg19[%get3A_608, %get3A_609] {strides = array<i32>} : memref<128x128xf32, #tpu.memory_space<vmem>>, vector<16xf32>,
        %get3A_611 = arith.index_cast %add3A_589 : i32 to index
        %get3A_612 = arith.constant 48 : index
        %get3A_613 = tpu.vector_load %arg19[%get3A_611, %get3A_612] {strides = array<i32>} : memref<128x128xf32, #tpu.memory_space<vmem>>, vector<16xf32>,
        %get3A_614 = arith.index_cast %add3A_589 : i32 to index
        %get3A_615 = arith.constant 64 : index
        %get3A_616 = tpu.vector_load %arg19[%get3A_614, %get3A_615] {strides = array<i32>} : memref<128x128xf32, #tpu.memory_space<vmem>>, vector<16xf32>,
        %get3A_617 = arith.index_cast %add3A_589 : i32 to index
        %get3A_618 = arith.constant 80 : index
        %get3A_619 = tpu.vector_load %arg19[%get3A_617, %get3A_618] {strides = array<i32>} : memref<128x128xf32, #tpu.memory_space<vmem>>, vector<16xf32>,
        %get3A_620 = arith.index_cast %add3A_589 : i32 to index
        %get3A_621 = arith.constant 96 : index
        %get3A_622 = tpu.vector_load %arg19[%get3A_620, %get3A_621] {strides = array<i32>} : memref<128x128xf32, #tpu.memory_space<vmem>>, vector<16xf32>,
        %get3A_623 = arith.index_cast %add3A_589 : i32 to index
        %get3A_624 = arith.constant 112 : index
        %get3A_625 = tpu.vector_load %arg19[%get3A_623, %get3A_624] {strides = array<i32>} : memref<128x128xf32, #tpu.memory_space<vmem>>, vector<16xf32>,
        %get3A_626 = arith.index_cast %add3A_593 : i32 to index
        %get3A_627 = arith.constant 0 : index
        %get3A_628 = tpu.vector_load %arg19[%get3A_626, %get3A_627] {strides = array<i32>} : memref<128x128xf32, #tpu.memory_space<vmem>>, vector<16xf32>,
        %get3A_629 = arith.index_cast %add3A_593 : i32 to index
        %get3A_630 = arith.constant 16 : index
        %get3A_631 = tpu.vector_load %arg19[%get3A_629, %get3A_630] {strides = array<i32>} : memref<128x128xf32, #tpu.memory_space<vmem>>, vector<16xf32>,
        %get3A_632 = arith.index_cast %add3A_593 : i32 to index
        %get3A_633 = arith.constant 32 : index
        %get3A_634 = tpu.vector_load %arg19[%get3A_632, %get3A_633] {strides = array<i32>} : memref<128x128xf32, #tpu.memory_space<vmem>>, vector<16xf32>,
        %get3A_635 = arith.index_cast %add3A_593 : i32 to index
        %get3A_636 = arith.constant 48 : index
        %get3A_637 = tpu.vector_load %arg19[%get3A_635, %get3A_636] {strides = array<i32>} : memref<128x128xf32, #tpu.memory_space<vmem>>, vector<16xf32>,
        %get3A_638 = arith.index_cast %add3A_593 : i32 to index
        %get3A_639 = arith.constant 64 : index
        %get3A_640 = tpu.vector_load %arg19[%get3A_638, %get3A_639] {strides = array<i32>} : memref<128x128xf32, #tpu.memory_space<vmem>>, vector<16xf32>,
        %get3A_641 = arith.index_cast %add3A_593 : i32 to index
        %get3A_642 = arith.constant 80 : index
        %get3A_643 = tpu.vector_load %arg19[%get3A_641, %get3A_642] {strides = array<i32>} : memref<128x128xf32, #tpu.memory_space<vmem>>, vector<16xf32>,
        %get3A_644 = arith.index_cast %add3A_593 : i32 to index
        %get3A_645 = arith.constant 96 : index
        %get3A_646 = tpu.vector_load %arg19[%get3A_644, %get3A_645] {strides = array<i32>} : memref<128x128xf32, #tpu.memory_space<vmem>>, vector<16xf32>,
        %get3A_647 = arith.index_cast %add3A_593 : i32 to index
        %get3A_648 = arith.constant 112 : index
        %get3A_649 = tpu.vector_load %arg19[%get3A_647, %get3A_648] {strides = array<i32>} : memref<128x128xf32, #tpu.memory_space<vmem>>, vector<16xf32>,
        %get3A_650 = arith.index_cast %add3A_597 : i32 to index
        %get3A_651 = arith.constant 0 : index
        %get3A_652 = tpu.vector_load %arg19[%get3A_650, %get3A_651] {strides = array<i32>} : memref<128x128xf32, #tpu.memory_space<vmem>>, vector<16xf32>,
        %get3A_653 = arith.index_cast %add3A_597 : i32 to index
        %get3A_654 = arith.constant 16 : index
        %get3A_655 = tpu.vector_load %arg19[%get3A_653, %get3A_654] {strides = array<i32>} : memref<128x128xf32, #tpu.memory_space<vmem>>, vector<16xf32>,
        %get3A_656 = arith.index_cast %add3A_597 : i32 to index
        %get3A_657 = arith.constant 32 : index
        %get3A_658 = tpu.vector_load %arg19[%get3A_656, %get3A_657] {strides = array<i32>} : memref<128x128xf32, #tpu.memory_space<vmem>>, vector<16xf32>,
        %get3A_659 = arith.index_cast %add3A_597 : i32 to index
        %get3A_660 = arith.constant 48 : index
        %get3A_661 = tpu.vector_load %arg19[%get3A_659, %get3A_660] {strides = array<i32>} : memref<128x128xf32, #tpu.memory_space<vmem>>, vector<16xf32>,
        %get3A_662 = arith.index_cast %add3A_597 : i32 to index
        %get3A_663 = arith.constant 64 : index
        %get3A_664 = tpu.vector_load %arg19[%get3A_662, %get3A_663] {strides = array<i32>} : memref<128x128xf32, #tpu.memory_space<vmem>>, vector<16xf32>,
        %get3A_665 = arith.index_cast %add3A_597 : i32 to index
        %get3A_666 = arith.constant 80 : index
        %get3A_667 = tpu.vector_load %arg19[%get3A_665, %get3A_666] {strides = array<i32>} : memref<128x128xf32, #tpu.memory_space<vmem>>, vector<16xf32>,
        %get3A_668 = arith.index_cast %add3A_597 : i32 to index
        %get3A_669 = arith.constant 96 : index
        %get3A_670 = tpu.vector_load %arg19[%get3A_668, %get3A_669] {strides = array<i32>} : memref<128x128xf32, #tpu.memory_space<vmem>>, vector<16xf32>,
        %get3A_671 = arith.index_cast %add3A_597 : i32 to index
        %get3A_672 = arith.constant 112 : index
        %get3A_673 = tpu.vector_load %arg19[%get3A_671, %get3A_672] {strides = array<i32>} : memref<128x128xf32, #tpu.memory_space<vmem>>, vector<16xf32>,
        %get3A_674 = arith.index_cast %add3A_601 : i32 to index
        %get3A_675 = arith.constant 0 : index
        %get3A_676 = tpu.vector_load %arg19[%get3A_674, %get3A_675] {strides = array<i32>} : memref<128x128xf32, #tpu.memory_space<vmem>>, vector<16xf32>,
        %get3A_677 = arith.index_cast %add3A_601 : i32 to index
        %get3A_678 = arith.constant 16 : index
        %get3A_679 = tpu.vector_load %arg19[%get3A_677, %get3A_678] {strides = array<i32>} : memref<128x128xf32, #tpu.memory_space<vmem>>, vector<16xf32>,
        %get3A_680 = arith.index_cast %add3A_601 : i32 to index
        %get3A_681 = arith.constant 32 : index
        %get3A_682 = tpu.vector_load %arg19[%get3A_680, %get3A_681] {strides = array<i32>} : memref<128x128xf32, #tpu.memory_space<vmem>>, vector<16xf32>,
        %get3A_683 = arith.index_cast %add3A_601 : i32 to index
        %get3A_684 = arith.constant 48 : index
        %get3A_685 = tpu.vector_load %arg19[%get3A_683, %get3A_684] {strides = array<i32>} : memref<128x128xf32, #tpu.memory_space<vmem>>, vector<16xf32>,
        %get3A_686 = arith.index_cast %add3A_601 : i32 to index
        %get3A_687 = arith.constant 64 : index
        %get3A_688 = tpu.vector_load %arg19[%get3A_686, %get3A_687] {strides = array<i32>} : memref<128x128xf32, #tpu.memory_space<vmem>>, vector<16xf32>,
        %get3A_689 = arith.index_cast %add3A_601 : i32 to index
        %get3A_690 = arith.constant 80 : index
        %get3A_691 = tpu.vector_load %arg19[%get3A_689, %get3A_690] {strides = array<i32>} : memref<128x128xf32, #tpu.memory_space<vmem>>, vector<16xf32>,
        %get3A_692 = arith.index_cast %add3A_601 : i32 to index
        %get3A_693 = arith.constant 96 : index
        %get3A_694 = tpu.vector_load %arg19[%get3A_692, %get3A_693] {strides = array<i32>} : memref<128x128xf32, #tpu.memory_space<vmem>>, vector<16xf32>,
        %get3A_695 = arith.index_cast %add3A_601 : i32 to index
        %get3A_696 = arith.constant 112 : index
        %get3A_697 = tpu.vector_load %arg19[%get3A_695, %get3A_696] {strides = array<i32>} : memref<128x128xf32, #tpu.memory_space<vmem>>, vector<16xf32>,
        %mul3A_698 = arith.mulf %get3A_604, %mul3A_267 : vector<16xf32>
        %mul3A_699 = arith.mulf %get3A_607, %mul3A_272 : vector<16xf32>
        %mul3A_700 = arith.mulf %get3A_610, %mul3A_277 : vector<16xf32>
        %mul3A_701 = arith.mulf %get3A_613, %mul3A_282 : vector<16xf32>
        %mul3A_702 = arith.mulf %get3A_616, %mul3A_287 : vector<16xf32>
        %add3A_703 = arith.addf %mul3A_698, %mul3A_702 : vector<16xf32>
        %mul3A_704 = arith.mulf %get3A_619, %mul3A_292 : vector<16xf32>
        %add3A_705 = arith.addf %mul3A_699, %mul3A_704 : vector<16xf32>
        %mul3A_706 = arith.mulf %get3A_622, %mul3A_297 : vector<16xf32>
        %add3A_707 = arith.addf %mul3A_700, %mul3A_706 : vector<16xf32>
        %mul3A_708 = arith.mulf %get3A_625, %mul3A_302 : vector<16xf32>
        %add3A_709 = arith.addf %mul3A_701, %mul3A_708 : vector<16xf32>
        %add3A_710 = arith.addf %add3A_703, %add3A_705 : vector<16xf32>
        %add3A_711 = arith.addf %add3A_707, %add3A_709 : vector<16xf32>
        %add3A_712 = arith.addf %add3A_710, %add3A_711 : vector<16xf32>
        %swap3A_713 = arith.constant 64 : index
        %swap3A_714 = tpu.vector_load %arg24[%swap3A_713] {strides = array<i32>} : memref<256xf32, #tpu.memory_space<vmem>>, vector<16xf32>,
        tpu.vector_store %arg24[%swap3A_713], %add3A_712 {strides = array<i32>} : memref<256xf32, #tpu.memory_space<vmem>>, vector<16xf32>,
        %mul3A_715 = arith.mulf %get3A_628, %mul3A_267 : vector<16xf32>
        %mul3A_716 = arith.mulf %get3A_631, %mul3A_272 : vector<16xf32>
        %mul3A_717 = arith.mulf %get3A_634, %mul3A_277 : vector<16xf32>
        %mul3A_718 = arith.mulf %get3A_637, %mul3A_282 : vector<16xf32>
        %mul3A_719 = arith.mulf %get3A_640, %mul3A_287 : vector<16xf32>
        %add3A_720 = arith.addf %mul3A_715, %mul3A_719 : vector<16xf32>
        %mul3A_721 = arith.mulf %get3A_643, %mul3A_292 : vector<16xf32>
        %add3A_722 = arith.addf %mul3A_716, %mul3A_721 : vector<16xf32>
        %mul3A_723 = arith.mulf %get3A_646, %mul3A_297 : vector<16xf32>
        %add3A_724 = arith.addf %mul3A_717, %mul3A_723 : vector<16xf32>
        %mul3A_725 = arith.mulf %get3A_649, %mul3A_302 : vector<16xf32>
        %add3A_726 = arith.addf %mul3A_718, %mul3A_725 : vector<16xf32>
        %add3A_727 = arith.addf %add3A_720, %add3A_722 : vector<16xf32>
        %add3A_728 = arith.addf %add3A_724, %add3A_726 : vector<16xf32>
        %add3A_729 = arith.addf %add3A_727, %add3A_728 : vector<16xf32>
        %swap3A_730 = arith.constant 80 : index
        %swap3A_731 = tpu.vector_load %arg24[%swap3A_730] {strides = array<i32>} : memref<256xf32, #tpu.memory_space<vmem>>, vector<16xf32>,
        tpu.vector_store %arg24[%swap3A_730], %add3A_729 {strides = array<i32>} : memref<256xf32, #tpu.memory_space<vmem>>, vector<16xf32>,
        %mul3A_732 = arith.mulf %get3A_652, %mul3A_267 : vector<16xf32>
        %mul3A_733 = arith.mulf %get3A_655, %mul3A_272 : vector<16xf32>
        %mul3A_734 = arith.mulf %get3A_658, %mul3A_277 : vector<16xf32>
        %mul3A_735 = arith.mulf %get3A_661, %mul3A_282 : vector<16xf32>
        %mul3A_736 = arith.mulf %get3A_664, %mul3A_287 : vector<16xf32>
        %add3A_737 = arith.addf %mul3A_732, %mul3A_736 : vector<16xf32>
        %mul3A_738 = arith.mulf %get3A_667, %mul3A_292 : vector<16xf32>
        %add3A_739 = arith.addf %mul3A_733, %mul3A_738 : vector<16xf32>
        %mul3A_740 = arith.mulf %get3A_670, %mul3A_297 : vector<16xf32>
        %add3A_741 = arith.addf %mul3A_734, %mul3A_740 : vector<16xf32>
        %mul3A_742 = arith.mulf %get3A_673, %mul3A_302 : vector<16xf32>
        %add3A_743 = arith.addf %mul3A_735, %mul3A_742 : vector<16xf32>
        %add3A_744 = arith.addf %add3A_737, %add3A_739 : vector<16xf32>
        %add3A_745 = arith.addf %add3A_741, %add3A_743 : vector<16xf32>
        %add3A_746 = arith.addf %add3A_744, %add3A_745 : vector<16xf32>
        %swap3A_747 = arith.constant 96 : index
        %swap3A_748 = tpu.vector_load %arg24[%swap3A_747] {strides = array<i32>} : memref<256xf32, #tpu.memory_space<vmem>>, vector<16xf32>,
        tpu.vector_store %arg24[%swap3A_747], %add3A_746 {strides = array<i32>} : memref<256xf32, #tpu.memory_space<vmem>>, vector<16xf32>,
        %mul3A_749 = arith.mulf %get3A_676, %mul3A_267 : vector<16xf32>
        %mul3A_750 = arith.mulf %get3A_679, %mul3A_272 : vector<16xf32>
        %mul3A_751 = arith.mulf %get3A_682, %mul3A_277 : vector<16xf32>
        %mul3A_752 = arith.mulf %get3A_685, %mul3A_282 : vector<16xf32>
        %mul3A_753 = arith.mulf %get3A_688, %mul3A_287 : vector<16xf32>
        %add3A_754 = arith.addf %mul3A_749, %mul3A_753 : vector<16xf32>
        %mul3A_755 = arith.mulf %get3A_691, %mul3A_292 : vector<16xf32>
        %add3A_756 = arith.addf %mul3A_750, %mul3A_755 : vector<16xf32>
        %mul3A_757 = arith.mulf %get3A_694, %mul3A_297 : vector<16xf32>
        %add3A_758 = arith.addf %mul3A_751, %mul3A_757 : vector<16xf32>
        %mul3A_759 = arith.mulf %get3A_697, %mul3A_302 : vector<16xf32>
        %add3A_760 = arith.addf %mul3A_752, %mul3A_759 : vector<16xf32>
        %add3A_761 = arith.addf %add3A_754, %add3A_756 : vector<16xf32>
        %add3A_762 = arith.addf %add3A_758, %add3A_760 : vector<16xf32>
        %add3A_763 = arith.addf %add3A_761, %add3A_762 : vector<16xf32>
        %swap3A_764 = arith.constant 112 : index
        %swap3A_765 = tpu.vector_load %arg24[%swap3A_764] {strides = array<i32>} : memref<256xf32, #tpu.memory_space<vmem>>, vector<16xf32>,
        tpu.vector_store %arg24[%swap3A_764], %add3A_763 {strides = array<i32>} : memref<256xf32, #tpu.memory_space<vmem>>, vector<16xf32>,
        %add3A_766 = arith.constant 8 : i32
        %add3A_767 = arith.addi %mul3A_406, %add3A_766 : i32
        %add3A_768 = arith.constant 0 : i32
        %add3A_769 = arith.addi %add3A_767, %add3A_768 : i32
        %add3A_770 = arith.constant 8 : i32
        %add3A_771 = arith.addi %mul3A_406, %add3A_770 : i32
        %add3A_772 = arith.constant 1 : i32
        %add3A_773 = arith.addi %add3A_771, %add3A_772 : i32
        %add3A_774 = arith.constant 8 : i32
        %add3A_775 = arith.addi %mul3A_406, %add3A_774 : i32
        %add3A_776 = arith.constant 2 : i32
        %add3A_777 = arith.addi %add3A_775, %add3A_776 : i32
        %add3A_778 = arith.constant 8 : i32
        %add3A_779 = arith.addi %mul3A_406, %add3A_778 : i32
        %add3A_780 = arith.constant 3 : i32
        %add3A_781 = arith.addi %add3A_779, %add3A_780 : i32
        %get3A_782 = arith.index_cast %add3A_769 : i32 to index
        %get3A_783 = arith.constant 0 : index
        %get3A_784 = tpu.vector_load %arg19[%get3A_782, %get3A_783] {strides = array<i32>} : memref<128x128xf32, #tpu.memory_space<vmem>>, vector<16xf32>,
        %get3A_785 = arith.index_cast %add3A_769 : i32 to index
        %get3A_786 = arith.constant 16 : index
        %get3A_787 = tpu.vector_load %arg19[%get3A_785, %get3A_786] {strides = array<i32>} : memref<128x128xf32, #tpu.memory_space<vmem>>, vector<16xf32>,
        %get3A_788 = arith.index_cast %add3A_769 : i32 to index
        %get3A_789 = arith.constant 32 : index
        %get3A_790 = tpu.vector_load %arg19[%get3A_788, %get3A_789] {strides = array<i32>} : memref<128x128xf32, #tpu.memory_space<vmem>>, vector<16xf32>,
        %get3A_791 = arith.index_cast %add3A_769 : i32 to index
        %get3A_792 = arith.constant 48 : index
        %get3A_793 = tpu.vector_load %arg19[%get3A_791, %get3A_792] {strides = array<i32>} : memref<128x128xf32, #tpu.memory_space<vmem>>, vector<16xf32>,
        %get3A_794 = arith.index_cast %add3A_769 : i32 to index
        %get3A_795 = arith.constant 64 : index
        %get3A_796 = tpu.vector_load %arg19[%get3A_794, %get3A_795] {strides = array<i32>} : memref<128x128xf32, #tpu.memory_space<vmem>>, vector<16xf32>,
        %get3A_797 = arith.index_cast %add3A_769 : i32 to index
        %get3A_798 = arith.constant 80 : index
        %get3A_799 = tpu.vector_load %arg19[%get3A_797, %get3A_798] {strides = array<i32>} : memref<128x128xf32, #tpu.memory_space<vmem>>, vector<16xf32>,
        %get3A_800 = arith.index_cast %add3A_769 : i32 to index
        %get3A_801 = arith.constant 96 : index
        %get3A_802 = tpu.vector_load %arg19[%get3A_800, %get3A_801] {strides = array<i32>} : memref<128x128xf32, #tpu.memory_space<vmem>>, vector<16xf32>,
        %get3A_803 = arith.index_cast %add3A_769 : i32 to index
        %get3A_804 = arith.constant 112 : index
        %get3A_805 = tpu.vector_load %arg19[%get3A_803, %get3A_804] {strides = array<i32>} : memref<128x128xf32, #tpu.memory_space<vmem>>, vector<16xf32>,
        %get3A_806 = arith.index_cast %add3A_773 : i32 to index
        %get3A_807 = arith.constant 0 : index
        %get3A_808 = tpu.vector_load %arg19[%get3A_806, %get3A_807] {strides = array<i32>} : memref<128x128xf32, #tpu.memory_space<vmem>>, vector<16xf32>,
        %get3A_809 = arith.index_cast %add3A_773 : i32 to index
        %get3A_810 = arith.constant 16 : index
        %get3A_811 = tpu.vector_load %arg19[%get3A_809, %get3A_810] {strides = array<i32>} : memref<128x128xf32, #tpu.memory_space<vmem>>, vector<16xf32>,
        %get3A_812 = arith.index_cast %add3A_773 : i32 to index
        %get3A_813 = arith.constant 32 : index
        %get3A_814 = tpu.vector_load %arg19[%get3A_812, %get3A_813] {strides = array<i32>} : memref<128x128xf32, #tpu.memory_space<vmem>>, vector<16xf32>,
        %get3A_815 = arith.index_cast %add3A_773 : i32 to index
        %get3A_816 = arith.constant 48 : index
        %get3A_817 = tpu.vector_load %arg19[%get3A_815, %get3A_816] {strides = array<i32>} : memref<128x128xf32, #tpu.memory_space<vmem>>, vector<16xf32>,
        %get3A_818 = arith.index_cast %add3A_773 : i32 to index
        %get3A_819 = arith.constant 64 : index
        %get3A_820 = tpu.vector_load %arg19[%get3A_818, %get3A_819] {strides = array<i32>} : memref<128x128xf32, #tpu.memory_space<vmem>>, vector<16xf32>,
        %get3A_821 = arith.index_cast %add3A_773 : i32 to index
        %get3A_822 = arith.constant 80 : index
        %get3A_823 = tpu.vector_load %arg19[%get3A_821, %get3A_822] {strides = array<i32>} : memref<128x128xf32, #tpu.memory_space<vmem>>, vector<16xf32>,
        %get3A_824 = arith.index_cast %add3A_773 : i32 to index
        %get3A_825 = arith.constant 96 : index
        %get3A_826 = tpu.vector_load %arg19[%get3A_824, %get3A_825] {strides = array<i32>} : memref<128x128xf32, #tpu.memory_space<vmem>>, vector<16xf32>,
        %get3A_827 = arith.index_cast %add3A_773 : i32 to index
        %get3A_828 = arith.constant 112 : index
        %get3A_829 = tpu.vector_load %arg19[%get3A_827, %get3A_828] {strides = array<i32>} : memref<128x128xf32, #tpu.memory_space<vmem>>, vector<16xf32>,
        %get3A_830 = arith.index_cast %add3A_777 : i32 to index
        %get3A_831 = arith.constant 0 : index
        %get3A_832 = tpu.vector_load %arg19[%get3A_830, %get3A_831] {strides = array<i32>} : memref<128x128xf32, #tpu.memory_space<vmem>>, vector<16xf32>,
        %get3A_833 = arith.index_cast %add3A_777 : i32 to index
        %get3A_834 = arith.constant 16 : index
        %get3A_835 = tpu.vector_load %arg19[%get3A_833, %get3A_834] {strides = array<i32>} : memref<128x128xf32, #tpu.memory_space<vmem>>, vector<16xf32>,
        %get3A_836 = arith.index_cast %add3A_777 : i32 to index
        %get3A_837 = arith.constant 32 : index
        %get3A_838 = tpu.vector_load %arg19[%get3A_836, %get3A_837] {strides = array<i32>} : memref<128x128xf32, #tpu.memory_space<vmem>>, vector<16xf32>,
        %get3A_839 = arith.index_cast %add3A_777 : i32 to index
        %get3A_840 = arith.constant 48 : index
        %get3A_841 = tpu.vector_load %arg19[%get3A_839, %get3A_840] {strides = array<i32>} : memref<128x128xf32, #tpu.memory_space<vmem>>, vector<16xf32>,
        %get3A_842 = arith.index_cast %add3A_777 : i32 to index
        %get3A_843 = arith.constant 64 : index
        %get3A_844 = tpu.vector_load %arg19[%get3A_842, %get3A_843] {strides = array<i32>} : memref<128x128xf32, #tpu.memory_space<vmem>>, vector<16xf32>,
        %get3A_845 = arith.index_cast %add3A_777 : i32 to index
        %get3A_846 = arith.constant 80 : index
        %get3A_847 = tpu.vector_load %arg19[%get3A_845, %get3A_846] {strides = array<i32>} : memref<128x128xf32, #tpu.memory_space<vmem>>, vector<16xf32>,
        %get3A_848 = arith.index_cast %add3A_777 : i32 to index
        %get3A_849 = arith.constant 96 : index
        %get3A_850 = tpu.vector_load %arg19[%get3A_848, %get3A_849] {strides = array<i32>} : memref<128x128xf32, #tpu.memory_space<vmem>>, vector<16xf32>,
        %get3A_851 = arith.index_cast %add3A_777 : i32 to index
        %get3A_852 = arith.constant 112 : index
        %get3A_853 = tpu.vector_load %arg19[%get3A_851, %get3A_852] {strides = array<i32>} : memref<128x128xf32, #tpu.memory_space<vmem>>, vector<16xf32>,
        %get3A_854 = arith.index_cast %add3A_781 : i32 to index
        %get3A_855 = arith.constant 0 : index
        %get3A_856 = tpu.vector_load %arg19[%get3A_854, %get3A_855] {strides = array<i32>} : memref<128x128xf32, #tpu.memory_space<vmem>>, vector<16xf32>,
        %get3A_857 = arith.index_cast %add3A_781 : i32 to index
        %get3A_858 = arith.constant 16 : index
        %get3A_859 = tpu.vector_load %arg19[%get3A_857, %get3A_858] {strides = array<i32>} : memref<128x128xf32, #tpu.memory_space<vmem>>, vector<16xf32>,
        %get3A_860 = arith.index_cast %add3A_781 : i32 to index
        %get3A_861 = arith.constant 32 : index
        %get3A_862 = tpu.vector_load %arg19[%get3A_860, %get3A_861] {strides = array<i32>} : memref<128x128xf32, #tpu.memory_space<vmem>>, vector<16xf32>,
        %get3A_863 = arith.index_cast %add3A_781 : i32 to index
        %get3A_864 = arith.constant 48 : index
        %get3A_865 = tpu.vector_load %arg19[%get3A_863, %get3A_864] {strides = array<i32>} : memref<128x128xf32, #tpu.memory_space<vmem>>, vector<16xf32>,
        %get3A_866 = arith.index_cast %add3A_781 : i32 to index
        %get3A_867 = arith.constant 64 : index
        %get3A_868 = tpu.vector_load %arg19[%get3A_866, %get3A_867] {strides = array<i32>} : memref<128x128xf32, #tpu.memory_space<vmem>>, vector<16xf32>,
        %get3A_869 = arith.index_cast %add3A_781 : i32 to index
        %get3A_870 = arith.constant 80 : index
        %get3A_871 = tpu.vector_load %arg19[%get3A_869, %get3A_870] {strides = array<i32>} : memref<128x128xf32, #tpu.memory_space<vmem>>, vector<16xf32>,
        %get3A_872 = arith.index_cast %add3A_781 : i32 to index
        %get3A_873 = arith.constant 96 : index
        %get3A_874 = tpu.vector_load %arg19[%get3A_872, %get3A_873] {strides = array<i32>} : memref<128x128xf32, #tpu.memory_space<vmem>>, vector<16xf32>,
        %get3A_875 = arith.index_cast %add3A_781 : i32 to index
        %get3A_876 = arith.constant 112 : index
        %get3A_877 = tpu.vector_load %arg19[%get3A_875, %get3A_876] {strides = array<i32>} : memref<128x128xf32, #tpu.memory_space<vmem>>, vector<16xf32>,
        %mul3A_878 = arith.mulf %get3A_784, %mul3A_267 : vector<16xf32>
        %mul3A_879 = arith.mulf %get3A_787, %mul3A_272 : vector<16xf32>
        %mul3A_880 = arith.mulf %get3A_790, %mul3A_277 : vector<16xf32>
        %mul3A_881 = arith.mulf %get3A_793, %mul3A_282 : vector<16xf32>
        %mul3A_882 = arith.mulf %get3A_796, %mul3A_287 : vector<16xf32>
        %add3A_883 = arith.addf %mul3A_878, %mul3A_882 : vector<16xf32>
        %mul3A_884 = arith.mulf %get3A_799, %mul3A_292 : vector<16xf32>
        %add3A_885 = arith.addf %mul3A_879, %mul3A_884 : vector<16xf32>
        %mul3A_886 = arith.mulf %get3A_802, %mul3A_297 : vector<16xf32>
        %add3A_887 = arith.addf %mul3A_880, %mul3A_886 : vector<16xf32>
        %mul3A_888 = arith.mulf %get3A_805, %mul3A_302 : vector<16xf32>
        %add3A_889 = arith.addf %mul3A_881, %mul3A_888 : vector<16xf32>
        %add3A_890 = arith.addf %add3A_883, %add3A_885 : vector<16xf32>
        %add3A_891 = arith.addf %add3A_887, %add3A_889 : vector<16xf32>
        %add3A_892 = arith.addf %add3A_890, %add3A_891 : vector<16xf32>
        %swap3A_893 = arith.constant 128 : index
        %swap3A_894 = tpu.vector_load %arg24[%swap3A_893] {strides = array<i32>} : memref<256xf32, #tpu.memory_space<vmem>>, vector<16xf32>,
        tpu.vector_store %arg24[%swap3A_893], %add3A_892 {strides = array<i32>} : memref<256xf32, #tpu.memory_space<vmem>>, vector<16xf32>,
        %mul3A_895 = arith.mulf %get3A_808, %mul3A_267 : vector<16xf32>
        %mul3A_896 = arith.mulf %get3A_811, %mul3A_272 : vector<16xf32>
        %mul3A_897 = arith.mulf %get3A_814, %mul3A_277 : vector<16xf32>
        %mul3A_898 = arith.mulf %get3A_817, %mul3A_282 : vector<16xf32>
        %mul3A_899 = arith.mulf %get3A_820, %mul3A_287 : vector<16xf32>
        %add3A_900 = arith.addf %mul3A_895, %mul3A_899 : vector<16xf32>
        %mul3A_901 = arith.mulf %get3A_823, %mul3A_292 : vector<16xf32>
        %add3A_902 = arith.addf %mul3A_896, %mul3A_901 : vector<16xf32>
        %mul3A_903 = arith.mulf %get3A_826, %mul3A_297 : vector<16xf32>
        %add3A_904 = arith.addf %mul3A_897, %mul3A_903 : vector<16xf32>
        %mul3A_905 = arith.mulf %get3A_829, %mul3A_302 : vector<16xf32>
        %add3A_906 = arith.addf %mul3A_898, %mul3A_905 : vector<16xf32>
        %add3A_907 = arith.addf %add3A_900, %add3A_902 : vector<16xf32>
        %add3A_908 = arith.addf %add3A_904, %add3A_906 : vector<16xf32>
        %add3A_909 = arith.addf %add3A_907, %add3A_908 : vector<16xf32>
        %swap3A_910 = arith.constant 144 : index
        %swap3A_911 = tpu.vector_load %arg24[%swap3A_910] {strides = array<i32>} : memref<256xf32, #tpu.memory_space<vmem>>, vector<16xf32>,
        tpu.vector_store %arg24[%swap3A_910], %add3A_909 {strides = array<i32>} : memref<256xf32, #tpu.memory_space<vmem>>, vector<16xf32>,
        %mul3A_912 = arith.mulf %get3A_832, %mul3A_267 : vector<16xf32>
        %mul3A_913 = arith.mulf %get3A_835, %mul3A_272 : vector<16xf32>
        %mul3A_914 = arith.mulf %get3A_838, %mul3A_277 : vector<16xf32>
        %mul3A_915 = arith.mulf %get3A_841, %mul3A_282 : vector<16xf32>
        %mul3A_916 = arith.mulf %get3A_844, %mul3A_287 : vector<16xf32>
        %add3A_917 = arith.addf %mul3A_912, %mul3A_916 : vector<16xf32>
        %mul3A_918 = arith.mulf %get3A_847, %mul3A_292 : vector<16xf32>
        %add3A_919 = arith.addf %mul3A_913, %mul3A_918 : vector<16xf32>
        %mul3A_920 = arith.mulf %get3A_850, %mul3A_297 : vector<16xf32>
        %add3A_921 = arith.addf %mul3A_914, %mul3A_920 : vector<16xf32>
        %mul3A_922 = arith.mulf %get3A_853, %mul3A_302 : vector<16xf32>
        %add3A_923 = arith.addf %mul3A_915, %mul3A_922 : vector<16xf32>
        %add3A_924 = arith.addf %add3A_917, %add3A_919 : vector<16xf32>
        %add3A_925 = arith.addf %add3A_921, %add3A_923 : vector<16xf32>
        %add3A_926 = arith.addf %add3A_924, %add3A_925 : vector<16xf32>
        %swap3A_927 = arith.constant 160 : index
        %swap3A_928 = tpu.vector_load %arg24[%swap3A_927] {strides = array<i32>} : memref<256xf32, #tpu.memory_space<vmem>>, vector<16xf32>,
        tpu.vector_store %arg24[%swap3A_927], %add3A_926 {strides = array<i32>} : memref<256xf32, #tpu.memory_space<vmem>>, vector<16xf32>,
        %mul3A_929 = arith.mulf %get3A_856, %mul3A_267 : vector<16xf32>
        %mul3A_930 = arith.mulf %get3A_859, %mul3A_272 : vector<16xf32>
        %mul3A_931 = arith.mulf %get3A_862, %mul3A_277 : vector<16xf32>
        %mul3A_932 = arith.mulf %get3A_865, %mul3A_282 : vector<16xf32>
        %mul3A_933 = arith.mulf %get3A_868, %mul3A_287 : vector<16xf32>
        %add3A_934 = arith.addf %mul3A_929, %mul3A_933 : vector<16xf32>
        %mul3A_935 = arith.mulf %get3A_871, %mul3A_292 : vector<16xf32>
        %add3A_936 = arith.addf %mul3A_930, %mul3A_935 : vector<16xf32>
        %mul3A_937 = arith.mulf %get3A_874, %mul3A_297 : vector<16xf32>
        %add3A_938 = arith.addf %mul3A_931, %mul3A_937 : vector<16xf32>
        %mul3A_939 = arith.mulf %get3A_877, %mul3A_302 : vector<16xf32>
        %add3A_940 = arith.addf %mul3A_932, %mul3A_939 : vector<16xf32>
        %add3A_941 = arith.addf %add3A_934, %add3A_936 : vector<16xf32>
        %add3A_942 = arith.addf %add3A_938, %add3A_940 : vector<16xf32>
        %add3A_943 = arith.addf %add3A_941, %add3A_942 : vector<16xf32>
        %swap3A_944 = arith.constant 176 : index
        %swap3A_945 = tpu.vector_load %arg24[%swap3A_944] {strides = array<i32>} : memref<256xf32, #tpu.memory_space<vmem>>, vector<16xf32>,
        tpu.vector_store %arg24[%swap3A_944], %add3A_943 {strides = array<i32>} : memref<256xf32, #tpu.memory_space<vmem>>, vector<16xf32>,
        %add3A_946 = arith.constant 12 : i32
        %add3A_947 = arith.addi %mul3A_406, %add3A_946 : i32
        %add3A_948 = arith.constant 0 : i32
        %add3A_949 = arith.addi %add3A_947, %add3A_948 : i32
        %add3A_950 = arith.constant 12 : i32
        %add3A_951 = arith.addi %mul3A_406, %add3A_950 : i32
        %add3A_952 = arith.constant 1 : i32
        %add3A_953 = arith.addi %add3A_951, %add3A_952 : i32
        %add3A_954 = arith.constant 12 : i32
        %add3A_955 = arith.addi %mul3A_406, %add3A_954 : i32
        %add3A_956 = arith.constant 2 : i32
        %add3A_957 = arith.addi %add3A_955, %add3A_956 : i32
        %add3A_958 = arith.constant 12 : i32
        %add3A_959 = arith.addi %mul3A_406, %add3A_958 : i32
        %add3A_960 = arith.constant 3 : i32
        %add3A_961 = arith.addi %add3A_959, %add3A_960 : i32
        %get3A_962 = arith.index_cast %add3A_949 : i32 to index
        %get3A_963 = arith.constant 0 : index
        %get3A_964 = tpu.vector_load %arg19[%get3A_962, %get3A_963] {strides = array<i32>} : memref<128x128xf32, #tpu.memory_space<vmem>>, vector<16xf32>,
        %get3A_965 = arith.index_cast %add3A_949 : i32 to index
        %get3A_966 = arith.constant 16 : index
        %get3A_967 = tpu.vector_load %arg19[%get3A_965, %get3A_966] {strides = array<i32>} : memref<128x128xf32, #tpu.memory_space<vmem>>, vector<16xf32>,
        %get3A_968 = arith.index_cast %add3A_949 : i32 to index
        %get3A_969 = arith.constant 32 : index
        %get3A_970 = tpu.vector_load %arg19[%get3A_968, %get3A_969] {strides = array<i32>} : memref<128x128xf32, #tpu.memory_space<vmem>>, vector<16xf32>,
        %get3A_971 = arith.index_cast %add3A_949 : i32 to index
        %get3A_972 = arith.constant 48 : index
        %get3A_973 = tpu.vector_load %arg19[%get3A_971, %get3A_972] {strides = array<i32>} : memref<128x128xf32, #tpu.memory_space<vmem>>, vector<16xf32>,
        %get3A_974 = arith.index_cast %add3A_949 : i32 to index
        %get3A_975 = arith.constant 64 : index
        %get3A_976 = tpu.vector_load %arg19[%get3A_974, %get3A_975] {strides = array<i32>} : memref<128x128xf32, #tpu.memory_space<vmem>>, vector<16xf32>,
        %get3A_977 = arith.index_cast %add3A_949 : i32 to index
        %get3A_978 = arith.constant 80 : index
        %get3A_979 = tpu.vector_load %arg19[%get3A_977, %get3A_978] {strides = array<i32>} : memref<128x128xf32, #tpu.memory_space<vmem>>, vector<16xf32>,
        %get3A_980 = arith.index_cast %add3A_949 : i32 to index
        %get3A_981 = arith.constant 96 : index
        %get3A_982 = tpu.vector_load %arg19[%get3A_980, %get3A_981] {strides = array<i32>} : memref<128x128xf32, #tpu.memory_space<vmem>>, vector<16xf32>,
        %get3A_983 = arith.index_cast %add3A_949 : i32 to index
        %get3A_984 = arith.constant 112 : index
        %get3A_985 = tpu.vector_load %arg19[%get3A_983, %get3A_984] {strides = array<i32>} : memref<128x128xf32, #tpu.memory_space<vmem>>, vector<16xf32>,
        %get3A_986 = arith.index_cast %add3A_953 : i32 to index
        %get3A_987 = arith.constant 0 : index
        %get3A_988 = tpu.vector_load %arg19[%get3A_986, %get3A_987] {strides = array<i32>} : memref<128x128xf32, #tpu.memory_space<vmem>>, vector<16xf32>,
        %get3A_989 = arith.index_cast %add3A_953 : i32 to index
        %get3A_990 = arith.constant 16 : index
        %get3A_991 = tpu.vector_load %arg19[%get3A_989, %get3A_990] {strides = array<i32>} : memref<128x128xf32, #tpu.memory_space<vmem>>, vector<16xf32>,
        %get3A_992 = arith.index_cast %add3A_953 : i32 to index
        %get3A_993 = arith.constant 32 : index
        %get3A_994 = tpu.vector_load %arg19[%get3A_992, %get3A_993] {strides = array<i32>} : memref<128x128xf32, #tpu.memory_space<vmem>>, vector<16xf32>,
        %get3A_995 = arith.index_cast %add3A_953 : i32 to index
        %get3A_996 = arith.constant 48 : index
        %get3A_997 = tpu.vector_load %arg19[%get3A_995, %get3A_996] {strides = array<i32>} : memref<128x128xf32, #tpu.memory_space<vmem>>, vector<16xf32>,
        %get3A_998 = arith.index_cast %add3A_953 : i32 to index
        %get3A_999 = arith.constant 64 : index
        %get3A_1000 = tpu.vector_load %arg19[%get3A_998, %get3A_999] {strides = array<i32>} : memref<128x128xf32, #tpu.memory_space<vmem>>, vector<16xf32>,
        %get3A_1001 = arith.index_cast %add3A_953 : i32 to index
        %get3A_1002 = arith.constant 80 : index
        %get3A_1003 = tpu.vector_load %arg19[%get3A_1001, %get3A_1002] {strides = array<i32>} : memref<128x128xf32, #tpu.memory_space<vmem>>, vector<16xf32>,
        %get3A_1004 = arith.index_cast %add3A_953 : i32 to index
        %get3A_1005 = arith.constant 96 : index
        %get3A_1006 = tpu.vector_load %arg19[%get3A_1004, %get3A_1005] {strides = array<i32>} : memref<128x128xf32, #tpu.memory_space<vmem>>, vector<16xf32>,
        %get3A_1007 = arith.index_cast %add3A_953 : i32 to index
        %get3A_1008 = arith.constant 112 : index
        %get3A_1009 = tpu.vector_load %arg19[%get3A_1007, %get3A_1008] {strides = array<i32>} : memref<128x128xf32, #tpu.memory_space<vmem>>, vector<16xf32>,
        %get3A_1010 = arith.index_cast %add3A_957 : i32 to index
        %get3A_1011 = arith.constant 0 : index
        %get3A_1012 = tpu.vector_load %arg19[%get3A_1010, %get3A_1011] {strides = array<i32>} : memref<128x128xf32, #tpu.memory_space<vmem>>, vector<16xf32>,
        %get3A_1013 = arith.index_cast %add3A_957 : i32 to index
        %get3A_1014 = arith.constant 16 : index
        %get3A_1015 = tpu.vector_load %arg19[%get3A_1013, %get3A_1014] {strides = array<i32>} : memref<128x128xf32, #tpu.memory_space<vmem>>, vector<16xf32>,
        %get3A_1016 = arith.index_cast %add3A_957 : i32 to index
        %get3A_1017 = arith.constant 32 : index
        %get3A_1018 = tpu.vector_load %arg19[%get3A_1016, %get3A_1017] {strides = array<i32>} : memref<128x128xf32, #tpu.memory_space<vmem>>, vector<16xf32>,
        %get3A_1019 = arith.index_cast %add3A_957 : i32 to index
        %get3A_1020 = arith.constant 48 : index
        %get3A_1021 = tpu.vector_load %arg19[%get3A_1019, %get3A_1020] {strides = array<i32>} : memref<128x128xf32, #tpu.memory_space<vmem>>, vector<16xf32>,
        %get3A_1022 = arith.index_cast %add3A_957 : i32 to index
        %get3A_1023 = arith.constant 64 : index
        %get3A_1024 = tpu.vector_load %arg19[%get3A_1022, %get3A_1023] {strides = array<i32>} : memref<128x128xf32, #tpu.memory_space<vmem>>, vector<16xf32>,
        %get3A_1025 = arith.index_cast %add3A_957 : i32 to index
        %get3A_1026 = arith.constant 80 : index
        %get3A_1027 = tpu.vector_load %arg19[%get3A_1025, %get3A_1026] {strides = array<i32>} : memref<128x128xf32, #tpu.memory_space<vmem>>, vector<16xf32>,
        %get3A_1028 = arith.index_cast %add3A_957 : i32 to index
        %get3A_1029 = arith.constant 96 : index
        %get3A_1030 = tpu.vector_load %arg19[%get3A_1028, %get3A_1029] {strides = array<i32>} : memref<128x128xf32, #tpu.memory_space<vmem>>, vector<16xf32>,
        %get3A_1031 = arith.index_cast %add3A_957 : i32 to index
        %get3A_1032 = arith.constant 112 : index
        %get3A_1033 = tpu.vector_load %arg19[%get3A_1031, %get3A_1032] {strides = array<i32>} : memref<128x128xf32, #tpu.memory_space<vmem>>, vector<16xf32>,
        %get3A_1034 = arith.index_cast %add3A_961 : i32 to index
        %get3A_1035 = arith.constant 0 : index
        %get3A_1036 = tpu.vector_load %arg19[%get3A_1034, %get3A_1035] {strides = array<i32>} : memref<128x128xf32, #tpu.memory_space<vmem>>, vector<16xf32>,
        %get3A_1037 = arith.index_cast %add3A_961 : i32 to index
        %get3A_1038 = arith.constant 16 : index
        %get3A_1039 = tpu.vector_load %arg19[%get3A_1037, %get3A_1038] {strides = array<i32>} : memref<128x128xf32, #tpu.memory_space<vmem>>, vector<16xf32>,
        %get3A_1040 = arith.index_cast %add3A_961 : i32 to index
        %get3A_1041 = arith.constant 32 : index
        %get3A_1042 = tpu.vector_load %arg19[%get3A_1040, %get3A_1041] {strides = array<i32>} : memref<128x128xf32, #tpu.memory_space<vmem>>, vector<16xf32>,
        %get3A_1043 = arith.index_cast %add3A_961 : i32 to index
        %get3A_1044 = arith.constant 48 : index
        %get3A_1045 = tpu.vector_load %arg19[%get3A_1043, %get3A_1044] {strides = array<i32>} : memref<128x128xf32, #tpu.memory_space<vmem>>, vector<16xf32>,
        %get3A_1046 = arith.index_cast %add3A_961 : i32 to index
        %get3A_1047 = arith.constant 64 : index
        %get3A_1048 = tpu.vector_load %arg19[%get3A_1046, %get3A_1047] {strides = array<i32>} : memref<128x128xf32, #tpu.memory_space<vmem>>, vector<16xf32>,
        %get3A_1049 = arith.index_cast %add3A_961 : i32 to index
        %get3A_1050 = arith.constant 80 : index
        %get3A_1051 = tpu.vector_load %arg19[%get3A_1049, %get3A_1050] {strides = array<i32>} : memref<128x128xf32, #tpu.memory_space<vmem>>, vector<16xf32>,
        %get3A_1052 = arith.index_cast %add3A_961 : i32 to index
        %get3A_1053 = arith.constant 96 : index
        %get3A_1054 = tpu.vector_load %arg19[%get3A_1052, %get3A_1053] {strides = array<i32>} : memref<128x128xf32, #tpu.memory_space<vmem>>, vector<16xf32>,
        %get3A_1055 = arith.index_cast %add3A_961 : i32 to index
        %get3A_1056 = arith.constant 112 : index
        %get3A_1057 = tpu.vector_load %arg19[%get3A_1055, %get3A_1056] {strides = array<i32>} : memref<128x128xf32, #tpu.memory_space<vmem>>, vector<16xf32>,
        %mul3A_1058 = arith.mulf %get3A_964, %mul3A_267 : vector<16xf32>
        %mul3A_1059 = arith.mulf %get3A_967, %mul3A_272 : vector<16xf32>
        %mul3A_1060 = arith.mulf %get3A_970, %mul3A_277 : vector<16xf32>
        %mul3A_1061 = arith.mulf %get3A_973, %mul3A_282 : vector<16xf32>
        %mul3A_1062 = arith.mulf %get3A_976, %mul3A_287 : vector<16xf32>
        %add3A_1063 = arith.addf %mul3A_1058, %mul3A_1062 : vector<16xf32>
        %mul3A_1064 = arith.mulf %get3A_979, %mul3A_292 : vector<16xf32>
        %add3A_1065 = arith.addf %mul3A_1059, %mul3A_1064 : vector<16xf32>
        %mul3A_1066 = arith.mulf %get3A_982, %mul3A_297 : vector<16xf32>
        %add3A_1067 = arith.addf %mul3A_1060, %mul3A_1066 : vector<16xf32>
        %mul3A_1068 = arith.mulf %get3A_985, %mul3A_302 : vector<16xf32>
        %add3A_1069 = arith.addf %mul3A_1061, %mul3A_1068 : vector<16xf32>
        %add3A_1070 = arith.addf %add3A_1063, %add3A_1065 : vector<16xf32>
        %add3A_1071 = arith.addf %add3A_1067, %add3A_1069 : vector<16xf32>
        %add3A_1072 = arith.addf %add3A_1070, %add3A_1071 : vector<16xf32>
        %swap3A_1073 = arith.constant 192 : index
        %swap3A_1074 = tpu.vector_load %arg24[%swap3A_1073] {strides = array<i32>} : memref<256xf32, #tpu.memory_space<vmem>>, vector<16xf32>,
        tpu.vector_store %arg24[%swap3A_1073], %add3A_1072 {strides = array<i32>} : memref<256xf32, #tpu.memory_space<vmem>>, vector<16xf32>,
        %mul3A_1075 = arith.mulf %get3A_988, %mul3A_267 : vector<16xf32>
        %mul3A_1076 = arith.mulf %get3A_991, %mul3A_272 : vector<16xf32>
        %mul3A_1077 = arith.mulf %get3A_994, %mul3A_277 : vector<16xf32>
        %mul3A_1078 = arith.mulf %get3A_997, %mul3A_282 : vector<16xf32>
        %mul3A_1079 = arith.mulf %get3A_1000, %mul3A_287 : vector<16xf32>
        %add3A_1080 = arith.addf %mul3A_1075, %mul3A_1079 : vector<16xf32>
        %mul3A_1081 = arith.mulf %get3A_1003, %mul3A_292 : vector<16xf32>
        %add3A_1082 = arith.addf %mul3A_1076, %mul3A_1081 : vector<16xf32>
        %mul3A_1083 = arith.mulf %get3A_1006, %mul3A_297 : vector<16xf32>
        %add3A_1084 = arith.addf %mul3A_1077, %mul3A_1083 : vector<16xf32>
        %mul3A_1085 = arith.mulf %get3A_1009, %mul3A_302 : vector<16xf32>
        %add3A_1086 = arith.addf %mul3A_1078, %mul3A_1085 : vector<16xf32>
        %add3A_1087 = arith.addf %add3A_1080, %add3A_1082 : vector<16xf32>
        %add3A_1088 = arith.addf %add3A_1084, %add3A_1086 : vector<16xf32>
        %add3A_1089 = arith.addf %add3A_1087, %add3A_1088 : vector<16xf32>
        %swap3A_1090 = arith.constant 208 : index
        %swap3A_1091 = tpu.vector_load %arg24[%swap3A_1090] {strides = array<i32>} : memref<256xf32, #tpu.memory_space<vmem>>, vector<16xf32>,
        tpu.vector_store %arg24[%swap3A_1090], %add3A_1089 {strides = array<i32>} : memref<256xf32, #tpu.memory_space<vmem>>, vector<16xf32>,
        %mul3A_1092 = arith.mulf %get3A_1012, %mul3A_267 : vector<16xf32>
        %mul3A_1093 = arith.mulf %get3A_1015, %mul3A_272 : vector<16xf32>
        %mul3A_1094 = arith.mulf %get3A_1018, %mul3A_277 : vector<16xf32>
        %mul3A_1095 = arith.mulf %get3A_1021, %mul3A_282 : vector<16xf32>
        %mul3A_1096 = arith.mulf %get3A_1024, %mul3A_287 : vector<16xf32>
        %add3A_1097 = arith.addf %mul3A_1092, %mul3A_1096 : vector<16xf32>
        %mul3A_1098 = arith.mulf %get3A_1027, %mul3A_292 : vector<16xf32>
        %add3A_1099 = arith.addf %mul3A_1093, %mul3A_1098 : vector<16xf32>
        %mul3A_1100 = arith.mulf %get3A_1030, %mul3A_297 : vector<16xf32>
        %add3A_1101 = arith.addf %mul3A_1094, %mul3A_1100 : vector<16xf32>
        %mul3A_1102 = arith.mulf %get3A_1033, %mul3A_302 : vector<16xf32>
        %add3A_1103 = arith.addf %mul3A_1095, %mul3A_1102 : vector<16xf32>
        %add3A_1104 = arith.addf %add3A_1097, %add3A_1099 : vector<16xf32>
        %add3A_1105 = arith.addf %add3A_1101, %add3A_1103 : vector<16xf32>
        %add3A_1106 = arith.addf %add3A_1104, %add3A_1105 : vector<16xf32>
        %swap3A_1107 = arith.constant 224 : index
        %swap3A_1108 = tpu.vector_load %arg24[%swap3A_1107] {strides = array<i32>} : memref<256xf32, #tpu.memory_space<vmem>>, vector<16xf32>,
        tpu.vector_store %arg24[%swap3A_1107], %add3A_1106 {strides = array<i32>} : memref<256xf32, #tpu.memory_space<vmem>>, vector<16xf32>,
        %mul3A_1109 = arith.mulf %get3A_1036, %mul3A_267 : vector<16xf32>
        %mul3A_1110 = arith.mulf %get3A_1039, %mul3A_272 : vector<16xf32>
        %mul3A_1111 = arith.mulf %get3A_1042, %mul3A_277 : vector<16xf32>
        %mul3A_1112 = arith.mulf %get3A_1045, %mul3A_282 : vector<16xf32>
        %mul3A_1113 = arith.mulf %get3A_1048, %mul3A_287 : vector<16xf32>
        %add3A_1114 = arith.addf %mul3A_1109, %mul3A_1113 : vector<16xf32>
        %mul3A_1115 = arith.mulf %get3A_1051, %mul3A_292 : vector<16xf32>
        %add3A_1116 = arith.addf %mul3A_1110, %mul3A_1115 : vector<16xf32>
        %mul3A_1117 = arith.mulf %get3A_1054, %mul3A_297 : vector<16xf32>
        %add3A_1118 = arith.addf %mul3A_1111, %mul3A_1117 : vector<16xf32>
        %mul3A_1119 = arith.mulf %get3A_1057, %mul3A_302 : vector<16xf32>
        %add3A_1120 = arith.addf %mul3A_1112, %mul3A_1119 : vector<16xf32>
        %add3A_1121 = arith.addf %add3A_1114, %add3A_1116 : vector<16xf32>
        %add3A_1122 = arith.addf %add3A_1118, %add3A_1120 : vector<16xf32>
        %add3A_1123 = arith.addf %add3A_1121, %add3A_1122 : vector<16xf32>
        %swap3A_1124 = arith.constant 240 : index
        %swap3A_1125 = tpu.vector_load %arg24[%swap3A_1124] {strides = array<i32>} : memref<256xf32, #tpu.memory_space<vmem>>, vector<16xf32>,
        tpu.vector_store %arg24[%swap3A_1124], %add3A_1123 {strides = array<i32>} : memref<256xf32, #tpu.memory_space<vmem>>, vector<16xf32>,
        %gather3A = tpu.vector_load_idx %arg24[%mul3A_3] : memref<256xf32, #tpu.memory_space<vmem>>[vector<16xi32>], vector<16xf32>,
        %add3A_1126 = arith.addi %mul3A_3, %broadcast_in_dim3A_382 : vector<16xi32>
        %gather3A_1127 = tpu.vector_load_idx %arg24[%add3A_1126] : memref<256xf32, #tpu.memory_space<vmem>>[vector<16xi32>], vector<16xf32>,
        %add3A_1128 = arith.addf %gather3A, %gather3A_1127 : vector<16xf32>
        %add3A_1129 = arith.addi %add3A_1126, %broadcast_in_dim3A_382 : vector<16xi32>
        %gather3A_1130 = tpu.vector_load_idx %arg24[%add3A_1129] : memref<256xf32, #tpu.memory_space<vmem>>[vector<16xi32>], vector<16xf32>,
        %add3A_1131 = arith.addf %add3A_1128, %gather3A_1130 : vector<16xf32>
        %add3A_1132 = arith.addi %add3A_1129, %broadcast_in_dim3A_382 : vector<16xi32>
        %gather3A_1133 = tpu.vector_load_idx %arg24[%add3A_1132] : memref<256xf32, #tpu.memory_space<vmem>>[vector<16xi32>], vector<16xf32>,
        %add3A_1134 = arith.addf %add3A_1131, %gather3A_1133 : vector<16xf32>
        %add3A_1135 = arith.addi %add3A_1132, %broadcast_in_dim3A_382 : vector<16xi32>
        %gather3A_1136 = tpu.vector_load_idx %arg24[%add3A_1135] : memref<256xf32, #tpu.memory_space<vmem>>[vector<16xi32>], vector<16xf32>,
        %add3A_1137 = arith.addf %add3A_1134, %gather3A_1136 : vector<16xf32>
        %add3A_1138 = arith.addi %add3A_1135, %broadcast_in_dim3A_382 : vector<16xi32>
        %gather3A_1139 = tpu.vector_load_idx %arg24[%add3A_1138] : memref<256xf32, #tpu.memory_space<vmem>>[vector<16xi32>], vector<16xf32>,
        %add3A_1140 = arith.addf %add3A_1137, %gather3A_1139 : vector<16xf32>
        %add3A_1141 = arith.addi %add3A_1138, %broadcast_in_dim3A_382 : vector<16xi32>
        %gather3A_1142 = tpu.vector_load_idx %arg24[%add3A_1141] : memref<256xf32, #tpu.memory_space<vmem>>[vector<16xi32>], vector<16xf32>,
        %add3A_1143 = arith.addf %add3A_1140, %gather3A_1142 : vector<16xf32>
        %add3A_1144 = arith.addi %add3A_1141, %broadcast_in_dim3A_382 : vector<16xi32>
        %gather3A_1145 = tpu.vector_load_idx %arg24[%add3A_1144] : memref<256xf32, #tpu.memory_space<vmem>>[vector<16xi32>], vector<16xf32>,
        %add3A_1146 = arith.addf %add3A_1143, %gather3A_1145 : vector<16xf32>
        %add3A_1147 = arith.addi %add3A_1144, %broadcast_in_dim3A_382 : vector<16xi32>
        %gather3A_1148 = tpu.vector_load_idx %arg24[%add3A_1147] : memref<256xf32, #tpu.memory_space<vmem>>[vector<16xi32>], vector<16xf32>,
        %add3A_1149 = arith.addf %add3A_1146, %gather3A_1148 : vector<16xf32>
        %add3A_1150 = arith.addi %add3A_1147, %broadcast_in_dim3A_382 : vector<16xi32>
        %gather3A_1151 = tpu.vector_load_idx %arg24[%add3A_1150] : memref<256xf32, #tpu.memory_space<vmem>>[vector<16xi32>], vector<16xf32>,
        %add3A_1152 = arith.addf %add3A_1149, %gather3A_1151 : vector<16xf32>
        %add3A_1153 = arith.addi %add3A_1150, %broadcast_in_dim3A_382 : vector<16xi32>
        %gather3A_1154 = tpu.vector_load_idx %arg24[%add3A_1153] : memref<256xf32, #tpu.memory_space<vmem>>[vector<16xi32>], vector<16xf32>,
        %add3A_1155 = arith.addf %add3A_1152, %gather3A_1154 : vector<16xf32>
        %add3A_1156 = arith.addi %add3A_1153, %broadcast_in_dim3A_382 : vector<16xi32>
        %gather3A_1157 = tpu.vector_load_idx %arg24[%add3A_1156] : memref<256xf32, #tpu.memory_space<vmem>>[vector<16xi32>], vector<16xf32>,
        %add3A_1158 = arith.addf %add3A_1155, %gather3A_1157 : vector<16xf32>
        %add3A_1159 = arith.addi %add3A_1156, %broadcast_in_dim3A_382 : vector<16xi32>
        %gather3A_1160 = tpu.vector_load_idx %arg24[%add3A_1159] : memref<256xf32, #tpu.memory_space<vmem>>[vector<16xi32>], vector<16xf32>,
        %add3A_1161 = arith.addf %add3A_1158, %gather3A_1160 : vector<16xf32>
        %add3A_1162 = arith.addi %add3A_1159, %broadcast_in_dim3A_382 : vector<16xi32>
        %gather3A_1163 = tpu.vector_load_idx %arg24[%add3A_1162] : memref<256xf32, #tpu.memory_space<vmem>>[vector<16xi32>], vector<16xf32>,
        %add3A_1164 = arith.addf %add3A_1161, %gather3A_1163 : vector<16xf32>
        %add3A_1165 = arith.addi %add3A_1162, %broadcast_in_dim3A_382 : vector<16xi32>
        %gather3A_1166 = tpu.vector_load_idx %arg24[%add3A_1165] : memref<256xf32, #tpu.memory_space<vmem>>[vector<16xi32>], vector<16xf32>,
        %add3A_1167 = arith.addf %add3A_1164, %gather3A_1166 : vector<16xf32>
        %add3A_1168 = arith.addi %add3A_1165, %broadcast_in_dim3A_382 : vector<16xi32>
        %gather3A_1169 = tpu.vector_load_idx %arg24[%add3A_1168] : memref<256xf32, #tpu.memory_space<vmem>>[vector<16xi32>], vector<16xf32>,
        %add3A_1170 = arith.addf %add3A_1167, %gather3A_1169 : vector<16xf32>
        %add3A_1171 = arith.constant 0 : i32
        %add3A_1172 = arith.addi %add3A_1171, %mul3A_406 : i32
        %swap3A_1173 = arith.index_cast %add3A_1172 : i32 to index
        %swap3A_1174 = tpu.vector_load %arg21[%swap3A_1173] {strides = array<i32>} : memref<128xf32, #tpu.memory_space<vmem>>, vector<16xf32>,
        tpu.vector_store %arg21[%swap3A_1173], %add3A_1170 {strides = array<i32>} : memref<128xf32, #tpu.memory_space<vmem>>, vector<16xf32>,
      }
      %scan3A_388 = arith.constant 8 : i32
      %mul3A_389 = arith.constant 32 : i32
      %mul3A_390 = arith.muli %add3A, %mul3A_389 : i32
      %add3A_391 = arith.addi %mul3A_390, %shift_right_logical3A_260 : i32
      %mul3A_392 = arith.constant 128 : i32
      %mul3A_393 = arith.muli %and3A_262, %mul3A_392 : i32
      %dma_start3A_394 = tpu.memref_slice %arg8[%add3A_391, %mul3A_393] : memref<1024x1024xf32, #tpu.memory_space<hbm>> -> memref<1x128xf32, #tpu.memory_space<hbm>>
      %dma_start3A_395 = tpu.memref_squeeze %dma_start3A_394 : memref<1x128xf32, #tpu.memory_space<hbm>> -> memref<128xf32, #tpu.memory_space<hbm>>
      %dma_start3A_396 = tpu.memref_slice %arg8[%add3A_391, %mul3A_393] : memref<1024x1024xf32, #tpu.memory_space<hbm>> -> memref<1x128xf32, #tpu.memory_space<hbm>>
      %dma_start3A_397 = tpu.memref_squeeze %dma_start3A_396 : memref<1x128xf32, #tpu.memory_space<hbm>> -> memref<128xf32, #tpu.memory_space<hbm>>
      tpu.enqueue_dma source(%arg21 : memref<128xf32, #tpu.memory_space<vmem>>) target(%dma_start3A_397 : memref<128xf32, #tpu.memory_space<hbm>>) target_semaphore(%arg30 : memref<!tpu.dma_semaphore, #tpu.memory_space<semaphore_mem>>)
      %mul3A_398 = arith.constant 128 : i32
      %mul3A_399 = arith.muli %and3A_262, %mul3A_398 : i32
      %dma_start3A_400 = tpu.memref_slice %arg9[%add3A_391, %mul3A_399] : memref<1024x1024xf32, #tpu.memory_space<hbm>> -> memref<1x128xf32, #tpu.memory_space<hbm>>
      %dma_start3A_401 = tpu.memref_squeeze %dma_start3A_400 : memref<1x128xf32, #tpu.memory_space<hbm>> -> memref<128xf32, #tpu.memory_space<hbm>>
      %dma_start3A_402 = tpu.memref_slice %arg9[%add3A_391, %mul3A_399] : memref<1024x1024xf32, #tpu.memory_space<hbm>> -> memref<1x128xf32, #tpu.memory_space<hbm>>
      %dma_start3A_403 = tpu.memref_squeeze %dma_start3A_402 : memref<1x128xf32, #tpu.memory_space<hbm>> -> memref<128xf32, #tpu.memory_space<hbm>>
      tpu.enqueue_dma source(%arg23 : memref<128xf32, #tpu.memory_space<vmem>>) target(%dma_start3A_403 : memref<128xf32, #tpu.memory_space<hbm>>) target_semaphore(%arg32 : memref<!tpu.dma_semaphore, #tpu.memory_space<semaphore_mem>>)
    }
    %scan3A_55 = arith.constant 128 : i32
    %dma_wait3A_56 = arith.constant 0 : i32
    %dma_wait3A_57 = arith.constant 0 : i32
    %dma_wait3A_58 = tpu.memref_slice %arg8[%dma_wait3A_56, %dma_wait3A_57] : memref<1024x1024xf32, #tpu.memory_space<hbm>> -> memref<1x128xf32, #tpu.memory_space<hbm>>
    %dma_wait3A_59 = tpu.memref_squeeze %dma_wait3A_58 : memref<1x128xf32, #tpu.memory_space<hbm>> -> memref<128xf32, #tpu.memory_space<hbm>>
    %dma_wait3A_60 = arith.constant 0 : i32
    %dma_wait3A_61 = tpu.memref_slice %arg8[%dma_wait3A_56, %dma_wait3A_60] : memref<1024x1024xf32, #tpu.memory_space<hbm>> -> memref<1x128xf32, #tpu.memory_space<hbm>>
    %dma_wait3A_62 = tpu.memref_squeeze %dma_wait3A_61 : memref<1x128xf32, #tpu.memory_space<hbm>> -> memref<128xf32, #tpu.memory_space<hbm>>
    tpu.wait_dma2 semaphore(%arg29 : memref<!tpu.dma_semaphore, #tpu.memory_space<semaphore_mem>>) src(%arg20 : memref<128xf32, #tpu.memory_space<vmem>>) dst(%dma_wait3A_62 : memref<128xf32, #tpu.memory_space<hbm>>)
    %dma_wait3A_63 = arith.constant 0 : i32
    %dma_wait3A_64 = arith.constant 0 : i32
    %dma_wait3A_65 = tpu.memref_slice %arg9[%dma_wait3A_63, %dma_wait3A_64] : memref<1024x1024xf32, #tpu.memory_space<hbm>> -> memref<1x128xf32, #tpu.memory_space<hbm>>
    %dma_wait3A_66 = tpu.memref_squeeze %dma_wait3A_65 : memref<1x128xf32, #tpu.memory_space<hbm>> -> memref<128xf32, #tpu.memory_space<hbm>>
    %dma_wait3A_67 = arith.constant 0 : i32
    %dma_wait3A_68 = tpu.memref_slice %arg9[%dma_wait3A_63, %dma_wait3A_67] : memref<1024x1024xf32, #tpu.memory_space<hbm>> -> memref<1x128xf32, #tpu.memory_space<hbm>>
    %dma_wait3A_69 = tpu.memref_squeeze %dma_wait3A_68 : memref<1x128xf32, #tpu.memory_space<hbm>> -> memref<128xf32, #tpu.memory_space<hbm>>
    tpu.wait_dma2 semaphore(%arg31 : memref<!tpu.dma_semaphore, #tpu.memory_space<semaphore_mem>>) src(%arg22 : memref<128xf32, #tpu.memory_space<vmem>>) dst(%dma_wait3A_69 : memref<128xf32, #tpu.memory_space<hbm>>)
    %dma_wait3A_70 = arith.constant 0 : i32
    %dma_wait3A_71 = arith.constant 0 : i32
    %dma_wait3A_72 = tpu.memref_slice %arg8[%dma_wait3A_70, %dma_wait3A_71] : memref<1024x1024xf32, #tpu.memory_space<hbm>> -> memref<1x128xf32, #tpu.memory_space<hbm>>
    %dma_wait3A_73 = tpu.memref_squeeze %dma_wait3A_72 : memref<1x128xf32, #tpu.memory_space<hbm>> -> memref<128xf32, #tpu.memory_space<hbm>>
    %dma_wait3A_74 = arith.constant 0 : i32
    %dma_wait3A_75 = tpu.memref_slice %arg8[%dma_wait3A_70, %dma_wait3A_74] : memref<1024x1024xf32, #tpu.memory_space<hbm>> -> memref<1x128xf32, #tpu.memory_space<hbm>>
    %dma_wait3A_76 = tpu.memref_squeeze %dma_wait3A_75 : memref<1x128xf32, #tpu.memory_space<hbm>> -> memref<128xf32, #tpu.memory_space<hbm>>
    tpu.wait_dma2 semaphore(%arg30 : memref<!tpu.dma_semaphore, #tpu.memory_space<semaphore_mem>>) src(%arg21 : memref<128xf32, #tpu.memory_space<vmem>>) dst(%dma_wait3A_76 : memref<128xf32, #tpu.memory_space<hbm>>)
    %dma_wait3A_77 = arith.constant 0 : i32
    %dma_wait3A_78 = arith.constant 0 : i32
    %dma_wait3A_79 = tpu.memref_slice %arg9[%dma_wait3A_77, %dma_wait3A_78] : memref<1024x1024xf32, #tpu.memory_space<hbm>> -> memref<1x128xf32, #tpu.memory_space<hbm>>
    %dma_wait3A_80 = tpu.memref_squeeze %dma_wait3A_79 : memref<1x128xf32, #tpu.memory_space<hbm>> -> memref<128xf32, #tpu.memory_space<hbm>>
    %dma_wait3A_81 = arith.constant 0 : i32
    %dma_wait3A_82 = tpu.memref_slice %arg9[%dma_wait3A_77, %dma_wait3A_81] : memref<1024x1024xf32, #tpu.memory_space<hbm>> -> memref<1x128xf32, #tpu.memory_space<hbm>>
    %dma_wait3A_83 = tpu.memref_squeeze %dma_wait3A_82 : memref<1x128xf32, #tpu.memory_space<hbm>> -> memref<128xf32, #tpu.memory_space<hbm>>
    tpu.wait_dma2 semaphore(%arg32 : memref<!tpu.dma_semaphore, #tpu.memory_space<semaphore_mem>>) src(%arg23 : memref<128xf32, #tpu.memory_space<vmem>>) dst(%dma_wait3A_83 : memref<128xf32, #tpu.memory_space<hbm>>)
    return
  }
}

module attributes {stable_mosaic.version = 14 : i64} {
  func.func @_tc_update_body(%arg0: memref<1024xi32, #tpu.memory_space<smem>>, %arg1: memref<1024xi32, #tpu.memory_space<smem>>, %arg2: memref<1024x128xf32, #tpu.memory_space<vmem>>, %arg3: memref<1024x128xf32, #tpu.memory_space<vmem>>, %arg4: memref<1024x128xf32, #tpu.memory_space<vmem>>, %arg5: memref<1024x128xf32, #tpu.memory_space<vmem>>, %arg6: memref<100000x128xf32, #tpu.memory_space<hbm>>, %arg7: memref<100000x128xf32, #tpu.memory_space<hbm>>, %arg8: memref<100000x128xf32, #tpu.memory_space<hbm>>, %arg9: memref<100000x128xf32, #tpu.memory_space<hbm>>, %arg10: memref<1024x128xf32, #tpu.memory_space<vmem>>, %arg11: memref<1024x128xf32, #tpu.memory_space<vmem>>, %arg12: memref<!tpu.dma_semaphore, #tpu.memory_space<semaphore_mem>>, %arg13: memref<!tpu.dma_semaphore, #tpu.memory_space<semaphore_mem>>) attributes {dimension_semantics = [], scalar_prefetch = 0 : i64, scratch_operands = 4 : i64, tpu.core_type = #tpu.core_type<tc>} {
    %get3A = arith.constant 0 : index
    %get3A_0 = arith.constant 0 : index
    %get3A_1 = vector.load %arg2[%get3A, %get3A_0] : memref<1024x128xf32, #tpu.memory_space<vmem>>, vector<1024x128xf32>
    %mul3A = arith.constant 5.000000e-01 : f32
    %mul3A_2 = vector.broadcast %mul3A : f32 to vector<1024x128xf32>
    %mul3A_3 = arith.mulf %get3A_1, %mul3A_2 : vector<1024x128xf32>
    %get3A_4 = arith.constant 0 : index
    %get3A_5 = arith.constant 0 : index
    %get3A_6 = vector.load %arg4[%get3A_4, %get3A_5] : memref<1024x128xf32, #tpu.memory_space<vmem>>, vector<1024x128xf32>
    %mul3A_7 = arith.constant 5.000000e-01 : f32
    %mul3A_8 = vector.broadcast %mul3A_7 : f32 to vector<1024x128xf32>
    %mul3A_9 = arith.mulf %get3A_6, %mul3A_8 : vector<1024x128xf32>
    %add3A = arith.addf %mul3A_3, %mul3A_9 : vector<1024x128xf32>
    %mul3A_10 = arith.mulf %add3A, %add3A : vector<1024x128xf32>
    %reduce_sum3A = arith.constant dense<0.000000e+00> : vector<1024xf32>
    %reduce_sum3A_11 = vector.multi_reduction <add>, %mul3A_10, %reduce_sum3A [1] : vector<1024x128xf32> to vector<1024xf32>
    %broadcast_in_dim3A = vector.shape_cast %reduce_sum3A_11 : vector<1024xf32> to vector<1024x1xf32>
    %sqrt3A = math.sqrt %broadcast_in_dim3A : vector<1024x1xf32>
    %div3A = vector.broadcast %sqrt3A : vector<1024x1xf32> to vector<1024x128xf32>
    %div3A_12 = arith.divf %add3A, %div3A : vector<1024x128xf32>
    %swap3A = arith.constant 0 : index
    %swap3A_13 = arith.constant 0 : index
    %swap3A_14 = vector.load %arg10[%swap3A, %swap3A_13] : memref<1024x128xf32, #tpu.memory_space<vmem>>, vector<1024x128xf32>
    tpu.vector_store %arg10[%swap3A, %swap3A_13], %div3A_12 {strides = array<i32>} : memref<1024x128xf32, #tpu.memory_space<vmem>>, vector<1024x128xf32>,
    %get3A_15 = arith.constant 0 : index
    %get3A_16 = arith.constant 0 : index
    %get3A_17 = vector.load %arg3[%get3A_15, %get3A_16] : memref<1024x128xf32, #tpu.memory_space<vmem>>, vector<1024x128xf32>
    %mul3A_18 = arith.constant 5.000000e-01 : f32
    %mul3A_19 = vector.broadcast %mul3A_18 : f32 to vector<1024x128xf32>
    %mul3A_20 = arith.mulf %get3A_17, %mul3A_19 : vector<1024x128xf32>
    %get3A_21 = arith.constant 0 : index
    %get3A_22 = arith.constant 0 : index
    %get3A_23 = vector.load %arg5[%get3A_21, %get3A_22] : memref<1024x128xf32, #tpu.memory_space<vmem>>, vector<1024x128xf32>
    %mul3A_24 = arith.constant 5.000000e-01 : f32
    %mul3A_25 = vector.broadcast %mul3A_24 : f32 to vector<1024x128xf32>
    %mul3A_26 = arith.mulf %get3A_23, %mul3A_25 : vector<1024x128xf32>
    %add3A_27 = arith.addf %mul3A_20, %mul3A_26 : vector<1024x128xf32>
    %mul3A_28 = arith.mulf %add3A_27, %add3A_27 : vector<1024x128xf32>
    %reduce_sum3A_29 = arith.constant dense<0.000000e+00> : vector<1024xf32>
    %reduce_sum3A_30 = vector.multi_reduction <add>, %mul3A_28, %reduce_sum3A_29 [1] : vector<1024x128xf32> to vector<1024xf32>
    %broadcast_in_dim3A_31 = vector.shape_cast %reduce_sum3A_30 : vector<1024xf32> to vector<1024x1xf32>
    %sqrt3A_32 = math.sqrt %broadcast_in_dim3A_31 : vector<1024x1xf32>
    %div3A_33 = vector.broadcast %sqrt3A_32 : vector<1024x1xf32> to vector<1024x128xf32>
    %div3A_34 = arith.divf %add3A_27, %div3A_33 : vector<1024x128xf32>
    %swap3A_35 = arith.constant 0 : index
    %swap3A_36 = arith.constant 0 : index
    %swap3A_37 = vector.load %arg11[%swap3A_35, %swap3A_36] : memref<1024x128xf32, #tpu.memory_space<vmem>>, vector<1024x128xf32>
    tpu.vector_store %arg11[%swap3A_35, %swap3A_36], %div3A_34 {strides = array<i32>} : memref<1024x128xf32, #tpu.memory_space<vmem>>, vector<1024x128xf32>,
    %scan3A = arith.constant 0 : i32
    %scan3A_38 = arith.constant 1024 : i32
    %scan3A_39 = arith.addi %scan3A, %scan3A_38 : i32
    %scan3A_40 = arith.constant 1 : i32
    scf.for %scan3A_46 = %scan3A to %scan3A_39 step %scan3A_40  : i32 {
      %get3A_47 = arith.index_cast %scan3A_46 : i32 to index
      %get3A_48 = memref.load %arg0[%get3A_47] : memref<1024xi32, #tpu.memory_space<smem>>
      %get3A_49 = arith.index_cast %scan3A_46 : i32 to index
      %get3A_50 = memref.load %arg1[%get3A_49] : memref<1024xi32, #tpu.memory_space<smem>>
      %dma_start3A = arith.constant 0 : i32
      %dma_start3A_51 = tpu.memref_slice %arg8[%get3A_48, %dma_start3A] : memref<100000x128xf32, #tpu.memory_space<hbm>> -> memref<1x128xf32, #tpu.memory_space<hbm>>
      %dma_start3A_52 = arith.constant 0 : i32
      %dma_start3A_53 = tpu.memref_slice %arg10[%get3A_50, %dma_start3A_52] : memref<1024x128xf32, #tpu.memory_space<vmem>> -> memref<1x128xf32, #tpu.memory_space<vmem>>
      tpu.enqueue_dma source(%dma_start3A_53 : memref<1x128xf32, #tpu.memory_space<vmem>>) target(%dma_start3A_51 : memref<1x128xf32, #tpu.memory_space<hbm>>) target_semaphore(%arg12 : memref<!tpu.dma_semaphore, #tpu.memory_space<semaphore_mem>>)
      %dma_start3A_54 = arith.constant 0 : i32
      %dma_start3A_55 = tpu.memref_slice %arg9[%get3A_48, %dma_start3A_54] : memref<100000x128xf32, #tpu.memory_space<hbm>> -> memref<1x128xf32, #tpu.memory_space<hbm>>
      %dma_start3A_56 = arith.constant 0 : i32
      %dma_start3A_57 = tpu.memref_slice %arg11[%get3A_50, %dma_start3A_56] : memref<1024x128xf32, #tpu.memory_space<vmem>> -> memref<1x128xf32, #tpu.memory_space<vmem>>
      tpu.enqueue_dma source(%dma_start3A_57 : memref<1x128xf32, #tpu.memory_space<vmem>>) target(%dma_start3A_55 : memref<1x128xf32, #tpu.memory_space<hbm>>) target_semaphore(%arg13 : memref<!tpu.dma_semaphore, #tpu.memory_space<semaphore_mem>>)
      %ge3A = arith.constant 32 : i32
      %ge3A_58 = arith.cmpi sge, %scan3A_46, %ge3A : i32
      %convert_element_type3A = arith.extui %ge3A_58 : i1 to i32
      %cond3A = arith.constant 0 : i32
      %cond3A_59 = arith.cmpi ne, %convert_element_type3A, %cond3A : i32
      scf.if %cond3A_59 {
        %dma_wait3A = arith.constant 0 : i32
        %dma_wait3A_60 = arith.constant 0 : i32
        %dma_wait3A_61 = tpu.memref_slice %arg8[%dma_wait3A, %dma_wait3A_60] : memref<100000x128xf32, #tpu.memory_space<hbm>> -> memref<1x128xf32, #tpu.memory_space<hbm>>
        %dma_wait3A_62 = arith.constant 0 : i32
        %dma_wait3A_63 = arith.constant 0 : i32
        %dma_wait3A_64 = tpu.memref_slice %arg10[%dma_wait3A_62, %dma_wait3A_63] : memref<1024x128xf32, #tpu.memory_space<vmem>> -> memref<1x128xf32, #tpu.memory_space<vmem>>
        tpu.wait_dma2 semaphore(%arg12 : memref<!tpu.dma_semaphore, #tpu.memory_space<semaphore_mem>>) src(%dma_wait3A_64 : memref<1x128xf32, #tpu.memory_space<vmem>>) dst(%dma_wait3A_61 : memref<1x128xf32, #tpu.memory_space<hbm>>)
        %dma_wait3A_65 = arith.constant 0 : i32
        %dma_wait3A_66 = arith.constant 0 : i32
        %dma_wait3A_67 = tpu.memref_slice %arg9[%dma_wait3A_65, %dma_wait3A_66] : memref<100000x128xf32, #tpu.memory_space<hbm>> -> memref<1x128xf32, #tpu.memory_space<hbm>>
        %dma_wait3A_68 = arith.constant 0 : i32
        %dma_wait3A_69 = arith.constant 0 : i32
        %dma_wait3A_70 = tpu.memref_slice %arg11[%dma_wait3A_68, %dma_wait3A_69] : memref<1024x128xf32, #tpu.memory_space<vmem>> -> memref<1x128xf32, #tpu.memory_space<vmem>>
        tpu.wait_dma2 semaphore(%arg13 : memref<!tpu.dma_semaphore, #tpu.memory_space<semaphore_mem>>) src(%dma_wait3A_70 : memref<1x128xf32, #tpu.memory_space<vmem>>) dst(%dma_wait3A_67 : memref<1x128xf32, #tpu.memory_space<hbm>>)
      } else {
      }
    }
    %scan3A_41 = arith.constant 1024 : i32
    %scan3A_42 = arith.constant 0 : i32
    %scan3A_43 = arith.constant 32 : i32
    %scan3A_44 = arith.addi %scan3A_42, %scan3A_43 : i32
    %scan3A_45 = arith.constant 1 : i32
    scf.for %scan3A_46 = %scan3A_42 to %scan3A_44 step %scan3A_45  : i32 {
      %dma_wait3A = arith.constant 0 : i32
      %dma_wait3A_47 = arith.constant 0 : i32
      %dma_wait3A_48 = tpu.memref_slice %arg8[%dma_wait3A, %dma_wait3A_47] : memref<100000x128xf32, #tpu.memory_space<hbm>> -> memref<1x128xf32, #tpu.memory_space<hbm>>
      %dma_wait3A_49 = arith.constant 0 : i32
      %dma_wait3A_50 = arith.constant 0 : i32
      %dma_wait3A_51 = tpu.memref_slice %arg10[%dma_wait3A_49, %dma_wait3A_50] : memref<1024x128xf32, #tpu.memory_space<vmem>> -> memref<1x128xf32, #tpu.memory_space<vmem>>
      tpu.wait_dma2 semaphore(%arg12 : memref<!tpu.dma_semaphore, #tpu.memory_space<semaphore_mem>>) src(%dma_wait3A_51 : memref<1x128xf32, #tpu.memory_space<vmem>>) dst(%dma_wait3A_48 : memref<1x128xf32, #tpu.memory_space<hbm>>)
      %dma_wait3A_52 = arith.constant 0 : i32
      %dma_wait3A_53 = arith.constant 0 : i32
      %dma_wait3A_54 = tpu.memref_slice %arg9[%dma_wait3A_52, %dma_wait3A_53] : memref<100000x128xf32, #tpu.memory_space<hbm>> -> memref<1x128xf32, #tpu.memory_space<hbm>>
      %dma_wait3A_55 = arith.constant 0 : i32
      %dma_wait3A_56 = arith.constant 0 : i32
      %dma_wait3A_57 = tpu.memref_slice %arg11[%dma_wait3A_55, %dma_wait3A_56] : memref<1024x128xf32, #tpu.memory_space<vmem>> -> memref<1x128xf32, #tpu.memory_space<vmem>>
      tpu.wait_dma2 semaphore(%arg13 : memref<!tpu.dma_semaphore, #tpu.memory_space<semaphore_mem>>) src(%dma_wait3A_57 : memref<1x128xf32, #tpu.memory_space<vmem>>) dst(%dma_wait3A_54 : memref<1x128xf32, #tpu.memory_space<hbm>>)
    }
    return
  }
}

</mosaic_0001>

<sc_bundles>
// kernel: kernel.4.cloned.1.call-start
scs
__scs_entry_jumppad:
0x0: {  	(pc) =	sbr.rel $0x88, $3  }
0x1: {  	(tag) =	ssettag $0x0;
	lr =	simm.s32 $0x1  }
0x2: {  	[smem:$0x3F9B] =	sst lr;
	_ =	strace $0xD0000000  }
0x3: {  	_ = 	snop  }
0x4: {  	_ = 	snop  }
0x5: {  	_ = 	snop  }
0x6: {  	_ = 	snop  }
0x7: {  	_ = 	snop  }
__scs_overlays_trampoline_lowered:
0x8: {  	[smem:$0x3FAA] =	sst s0  }
0x9: {  	[smem:$0x3FAB] =	sst s1  }
0xa: {  	[smem:$0x3FAC] =	sst s2  }
0xb: {  	[smem:$0x3FAD] =	sst s3  }
0xc: {  	[smem:$0x3FAE] =	sst s4  }
0xd: {  	[smem:$0x3FAF] =	sst s5  }
0xe: {  	[smem:$0x3FB0] =	sst s6  }
0xf: {  	[smem:$0x3FB1] =	sst s7  }
0x10: {  	[smem:$0x3FB2] =	sst s8  }
0x11: {  	[smem:$0x3FB3] =	sst s9;
	s0 =	simm.s32 @!p0 $0x0  }
0x12: {  	s1 =	sld [smem:$0x3F99];
	s0 =	simm.s32 @p0 $0x1  }
0x13: {  	[smem:$0x3FB4] =	sst s0;
	s0 =	simm.s32 @!p1 $0x0  }
0x14: {  	s2 =	sld [smem:$0x3F98];
	s0 =	simm.s32 @p1 $0x1  }
0x15: {  	[smem:$0x3FB5] =	sst s0;
	s0 =	simm.s32 @!p2 $0x0  }
0x16: {  	s3 =	sld [smem:$0x3FDB];
	s0 =	simm.s32 @p2 $0x1  }
0x17: {  	s4 =	simm.s32 $0x1BF5;
	[smem:$0x3FB7] =	sst s0  }
0x18: {  	s0 =	sld [smem:$0x3F9A];
	_ =	swait.ge [sflag:s4], $0x0  }
0x19: {  	s7 =	sld [smem:$0x3F9B]  }
0x1a: {  	s8 =	sadd.s32 $0xFFFFE003, lr  }
0x1b: {  	s9 =	sadd.s32 $0xFFFFFEF7, lr;
	s5 =	simm.s32 $0xFFFFFFFF;
	p2 =	slt.u32 s8, $0xFFFFF086  }
0x1c: {  	p1 =	slt.u32 s9, $0xF7A;
	s5 =	simm.s32 @!p2 $0x0  }
0x1d: {  	s5 =	simm.s32 @p1 $0x1;
	p0 =	seq.s32 s7, s2  }
0x1e: {  	s7 =	smul.u32 @!p0 $0xF7A, s2;
	p2 =	seq.s32 @!p0 s5, $0x0  }
0x1f: {  	s9 =	smul.u32 $0xF7A, s1;
	s8 =	simm.s32 @!p0 $0x1BF5;
	p2 =	por !p2, p0  }
0x20: {  	[sflag:s8] =	ssyncset.s32 @!p0 $0xFFFFF086;
	s6 =	sadd.s32 @!p0 s3, s7;
	s7 =	simm.s32 @!p0 $0x108  }
0x21: {  	s3 =	sadd.s32 s3, s9;
	s6 =	sadd.s32 @!p0 $0x88, s6;
	s7 =	simm.s32 @p2 $0x1082  }
0x22: {  	[simem:s7], [sflag:s8] =	dma.local @!p0 [hbm:s6], $0xF7A  }
0x23: {  	s9 =	sor.u32 $0xD0000000, s2;
	s6 =	simm.s32 $0x108;
	_ =	swait.ge @!p0 [sflag:s8], $0x0  }
0x24: {  	s3 =	sadd.s32 $0x88, s3;
	s6 =	simm.s32 @!p1 $0x1082;
	[sflag:s4] =	ssyncset.s32 $0xFFFFF086  }
0x25: {  	[simem:s6], [sflag:s4] =	dma.local [hbm:s3], $0xF7A  }
0x26: {  	[smem:$0x3F9B] =	sst s1;
	(tag) =	ssettag s2;
	_ =	strace s9  }
0x27: {  	s1 =	sld [smem:$0x3FAB]  }
0x28: {  	s2 =	sld [smem:$0x3FAC]  }
0x29: {  	s4 =	sld [smem:$0x3FAE]  }
0x2a: {  	p0 =	seq.s32 s5, $0x0;
	s5 =	sld [smem:$0x3FAF]  }
0x2b: {  	s6 =	sld [smem:$0x3FB0]  }
0x2c: {  	s7 =	sld [smem:$0x3FB1]  }
0x2d: {  	s3 =	simm.s32 $0x108;
	s8 =	sld [smem:$0x3FB2]  }
0x2e: {  	s3 =	simm.s32 @!p0 $0x1082;
	s9 =	sld [smem:$0x3FB3]  }
0x2f: {  	lr =	sadd.s32 s0, s3;
	s0 =	sld [smem:$0x3FAA]  }
0x30: {  	s3 =	sld [smem:$0x3FAD]  }
0x31: {  	[smem:$0x3FB6] =	sst s10  }
0x32: {  	s10 =	sld [smem:$0x3FB4];
	_ =	sdelay $0x3  }
0x33: {  	p0 =	seq.s32 s10, $0x1;
	s10 =	sld [smem:$0x3FB6];
	_ =	sdelay $0x3  }
0x34: {  	[smem:$0x3FB6] =	sst s10  }
0x35: {  	s10 =	sld [smem:$0x3FB5];
	_ =	sdelay $0x3  }
0x36: {  	p1 =	seq.s32 s10, $0x1;
	s10 =	sld [smem:$0x3FB6];
	_ =	sdelay $0x3  }
0x37: {  	[smem:$0x3FB6] =	sst s10  }
0x38: {  	s10 =	sld [smem:$0x3FB7]  }
0x39: {  	_ = 	snop;
	(pc) =	sbr.ind lr, $3  }
0x3a: {  	_ = 	snop  }
0x3b: {  	_ = 	snop  }
0x3c: {  	p2 =	seq.s32 s10, $0x1;
	s10 =	sld [smem:$0x3FB6]  }
0x3d: {  	_ =	shalt  }
0x3e: {  	_ =	shalt  }
0x3f: {  	_ =	shalt  }
0x40: {  	_ =	shalt  }
0x41: {  	_ =	shalt  }
0x42: {  	_ =	shalt  }
0x43: {  	_ =	shalt  }
0x44: {  	_ =	shalt  }
0x45: {  	_ =	shalt  }
0x46: {  	_ =	shalt  }
0x47: {  	_ =	shalt  }
0x48: {  	_ =	shalt  }
0x49: {  	_ =	shalt  }
0x4a: {  	_ =	shalt  }
0x4b: {  	_ =	shalt  }
0x4c: {  	_ =	shalt  }
0x4d: {  	_ =	shalt  }
0x4e: {  	_ =	shalt  }
0x4f: {  	_ =	shalt  }
0x50: {  	_ =	shalt  }
0x51: {  	_ =	shalt  }
0x52: {  	_ =	shalt  }
0x53: {  	_ =	shalt  }
0x54: {  	_ =	shalt  }
0x55: {  	_ =	shalt  }
0x56: {  	_ =	shalt  }
0x57: {  	_ =	shalt  }
0x58: {  	_ =	shalt  }
0x59: {  	_ =	shalt  }
0x5a: {  	_ =	shalt  }
0x5b: {  	_ =	shalt  }
0x5c: {  	_ =	shalt  }
0x5d: {  	_ =	shalt  }
0x5e: {  	_ =	shalt  }
0x5f: {  	_ =	shalt  }
0x60: {  	_ =	shalt  }
0x61: {  	_ =	shalt  }
0x62: {  	_ =	shalt  }
0x63: {  	_ =	shalt  }
0x64: {  	_ =	shalt  }
0x65: {  	_ =	shalt  }
0x66: {  	_ =	shalt  }
0x67: {  	_ =	shalt  }
0x68: {  	_ =	shalt  }
0x69: {  	_ =	shalt  }
0x6a: {  	_ =	shalt  }
0x6b: {  	_ =	shalt  }
0x6c: {  	_ =	shalt  }
0x6d: {  	_ =	shalt  }
0x6e: {  	_ =	shalt  }
0x6f: {  	_ =	shalt  }
0x70: {  	_ =	shalt  }
0x71: {  	_ =	shalt  }
0x72: {  	_ =	shalt  }
0x73: {  	_ =	shalt  }
0x74: {  	_ =	shalt  }
0x75: {  	_ =	shalt  }
0x76: {  	_ =	shalt  }
0x77: {  	_ =	shalt  }
0x78: {  	_ =	shalt  }
0x79: {  	_ =	shalt  }
0x7a: {  	_ =	shalt  }
0x7b: {  	_ =	shalt  }
0x7c: {  	_ =	shalt  }
0x7d: {  	_ =	shalt  }
0x7e: {  	_ =	shalt  }
0x7f: {  	_ =	shalt  }
0x80: {  	_ =	shalt  }
0x81: {  	_ =	shalt  }
0x82: {  	_ =	shalt  }
0x83: {  	_ =	shalt  }
0x84: {  	_ =	shalt  }
0x85: {  	_ =	shalt  }
0x86: {  	_ =	shalt  }
0x87: {  	_ =	shalt  }
.Lfunc_end0:
.L_simem_size_0:
called_computation_lowered:
.L_overlay_start_0:
0x88: {  	s2 =	sld [smem:$0x3FD9]  }
0x89: {  	s3 =	sld [smem:$0x3FFE];
	_ =	sdelay $0x1  }
0x8a: {  	s1 =	srdreg.scid  }
0x8b: {  	s0 =	sand.u32 $0x1, s1  }
0x8c: {  	s14 =	sshll.u32 s0, $0xA;
	s2 =	sadd.s32 s3, s2  }
0x8d: {  	s2 =	sadd.s32 s2, s14  }
0x8e: {  	[smem:$0x3FC2] =	sst s2  }
0x8f: {  	_ = 	snop  }
0x90: {  	s2 =	sld [smem:$0x3FD0];
	_ =	sdelay $0x1  }
0x91: {  	s15 =	sld [smem:$0x3FC9]  }
0x92: {  	s5 =	simm.s32 $0xA;
	s6 =	simm.s32 $0x10;
	s4 =	sld [smem:$0x3FC8]  }
0x93: {  	[smem:s6], [sflag:s5] =	dma.local [hbm:s2], $0x1  }
0x94: {  	_ =	swait.eq [sflag:s5], $0x1  }
0x95: {  	s16 =	sld [smem:$0x10]  }
0x96: {  	s17 =	sld [smem:$0x11];
	[sflag:s5] =	ssyncset.done $0x0  }
0x97: {  	s7 =	sld [smem:$0x12];
	[sflag:s5] =	ssyncadd.s32 $0xFFFFFFFF  }
0x98: {  	s18 =	sld [smem:$0x13];
	(tm) =	ssettm $0x1  }
0x99: {  	s8 =	sld [smem:$0x3FFB];
	_ =	sdelay $0x3  }
0x9a: {  	_ =	strace s8  }
0x9b: {  	s8 =	sld [smem:$0x3FFC];
	_ =	sdelay $0x3  }
0x9c: {  	_ =	strace s8  }
0x9d: {  	s8 =	sld [smem:$0x3FFD];
	_ =	sdelay $0x3  }
0x9e: {  	_ =	strace s8  }
0x9f: {  	_ =	strace $0x8FFFFFFF  }
0xa0: {  	s19 =	sld [smem:$0x3FDB];
	_ =	sdelay $0x1  }
0xa1: {  	s9 =	simm.s32 $_scs_section_size  }
0xa2: {  	s10 =	simm.s32 $_size__tile_overlayer_lowered;
	s11 =	simm.s32 $_tile_overlayer_lowered  }
0xa3: {  	s22 =	simm.s32 $0x1BFF;
	s21 =	sshll.u32 s11, $0x1;
	s8 =	sadd.s32 s9, s19  }
0xa4: {  	s12 =	simm.s32 $0x0;
	s20 =	sshll.u32 s10, $0x1;
	s10 =	sadd.s32 s21, s8  }
0xa5: {  	[timem:s12], [sflag:s22] =	dma.local [hbm:s10], s20  }
0xa6: {  	_ =	swait.ge [sflag:s22], s20  }
0xa7: {  	s9 =	ssub.s32 $0x0, s20;
	[sflag:s22] =	ssyncset.done $0x0  }
0xa8: {  	[sflag:s22] =	ssyncadd.s32 s9;
	_ =	sdelay $0x1  }
0xa9: {  	s23 =	simm.s32 $0x1B8B  }
0xaa: {  	_ =	swait.ge [sflag:s23], $0x1  }
0xab: {  	[sflag:s23] =	ssyncset.done $0x0  }
0xac: {  	s25 =	simm.s32 $0x1B8E;
	s24 =	sld [smem:$0x3FFE];
	[sflag:s23] =	ssyncadd.s32 $0xFFFFFFFF  }
0xad: {  	s26 =	simm.s32 $execute0_lowered;
	[smem:$0x3FD2] =	sst s25  }
0xae: {  	s10 =	sshll.u32 s26, $0x1;
	_ =	strace $0x80000046;
	[dreg:$0x1] =	wrdreg $0xFFFFFFFF  }
0xaf: {  	s28 =	simm.s32 $_size_execute0_lowered;
	s8 =	sadd.s32 s8, s10;
	[dreg:$0x0] =	wrdreg $0x0  }
0xb0: {  	s10 =	sshll.u32 s28, $0x1;
	[dreg:$0x2] =	wrdreg s8  }
0xb1: {  	[dreg:$0x3] =	wrdreg s10  }
0xb2: {  	[dreg:$0x4] =	wrdreg $0xC0  }
0xb3: {  	_ =	task [dreg:s12], $0x5FFFF  }
0xb4: {  	[dreg:$0x1] =	wrdreg $0xFFFFFFFF  }
0xb5: {  	[dreg:$0x0] =	wrdreg $0x60  }
0xb6: {  	[dreg:$0x2] =	wrdreg s15  }
0xb7: {  	[dreg:$0x3] =	wrdreg s4  }
0xb8: {  	[dreg:$0x4] =	wrdreg s17  }
0xb9: {  	[dreg:$0x5] =	wrdreg s16  }
0xba: {  	[dreg:$0x6] =	wrdreg s7  }
0xbb: {  	[dreg:$0x7] =	wrdreg s18  }
0xbc: {  	[dreg:$0x8] =	wrdreg s24  }
0xbd: {  	[dreg:$0x9] =	wrdreg $0x9  }
0xbe: {  	_ =	task.clear_ibuf [dreg:s12], $0xAFFFF;
	_ =	strace $0x90000046  }
0xbf: {  	s29 =	simm.s32 $0x9;
	_ =	strace $0x80000048  }
0xc0: {  	_ =	swait.ge [sflag:s29], $0x1  }
0xc1: {  	[sflag:s29] =	ssyncadd.s32 $0xFFFFFFFF  }
0xc2: {  	_ =	strace $0x90000048  }
0xc3: {  	_ =	sfence  }
0xc4: {  	s30 =	sld [smem:$0x0];
	_ =	sdelay $0x2  }
0xc5: {  	s31 =	sshll.u32 s1, $0xD;
	s1 =	sshrl.u32 s1, $0x2  }
0xc6: {  	s3 =	sand.u32 $0x4000, s31;
	s1 =	sadd.s32 s1, s30  }
0xc7: {  	s0 =	sor.u32 s3, s0;
	s1 =	sshll.u32 s1, $0x11  }
0xc8: {  	s0 =	sor.u32 s1, s0  }
0xc9: {  	s0 =	sadd.s32 $0x8F2B, s0  }
0xca: {  	[sflag:s0] =	ssyncadd.remote.s32 $0x1  }
0xcb: {  	_ =	sfence.sel $0xFFFF  }
0xcc: {  	[dreg:$0x0] =	wrdreg $0xFFFFFFFF;
	(pc) =	sbr.abs _section_cstart, $3  }
0xcd: {  	[dreg:$0x1] =	wrdreg $0xFFFFFFFF  }
0xce: {  	_ =	task.clear_ibuf [dreg:s12], $0x2FFFF;
	_ =	strace $0x9FFFFFFF  }
0xcf: {  	(tm) =	ssettm $0x7FFFFFFF  }
tec
execute0_lowered:
.L_overlay_start_1:
0x0: {  	(tag) =	ssettag $0x1  }
0x1: {  	s0 =	rddreg [dreg:$0x0]  }
0x2: {  	s3 =	rddreg [dreg:$0x1]  }
0x3: {  	s8 =	rddreg [dreg:$0x2]  }
0x4: {  	s9 =	rddreg [dreg:$0x3]  }
0x5: {  	s1 =	rddreg [dreg:$0x4]  }
0x6: {  	s2 =	rddreg [dreg:$0x5]  }
0x7: {  	s7 =	rddreg [dreg:$0x6];
	s4 =	simm.s32 $0x0;
	s5 =	srdreg.scid  }
0x8: {  	s10 =	stileid.u32;
	s23 =	simm.s32 $0x80;
	s28 =	simm.s32 $0x1A280  }
0x9: {  	s29 =	simm.s32 $0x3;
	s17 =	simm.s32 $0x1A200;
	[smem:$0x7FF] =	sst s4  }
0xa: {  	s6 =	sand.u32 $0x1, s5;
	s10 =	sshll.u32 s10, $0x1;
	s5 =	sadd.s32 $0x1400, s7  }
0xb: {  	_ =	strace $0x80000047;
	s10 =	sor.u32 s6, s10;
	s11 =	ssub.s32 $0x2, s6  }
0xc: {  	s6 =	sadd.s32 $0x21400, s7;
	s12 =	sshll.u32 s10, $0x9;
	s13 =	sshrl.u32 s11, $0x1  }
0xd: {  	v0 =	vlaneseq.u32;
	s25 =	sshll.u32 s10, $0x4;
	s14 =	sadd.s32 s12, s7;
	s0 =	sadd.s32 s0, s12  }
0xe: {  	v0 =	vmul.u32 $0x10, v0;
	s7 =	sshll.u32 s10, $0xC;
	s3 =	sadd.s32 s3, s12;
	[dreg:$0x9] =	wrdreg s0  }
0xf: {  	s11 =	ssub.s32 s11, s13;
	s8 =	sadd.s32 s8, s7;
	[dreg:$0xa] =	wrdreg s3  }
0x10: {  	v1 =	vor.u32 $0x1, v0;
	v2 =	vor.u32 $0x2, v0;
	v3 =	vor.u32 $0x3, v0;
	s10 =	simm.s32 $0x8;
	s0 =	sadd.s32 s9, s25;
	[dreg:$0x8] =	wrdreg s8  }
0x11: {  	v4 =	vor.u32 $0x4, v0;
	v5 =	vor.u32 $0x5, v0;
	v6 =	vor.u32 $0x6, v0;
	s26 =	sadd.s32 $0x41400, s14;
	s30 =	sadd.s32 $0x45400, s14;
	[dreg:$0xb] =	wrdreg s0  }
0x12: {  	v7 =	vor.u32 $0x7, v0;
	v8 =	vor.u32 $0x8, v0;
	v9 =	vor.u32 $0x9, v0;
	s31 =	smax.u32 s11, $0x1;
	s3 =	simm.s32 $0x4;
	[dreg:$0xc] =	wrdreg s26  }
0x13: {  	v10 =	vor.u32 $0xA, v0;
	v11 =	vor.u32 $0xB, v0;
	v12 =	vor.u32 $0xC, v0;
	s9 =	simm.s32 $0x6;
	s11 =	simm.s32 $0x0;
	[dreg:$0xd] =	wrdreg s30  }
0x14: {  	v13 =	vor.u32 $0xD, v0;
	v14 =	vor.u32 $0xE, v0;
	v15 =	vor.u32 $0xF, v0;
	[dreg:$0xe] =	wrdreg s31;
	s26 =	simm.s32 $0x1;
	s0 =	simm.s32 $0x2  }
.LBB2_1:
0x15: {  	[dreg:$0xf] =	wrdreg s11  }
0x16: {  	s8 =	rddreg [dreg:$0x8];
	s19 =	simm.s32 $0xA  }
0x17: {  	[tilespmem:s4], [sflag:$0xA] =	stream.linear.gather [hbm4b:s8+s4], $0x8000, $0x38;
	[tilespmem:$0x1A380] =	vst v63  }
0x18: {  	_ =	swait.ge [sflag:s19], $0x8000  }
0x19: {  	[sflag:s19] =	ssyncset.done $0x0  }
0x1a: {  	s12 =	simm.s32 $0x8000;
	s20 =	rddreg [dreg:$0x9];
	[sflag:s19] =	ssyncadd.s32 $0xFFFF8000  }
0x1b: {  	[tilespmem:s12], [sflag:$0xA] =	stream.linear.gather [hbm4b:s20+s4], $0x1000, $0x38;
	[tilespmem:$0x1A380] =	vst v63  }
0x1c: {  	_ =	swait.ge [sflag:s19], $0x1000  }
0x1d: {  	[sflag:s19] =	ssyncset.done $0x0  }
0x1e: {  	s22 =	simm.s32 $0x9000;
	s21 =	rddreg [dreg:$0xa];
	[sflag:s19] =	ssyncadd.s32 $0xFFFFF000  }
0x1f: {  	[tilespmem:s22], [sflag:$0xA] =	stream.linear.gather [hbm4b:s21+s4], $0x1000, $0x38;
	[tilespmem:$0x1A380] =	vst v63  }
0x20: {  	_ =	swait.ge [sflag:s19], $0x1000  }
0x21: {  	[sflag:s19] =	ssyncset.done $0x0  }
0x22: {  	s25 =	simm.s32 $0xA000;
	s24 =	rddreg [dreg:$0xb];
	[sflag:s19] =	ssyncadd.s32 $0xFFFFF000  }
0x23: {  	[tilespmem:s25], [sflag:$0xA] =	stream.linear.gather [hbm4b:s24+s4], $0x80, $0x38;
	[tilespmem:$0x1A380] =	vst v63  }
0x24: {  	_ =	swait.ge [sflag:s19], $0x80  }
0x25: {  	s13 =	simm.s32 $0x20;
	[sflag:s19] =	ssyncset.done $0x0  }
0x26: {  	s14 =	simm.s32 $0xA080;
	s15 =	simm.s32 $0x9;
	[sflag:s19] =	ssyncadd.s32 $0xFFFFFF80  }
0x27: {  	[tilespmem:s14], [sflag:$0x9] =	stream.indirect.gather [hbm4b:s1+s13], $0x80, s25, s13, $0xb8;
	[tilespmem:$0x1A380] =	vst v63  }
0x28: {  	_ =	swait.ge [sflag:s15], $0x1000  }
0x29: {  	[sflag:s15] =	ssyncset.done $0x0  }
0x2a: {  	s30 =	rddreg [dreg:$0xc];
	[sflag:s15] =	ssyncadd.s32 $0xFFFFF000  }
0x2b: {  	[hbm4b:s30+s4] =	stream.linear.scatter [tilespmem:s14], [sflag:$0xA], $0x1000, $0x38;
	[tilespmem:$0x1A380] =	vst v63  }
0x2c: {  	_ =	swait.ge [sflag:s19], $0x1000  }
0x2d: {  	[sflag:s19] =	ssyncset.done $0x0  }
0x2e: {  	s16 =	simm.s32 $0x12080;
	[sflag:s19] =	ssyncadd.s32 $0xFFFFF000  }
0x2f: {  	[tilespmem:s16], [sflag:$0x9] =	stream.indirect.gather [hbm4b:s2+s13], $0x80, s25, s13, $0xb8;
	[tilespmem:$0x1A380] =	vst v63  }
0x30: {  	_ =	swait.ge [sflag:s15], $0x1000  }
0x31: {  	[sflag:s15] =	ssyncset.done $0x0  }
0x32: {  	s31 =	rddreg [dreg:$0xd];
	[sflag:s15] =	ssyncadd.s32 $0xFFFFF000  }
0x33: {  	[hbm4b:s31+s4] =	stream.linear.scatter [tilespmem:s16], [sflag:$0xA], $0x1000, $0x38;
	[tilespmem:$0x1A380] =	vst v63  }
0x34: {  	_ =	swait.ge [sflag:s19], $0x1000  }
0x35: {  	[sflag:s19] =	ssyncset.done $0x0  }
0x36: {  	[sflag:s19] =	ssyncadd.s32 $0xFFFFF000  }
0x37: {  	[tilespmem:s14], [sflag:$0x1] =	stream.indirect.gather [hbm4b:s1+s23], $0x80, s4, s23, $0xb8;
	[tilespmem:$0x1A380] =	vst v63  }
0x38: {  	s12 =	simm.s32 $0x0  }
0x39: {  	[tilespmem:s16], [sflag:$0x3] =	stream.indirect.gather [hbm4b:s2+s23], $0x80, s4, s23, $0xb8;
	[tilespmem:$0x1A380] =	vst v63  }
.LBB2_2:
0x3a: {  	s18 =	sshll.u32 s12, $0x8  }
0x3b: {  	s8 =	sand.u32 $0x300, s18  }
0x3c: {  	s11 =	sand.u32 $0x7C00, s18;
	s13 =	sor.u32 $0x80, s8  }
0x3d: {  	s14 =	simm.s32 $0xE080;
	s11 =	sor.u32 s13, s11  }
0x3e: {  	[tilespmem:s14], [sflag:$0x2] =	stream.indirect.gather [hbm4b:s1+s23], $0x80, s11, s23, $0xb8;
	[tilespmem:$0x1A380] =	vst v63  }
0x3f: {  	s25 =	simm.s32 $0x16080;
	p0 =	seq.s32 s12, $0x0  }
0x40: {  	[tilespmem:s25], [sflag:$0x4] =	stream.indirect.gather [hbm4b:s2+s23], $0x80, s11, s23, $0xb8;
	[tilespmem:$0x1A380] =	vst v63  }
0x41: {  	s11 =	simm.s32 @!p0 $0x5  }
0x42: {  	_ =	swait.ge @!p0 [sflag:s11], $0x80  }
0x43: {  	[sflag:s11] =	ssyncset.done @!p0 $0x0  }
0x44: {  	s14 =	simm.s32 @!p0 $0x7;
	[sflag:s11] =	ssyncadd.s32 @!p0 $0xFFFFFF80  }
0x45: {  	_ =	swait.ge @!p0 [sflag:s14], $0x80  }
0x46: {  	s11 =	sshrl.u32 s12, $0x2;
	[sflag:s14] =	ssyncset.done @!p0 $0x0  }
0x47: {  	[sflag:s14] =	ssyncadd.s32 @!p0 $0xFFFFFF80;
	s14 =	sshll.u32 s11, $0x7  }
0x48: {  	v18 =	vld [tilespmem:s14+$0x8000]  }
0x49: {  	v19 =	vld [tilespmem:s14+$0x8010]  }
0x4a: {  	v20 =	vld [tilespmem:s14+$0x8020]  }
0x4b: {  	v21 =	vld [tilespmem:s14+$0x8030]  }
0x4c: {  	v16 =	vld [tilespmem:s14+$0x8040]  }
0x4d: {  	v24 =	vld [tilespmem:s14+$0x9000]  }
0x4e: {  	v25 =	vld [tilespmem:s14+$0x9010]  }
0x4f: {  	v26 =	vld [tilespmem:s14+$0x9020]  }
0x50: {  	v27 =	vld [tilespmem:s14+$0x9030]  }
0x51: {  	v28 =	vld [tilespmem:s14+$0x9040]  }
0x52: {  	v29 =	vld [tilespmem:s14+$0x9050]  }
0x53: {  	v30 =	vld [tilespmem:s14+$0x9060]  }
0x54: {  	v31 =	vld [tilespmem:s14+$0x9070]  }
0x55: {  	v17 =	vld [tilespmem:s14+$0x8050]  }
0x56: {  	s21 =	simm.s32 $0x0;
	s31 =	simm.s32 $0xA480;
	v22 =	vld [tilespmem:s14+$0x8060];
	s20 =	sor.u32 $0x10, s14;
	v24 =	vmul.f32 $1.428571410e+01, v24;
	v25 =	vmul.f32 $1.428571410e+01, v25  }
0x57: {  	s22 =	sor.u32 $0x20, s14;
	s19 =	sor.u32 $0x30, s14;
	v23 =	vld [tilespmem:s14+$0x8070];
	_ =	swait.ge [sflag:s26], $0x4000;
	v26 =	vmul.f32 $1.428571410e+01, v26;
	v27 =	vmul.f32 $1.428571410e+01, v27  }
0x58: {  	s15 =	sor.u32 $0x40, s14;
	s24 =	sor.u32 $0x50, s14;
	[sflag:s26] =	ssyncset.done $0x0;
	v28 =	vmul.f32 $1.428571410e+01, v28;
	v29 =	vmul.f32 $1.428571410e+01, v29  }
0x59: {  	s25 =	sor.u32 $0x60, s14;
	s30 =	sor.u32 $0x70, s14;
	[sflag:s26] =	ssyncadd.s32 $0xFFFFC000;
	v30 =	vmul.f32 $1.428571410e+01, v30;
	v31 =	vmul.f32 $1.428571410e+01, v31  }
.LBB2_3:
0x5a: {  	v32 =	vld [tilespmem:s31+$0xFFFFFC00]  }
0x5b: {  	v33 =	vld [tilespmem:s31+$0xFFFFFC10]  }
0x5c: {  	v34 =	vld [tilespmem:s31+$0xFFFFFC20]  }
0x5d: {  	v35 =	vld [tilespmem:s31+$0xFFFFFC30]  }
0x5e: {  	v36 =	vld [tilespmem:s31+$0xFFFFFC40]  }
0x5f: {  	v37 =	vld [tilespmem:s31+$0xFFFFFC50]  }
0x60: {  	v38 =	vld [tilespmem:s31+$0xFFFFFC60]  }
0x61: {  	v39 =	vld [tilespmem:s31+$0xFFFFFC70]  }
0x62: {  	v40 =	vld [tilespmem:s31+$0xFFFFFC80]  }
0x63: {  	v41 =	vld [tilespmem:s31+$0xFFFFFC90]  }
0x64: {  	v42 =	vld [tilespmem:s31+$0xFFFFFCA0]  }
0x65: {  	v43 =	vld [tilespmem:s31+$0xFFFFFCB0]  }
0x66: {  	v44 =	vld [tilespmem:s31+$0xFFFFFCC0]  }
0x67: {  	v45 =	vld [tilespmem:s31+$0xFFFFFCD0]  }
0x68: {  	v46 =	vld [tilespmem:s31+$0xFFFFFCE0]  }
0x69: {  	v47 =	vld [tilespmem:s31+$0xFFFFFCF0]  }
0x6a: {  	v48 =	vld [tilespmem:s31+$0xFFFFFD00]  }
0x6b: {  	v49 =	vld [tilespmem:s31+$0xFFFFFD10]  }
0x6c: {  	v50 =	vld [tilespmem:s31+$0xFFFFFD20];
	v32 =	vmul.f32 v32, v24;
	v33 =	vmul.f32 v33, v25  }
0x6d: {  	v51 =	vld [tilespmem:s31+$0xFFFFFD30];
	v34 =	vmul.f32 v34, v26;
	v36 =	vmul.f32 v36, v28  }
0x6e: {  	v52 =	vld [tilespmem:s31+$0xFFFFFD40];
	v37 =	vmul.f32 v37, v29;
	v35 =	vmul.f32 v35, v27  }
0x6f: {  	v53 =	vld [tilespmem:s31+$0xFFFFFD50];
	v38 =	vmul.f32 v38, v30;
	v58 =	vmul.f32 v39, v31  }
0x70: {  	v54 =	vld [tilespmem:s31+$0xFFFFFD60];
	v59 =	vmul.f32 v40, v24;
	v60 =	vmul.f32 v41, v25  }
0x71: {  	v40 =	vld [tilespmem:s31+$0xFFFFFD80];
	v61 =	vmul.f32 v42, v26;
	v62 =	vmul.f32 v43, v27  }
0x72: {  	v42 =	vld [tilespmem:s31+$0xFFFFFD90];
	v63 =	vmul.f32 v44, v28;
	v55 =	vmul.f32 v45, v29  }
0x73: {  	v44 =	vld [tilespmem:s31+$0xFFFFFDA0];
	v56 =	vmul.f32 v46, v30;
	v32 =	vadd.f32 v36, v32;
	v33 =	vadd.f32 v37, v33  }
0x74: {  	v57 =	vmul.f32 v47, v31;
	v46 =	vld [tilespmem:s31+$0xFFFFFDB0];
	v34 =	vadd.f32 v38, v34;
	v35 =	vadd.f32 v58, v35  }
0x75: {  	v39 =	vld [tilespmem:s31+$0xFFFFFDC0];
	v52 =	vmul.f32 v52, v28;
	v53 =	vmul.f32 v53, v29;
	v58 =	vadd.f32 v55, v60  }
0x76: {  	v41 =	vld [tilespmem:s31+$0xFFFFFDD0];
	v60 =	vmul.f32 v48, v24;
	v32 =	vadd.f32 v33, v32;
	v34 =	vadd.f32 v35, v34  }
0x77: {  	v37 =	vld [tilespmem:s31+$0xFFFFFD70];
	v55 =	vmul.f32 v54, v30;
	v33 =	vadd.f32 v63, v59;
	v35 =	vadd.f32 v56, v61  }
0x78: {  	v48 =	vld [tilespmem:s31+$0xFFFFFDF0];
	v59 =	vadd.f32 v57, v62;
	v61 =	vmul.f32 v49, v25;
	v62 =	vmul.f32 v50, v26  }
0x79: {  	v45 =	vld [tilespmem:s31+$0xFFFFFDE0];
	v63 =	vmul.f32 v51, v27;
	v56 =	vmul.f32 v40, v24;
	v33 =	vadd.f32 v58, v33  }
0x7a: {  	v57 =	vmul.f32 v42, v25;
	v35 =	vadd.f32 v59, v35;
	v32 =	vadd.f32 v34, v32  }
0x7b: {  	v34 =	vadd.f32 v52, v60;
	v59 =	vmul.f32 v44, v26;
	v60 =	vmul.f32 v46, v27  }
0x7c: {  	v58 =	vadd.f32 v53, v61;
	v61 =	vmul.f32 v39, v28;
	v37 =	vmul.f32 v37, v31  }
0x7d: {  	v48 =	vmul.f32 v48, v31;
	v33 =	vadd.f32 v35, v33;
	v35 =	vadd.f32 v55, v62  }
0x7e: {  	v62 =	vmul.f32 v41, v29;
	v37 =	vadd.f32 v37, v63;
	v63 =	vmul.f32 v45, v30  }
0x7f: {  	v36 =	vadd.f32 v61, v56;
	v51 =	vadd.f32 v48, v60  }
0x80: {  	v49 =	vadd.f32 v62, v57;
	v50 =	vadd.f32 v63, v59  }
0x81: {  	v34 =	vadd.f32 v58, v34;
	v35 =	vadd.f32 v37, v35  }
0x82: {  	v36 =	vadd.f32 v49, v36;
	v52 =	vadd.f32 v51, v50  }
0x83: {  	[tilespmem:$0x1A280] =	vst v32;
	v53 =	vadd.f32 v35, v34  }
0x84: {  	[tilespmem:$0x1A290] =	vst v33;
	v54 =	vadd.f32 v52, v36  }
0x85: {  	[tilespmem:$0x1A2A0] =	vst v53  }
0x86: {  	[tilespmem:$0x1A2B0] =	vst v54  }
0x87: {  	v32 =	vld [tilespmem:s31+$0xFFFFFE00]  }
0x88: {  	v33 =	vld [tilespmem:s31+$0xFFFFFE10]  }
0x89: {  	v55 =	vld [tilespmem:s31+$0xFFFFFE20]  }
0x8a: {  	v35 =	vld [tilespmem:s31+$0xFFFFFE30]  }
0x8b: {  	v36 =	vld [tilespmem:s31+$0xFFFFFE40]  }
0x8c: {  	v37 =	vld [tilespmem:s31+$0xFFFFFE50]  }
0x8d: {  	v56 =	vld [tilespmem:s31+$0xFFFFFE60]  }
0x8e: {  	v58 =	vld [tilespmem:s31+$0xFFFFFE70]  }
0x8f: {  	v59 =	vld [tilespmem:s31+$0xFFFFFE80]  }
0x90: {  	v60 =	vld [tilespmem:s31+$0xFFFFFE90]  }
0x91: {  	v61 =	vld [tilespmem:s31+$0xFFFFFEA0]  }
0x92: {  	v62 =	vld [tilespmem:s31+$0xFFFFFEB0]  }
0x93: {  	v63 =	vld [tilespmem:s31+$0xFFFFFEC0]  }
0x94: {  	v45 =	vld [tilespmem:s31+$0xFFFFFED0]  }
0x95: {  	v46 =	vld [tilespmem:s31+$0xFFFFFEE0]  }
0x96: {  	v57 =	vld [tilespmem:s31+$0xFFFFFEF0]  }
0x97: {  	v48 =	vld [tilespmem:s31+$0xFFFFFF00]  }
0x98: {  	v49 =	vld [tilespmem:s31+$0xFFFFFF10]  }
0x99: {  	v50 =	vld [tilespmem:s31+$0xFFFFFF20];
	v32 =	vmul.f32 v32, v24;
	v33 =	vmul.f32 v33, v25  }
0x9a: {  	v51 =	vld [tilespmem:s31+$0xFFFFFF30];
	v34 =	vmul.f32 v55, v26;
	v36 =	vmul.f32 v36, v28  }
0x9b: {  	v52 =	vld [tilespmem:s31+$0xFFFFFF40];
	v37 =	vmul.f32 v37, v29;
	v35 =	vmul.f32 v35, v27  }
0x9c: {  	v53 =	vld [tilespmem:s31+$0xFFFFFF50];
	v38 =	vmul.f32 v56, v30;
	v58 =	vmul.f32 v58, v31  }
0x9d: {  	v54 =	vld [tilespmem:s31+$0xFFFFFF60];
	v59 =	vmul.f32 v59, v24;
	v60 =	vmul.f32 v60, v25  }
0x9e: {  	v40 =	vld [tilespmem:s31+$0xFFFFFF80];
	v61 =	vmul.f32 v61, v26;
	v62 =	vmul.f32 v62, v27  }
0x9f: {  	v42 =	vld [tilespmem:s31+$0xFFFFFF90];
	v63 =	vmul.f32 v63, v28;
	v55 =	vmul.f32 v45, v29  }
0xa0: {  	v44 =	vld [tilespmem:s31+$0xFFFFFFA0];
	v56 =	vmul.f32 v46, v30;
	v32 =	vadd.f32 v36, v32;
	v33 =	vadd.f32 v37, v33  }
0xa1: {  	v39 =	vld [tilespmem:s31+$0xFFFFFFC0];
	v57 =	vmul.f32 v57, v31;
	v34 =	vadd.f32 v38, v34;
	v35 =	vadd.f32 v58, v35  }
0xa2: {  	v41 =	vld [tilespmem:s31+$0xFFFFFFD0];
	v52 =	vmul.f32 v52, v28;
	v53 =	vmul.f32 v53, v29;
	v58 =	vadd.f32 v55, v60  }
0xa3: {  	v46 =	vld [tilespmem:s31+$0xFFFFFFB0];
	v60 =	vmul.f32 v48, v24;
	v32 =	vadd.f32 v33, v32;
	v34 =	vadd.f32 v35, v34  }
0xa4: {  	v37 =	vld [tilespmem:s31+$0xFFFFFF70];
	v55 =	vmul.f32 v54, v30;
	v33 =	vadd.f32 v63, v59;
	v35 =	vadd.f32 v56, v61  }
0xa5: {  	v48 =	vld [tilespmem:s31+$0xFFFFFFF0];
	v59 =	vadd.f32 v57, v62;
	v61 =	vmul.f32 v49, v25;
	v62 =	vmul.f32 v50, v26  }
0xa6: {  	v45 =	vld [tilespmem:s31+$0xFFFFFFE0];
	v63 =	vmul.f32 v51, v27;
	v56 =	vmul.f32 v40, v24;
	v33 =	vadd.f32 v58, v33  }
0xa7: {  	v57 =	vmul.f32 v42, v25;
	v35 =	vadd.f32 v59, v35;
	v32 =	vadd.f32 v34, v32  }
0xa8: {  	v34 =	vadd.f32 v52, v60;
	v59 =	vmul.f32 v44, v26;
	v60 =	vmul.f32 v46, v27  }
0xa9: {  	v58 =	vadd.f32 v53, v61;
	v61 =	vmul.f32 v39, v28;
	v37 =	vmul.f32 v37, v31  }
0xaa: {  	v48 =	vmul.f32 v48, v31;
	v33 =	vadd.f32 v35, v33;
	v35 =	vadd.f32 v55, v62  }
0xab: {  	v62 =	vmul.f32 v41, v29;
	v37 =	vadd.f32 v37, v63;
	v63 =	vmul.f32 v45, v30  }
0xac: {  	v36 =	vadd.f32 v61, v56;
	v51 =	vadd.f32 v48, v60  }
0xad: {  	v49 =	vadd.f32 v62, v57;
	v50 =	vadd.f32 v63, v59  }
0xae: {  	v34 =	vadd.f32 v58, v34;
	v35 =	vadd.f32 v37, v35  }
0xaf: {  	v36 =	vadd.f32 v49, v36;
	v52 =	vadd.f32 v51, v50  }
0xb0: {  	[tilespmem:$0x1A2C0] =	vst v32;
	v53 =	vadd.f32 v35, v34  }
0xb1: {  	[tilespmem:$0x1A2D0] =	vst v33;
	v54 =	vadd.f32 v52, v36  }
0xb2: {  	[tilespmem:$0x1A2E0] =	vst v53  }
0xb3: {  	[tilespmem:$0x1A2F0] =	vst v54  }
0xb4: {  	v32 =	vld [tilespmem:s31+$0x0]  }
0xb5: {  	v33 =	vld [tilespmem:s31+$0x10]  }
0xb6: {  	v55 =	vld [tilespmem:s31+$0x20]  }
0xb7: {  	v35 =	vld [tilespmem:s31+$0x30]  }
0xb8: {  	v36 =	vld [tilespmem:s31+$0x40]  }
0xb9: {  	v37 =	vld [tilespmem:s31+$0x50]  }
0xba: {  	v56 =	vld [tilespmem:s31+$0x60]  }
0xbb: {  	v58 =	vld [tilespmem:s31+$0x70]  }
0xbc: {  	v59 =	vld [tilespmem:s31+$0x80]  }
0xbd: {  	v60 =	vld [tilespmem:s31+$0x90]  }
0xbe: {  	v61 =	vld [tilespmem:s31+$0xA0]  }
0xbf: {  	v62 =	vld [tilespmem:s31+$0xB0]  }
0xc0: {  	v63 =	vld [tilespmem:s31+$0xC0]  }
0xc1: {  	v45 =	vld [tilespmem:s31+$0xD0]  }
0xc2: {  	v46 =	vld [tilespmem:s31+$0xE0]  }
0xc3: {  	v57 =	vld [tilespmem:s31+$0xF0]  }
0xc4: {  	v48 =	vld [tilespmem:s31+$0x100]  }
0xc5: {  	v49 =	vld [tilespmem:s31+$0x110]  }
0xc6: {  	v50 =	vld [tilespmem:s31+$0x120];
	v32 =	vmul.f32 v32, v24;
	v33 =	vmul.f32 v33, v25  }
0xc7: {  	v51 =	vld [tilespmem:s31+$0x130];
	v34 =	vmul.f32 v55, v26;
	v36 =	vmul.f32 v36, v28  }
0xc8: {  	v52 =	vld [tilespmem:s31+$0x140];
	v37 =	vmul.f32 v37, v29;
	v35 =	vmul.f32 v35, v27  }
0xc9: {  	v53 =	vld [tilespmem:s31+$0x150];
	v38 =	vmul.f32 v56, v30;
	v58 =	vmul.f32 v58, v31  }
0xca: {  	v54 =	vld [tilespmem:s31+$0x160];
	v59 =	vmul.f32 v59, v24;
	v60 =	vmul.f32 v60, v25  }
0xcb: {  	v40 =	vld [tilespmem:s31+$0x180];
	v61 =	vmul.f32 v61, v26;
	v62 =	vmul.f32 v62, v27  }
0xcc: {  	v42 =	vld [tilespmem:s31+$0x190];
	v63 =	vmul.f32 v63, v28;
	v55 =	vmul.f32 v45, v29  }
0xcd: {  	v44 =	vld [tilespmem:s31+$0x1A0];
	v56 =	vmul.f32 v46, v30;
	v32 =	vadd.f32 v36, v32;
	v33 =	vadd.f32 v37, v33  }
0xce: {  	v39 =	vld [tilespmem:s31+$0x1C0];
	v57 =	vmul.f32 v57, v31;
	v34 =	vadd.f32 v38, v34;
	v35 =	vadd.f32 v58, v35  }
0xcf: {  	v41 =	vld [tilespmem:s31+$0x1D0];
	v52 =	vmul.f32 v52, v28;
	v53 =	vmul.f32 v53, v29;
	v58 =	vadd.f32 v55, v60  }
0xd0: {  	v46 =	vld [tilespmem:s31+$0x1B0];
	v60 =	vmul.f32 v48, v24;
	v32 =	vadd.f32 v33, v32;
	v34 =	vadd.f32 v35, v34  }
0xd1: {  	v37 =	vld [tilespmem:s31+$0x170];
	v55 =	vmul.f32 v54, v30;
	v33 =	vadd.f32 v63, v59;
	v35 =	vadd.f32 v56, v61  }
0xd2: {  	v48 =	vld [tilespmem:s31+$0x1F0];
	v59 =	vadd.f32 v57, v62;
	v61 =	vmul.f32 v49, v25;
	v62 =	vmul.f32 v50, v26  }
0xd3: {  	v45 =	vld [tilespmem:s31+$0x1E0];
	v63 =	vmul.f32 v51, v27;
	v56 =	vmul.f32 v40, v24;
	v33 =	vadd.f32 v58, v33  }
0xd4: {  	v57 =	vmul.f32 v42, v25;
	v35 =	vadd.f32 v59, v35;
	v32 =	vadd.f32 v34, v32  }
0xd5: {  	v34 =	vadd.f32 v52, v60;
	v59 =	vmul.f32 v44, v26;
	v60 =	vmul.f32 v46, v27  }
0xd6: {  	v58 =	vadd.f32 v53, v61;
	v61 =	vmul.f32 v39, v28;
	v37 =	vmul.f32 v37, v31  }
0xd7: {  	v48 =	vmul.f32 v48, v31;
	v33 =	vadd.f32 v35, v33;
	v35 =	vadd.f32 v55, v62  }
0xd8: {  	v62 =	vmul.f32 v41, v29;
	v37 =	vadd.f32 v37, v63;
	v63 =	vmul.f32 v45, v30  }
0xd9: {  	v36 =	vadd.f32 v61, v56;
	v51 =	vadd.f32 v48, v60  }
0xda: {  	v49 =	vadd.f32 v62, v57;
	v50 =	vadd.f32 v63, v59  }
0xdb: {  	v34 =	vadd.f32 v58, v34;
	v35 =	vadd.f32 v37, v35  }
0xdc: {  	v36 =	vadd.f32 v49, v36;
	v52 =	vadd.f32 v51, v50  }
0xdd: {  	[tilespmem:$0x1A300] =	vst v32;
	v53 =	vadd.f32 v35, v34  }
0xde: {  	[tilespmem:$0x1A310] =	vst v33;
	v54 =	vadd.f32 v52, v36  }
0xdf: {  	[tilespmem:$0x1A320] =	vst v53  }
0xe0: {  	[tilespmem:$0x1A330] =	vst v54  }
0xe1: {  	v32 =	vld [tilespmem:s31+$0x200]  }
0xe2: {  	v33 =	vld [tilespmem:s31+$0x210]  }
0xe3: {  	v55 =	vld [tilespmem:s31+$0x220]  }
0xe4: {  	v35 =	vld [tilespmem:s31+$0x230]  }
0xe5: {  	v36 =	vld [tilespmem:s31+$0x240]  }
0xe6: {  	v37 =	vld [tilespmem:s31+$0x250]  }
0xe7: {  	v56 =	vld [tilespmem:s31+$0x260]  }
0xe8: {  	v39 =	vld [tilespmem:s31+$0x270]  }
0xe9: {  	v40 =	vld [tilespmem:s31+$0x280]  }
0xea: {  	v57 =	vld [tilespmem:s31+$0x290]  }
0xeb: {  	v58 =	vld [tilespmem:s31+$0x2A0]  }
0xec: {  	v59 =	vld [tilespmem:s31+$0x2B0]  }
0xed: {  	v60 =	vld [tilespmem:s31+$0x2C0]  }
0xee: {  	v61 =	vld [tilespmem:s31+$0x2D0]  }
0xef: {  	v62 =	vld [tilespmem:s31+$0x2E0]  }
0xf0: {  	v63 =	vld [tilespmem:s31+$0x2F0]  }
0xf1: {  	v48 =	vld [tilespmem:s31+$0x300]  }
0xf2: {  	v49 =	vld [tilespmem:s31+$0x310]  }
0xf3: {  	v50 =	vld [tilespmem:s31+$0x320];
	v32 =	vmul.f32 v32, v24;
	v33 =	vmul.f32 v33, v25  }
0xf4: {  	v51 =	vld [tilespmem:s31+$0x330];
	v34 =	vmul.f32 v55, v26;
	v36 =	vmul.f32 v36, v28  }
0xf5: {  	v52 =	vld [tilespmem:s31+$0x340];
	v37 =	vmul.f32 v37, v29;
	v35 =	vmul.f32 v35, v27  }
0xf6: {  	v53 =	vld [tilespmem:s31+$0x350];
	v38 =	vmul.f32 v56, v30;
	v55 =	vmul.f32 v39, v31  }
0xf7: {  	v54 =	vld [tilespmem:s31+$0x360];
	v56 =	vmul.f32 v40, v24;
	v57 =	vmul.f32 v57, v25  }
0xf8: {  	v42 =	vld [tilespmem:s31+$0x390];
	v58 =	vmul.f32 v58, v26;
	v59 =	vmul.f32 v59, v27  }
0xf9: {  	v44 =	vld [tilespmem:s31+$0x3A0];
	v61 =	vmul.f32 v61, v29;
	v32 =	vadd.f32 v36, v32;
	v33 =	vadd.f32 v37, v33  }
0xfa: {  	v46 =	vld [tilespmem:s31+$0x3B0];
	v60 =	vmul.f32 v60, v28;
	v34 =	vadd.f32 v38, v34;
	v35 =	vadd.f32 v55, v35  }
0xfb: {  	v41 =	vld [tilespmem:s31+$0x3D0];
	v62 =	vmul.f32 v62, v30;
	v63 =	vmul.f32 v63, v31;
	v55 =	vadd.f32 v61, v57  }
0xfc: {  	v40 =	vld [tilespmem:s31+$0x380];
	v57 =	vmul.f32 v48, v24;
	v32 =	vadd.f32 v33, v32;
	v34 =	vadd.f32 v35, v34  }
0xfd: {  	v39 =	vld [tilespmem:s31+$0x3C0];
	v33 =	vadd.f32 v60, v56;
	v35 =	vadd.f32 v62, v58;
	v58 =	vmul.f32 v49, v25  }
0xfe: {  	v37 =	vld [tilespmem:s31+$0x370];
	v56 =	vadd.f32 v63, v59;
	v59 =	vmul.f32 v50, v26;
	v60 =	vmul.f32 v51, v27  }
0xff: {  	v61 =	vld [tilespmem:s31+$0x3F0];
	v62 =	vmul.f32 v52, v28;
	v63 =	vmul.f32 v53, v29  }
0x100: {  	v45 =	vld [tilespmem:s31+$0x3E0];
	v52 =	vmul.f32 v54, v30;
	v54 =	vmul.f32 v42, v25;
	v33 =	vadd.f32 v55, v33  }
0x101: {  	v53 =	vmul.f32 v40, v24;
	v35 =	vadd.f32 v56, v35;
	v32 =	vadd.f32 v34, v32  }
0x102: {  	v34 =	vadd.f32 v62, v57;
	v56 =	vmul.f32 v44, v26;
	v57 =	vmul.f32 v46, v27  }
0x103: {  	v55 =	vadd.f32 v63, v58;
	v58 =	vmul.f32 v39, v28;
	v37 =	vmul.f32 v37, v31  }
0x104: {  	v61 =	vmul.f32 v61, v31;
	v33 =	vadd.f32 v35, v33;
	v35 =	vadd.f32 v52, v59  }
0x105: {  	v59 =	vmul.f32 v41, v29;
	v37 =	vadd.f32 v37, v60;
	v60 =	vmul.f32 v45, v30  }
0x106: {  	v36 =	vadd.f32 v58, v53;
	v46 =	vadd.f32 v61, v57  }
0x107: {  	v62 =	vadd.f32 v59, v54;
	v63 =	vadd.f32 v60, v56  }
0x108: {  	v34 =	vadd.f32 v55, v34;
	v35 =	vadd.f32 v37, v35  }
0x109: {  	v36 =	vadd.f32 v62, v36;
	v47 =	vadd.f32 v46, v63  }
0x10a: {  	[tilespmem:$0x1A340] =	vst v32;
	v48 =	vadd.f32 v35, v34  }
0x10b: {  	[tilespmem:$0x1A350] =	vst v33;
	v49 =	vadd.f32 v47, v36  }
0x10c: {  	[tilespmem:$0x1A360] =	vst v48  }
0x10d: {  	[tilespmem:$0x1A370] =	vst v49  }
0x10e: {  	v32 =	vld.idx.msk [tilespmem:v0+s28+$0x0], $0xffff  }
0x10f: {  	v33 =	vld.idx.msk [tilespmem:v1+s28+$0x0], $0xffff;
	_ =	sdelay $0x1  }
0x110: {  	v50 =	vld.idx.msk [tilespmem:v2+s28+$0x0], $0xffff;
	_ =	sdelay $0x1  }
0x111: {  	v51 =	vld.idx.msk [tilespmem:v3+s28+$0x0], $0xffff  }
0x112: {  	v32 =	vadd.f32 v33, v32  }
0x113: {  	v52 =	vld.idx.msk [tilespmem:v4+s28+$0x0], $0xffff  }
0x114: {  	v32 =	vadd.f32 v50, v32  }
0x115: {  	v53 =	vld.idx.msk [tilespmem:v5+s28+$0x0], $0xffff  }
0x116: {  	v32 =	vadd.f32 v51, v32  }
0x117: {  	v54 =	vld.idx.msk [tilespmem:v6+s28+$0x0], $0xffff  }
0x118: {  	v32 =	vadd.f32 v52, v32  }
0x119: {  	v55 =	vld.idx.msk [tilespmem:v7+s28+$0x0], $0xffff  }
0x11a: {  	v32 =	vadd.f32 v53, v32  }
0x11b: {  	v56 =	vld.idx.msk [tilespmem:v8+s28+$0x0], $0xffff  }
0x11c: {  	v32 =	vadd.f32 v54, v32  }
0x11d: {  	v57 =	vld.idx.msk [tilespmem:v9+s28+$0x0], $0xffff  }
0x11e: {  	v32 =	vadd.f32 v55, v32  }
0x11f: {  	v58 =	vld.idx.msk [tilespmem:v10+s28+$0x0], $0xffff  }
0x120: {  	v32 =	vadd.f32 v56, v32  }
0x121: {  	v59 =	vld.idx.msk [tilespmem:v11+s28+$0x0], $0xffff  }
0x122: {  	v32 =	vadd.f32 v57, v32  }
0x123: {  	v60 =	vld.idx.msk [tilespmem:v12+s28+$0x0], $0xffff  }
0x124: {  	v32 =	vadd.f32 v58, v32  }
0x125: {  	v61 =	vld.idx.msk [tilespmem:v13+s28+$0x0], $0xffff  }
0x126: {  	v32 =	vadd.f32 v59, v32  }
0x127: {  	v62 =	vld.idx.msk [tilespmem:v14+s28+$0x0], $0xffff  }
0x128: {  	v32 =	vadd.f32 v60, v32  }
0x129: {  	v63 =	vld.idx.msk [tilespmem:v15+s28+$0x0], $0xffff  }
0x12a: {  	v32 =	vadd.f32 v61, v32  }
0x12b: {  	p0 =	sne.s32 s21, $0x1C0  }
.Ltmp0:
0x12c: {  	v32 =	vadd.f32 v62, v32;
	(pc) =	sbr.rel @p0 .LBB2_3-.Ltmp0, $4  }
0x12d: {  	_ = 	snop  }
0x12e: {  	v32 =	vadd.f32 v63, v32  }
0x12f: {  	s16 =	sshra.s32 s21, $0x2  }
0x130: {  	s21 =	sadd.s32 $0x40, s21;
	s31 =	sadd.s32 $0x800, s31;
	[tilespmem:s16+$0x1A180] =	vst v32  }
0x131: {  	v18 =	vmul.f32 $1.428571410e+01, v18;
	v19 =	vmul.f32 $1.428571410e+01, v19  }
0x132: {  	v20 =	vmul.f32 $1.428571410e+01, v20;
	v21 =	vmul.f32 $1.428571410e+01, v21;
	_ =	swait.ge [sflag:s29], $0x4000  }
0x133: {  	v16 =	vmul.f32 $1.428571410e+01, v16;
	v17 =	vmul.f32 $1.428571410e+01, v17;
	[sflag:s29] =	ssyncset.done $0x0  }
0x134: {  	v22 =	vmul.f32 $1.428571410e+01, v22;
	v23 =	vmul.f32 $1.428571410e+01, v23;
	s21 =	simm.s32 $0x0;
	s31 =	simm.s32 $0x12480;
	[sflag:s29] =	ssyncadd.s32 $0xFFFFC000  }
.LBB2_5:
0x135: {  	v24 =	vld [tilespmem:s31+$0xFFFFFC00]  }
0x136: {  	v25 =	vld [tilespmem:s31+$0xFFFFFC10]  }
0x137: {  	v26 =	vld [tilespmem:s31+$0xFFFFFC20]  }
0x138: {  	v27 =	vld [tilespmem:s31+$0xFFFFFC30]  }
0x139: {  	v28 =	vld [tilespmem:s31+$0xFFFFFC40]  }
0x13a: {  	v29 =	vld [tilespmem:s31+$0xFFFFFC50]  }
0x13b: {  	v30 =	vld [tilespmem:s31+$0xFFFFFC60]  }
0x13c: {  	v31 =	vld [tilespmem:s31+$0xFFFFFC70]  }
0x13d: {  	v32 =	vld [tilespmem:s31+$0xFFFFFC80]  }
0x13e: {  	v33 =	vld [tilespmem:s31+$0xFFFFFC90]  }
0x13f: {  	v34 =	vld [tilespmem:s31+$0xFFFFFCA0]  }
0x140: {  	v35 =	vld [tilespmem:s31+$0xFFFFFCB0]  }
0x141: {  	v36 =	vld [tilespmem:s31+$0xFFFFFCC0]  }
0x142: {  	v37 =	vld [tilespmem:s31+$0xFFFFFCD0]  }
0x143: {  	v38 =	vld [tilespmem:s31+$0xFFFFFCE0]  }
0x144: {  	v39 =	vld [tilespmem:s31+$0xFFFFFCF0]  }
0x145: {  	v40 =	vld [tilespmem:s31+$0xFFFFFD00]  }
0x146: {  	v41 =	vld [tilespmem:s31+$0xFFFFFD10];
	v24 =	vmul.f32 v24, v18;
	v25 =	vmul.f32 v25, v19  }
0x147: {  	v42 =	vld [tilespmem:s31+$0xFFFFFD20];
	v26 =	vmul.f32 v26, v20;
	v28 =	vmul.f32 v28, v16  }
0x148: {  	v43 =	vld [tilespmem:s31+$0xFFFFFD30];
	v29 =	vmul.f32 v29, v17;
	v27 =	vmul.f32 v27, v21  }
0x149: {  	v44 =	vld [tilespmem:s31+$0xFFFFFD40];
	v30 =	vmul.f32 v30, v22;
	v51 =	vmul.f32 v31, v23  }
0x14a: {  	v45 =	vld [tilespmem:s31+$0xFFFFFD50];
	v52 =	vmul.f32 v32, v18;
	v53 =	vmul.f32 v33, v19  }
0x14b: {  	v61 =	vld [tilespmem:s31+$0xFFFFFDC0];
	v54 =	vmul.f32 v34, v20;
	v55 =	vmul.f32 v35, v21  }
0x14c: {  	v46 =	vld [tilespmem:s31+$0xFFFFFD60];
	v56 =	vmul.f32 v36, v16;
	v57 =	vmul.f32 v37, v17  }
0x14d: {  	v63 =	vld [tilespmem:s31+$0xFFFFFDD0];
	v58 =	vmul.f32 v38, v22;
	v59 =	vmul.f32 v39, v23  }
0x14e: {  	v49 =	vld [tilespmem:s31+$0xFFFFFDE0];
	v47 =	vmul.f32 v40, v18;
	v48 =	vmul.f32 v41, v19  }
0x14f: {  	v32 =	vld [tilespmem:s31+$0xFFFFFD80];
	v50 =	vmul.f32 v42, v20;
	v24 =	vadd.f32 v28, v24;
	v25 =	vadd.f32 v29, v25  }
0x150: {  	v34 =	vld [tilespmem:s31+$0xFFFFFD90];
	v61 =	vmul.f32 v61, v16;
	v26 =	vadd.f32 v30, v26;
	v27 =	vadd.f32 v51, v27  }
0x151: {  	v36 =	vld [tilespmem:s31+$0xFFFFFDA0];
	v60 =	vadd.f32 v57, v53;
	v62 =	vadd.f32 v59, v55;
	v51 =	vmul.f32 v43, v21  }
0x152: {  	v38 =	vld [tilespmem:s31+$0xFFFFFDB0];
	v53 =	vmul.f32 v44, v16;
	v24 =	vadd.f32 v25, v24;
	v26 =	vadd.f32 v27, v26  }
0x153: {  	v29 =	vld [tilespmem:s31+$0xFFFFFD70];
	v55 =	vmul.f32 v46, v22;
	v25 =	vadd.f32 v56, v52;
	v27 =	vadd.f32 v58, v54  }
0x154: {  	v52 =	vld [tilespmem:s31+$0xFFFFFDF0];
	v54 =	vmul.f32 v45, v17;
	v56 =	vmul.f32 v32, v18  }
0x155: {  	v57 =	vmul.f32 v34, v19;
	v25 =	vadd.f32 v60, v25;
	v27 =	vadd.f32 v62, v27  }
0x156: {  	v59 =	vmul.f32 v36, v20;
	v24 =	vadd.f32 v26, v24;
	v26 =	vadd.f32 v53, v47  }
0x157: {  	v58 =	vadd.f32 v54, v48;
	v60 =	vmul.f32 v38, v21;
	v62 =	vmul.f32 v63, v17  }
0x158: {  	v63 =	vmul.f32 v49, v22;
	v29 =	vmul.f32 v29, v23;
	v28 =	vadd.f32 v61, v56  }
0x159: {  	v25 =	vadd.f32 v27, v25;
	v27 =	vadd.f32 v55, v50;
	v40 =	vmul.f32 v52, v23  }
0x15a: {  	v41 =	vadd.f32 v62, v57;
	v29 =	vadd.f32 v29, v51  }
0x15b: {  	v42 =	vadd.f32 v63, v59;
	v43 =	vadd.f32 v40, v60  }
0x15c: {  	v26 =	vadd.f32 v58, v26;
	v27 =	vadd.f32 v29, v27  }
0x15d: {  	v28 =	vadd.f32 v41, v28;
	v44 =	vadd.f32 v43, v42  }
0x15e: {  	[tilespmem:$0x1A280] =	vst v24;
	v45 =	vadd.f32 v27, v26  }
0x15f: {  	[tilespmem:$0x1A290] =	vst v25;
	v46 =	vadd.f32 v44, v28  }
0x160: {  	[tilespmem:$0x1A2A0] =	vst v45  }
0x161: {  	[tilespmem:$0x1A2B0] =	vst v46  }
0x162: {  	v24 =	vld [tilespmem:s31+$0xFFFFFE00]  }
0x163: {  	v25 =	vld [tilespmem:s31+$0xFFFFFE10]  }
0x164: {  	v47 =	vld [tilespmem:s31+$0xFFFFFE20]  }
0x165: {  	v51 =	vld [tilespmem:s31+$0xFFFFFE30]  }
0x166: {  	v52 =	vld [tilespmem:s31+$0xFFFFFE40]  }
0x167: {  	v53 =	vld [tilespmem:s31+$0xFFFFFE50]  }
0x168: {  	v54 =	vld [tilespmem:s31+$0xFFFFFE60]  }
0x169: {  	v55 =	vld [tilespmem:s31+$0xFFFFFE70]  }
0x16a: {  	v56 =	vld [tilespmem:s31+$0xFFFFFE80]  }
0x16b: {  	v57 =	vld [tilespmem:s31+$0xFFFFFE90]  }
0x16c: {  	v58 =	vld [tilespmem:s31+$0xFFFFFEA0]  }
0x16d: {  	v59 =	vld [tilespmem:s31+$0xFFFFFEB0]  }
0x16e: {  	v60 =	vld [tilespmem:s31+$0xFFFFFEC0]  }
0x16f: {  	v61 =	vld [tilespmem:s31+$0xFFFFFED0]  }
0x170: {  	v62 =	vld [tilespmem:s31+$0xFFFFFEE0]  }
0x171: {  	v63 =	vld [tilespmem:s31+$0xFFFFFEF0]  }
0x172: {  	v48 =	vld [tilespmem:s31+$0xFFFFFF00]  }
0x173: {  	v49 =	vld [tilespmem:s31+$0xFFFFFF10];
	v24 =	vmul.f32 v24, v18  }
0x174: {  	v50 =	vld [tilespmem:s31+$0xFFFFFF20];
	v25 =	vmul.f32 v25, v19;
	v26 =	vmul.f32 v47, v20  }
0x175: {  	v43 =	vld [tilespmem:s31+$0xFFFFFF30];
	v28 =	vmul.f32 v52, v16;
	v29 =	vmul.f32 v53, v17  }
0x176: {  	v44 =	vld [tilespmem:s31+$0xFFFFFF40];
	v27 =	vmul.f32 v51, v21;
	v30 =	vmul.f32 v54, v22  }
0x177: {  	v45 =	vld [tilespmem:s31+$0xFFFFFF50];
	v51 =	vmul.f32 v55, v23;
	v52 =	vmul.f32 v56, v18  }
0x178: {  	v46 =	vld [tilespmem:s31+$0xFFFFFF60];
	v53 =	vmul.f32 v57, v19;
	v54 =	vmul.f32 v58, v20  }
0x179: {  	v32 =	vld [tilespmem:s31+$0xFFFFFF80];
	v55 =	vmul.f32 v59, v21;
	v56 =	vmul.f32 v60, v16  }
0x17a: {  	v34 =	vld [tilespmem:s31+$0xFFFFFF90];
	v57 =	vmul.f32 v61, v17;
	v58 =	vmul.f32 v62, v22  }
0x17b: {  	v36 =	vld [tilespmem:s31+$0xFFFFFFA0];
	v59 =	vmul.f32 v63, v23;
	v47 =	vmul.f32 v48, v18;
	v24 =	vadd.f32 v28, v24  }
0x17c: {  	v38 =	vld [tilespmem:s31+$0xFFFFFFB0];
	v48 =	vmul.f32 v49, v19;
	v25 =	vadd.f32 v29, v25;
	v26 =	vadd.f32 v30, v26  }
0x17d: {  	v61 =	vld [tilespmem:s31+$0xFFFFFFC0];
	v50 =	vmul.f32 v50, v20;
	v27 =	vadd.f32 v51, v27;
	v60 =	vadd.f32 v57, v53  }
0x17e: {  	v63 =	vld [tilespmem:s31+$0xFFFFFFD0];
	v62 =	vadd.f32 v59, v55;
	v51 =	vmul.f32 v43, v21;
	v53 =	vmul.f32 v44, v16  }
0x17f: {  	v49 =	vld [tilespmem:s31+$0xFFFFFFE0];
	v55 =	vmul.f32 v46, v22;
	v24 =	vadd.f32 v25, v24;
	v26 =	vadd.f32 v27, v26  }
0x180: {  	v29 =	vld [tilespmem:s31+$0xFFFFFF70];
	v57 =	vmul.f32 v34, v19;
	v25 =	vadd.f32 v56, v52;
	v27 =	vadd.f32 v58, v54  }
0x181: {  	v59 =	vmul.f32 v36, v20;
	v52 =	vld [tilespmem:s31+$0xFFFFFFF0];
	v54 =	vmul.f32 v45, v17  }
0x182: {  	v56 =	vmul.f32 v32, v18;
	v25 =	vadd.f32 v60, v25;
	v27 =	vadd.f32 v62, v27  }
0x183: {  	v61 =	vmul.f32 v61, v16;
	v24 =	vadd.f32 v26, v24;
	v26 =	vadd.f32 v53, v47  }
0x184: {  	v58 =	vadd.f32 v54, v48;
	v60 =	vmul.f32 v38, v21;
	v62 =	vmul.f32 v63, v17  }
0x185: {  	v63 =	vmul.f32 v49, v22;
	v29 =	vmul.f32 v29, v23;
	v28 =	vadd.f32 v61, v56  }
0x186: {  	v25 =	vadd.f32 v27, v25;
	v27 =	vadd.f32 v55, v50;
	v40 =	vmul.f32 v52, v23  }
0x187: {  	v41 =	vadd.f32 v62, v57;
	v29 =	vadd.f32 v29, v51  }
0x188: {  	v42 =	vadd.f32 v63, v59;
	v43 =	vadd.f32 v40, v60  }
0x189: {  	v26 =	vadd.f32 v58, v26;
	v27 =	vadd.f32 v29, v27  }
0x18a: {  	v28 =	vadd.f32 v41, v28;
	v44 =	vadd.f32 v43, v42  }
0x18b: {  	[tilespmem:$0x1A2C0] =	vst v24;
	v45 =	vadd.f32 v27, v26  }
0x18c: {  	[tilespmem:$0x1A2D0] =	vst v25;
	v46 =	vadd.f32 v44, v28  }
0x18d: {  	[tilespmem:$0x1A2E0] =	vst v45  }
0x18e: {  	[tilespmem:$0x1A2F0] =	vst v46  }
0x18f: {  	v24 =	vld [tilespmem:s31+$0x0]  }
0x190: {  	v25 =	vld [tilespmem:s31+$0x10]  }
0x191: {  	v47 =	vld [tilespmem:s31+$0x20]  }
0x192: {  	v51 =	vld [tilespmem:s31+$0x30]  }
0x193: {  	v52 =	vld [tilespmem:s31+$0x40]  }
0x194: {  	v53 =	vld [tilespmem:s31+$0x50]  }
0x195: {  	v54 =	vld [tilespmem:s31+$0x60]  }
0x196: {  	v55 =	vld [tilespmem:s31+$0x70]  }
0x197: {  	v56 =	vld [tilespmem:s31+$0x80]  }
0x198: {  	v57 =	vld [tilespmem:s31+$0x90]  }
0x199: {  	v58 =	vld [tilespmem:s31+$0xA0]  }
0x19a: {  	v59 =	vld [tilespmem:s31+$0xB0]  }
0x19b: {  	v60 =	vld [tilespmem:s31+$0xC0]  }
0x19c: {  	v61 =	vld [tilespmem:s31+$0xD0]  }
0x19d: {  	v62 =	vld [tilespmem:s31+$0xE0]  }
0x19e: {  	v63 =	vld [tilespmem:s31+$0xF0]  }
0x19f: {  	v48 =	vld [tilespmem:s31+$0x100]  }
0x1a0: {  	v49 =	vld [tilespmem:s31+$0x110];
	v24 =	vmul.f32 v24, v18  }
0x1a1: {  	v50 =	vld [tilespmem:s31+$0x120];
	v25 =	vmul.f32 v25, v19;
	v26 =	vmul.f32 v47, v20  }
0x1a2: {  	v43 =	vld [tilespmem:s31+$0x130];
	v28 =	vmul.f32 v52, v16;
	v29 =	vmul.f32 v53, v17  }
0x1a3: {  	v44 =	vld [tilespmem:s31+$0x140];
	v27 =	vmul.f32 v51, v21;
	v30 =	vmul.f32 v54, v22  }
0x1a4: {  	v45 =	vld [tilespmem:s31+$0x150];
	v51 =	vmul.f32 v55, v23;
	v52 =	vmul.f32 v56, v18  }
0x1a5: {  	v46 =	vld [tilespmem:s31+$0x160];
	v53 =	vmul.f32 v57, v19;
	v54 =	vmul.f32 v58, v20  }
0x1a6: {  	v32 =	vld [tilespmem:s31+$0x180];
	v55 =	vmul.f32 v59, v21;
	v56 =	vmul.f32 v60, v16  }
0x1a7: {  	v34 =	vld [tilespmem:s31+$0x190];
	v57 =	vmul.f32 v61, v17;
	v58 =	vmul.f32 v62, v22  }
0x1a8: {  	v36 =	vld [tilespmem:s31+$0x1A0];
	v59 =	vmul.f32 v63, v23;
	v47 =	vmul.f32 v48, v18;
	v24 =	vadd.f32 v28, v24  }
0x1a9: {  	v38 =	vld [tilespmem:s31+$0x1B0];
	v48 =	vmul.f32 v49, v19;
	v25 =	vadd.f32 v29, v25;
	v26 =	vadd.f32 v30, v26  }
0x1aa: {  	v61 =	vld [tilespmem:s31+$0x1C0];
	v50 =	vmul.f32 v50, v20;
	v27 =	vadd.f32 v51, v27;
	v60 =	vadd.f32 v57, v53  }
0x1ab: {  	v63 =	vld [tilespmem:s31+$0x1D0];
	v62 =	vadd.f32 v59, v55;
	v51 =	vmul.f32 v43, v21;
	v53 =	vmul.f32 v44, v16  }
0x1ac: {  	v49 =	vld [tilespmem:s31+$0x1E0];
	v55 =	vmul.f32 v46, v22;
	v24 =	vadd.f32 v25, v24;
	v26 =	vadd.f32 v27, v26  }
0x1ad: {  	v29 =	vld [tilespmem:s31+$0x170];
	v57 =	vmul.f32 v34, v19;
	v25 =	vadd.f32 v56, v52;
	v27 =	vadd.f32 v58, v54  }
0x1ae: {  	v59 =	vmul.f32 v36, v20;
	v52 =	vld [tilespmem:s31+$0x1F0];
	v54 =	vmul.f32 v45, v17  }
0x1af: {  	v56 =	vmul.f32 v32, v18;
	v25 =	vadd.f32 v60, v25;
	v27 =	vadd.f32 v62, v27  }
0x1b0: {  	v61 =	vmul.f32 v61, v16;
	v24 =	vadd.f32 v26, v24;
	v26 =	vadd.f32 v53, v47  }
0x1b1: {  	v58 =	vadd.f32 v54, v48;
	v60 =	vmul.f32 v38, v21;
	v62 =	vmul.f32 v63, v17  }
0x1b2: {  	v63 =	vmul.f32 v49, v22;
	v29 =	vmul.f32 v29, v23;
	v28 =	vadd.f32 v61, v56  }
0x1b3: {  	v25 =	vadd.f32 v27, v25;
	v27 =	vadd.f32 v55, v50;
	v40 =	vmul.f32 v52, v23  }
0x1b4: {  	v41 =	vadd.f32 v62, v57;
	v29 =	vadd.f32 v29, v51  }
0x1b5: {  	v42 =	vadd.f32 v63, v59;
	v43 =	vadd.f32 v40, v60  }
0x1b6: {  	v26 =	vadd.f32 v58, v26;
	v27 =	vadd.f32 v29, v27  }
0x1b7: {  	v28 =	vadd.f32 v41, v28;
	v44 =	vadd.f32 v43, v42  }
0x1b8: {  	[tilespmem:$0x1A300] =	vst v24;
	v45 =	vadd.f32 v27, v26  }
0x1b9: {  	[tilespmem:$0x1A310] =	vst v25;
	v46 =	vadd.f32 v44, v28  }
0x1ba: {  	[tilespmem:$0x1A320] =	vst v45  }
0x1bb: {  	[tilespmem:$0x1A330] =	vst v46  }
0x1bc: {  	v24 =	vld [tilespmem:s31+$0x200]  }
0x1bd: {  	v25 =	vld [tilespmem:s31+$0x210]  }
0x1be: {  	v47 =	vld [tilespmem:s31+$0x220]  }
0x1bf: {  	v53 =	vld [tilespmem:s31+$0x230]  }
0x1c0: {  	v54 =	vld [tilespmem:s31+$0x240]  }
0x1c1: {  	v55 =	vld [tilespmem:s31+$0x250]  }
0x1c2: {  	v56 =	vld [tilespmem:s31+$0x260]  }
0x1c3: {  	v57 =	vld [tilespmem:s31+$0x270]  }
0x1c4: {  	v58 =	vld [tilespmem:s31+$0x280]  }
0x1c5: {  	v59 =	vld [tilespmem:s31+$0x290]  }
0x1c6: {  	v60 =	vld [tilespmem:s31+$0x2A0]  }
0x1c7: {  	v61 =	vld [tilespmem:s31+$0x2B0]  }
0x1c8: {  	v62 =	vld [tilespmem:s31+$0x2C0]  }
0x1c9: {  	v63 =	vld [tilespmem:s31+$0x2D0]  }
0x1ca: {  	v48 =	vld [tilespmem:s31+$0x2E0]  }
0x1cb: {  	v49 =	vld [tilespmem:s31+$0x2F0]  }
0x1cc: {  	v50 =	vld [tilespmem:s31+$0x300]  }
0x1cd: {  	v51 =	vld [tilespmem:s31+$0x310];
	v24 =	vmul.f32 v24, v18  }
0x1ce: {  	v52 =	vld [tilespmem:s31+$0x320];
	v25 =	vmul.f32 v25, v19;
	v26 =	vmul.f32 v47, v20  }
0x1cf: {  	v43 =	vld [tilespmem:s31+$0x330];
	v28 =	vmul.f32 v54, v16;
	v29 =	vmul.f32 v55, v17  }
0x1d0: {  	v44 =	vld [tilespmem:s31+$0x340];
	v27 =	vmul.f32 v53, v21;
	v30 =	vmul.f32 v56, v22  }
0x1d1: {  	v45 =	vld [tilespmem:s31+$0x350];
	v53 =	vmul.f32 v57, v23;
	v54 =	vmul.f32 v58, v18  }
0x1d2: {  	v46 =	vld [tilespmem:s31+$0x360];
	v55 =	vmul.f32 v59, v19;
	v56 =	vmul.f32 v60, v20  }
0x1d3: {  	v32 =	vld [tilespmem:s31+$0x380];
	v57 =	vmul.f32 v61, v21;
	v58 =	vmul.f32 v62, v16  }
0x1d4: {  	v34 =	vld [tilespmem:s31+$0x390];
	v59 =	vmul.f32 v63, v17;
	v60 =	vmul.f32 v48, v22  }
0x1d5: {  	v36 =	vld [tilespmem:s31+$0x3A0];
	v61 =	vmul.f32 v49, v23;
	v49 =	vmul.f32 v50, v18  }
0x1d6: {  	v38 =	vld [tilespmem:s31+$0x3B0];
	v50 =	vmul.f32 v51, v19;
	v24 =	vadd.f32 v28, v24;
	v25 =	vadd.f32 v29, v25  }
0x1d7: {  	v63 =	vld [tilespmem:s31+$0x3C0];
	v52 =	vmul.f32 v52, v20;
	v26 =	vadd.f32 v30, v26;
	v27 =	vadd.f32 v53, v27  }
0x1d8: {  	v48 =	vld [tilespmem:s31+$0x3D0];
	v62 =	vadd.f32 v59, v55;
	v53 =	vmul.f32 v43, v21;
	v55 =	vmul.f32 v44, v16  }
0x1d9: {  	v51 =	vld [tilespmem:s31+$0x3E0];
	v47 =	vadd.f32 v61, v57;
	v57 =	vmul.f32 v46, v22;
	v59 =	vmul.f32 v34, v19  }
0x1da: {  	v29 =	vld [tilespmem:s31+$0x370];
	v61 =	vmul.f32 v36, v20;
	v24 =	vadd.f32 v25, v24;
	v25 =	vadd.f32 v58, v54  }
0x1db: {  	v26 =	vadd.f32 v27, v26;
	v27 =	vadd.f32 v60, v56;
	v54 =	vld [tilespmem:s31+$0x3F0];
	v56 =	vmul.f32 v45, v17  }
0x1dc: {  	v58 =	vmul.f32 v32, v18;
	v63 =	vmul.f32 v63, v16;
	v25 =	vadd.f32 v62, v25  }
0x1dd: {  	v41 =	vmul.f32 v48, v17;
	v27 =	vadd.f32 v47, v27;
	v24 =	vadd.f32 v26, v24  }
0x1de: {  	v42 =	vmul.f32 v51, v22;
	v26 =	vadd.f32 v55, v49;
	v60 =	vadd.f32 v56, v50  }
0x1df: {  	v62 =	vmul.f32 v38, v21;
	v29 =	vmul.f32 v29, v23;
	v28 =	vadd.f32 v63, v58  }
0x1e0: {  	v44 =	vadd.f32 v41, v59;
	v25 =	vadd.f32 v27, v25;
	v43 =	vmul.f32 v54, v23  }
0x1e1: {  	v27 =	vadd.f32 v57, v52;
	v29 =	vadd.f32 v29, v53  }
0x1e2: {  	v45 =	vadd.f32 v42, v61;
	v46 =	vadd.f32 v43, v62  }
0x1e3: {  	v26 =	vadd.f32 v60, v26;
	v27 =	vadd.f32 v29, v27  }
0x1e4: {  	v28 =	vadd.f32 v44, v28;
	v47 =	vadd.f32 v46, v45  }
0x1e5: {  	[tilespmem:$0x1A340] =	vst v24;
	v48 =	vadd.f32 v27, v26  }
0x1e6: {  	[tilespmem:$0x1A350] =	vst v25;
	v49 =	vadd.f32 v47, v28  }
0x1e7: {  	[tilespmem:$0x1A360] =	vst v48  }
0x1e8: {  	[tilespmem:$0x1A370] =	vst v49  }
0x1e9: {  	v24 =	vld.idx.msk [tilespmem:v0+s28+$0x0], $0xffff  }
0x1ea: {  	v25 =	vld.idx.msk [tilespmem:v1+s28+$0x0], $0xffff;
	_ =	sdelay $0x1  }
0x1eb: {  	v50 =	vld.idx.msk [tilespmem:v2+s28+$0x0], $0xffff;
	_ =	sdelay $0x1  }
0x1ec: {  	v51 =	vld.idx.msk [tilespmem:v3+s28+$0x0], $0xffff  }
0x1ed: {  	v24 =	vadd.f32 v25, v24  }
0x1ee: {  	v52 =	vld.idx.msk [tilespmem:v4+s28+$0x0], $0xffff  }
0x1ef: {  	v24 =	vadd.f32 v50, v24  }
0x1f0: {  	v53 =	vld.idx.msk [tilespmem:v5+s28+$0x0], $0xffff  }
0x1f1: {  	v24 =	vadd.f32 v51, v24  }
0x1f2: {  	v54 =	vld.idx.msk [tilespmem:v6+s28+$0x0], $0xffff  }
0x1f3: {  	v24 =	vadd.f32 v52, v24  }
0x1f4: {  	v55 =	vld.idx.msk [tilespmem:v7+s28+$0x0], $0xffff  }
0x1f5: {  	v24 =	vadd.f32 v53, v24  }
0x1f6: {  	v56 =	vld.idx.msk [tilespmem:v8+s28+$0x0], $0xffff  }
0x1f7: {  	v24 =	vadd.f32 v54, v24  }
0x1f8: {  	v57 =	vld.idx.msk [tilespmem:v9+s28+$0x0], $0xffff  }
0x1f9: {  	v24 =	vadd.f32 v55, v24  }
0x1fa: {  	v58 =	vld.idx.msk [tilespmem:v10+s28+$0x0], $0xffff  }
0x1fb: {  	v24 =	vadd.f32 v56, v24  }
0x1fc: {  	v59 =	vld.idx.msk [tilespmem:v11+s28+$0x0], $0xffff  }
0x1fd: {  	v24 =	vadd.f32 v57, v24  }
0x1fe: {  	v60 =	vld.idx.msk [tilespmem:v12+s28+$0x0], $0xffff  }
0x1ff: {  	v24 =	vadd.f32 v58, v24  }
0x200: {  	v61 =	vld.idx.msk [tilespmem:v13+s28+$0x0], $0xffff  }
0x201: {  	v24 =	vadd.f32 v59, v24  }
0x202: {  	v62 =	vld.idx.msk [tilespmem:v14+s28+$0x0], $0xffff  }
0x203: {  	v24 =	vadd.f32 v60, v24  }
0x204: {  	v63 =	vld.idx.msk [tilespmem:v15+s28+$0x0], $0xffff  }
0x205: {  	v24 =	vadd.f32 v61, v24  }
0x206: {  	p0 =	sne.s32 s21, $0x1C0  }
.Ltmp1:
0x207: {  	v24 =	vadd.f32 v62, v24;
	(pc) =	sbr.rel @p0 .LBB2_5-.Ltmp1, $4  }
0x208: {  	_ = 	snop  }
0x209: {  	v24 =	vadd.f32 v63, v24  }
0x20a: {  	s16 =	sshra.s32 s21, $0x2  }
0x20b: {  	s21 =	sadd.s32 $0x40, s21;
	s31 =	sadd.s32 $0x800, s31;
	[tilespmem:s16+$0x1A080] =	vst v24  }
0x20c: {  	s11 =	sshll.u32 s11, $0x4  }
0x20d: {  	s16 =	sand.u32 $0xC00, s14;
	s11 =	sand.u32 $0x70, s11  }
0x20e: {  	s21 =	sor.u32 s7, s16;
	s8 =	sor.u32 s8, s11  }
0x20f: {  	s8 =	sor.u32 s21, s8  }
0x210: {  	s31 =	simm.s32 $0x1A080;
	s16 =	sadd.s32 s5, s8  }
0x211: {  	[hbm4b:s16+s4] =	stream.linear.scatter [tilespmem:s31], [sflag:$0x5], $0x80, $0x38;
	[tilespmem:$0x1A380] =	vst v63  }
0x212: {  	p0 =	seq.s32 s12, $0x7F;
	s8 =	sadd.s32 s6, s8;
	s31 =	simm.s32 $0x1A180  }
0x213: {  	[hbm4b:s8+s4] =	stream.linear.scatter [tilespmem:s31], [sflag:$0x7], $0x80, $0x38;
	[tilespmem:$0x1A380] =	vst v63  }
0x214: {  	s8 =	sadd.s32 @!p0 $0x100, s18  }
0x215: {  	s16 =	simm.s32 @!p0 $0x80;
	s18 =	simm.s32 @!p0 $0xA080;
	s8 =	sand.u32 @!p0 $0xFF00, s8  }
0x216: {  	[tilespmem:s18], [sflag:$0x1] =	stream.indirect.gather @!p0 [hbm4b:s1+s16], $0x80, s8, s16, $0xb8;
	[tilespmem:$0x1A380] =	vst v63  }
0x217: {  	p1 =	seq.s32 @!p0 s12, $0x0;
	s18 =	simm.s32 @!p0 $0x12080  }
0x218: {  	[tilespmem:s18], [sflag:$0x3] =	stream.indirect.gather @!p0 [hbm4b:s2+s16], $0x80, s8, s16, $0xb8;
	[tilespmem:$0x1A380] =	vst v63  }
0x219: {  	p0 =	por p0, !p1  }
0x21a: {  	_ =	swait.ge @p0 [sflag:s9], $0x80  }
0x21b: {  	[sflag:s9] =	ssyncset.done @p0 $0x0  }
0x21c: {  	[sflag:s9] =	ssyncadd.s32 @p0 $0xFFFFFF80  }
0x21d: {  	_ =	swait.ge @p0 [sflag:s10], $0x80  }
0x21e: {  	[sflag:s10] =	ssyncset.done @p0 $0x0  }
0x21f: {  	[sflag:s10] =	ssyncadd.s32 @p0 $0xFFFFFF80  }
0x220: {  	v18 =	vld [tilespmem:s14+$0x8000]  }
0x221: {  	v19 =	vld [tilespmem:s20+$0x8000]  }
0x222: {  	v20 =	vld [tilespmem:s22+$0x8000]  }
0x223: {  	v21 =	vld [tilespmem:s19+$0x8000]  }
0x224: {  	v16 =	vld [tilespmem:s15+$0x8000]  }
0x225: {  	v24 =	vld [tilespmem:s14+$0x9000]  }
0x226: {  	v25 =	vld [tilespmem:s20+$0x9000]  }
0x227: {  	v26 =	vld [tilespmem:s22+$0x9000]  }
0x228: {  	v27 =	vld [tilespmem:s19+$0x9000]  }
0x229: {  	v28 =	vld [tilespmem:s15+$0x9000]  }
0x22a: {  	v29 =	vld [tilespmem:s24+$0x9000]  }
0x22b: {  	v30 =	vld [tilespmem:s25+$0x9000]  }
0x22c: {  	v31 =	vld [tilespmem:s30+$0x9000]  }
0x22d: {  	v17 =	vld [tilespmem:s24+$0x8000]  }
0x22e: {  	v22 =	vld [tilespmem:s25+$0x8000];
	v24 =	vmul.f32 $1.428571410e+01, v24;
	v25 =	vmul.f32 $1.428571410e+01, v25  }
0x22f: {  	v23 =	vld [tilespmem:s30+$0x8000];
	_ =	swait.ge [sflag:s0], $0x4000;
	v26 =	vmul.f32 $1.428571410e+01, v26;
	v27 =	vmul.f32 $1.428571410e+01, v27  }
0x230: {  	[sflag:s0] =	ssyncset.done $0x0;
	v28 =	vmul.f32 $1.428571410e+01, v28;
	v29 =	vmul.f32 $1.428571410e+01, v29  }
0x231: {  	s8 =	simm.s32 $0x0;
	s14 =	simm.s32 $0xE480;
	[sflag:s0] =	ssyncadd.s32 $0xFFFFC000;
	v30 =	vmul.f32 $1.428571410e+01, v30;
	v31 =	vmul.f32 $1.428571410e+01, v31  }
.LBB2_7:
0x232: {  	v32 =	vld [tilespmem:s14+$0xFFFFFC00]  }
0x233: {  	v33 =	vld [tilespmem:s14+$0xFFFFFC10]  }
0x234: {  	v34 =	vld [tilespmem:s14+$0xFFFFFC20]  }
0x235: {  	v35 =	vld [tilespmem:s14+$0xFFFFFC30]  }
0x236: {  	v36 =	vld [tilespmem:s14+$0xFFFFFC40]  }
0x237: {  	v37 =	vld [tilespmem:s14+$0xFFFFFC50]  }
0x238: {  	v38 =	vld [tilespmem:s14+$0xFFFFFC60]  }
0x239: {  	v39 =	vld [tilespmem:s14+$0xFFFFFC70]  }
0x23a: {  	v40 =	vld [tilespmem:s14+$0xFFFFFC80]  }
0x23b: {  	v41 =	vld [tilespmem:s14+$0xFFFFFC90]  }
0x23c: {  	v42 =	vld [tilespmem:s14+$0xFFFFFCA0]  }
0x23d: {  	v43 =	vld [tilespmem:s14+$0xFFFFFCB0]  }
0x23e: {  	v44 =	vld [tilespmem:s14+$0xFFFFFCC0]  }
0x23f: {  	v45 =	vld [tilespmem:s14+$0xFFFFFCD0]  }
0x240: {  	v46 =	vld [tilespmem:s14+$0xFFFFFCE0]  }
0x241: {  	v47 =	vld [tilespmem:s14+$0xFFFFFCF0]  }
0x242: {  	v48 =	vld [tilespmem:s14+$0xFFFFFD00]  }
0x243: {  	v49 =	vld [tilespmem:s14+$0xFFFFFD10]  }
0x244: {  	v50 =	vld [tilespmem:s14+$0xFFFFFD20];
	v32 =	vmul.f32 v32, v24;
	v33 =	vmul.f32 v33, v25  }
0x245: {  	v51 =	vld [tilespmem:s14+$0xFFFFFD30];
	v34 =	vmul.f32 v34, v26;
	v36 =	vmul.f32 v36, v28  }
0x246: {  	v52 =	vld [tilespmem:s14+$0xFFFFFD40];
	v37 =	vmul.f32 v37, v29;
	v35 =	vmul.f32 v35, v27  }
0x247: {  	v53 =	vld [tilespmem:s14+$0xFFFFFD50];
	v38 =	vmul.f32 v38, v30;
	v58 =	vmul.f32 v39, v31  }
0x248: {  	v54 =	vld [tilespmem:s14+$0xFFFFFD60];
	v59 =	vmul.f32 v40, v24;
	v60 =	vmul.f32 v41, v25  }
0x249: {  	v40 =	vld [tilespmem:s14+$0xFFFFFD80];
	v61 =	vmul.f32 v42, v26;
	v62 =	vmul.f32 v43, v27  }
0x24a: {  	v42 =	vld [tilespmem:s14+$0xFFFFFD90];
	v63 =	vmul.f32 v44, v28;
	v55 =	vmul.f32 v45, v29  }
0x24b: {  	v44 =	vld [tilespmem:s14+$0xFFFFFDA0];
	v56 =	vmul.f32 v46, v30;
	v32 =	vadd.f32 v36, v32;
	v33 =	vadd.f32 v37, v33  }
0x24c: {  	v57 =	vmul.f32 v47, v31;
	v46 =	vld [tilespmem:s14+$0xFFFFFDB0];
	v34 =	vadd.f32 v38, v34;
	v35 =	vadd.f32 v58, v35  }
0x24d: {  	v39 =	vld [tilespmem:s14+$0xFFFFFDC0];
	v52 =	vmul.f32 v52, v28;
	v53 =	vmul.f32 v53, v29;
	v58 =	vadd.f32 v55, v60  }
0x24e: {  	v41 =	vld [tilespmem:s14+$0xFFFFFDD0];
	v60 =	vmul.f32 v48, v24;
	v32 =	vadd.f32 v33, v32;
	v34 =	vadd.f32 v35, v34  }
0x24f: {  	v37 =	vld [tilespmem:s14+$0xFFFFFD70];
	v55 =	vmul.f32 v54, v30;
	v33 =	vadd.f32 v63, v59;
	v35 =	vadd.f32 v56, v61  }
0x250: {  	v48 =	vld [tilespmem:s14+$0xFFFFFDF0];
	v59 =	vadd.f32 v57, v62;
	v61 =	vmul.f32 v49, v25;
	v62 =	vmul.f32 v50, v26  }
0x251: {  	v45 =	vld [tilespmem:s14+$0xFFFFFDE0];
	v63 =	vmul.f32 v51, v27;
	v56 =	vmul.f32 v40, v24;
	v33 =	vadd.f32 v58, v33  }
0x252: {  	v57 =	vmul.f32 v42, v25;
	v35 =	vadd.f32 v59, v35;
	v32 =	vadd.f32 v34, v32  }
0x253: {  	v34 =	vadd.f32 v52, v60;
	v59 =	vmul.f32 v44, v26;
	v60 =	vmul.f32 v46, v27  }
0x254: {  	v58 =	vadd.f32 v53, v61;
	v61 =	vmul.f32 v39, v28;
	v37 =	vmul.f32 v37, v31  }
0x255: {  	v48 =	vmul.f32 v48, v31;
	v33 =	vadd.f32 v35, v33;
	v35 =	vadd.f32 v55, v62  }
0x256: {  	v62 =	vmul.f32 v41, v29;
	v37 =	vadd.f32 v37, v63;
	v63 =	vmul.f32 v45, v30  }
0x257: {  	v36 =	vadd.f32 v61, v56;
	v51 =	vadd.f32 v48, v60  }
0x258: {  	v49 =	vadd.f32 v62, v57;
	v50 =	vadd.f32 v63, v59  }
0x259: {  	v34 =	vadd.f32 v58, v34;
	v35 =	vadd.f32 v37, v35  }
0x25a: {  	v36 =	vadd.f32 v49, v36;
	v52 =	vadd.f32 v51, v50  }
0x25b: {  	[tilespmem:$0x1A280] =	vst v32;
	v53 =	vadd.f32 v35, v34  }
0x25c: {  	[tilespmem:$0x1A290] =	vst v33;
	v54 =	vadd.f32 v52, v36  }
0x25d: {  	[tilespmem:$0x1A2A0] =	vst v53  }
0x25e: {  	[tilespmem:$0x1A2B0] =	vst v54  }
0x25f: {  	v32 =	vld [tilespmem:s14+$0xFFFFFE00]  }
0x260: {  	v33 =	vld [tilespmem:s14+$0xFFFFFE10]  }
0x261: {  	v55 =	vld [tilespmem:s14+$0xFFFFFE20]  }
0x262: {  	v35 =	vld [tilespmem:s14+$0xFFFFFE30]  }
0x263: {  	v36 =	vld [tilespmem:s14+$0xFFFFFE40]  }
0x264: {  	v37 =	vld [tilespmem:s14+$0xFFFFFE50]  }
0x265: {  	v56 =	vld [tilespmem:s14+$0xFFFFFE60]  }
0x266: {  	v58 =	vld [tilespmem:s14+$0xFFFFFE70]  }
0x267: {  	v59 =	vld [tilespmem:s14+$0xFFFFFE80]  }
0x268: {  	v60 =	vld [tilespmem:s14+$0xFFFFFE90]  }
0x269: {  	v61 =	vld [tilespmem:s14+$0xFFFFFEA0]  }
0x26a: {  	v62 =	vld [tilespmem:s14+$0xFFFFFEB0]  }
0x26b: {  	v63 =	vld [tilespmem:s14+$0xFFFFFEC0]  }
0x26c: {  	v45 =	vld [tilespmem:s14+$0xFFFFFED0]  }
0x26d: {  	v46 =	vld [tilespmem:s14+$0xFFFFFEE0]  }
0x26e: {  	v57 =	vld [tilespmem:s14+$0xFFFFFEF0]  }
0x26f: {  	v48 =	vld [tilespmem:s14+$0xFFFFFF00]  }
0x270: {  	v49 =	vld [tilespmem:s14+$0xFFFFFF10]  }
0x271: {  	v50 =	vld [tilespmem:s14+$0xFFFFFF20];
	v32 =	vmul.f32 v32, v24;
	v33 =	vmul.f32 v33, v25  }
0x272: {  	v51 =	vld [tilespmem:s14+$0xFFFFFF30];
	v34 =	vmul.f32 v55, v26;
	v36 =	vmul.f32 v36, v28  }
0x273: {  	v52 =	vld [tilespmem:s14+$0xFFFFFF40];
	v37 =	vmul.f32 v37, v29;
	v35 =	vmul.f32 v35, v27  }
0x274: {  	v53 =	vld [tilespmem:s14+$0xFFFFFF50];
	v38 =	vmul.f32 v56, v30;
	v58 =	vmul.f32 v58, v31  }
0x275: {  	v54 =	vld [tilespmem:s14+$0xFFFFFF60];
	v59 =	vmul.f32 v59, v24;
	v60 =	vmul.f32 v60, v25  }
0x276: {  	v40 =	vld [tilespmem:s14+$0xFFFFFF80];
	v61 =	vmul.f32 v61, v26;
	v62 =	vmul.f32 v62, v27  }
0x277: {  	v42 =	vld [tilespmem:s14+$0xFFFFFF90];
	v63 =	vmul.f32 v63, v28;
	v55 =	vmul.f32 v45, v29  }
0x278: {  	v44 =	vld [tilespmem:s14+$0xFFFFFFA0];
	v56 =	vmul.f32 v46, v30;
	v32 =	vadd.f32 v36, v32;
	v33 =	vadd.f32 v37, v33  }
0x279: {  	v39 =	vld [tilespmem:s14+$0xFFFFFFC0];
	v57 =	vmul.f32 v57, v31;
	v34 =	vadd.f32 v38, v34;
	v35 =	vadd.f32 v58, v35  }
0x27a: {  	v41 =	vld [tilespmem:s14+$0xFFFFFFD0];
	v52 =	vmul.f32 v52, v28;
	v53 =	vmul.f32 v53, v29;
	v58 =	vadd.f32 v55, v60  }
0x27b: {  	v46 =	vld [tilespmem:s14+$0xFFFFFFB0];
	v60 =	vmul.f32 v48, v24;
	v32 =	vadd.f32 v33, v32;
	v34 =	vadd.f32 v35, v34  }
0x27c: {  	v37 =	vld [tilespmem:s14+$0xFFFFFF70];
	v55 =	vmul.f32 v54, v30;
	v33 =	vadd.f32 v63, v59;
	v35 =	vadd.f32 v56, v61  }
0x27d: {  	v48 =	vld [tilespmem:s14+$0xFFFFFFF0];
	v59 =	vadd.f32 v57, v62;
	v61 =	vmul.f32 v49, v25;
	v62 =	vmul.f32 v50, v26  }
0x27e: {  	v45 =	vld [tilespmem:s14+$0xFFFFFFE0];
	v63 =	vmul.f32 v51, v27;
	v56 =	vmul.f32 v40, v24;
	v33 =	vadd.f32 v58, v33  }
0x27f: {  	v57 =	vmul.f32 v42, v25;
	v35 =	vadd.f32 v59, v35;
	v32 =	vadd.f32 v34, v32  }
0x280: {  	v34 =	vadd.f32 v52, v60;
	v59 =	vmul.f32 v44, v26;
	v60 =	vmul.f32 v46, v27  }
0x281: {  	v58 =	vadd.f32 v53, v61;
	v61 =	vmul.f32 v39, v28;
	v37 =	vmul.f32 v37, v31  }
0x282: {  	v48 =	vmul.f32 v48, v31;
	v33 =	vadd.f32 v35, v33;
	v35 =	vadd.f32 v55, v62  }
0x283: {  	v62 =	vmul.f32 v41, v29;
	v37 =	vadd.f32 v37, v63;
	v63 =	vmul.f32 v45, v30  }
0x284: {  	v36 =	vadd.f32 v61, v56;
	v51 =	vadd.f32 v48, v60  }
0x285: {  	v49 =	vadd.f32 v62, v57;
	v50 =	vadd.f32 v63, v59  }
0x286: {  	v34 =	vadd.f32 v58, v34;
	v35 =	vadd.f32 v37, v35  }
0x287: {  	v36 =	vadd.f32 v49, v36;
	v52 =	vadd.f32 v51, v50  }
0x288: {  	[tilespmem:$0x1A2C0] =	vst v32;
	v53 =	vadd.f32 v35, v34  }
0x289: {  	[tilespmem:$0x1A2D0] =	vst v33;
	v54 =	vadd.f32 v52, v36  }
0x28a: {  	[tilespmem:$0x1A2E0] =	vst v53  }
0x28b: {  	[tilespmem:$0x1A2F0] =	vst v54  }
0x28c: {  	v32 =	vld [tilespmem:s14+$0x0]  }
0x28d: {  	v33 =	vld [tilespmem:s14+$0x10]  }
0x28e: {  	v55 =	vld [tilespmem:s14+$0x20]  }
0x28f: {  	v35 =	vld [tilespmem:s14+$0x30]  }
0x290: {  	v36 =	vld [tilespmem:s14+$0x40]  }
0x291: {  	v37 =	vld [tilespmem:s14+$0x50]  }
0x292: {  	v56 =	vld [tilespmem:s14+$0x60]  }
0x293: {  	v58 =	vld [tilespmem:s14+$0x70]  }
0x294: {  	v59 =	vld [tilespmem:s14+$0x80]  }
0x295: {  	v60 =	vld [tilespmem:s14+$0x90]  }
0x296: {  	v61 =	vld [tilespmem:s14+$0xA0]  }
0x297: {  	v62 =	vld [tilespmem:s14+$0xB0]  }
0x298: {  	v63 =	vld [tilespmem:s14+$0xC0]  }
0x299: {  	v45 =	vld [tilespmem:s14+$0xD0]  }
0x29a: {  	v46 =	vld [tilespmem:s14+$0xE0]  }
0x29b: {  	v57 =	vld [tilespmem:s14+$0xF0]  }
0x29c: {  	v48 =	vld [tilespmem:s14+$0x100]  }
0x29d: {  	v49 =	vld [tilespmem:s14+$0x110]  }
0x29e: {  	v50 =	vld [tilespmem:s14+$0x120];
	v32 =	vmul.f32 v32, v24;
	v33 =	vmul.f32 v33, v25  }
0x29f: {  	v51 =	vld [tilespmem:s14+$0x130];
	v34 =	vmul.f32 v55, v26;
	v36 =	vmul.f32 v36, v28  }
0x2a0: {  	v52 =	vld [tilespmem:s14+$0x140];
	v37 =	vmul.f32 v37, v29;
	v35 =	vmul.f32 v35, v27  }
0x2a1: {  	v53 =	vld [tilespmem:s14+$0x150];
	v38 =	vmul.f32 v56, v30;
	v58 =	vmul.f32 v58, v31  }
0x2a2: {  	v54 =	vld [tilespmem:s14+$0x160];
	v59 =	vmul.f32 v59, v24;
	v60 =	vmul.f32 v60, v25  }
0x2a3: {  	v40 =	vld [tilespmem:s14+$0x180];
	v61 =	vmul.f32 v61, v26;
	v62 =	vmul.f32 v62, v27  }
0x2a4: {  	v42 =	vld [tilespmem:s14+$0x190];
	v63 =	vmul.f32 v63, v28;
	v55 =	vmul.f32 v45, v29  }
0x2a5: {  	v44 =	vld [tilespmem:s14+$0x1A0];
	v56 =	vmul.f32 v46, v30;
	v32 =	vadd.f32 v36, v32;
	v33 =	vadd.f32 v37, v33  }
0x2a6: {  	v39 =	vld [tilespmem:s14+$0x1C0];
	v57 =	vmul.f32 v57, v31;
	v34 =	vadd.f32 v38, v34;
	v35 =	vadd.f32 v58, v35  }
0x2a7: {  	v41 =	vld [tilespmem:s14+$0x1D0];
	v52 =	vmul.f32 v52, v28;
	v53 =	vmul.f32 v53, v29;
	v58 =	vadd.f32 v55, v60  }
0x2a8: {  	v46 =	vld [tilespmem:s14+$0x1B0];
	v60 =	vmul.f32 v48, v24;
	v32 =	vadd.f32 v33, v32;
	v34 =	vadd.f32 v35, v34  }
0x2a9: {  	v37 =	vld [tilespmem:s14+$0x170];
	v55 =	vmul.f32 v54, v30;
	v33 =	vadd.f32 v63, v59;
	v35 =	vadd.f32 v56, v61  }
0x2aa: {  	v48 =	vld [tilespmem:s14+$0x1F0];
	v59 =	vadd.f32 v57, v62;
	v61 =	vmul.f32 v49, v25;
	v62 =	vmul.f32 v50, v26  }
0x2ab: {  	v45 =	vld [tilespmem:s14+$0x1E0];
	v63 =	vmul.f32 v51, v27;
	v56 =	vmul.f32 v40, v24;
	v33 =	vadd.f32 v58, v33  }
0x2ac: {  	v57 =	vmul.f32 v42, v25;
	v35 =	vadd.f32 v59, v35;
	v32 =	vadd.f32 v34, v32  }
0x2ad: {  	v34 =	vadd.f32 v52, v60;
	v59 =	vmul.f32 v44, v26;
	v60 =	vmul.f32 v46, v27  }
0x2ae: {  	v58 =	vadd.f32 v53, v61;
	v61 =	vmul.f32 v39, v28;
	v37 =	vmul.f32 v37, v31  }
0x2af: {  	v48 =	vmul.f32 v48, v31;
	v33 =	vadd.f32 v35, v33;
	v35 =	vadd.f32 v55, v62  }
0x2b0: {  	v62 =	vmul.f32 v41, v29;
	v37 =	vadd.f32 v37, v63;
	v63 =	vmul.f32 v45, v30  }
0x2b1: {  	v36 =	vadd.f32 v61, v56;
	v51 =	vadd.f32 v48, v60  }
0x2b2: {  	v49 =	vadd.f32 v62, v57;
	v50 =	vadd.f32 v63, v59  }
0x2b3: {  	v34 =	vadd.f32 v58, v34;
	v35 =	vadd.f32 v37, v35  }
0x2b4: {  	v36 =	vadd.f32 v49, v36;
	v52 =	vadd.f32 v51, v50  }
0x2b5: {  	[tilespmem:$0x1A300] =	vst v32;
	v53 =	vadd.f32 v35, v34  }
0x2b6: {  	[tilespmem:$0x1A310] =	vst v33;
	v54 =	vadd.f32 v52, v36  }
0x2b7: {  	[tilespmem:$0x1A320] =	vst v53  }
0x2b8: {  	[tilespmem:$0x1A330] =	vst v54  }
0x2b9: {  	v32 =	vld [tilespmem:s14+$0x200]  }
0x2ba: {  	v33 =	vld [tilespmem:s14+$0x210]  }
0x2bb: {  	v55 =	vld [tilespmem:s14+$0x220]  }
0x2bc: {  	v35 =	vld [tilespmem:s14+$0x230]  }
0x2bd: {  	v36 =	vld [tilespmem:s14+$0x240]  }
0x2be: {  	v37 =	vld [tilespmem:s14+$0x250]  }
0x2bf: {  	v56 =	vld [tilespmem:s14+$0x260]  }
0x2c0: {  	v39 =	vld [tilespmem:s14+$0x270]  }
0x2c1: {  	v40 =	vld [tilespmem:s14+$0x280]  }
0x2c2: {  	v57 =	vld [tilespmem:s14+$0x290]  }
0x2c3: {  	v58 =	vld [tilespmem:s14+$0x2A0]  }
0x2c4: {  	v59 =	vld [tilespmem:s14+$0x2B0]  }
0x2c5: {  	v60 =	vld [tilespmem:s14+$0x2C0]  }
0x2c6: {  	v61 =	vld [tilespmem:s14+$0x2D0]  }
0x2c7: {  	v62 =	vld [tilespmem:s14+$0x2E0]  }
0x2c8: {  	v63 =	vld [tilespmem:s14+$0x2F0]  }
0x2c9: {  	v48 =	vld [tilespmem:s14+$0x300]  }
0x2ca: {  	v49 =	vld [tilespmem:s14+$0x310]  }
0x2cb: {  	v50 =	vld [tilespmem:s14+$0x320];
	v32 =	vmul.f32 v32, v24;
	v33 =	vmul.f32 v33, v25  }
0x2cc: {  	v51 =	vld [tilespmem:s14+$0x330];
	v34 =	vmul.f32 v55, v26;
	v36 =	vmul.f32 v36, v28  }
0x2cd: {  	v52 =	vld [tilespmem:s14+$0x340];
	v37 =	vmul.f32 v37, v29;
	v35 =	vmul.f32 v35, v27  }
0x2ce: {  	v53 =	vld [tilespmem:s14+$0x350];
	v38 =	vmul.f32 v56, v30;
	v55 =	vmul.f32 v39, v31  }
0x2cf: {  	v54 =	vld [tilespmem:s14+$0x360];
	v56 =	vmul.f32 v40, v24;
	v57 =	vmul.f32 v57, v25  }
0x2d0: {  	v42 =	vld [tilespmem:s14+$0x390];
	v58 =	vmul.f32 v58, v26;
	v59 =	vmul.f32 v59, v27  }
0x2d1: {  	v44 =	vld [tilespmem:s14+$0x3A0];
	v61 =	vmul.f32 v61, v29;
	v32 =	vadd.f32 v36, v32;
	v33 =	vadd.f32 v37, v33  }
0x2d2: {  	v46 =	vld [tilespmem:s14+$0x3B0];
	v60 =	vmul.f32 v60, v28;
	v34 =	vadd.f32 v38, v34;
	v35 =	vadd.f32 v55, v35  }
0x2d3: {  	v41 =	vld [tilespmem:s14+$0x3D0];
	v62 =	vmul.f32 v62, v30;
	v63 =	vmul.f32 v63, v31;
	v55 =	vadd.f32 v61, v57  }
0x2d4: {  	v40 =	vld [tilespmem:s14+$0x380];
	v57 =	vmul.f32 v48, v24;
	v32 =	vadd.f32 v33, v32;
	v34 =	vadd.f32 v35, v34  }
0x2d5: {  	v39 =	vld [tilespmem:s14+$0x3C0];
	v33 =	vadd.f32 v60, v56;
	v35 =	vadd.f32 v62, v58;
	v58 =	vmul.f32 v49, v25  }
0x2d6: {  	v37 =	vld [tilespmem:s14+$0x370];
	v56 =	vadd.f32 v63, v59;
	v59 =	vmul.f32 v50, v26;
	v60 =	vmul.f32 v51, v27  }
0x2d7: {  	v61 =	vld [tilespmem:s14+$0x3F0];
	v62 =	vmul.f32 v52, v28;
	v63 =	vmul.f32 v53, v29  }
0x2d8: {  	v45 =	vld [tilespmem:s14+$0x3E0];
	v52 =	vmul.f32 v54, v30;
	v54 =	vmul.f32 v42, v25;
	v33 =	vadd.f32 v55, v33  }
0x2d9: {  	v53 =	vmul.f32 v40, v24;
	v35 =	vadd.f32 v56, v35;
	v32 =	vadd.f32 v34, v32  }
0x2da: {  	v34 =	vadd.f32 v62, v57;
	v56 =	vmul.f32 v44, v26;
	v57 =	vmul.f32 v46, v27  }
0x2db: {  	v55 =	vadd.f32 v63, v58;
	v58 =	vmul.f32 v39, v28;
	v37 =	vmul.f32 v37, v31  }
0x2dc: {  	v61 =	vmul.f32 v61, v31;
	v33 =	vadd.f32 v35, v33;
	v35 =	vadd.f32 v52, v59  }
0x2dd: {  	v59 =	vmul.f32 v41, v29;
	v37 =	vadd.f32 v37, v60;
	v60 =	vmul.f32 v45, v30  }
0x2de: {  	v36 =	vadd.f32 v58, v53;
	v46 =	vadd.f32 v61, v57  }
0x2df: {  	v62 =	vadd.f32 v59, v54;
	v63 =	vadd.f32 v60, v56  }
0x2e0: {  	v34 =	vadd.f32 v55, v34;
	v35 =	vadd.f32 v37, v35  }
0x2e1: {  	v36 =	vadd.f32 v62, v36;
	v47 =	vadd.f32 v46, v63  }
0x2e2: {  	[tilespmem:$0x1A340] =	vst v32;
	v48 =	vadd.f32 v35, v34  }
0x2e3: {  	[tilespmem:$0x1A350] =	vst v33;
	v49 =	vadd.f32 v47, v36  }
0x2e4: {  	[tilespmem:$0x1A360] =	vst v48  }
0x2e5: {  	[tilespmem:$0x1A370] =	vst v49  }
0x2e6: {  	v32 =	vld.idx.msk [tilespmem:v0+s28+$0x0], $0xffff  }
0x2e7: {  	v33 =	vld.idx.msk [tilespmem:v1+s28+$0x0], $0xffff;
	_ =	sdelay $0x1  }
0x2e8: {  	v50 =	vld.idx.msk [tilespmem:v2+s28+$0x0], $0xffff;
	_ =	sdelay $0x1  }
0x2e9: {  	v51 =	vld.idx.msk [tilespmem:v3+s28+$0x0], $0xffff  }
0x2ea: {  	v32 =	vadd.f32 v33, v32  }
0x2eb: {  	v52 =	vld.idx.msk [tilespmem:v4+s28+$0x0], $0xffff  }
0x2ec: {  	v32 =	vadd.f32 v50, v32  }
0x2ed: {  	v53 =	vld.idx.msk [tilespmem:v5+s28+$0x0], $0xffff  }
0x2ee: {  	v32 =	vadd.f32 v51, v32  }
0x2ef: {  	v54 =	vld.idx.msk [tilespmem:v6+s28+$0x0], $0xffff  }
0x2f0: {  	v32 =	vadd.f32 v52, v32  }
0x2f1: {  	v55 =	vld.idx.msk [tilespmem:v7+s28+$0x0], $0xffff  }
0x2f2: {  	v32 =	vadd.f32 v53, v32  }
0x2f3: {  	v56 =	vld.idx.msk [tilespmem:v8+s28+$0x0], $0xffff  }
0x2f4: {  	v32 =	vadd.f32 v54, v32  }
0x2f5: {  	v57 =	vld.idx.msk [tilespmem:v9+s28+$0x0], $0xffff  }
0x2f6: {  	v32 =	vadd.f32 v55, v32  }
0x2f7: {  	v58 =	vld.idx.msk [tilespmem:v10+s28+$0x0], $0xffff  }
0x2f8: {  	v32 =	vadd.f32 v56, v32  }
0x2f9: {  	v59 =	vld.idx.msk [tilespmem:v11+s28+$0x0], $0xffff  }
0x2fa: {  	v32 =	vadd.f32 v57, v32  }
0x2fb: {  	v60 =	vld.idx.msk [tilespmem:v12+s28+$0x0], $0xffff  }
0x2fc: {  	v32 =	vadd.f32 v58, v32  }
0x2fd: {  	v61 =	vld.idx.msk [tilespmem:v13+s28+$0x0], $0xffff  }
0x2fe: {  	v32 =	vadd.f32 v59, v32  }
0x2ff: {  	v62 =	vld.idx.msk [tilespmem:v14+s28+$0x0], $0xffff  }
0x300: {  	v32 =	vadd.f32 v60, v32  }
0x301: {  	v63 =	vld.idx.msk [tilespmem:v15+s28+$0x0], $0xffff  }
0x302: {  	v32 =	vadd.f32 v61, v32  }
0x303: {  	p0 =	sne.s32 s8, $0x1C0  }
.Ltmp2:
0x304: {  	v32 =	vadd.f32 v62, v32;
	(pc) =	sbr.rel @p0 .LBB2_7-.Ltmp2, $4  }
0x305: {  	_ = 	snop  }
0x306: {  	v32 =	vadd.f32 v63, v32  }
0x307: {  	s15 =	sshra.s32 s8, $0x2  }
0x308: {  	s8 =	sadd.s32 $0x40, s8;
	s14 =	sadd.s32 $0x800, s14;
	[tilespmem:s15+$0x1A200] =	vst v32  }
0x309: {  	v18 =	vmul.f32 $1.428571410e+01, v18;
	v19 =	vmul.f32 $1.428571410e+01, v19  }
0x30a: {  	v20 =	vmul.f32 $1.428571410e+01, v20;
	v21 =	vmul.f32 $1.428571410e+01, v21;
	_ =	swait.ge [sflag:s3], $0x4000  }
0x30b: {  	v16 =	vmul.f32 $1.428571410e+01, v16;
	v17 =	vmul.f32 $1.428571410e+01, v17;
	[sflag:s3] =	ssyncset.done $0x0  }
0x30c: {  	v22 =	vmul.f32 $1.428571410e+01, v22;
	v23 =	vmul.f32 $1.428571410e+01, v23;
	s8 =	simm.s32 $0x0;
	s14 =	simm.s32 $0x16480;
	[sflag:s3] =	ssyncadd.s32 $0xFFFFC000  }
.LBB2_9:
0x30d: {  	v24 =	vld [tilespmem:s14+$0xFFFFFC00]  }
0x30e: {  	v25 =	vld [tilespmem:s14+$0xFFFFFC10]  }
0x30f: {  	v26 =	vld [tilespmem:s14+$0xFFFFFC20]  }
0x310: {  	v27 =	vld [tilespmem:s14+$0xFFFFFC30]  }
0x311: {  	v28 =	vld [tilespmem:s14+$0xFFFFFC40]  }
0x312: {  	v29 =	vld [tilespmem:s14+$0xFFFFFC50]  }
0x313: {  	v30 =	vld [tilespmem:s14+$0xFFFFFC60]  }
0x314: {  	v31 =	vld [tilespmem:s14+$0xFFFFFC70]  }
0x315: {  	v32 =	vld [tilespmem:s14+$0xFFFFFC80]  }
0x316: {  	v33 =	vld [tilespmem:s14+$0xFFFFFC90]  }
0x317: {  	v34 =	vld [tilespmem:s14+$0xFFFFFCA0]  }
0x318: {  	v35 =	vld [tilespmem:s14+$0xFFFFFCB0]  }
0x319: {  	v36 =	vld [tilespmem:s14+$0xFFFFFCC0]  }
0x31a: {  	v37 =	vld [tilespmem:s14+$0xFFFFFCD0]  }
0x31b: {  	v38 =	vld [tilespmem:s14+$0xFFFFFCE0]  }
0x31c: {  	v39 =	vld [tilespmem:s14+$0xFFFFFCF0]  }
0x31d: {  	v40 =	vld [tilespmem:s14+$0xFFFFFD00]  }
0x31e: {  	v41 =	vld [tilespmem:s14+$0xFFFFFD10];
	v24 =	vmul.f32 v24, v18;
	v25 =	vmul.f32 v25, v19  }
0x31f: {  	v42 =	vld [tilespmem:s14+$0xFFFFFD20];
	v26 =	vmul.f32 v26, v20;
	v28 =	vmul.f32 v28, v16  }
0x320: {  	v43 =	vld [tilespmem:s14+$0xFFFFFD30];
	v29 =	vmul.f32 v29, v17;
	v27 =	vmul.f32 v27, v21  }
0x321: {  	v44 =	vld [tilespmem:s14+$0xFFFFFD40];
	v30 =	vmul.f32 v30, v22;
	v51 =	vmul.f32 v31, v23  }
0x322: {  	v45 =	vld [tilespmem:s14+$0xFFFFFD50];
	v52 =	vmul.f32 v32, v18;
	v53 =	vmul.f32 v33, v19  }
0x323: {  	v61 =	vld [tilespmem:s14+$0xFFFFFDC0];
	v54 =	vmul.f32 v34, v20;
	v55 =	vmul.f32 v35, v21  }
0x324: {  	v46 =	vld [tilespmem:s14+$0xFFFFFD60];
	v56 =	vmul.f32 v36, v16;
	v57 =	vmul.f32 v37, v17  }
0x325: {  	v63 =	vld [tilespmem:s14+$0xFFFFFDD0];
	v58 =	vmul.f32 v38, v22;
	v59 =	vmul.f32 v39, v23  }
0x326: {  	v49 =	vld [tilespmem:s14+$0xFFFFFDE0];
	v47 =	vmul.f32 v40, v18;
	v48 =	vmul.f32 v41, v19  }
0x327: {  	v32 =	vld [tilespmem:s14+$0xFFFFFD80];
	v50 =	vmul.f32 v42, v20;
	v24 =	vadd.f32 v28, v24;
	v25 =	vadd.f32 v29, v25  }
0x328: {  	v34 =	vld [tilespmem:s14+$0xFFFFFD90];
	v61 =	vmul.f32 v61, v16;
	v26 =	vadd.f32 v30, v26;
	v27 =	vadd.f32 v51, v27  }
0x329: {  	v36 =	vld [tilespmem:s14+$0xFFFFFDA0];
	v60 =	vadd.f32 v57, v53;
	v62 =	vadd.f32 v59, v55;
	v51 =	vmul.f32 v43, v21  }
0x32a: {  	v38 =	vld [tilespmem:s14+$0xFFFFFDB0];
	v53 =	vmul.f32 v44, v16;
	v24 =	vadd.f32 v25, v24;
	v26 =	vadd.f32 v27, v26  }
0x32b: {  	v29 =	vld [tilespmem:s14+$0xFFFFFD70];
	v55 =	vmul.f32 v46, v22;
	v25 =	vadd.f32 v56, v52;
	v27 =	vadd.f32 v58, v54  }
0x32c: {  	v52 =	vld [tilespmem:s14+$0xFFFFFDF0];
	v54 =	vmul.f32 v45, v17;
	v56 =	vmul.f32 v32, v18  }
0x32d: {  	v57 =	vmul.f32 v34, v19;
	v25 =	vadd.f32 v60, v25;
	v27 =	vadd.f32 v62, v27  }
0x32e: {  	v59 =	vmul.f32 v36, v20;
	v24 =	vadd.f32 v26, v24;
	v26 =	vadd.f32 v53, v47  }
0x32f: {  	v58 =	vadd.f32 v54, v48;
	v60 =	vmul.f32 v38, v21;
	v62 =	vmul.f32 v63, v17  }
0x330: {  	v63 =	vmul.f32 v49, v22;
	v29 =	vmul.f32 v29, v23;
	v28 =	vadd.f32 v61, v56  }
0x331: {  	v25 =	vadd.f32 v27, v25;
	v27 =	vadd.f32 v55, v50;
	v40 =	vmul.f32 v52, v23  }
0x332: {  	v41 =	vadd.f32 v62, v57;
	v29 =	vadd.f32 v29, v51  }
0x333: {  	v42 =	vadd.f32 v63, v59;
	v43 =	vadd.f32 v40, v60  }
0x334: {  	v26 =	vadd.f32 v58, v26;
	v27 =	vadd.f32 v29, v27  }
0x335: {  	v28 =	vadd.f32 v41, v28;
	v44 =	vadd.f32 v43, v42  }
0x336: {  	[tilespmem:$0x1A280] =	vst v24;
	v45 =	vadd.f32 v27, v26  }
0x337: {  	[tilespmem:$0x1A290] =	vst v25;
	v46 =	vadd.f32 v44, v28  }
0x338: {  	[tilespmem:$0x1A2A0] =	vst v45  }
0x339: {  	[tilespmem:$0x1A2B0] =	vst v46  }
0x33a: {  	v24 =	vld [tilespmem:s14+$0xFFFFFE00]  }
0x33b: {  	v25 =	vld [tilespmem:s14+$0xFFFFFE10]  }
0x33c: {  	v47 =	vld [tilespmem:s14+$0xFFFFFE20]  }
0x33d: {  	v51 =	vld [tilespmem:s14+$0xFFFFFE30]  }
0x33e: {  	v52 =	vld [tilespmem:s14+$0xFFFFFE40]  }
0x33f: {  	v53 =	vld [tilespmem:s14+$0xFFFFFE50]  }
0x340: {  	v54 =	vld [tilespmem:s14+$0xFFFFFE60]  }
0x341: {  	v55 =	vld [tilespmem:s14+$0xFFFFFE70]  }
0x342: {  	v56 =	vld [tilespmem:s14+$0xFFFFFE80]  }
0x343: {  	v57 =	vld [tilespmem:s14+$0xFFFFFE90]  }
0x344: {  	v58 =	vld [tilespmem:s14+$0xFFFFFEA0]  }
0x345: {  	v59 =	vld [tilespmem:s14+$0xFFFFFEB0]  }
0x346: {  	v60 =	vld [tilespmem:s14+$0xFFFFFEC0]  }
0x347: {  	v61 =	vld [tilespmem:s14+$0xFFFFFED0]  }
0x348: {  	v62 =	vld [tilespmem:s14+$0xFFFFFEE0]  }
0x349: {  	v63 =	vld [tilespmem:s14+$0xFFFFFEF0]  }
0x34a: {  	v48 =	vld [tilespmem:s14+$0xFFFFFF00]  }
0x34b: {  	v49 =	vld [tilespmem:s14+$0xFFFFFF10];
	v24 =	vmul.f32 v24, v18  }
0x34c: {  	v50 =	vld [tilespmem:s14+$0xFFFFFF20];
	v25 =	vmul.f32 v25, v19;
	v26 =	vmul.f32 v47, v20  }
0x34d: {  	v43 =	vld [tilespmem:s14+$0xFFFFFF30];
	v28 =	vmul.f32 v52, v16;
	v29 =	vmul.f32 v53, v17  }
0x34e: {  	v44 =	vld [tilespmem:s14+$0xFFFFFF40];
	v27 =	vmul.f32 v51, v21;
	v30 =	vmul.f32 v54, v22  }
0x34f: {  	v45 =	vld [tilespmem:s14+$0xFFFFFF50];
	v51 =	vmul.f32 v55, v23;
	v52 =	vmul.f32 v56, v18  }
0x350: {  	v46 =	vld [tilespmem:s14+$0xFFFFFF60];
	v53 =	vmul.f32 v57, v19;
	v54 =	vmul.f32 v58, v20  }
0x351: {  	v32 =	vld [tilespmem:s14+$0xFFFFFF80];
	v55 =	vmul.f32 v59, v21;
	v56 =	vmul.f32 v60, v16  }
0x352: {  	v34 =	vld [tilespmem:s14+$0xFFFFFF90];
	v57 =	vmul.f32 v61, v17;
	v58 =	vmul.f32 v62, v22  }
0x353: {  	v36 =	vld [tilespmem:s14+$0xFFFFFFA0];
	v59 =	vmul.f32 v63, v23;
	v47 =	vmul.f32 v48, v18;
	v24 =	vadd.f32 v28, v24  }
0x354: {  	v38 =	vld [tilespmem:s14+$0xFFFFFFB0];
	v48 =	vmul.f32 v49, v19;
	v25 =	vadd.f32 v29, v25;
	v26 =	vadd.f32 v30, v26  }
0x355: {  	v61 =	vld [tilespmem:s14+$0xFFFFFFC0];
	v50 =	vmul.f32 v50, v20;
	v27 =	vadd.f32 v51, v27;
	v60 =	vadd.f32 v57, v53  }
0x356: {  	v63 =	vld [tilespmem:s14+$0xFFFFFFD0];
	v62 =	vadd.f32 v59, v55;
	v51 =	vmul.f32 v43, v21;
	v53 =	vmul.f32 v44, v16  }
0x357: {  	v49 =	vld [tilespmem:s14+$0xFFFFFFE0];
	v55 =	vmul.f32 v46, v22;
	v24 =	vadd.f32 v25, v24;
	v26 =	vadd.f32 v27, v26  }
0x358: {  	v29 =	vld [tilespmem:s14+$0xFFFFFF70];
	v57 =	vmul.f32 v34, v19;
	v25 =	vadd.f32 v56, v52;
	v27 =	vadd.f32 v58, v54  }
0x359: {  	v59 =	vmul.f32 v36, v20;
	v52 =	vld [tilespmem:s14+$0xFFFFFFF0];
	v54 =	vmul.f32 v45, v17  }
0x35a: {  	v56 =	vmul.f32 v32, v18;
	v25 =	vadd.f32 v60, v25;
	v27 =	vadd.f32 v62, v27  }
0x35b: {  	v61 =	vmul.f32 v61, v16;
	v24 =	vadd.f32 v26, v24;
	v26 =	vadd.f32 v53, v47  }
0x35c: {  	v58 =	vadd.f32 v54, v48;
	v60 =	vmul.f32 v38, v21;
	v62 =	vmul.f32 v63, v17  }
0x35d: {  	v63 =	vmul.f32 v49, v22;
	v29 =	vmul.f32 v29, v23;
	v28 =	vadd.f32 v61, v56  }
0x35e: {  	v25 =	vadd.f32 v27, v25;
	v27 =	vadd.f32 v55, v50;
	v40 =	vmul.f32 v52, v23  }
0x35f: {  	v41 =	vadd.f32 v62, v57;
	v29 =	vadd.f32 v29, v51  }
0x360: {  	v42 =	vadd.f32 v63, v59;
	v43 =	vadd.f32 v40, v60  }
0x361: {  	v26 =	vadd.f32 v58, v26;
	v27 =	vadd.f32 v29, v27  }
0x362: {  	v28 =	vadd.f32 v41, v28;
	v44 =	vadd.f32 v43, v42  }
0x363: {  	[tilespmem:$0x1A2C0] =	vst v24;
	v45 =	vadd.f32 v27, v26  }
0x364: {  	[tilespmem:$0x1A2D0] =	vst v25;
	v46 =	vadd.f32 v44, v28  }
0x365: {  	[tilespmem:$0x1A2E0] =	vst v45  }
0x366: {  	[tilespmem:$0x1A2F0] =	vst v46  }
0x367: {  	v24 =	vld [tilespmem:s14+$0x0]  }
0x368: {  	v25 =	vld [tilespmem:s14+$0x10]  }
0x369: {  	v47 =	vld [tilespmem:s14+$0x20]  }
0x36a: {  	v51 =	vld [tilespmem:s14+$0x30]  }
0x36b: {  	v52 =	vld [tilespmem:s14+$0x40]  }
0x36c: {  	v53 =	vld [tilespmem:s14+$0x50]  }
0x36d: {  	v54 =	vld [tilespmem:s14+$0x60]  }
0x36e: {  	v55 =	vld [tilespmem:s14+$0x70]  }
0x36f: {  	v56 =	vld [tilespmem:s14+$0x80]  }
0x370: {  	v57 =	vld [tilespmem:s14+$0x90]  }
0x371: {  	v58 =	vld [tilespmem:s14+$0xA0]  }
0x372: {  	v59 =	vld [tilespmem:s14+$0xB0]  }
0x373: {  	v60 =	vld [tilespmem:s14+$0xC0]  }
0x374: {  	v61 =	vld [tilespmem:s14+$0xD0]  }
0x375: {  	v62 =	vld [tilespmem:s14+$0xE0]  }
0x376: {  	v63 =	vld [tilespmem:s14+$0xF0]  }
0x377: {  	v48 =	vld [tilespmem:s14+$0x100]  }
0x378: {  	v49 =	vld [tilespmem:s14+$0x110];
	v24 =	vmul.f32 v24, v18  }
0x379: {  	v50 =	vld [tilespmem:s14+$0x120];
	v25 =	vmul.f32 v25, v19;
	v26 =	vmul.f32 v47, v20  }
0x37a: {  	v43 =	vld [tilespmem:s14+$0x130];
	v28 =	vmul.f32 v52, v16;
	v29 =	vmul.f32 v53, v17  }
0x37b: {  	v44 =	vld [tilespmem:s14+$0x140];
	v27 =	vmul.f32 v51, v21;
	v30 =	vmul.f32 v54, v22  }
0x37c: {  	v45 =	vld [tilespmem:s14+$0x150];
	v51 =	vmul.f32 v55, v23;
	v52 =	vmul.f32 v56, v18  }
0x37d: {  	v46 =	vld [tilespmem:s14+$0x160];
	v53 =	vmul.f32 v57, v19;
	v54 =	vmul.f32 v58, v20  }
0x37e: {  	v32 =	vld [tilespmem:s14+$0x180];
	v55 =	vmul.f32 v59, v21;
	v56 =	vmul.f32 v60, v16  }
0x37f: {  	v34 =	vld [tilespmem:s14+$0x190];
	v57 =	vmul.f32 v61, v17;
	v58 =	vmul.f32 v62, v22  }
0x380: {  	v36 =	vld [tilespmem:s14+$0x1A0];
	v59 =	vmul.f32 v63, v23;
	v47 =	vmul.f32 v48, v18;
	v24 =	vadd.f32 v28, v24  }
0x381: {  	v38 =	vld [tilespmem:s14+$0x1B0];
	v48 =	vmul.f32 v49, v19;
	v25 =	vadd.f32 v29, v25;
	v26 =	vadd.f32 v30, v26  }
0x382: {  	v61 =	vld [tilespmem:s14+$0x1C0];
	v50 =	vmul.f32 v50, v20;
	v27 =	vadd.f32 v51, v27;
	v60 =	vadd.f32 v57, v53  }
0x383: {  	v63 =	vld [tilespmem:s14+$0x1D0];
	v62 =	vadd.f32 v59, v55;
	v51 =	vmul.f32 v43, v21;
	v53 =	vmul.f32 v44, v16  }
0x384: {  	v49 =	vld [tilespmem:s14+$0x1E0];
	v55 =	vmul.f32 v46, v22;
	v24 =	vadd.f32 v25, v24;
	v26 =	vadd.f32 v27, v26  }
0x385: {  	v29 =	vld [tilespmem:s14+$0x170];
	v57 =	vmul.f32 v34, v19;
	v25 =	vadd.f32 v56, v52;
	v27 =	vadd.f32 v58, v54  }
0x386: {  	v59 =	vmul.f32 v36, v20;
	v52 =	vld [tilespmem:s14+$0x1F0];
	v54 =	vmul.f32 v45, v17  }
0x387: {  	v56 =	vmul.f32 v32, v18;
	v25 =	vadd.f32 v60, v25;
	v27 =	vadd.f32 v62, v27  }
0x388: {  	v61 =	vmul.f32 v61, v16;
	v24 =	vadd.f32 v26, v24;
	v26 =	vadd.f32 v53, v47  }
0x389: {  	v58 =	vadd.f32 v54, v48;
	v60 =	vmul.f32 v38, v21;
	v62 =	vmul.f32 v63, v17  }
0x38a: {  	v63 =	vmul.f32 v49, v22;
	v29 =	vmul.f32 v29, v23;
	v28 =	vadd.f32 v61, v56  }
0x38b: {  	v25 =	vadd.f32 v27, v25;
	v27 =	vadd.f32 v55, v50;
	v40 =	vmul.f32 v52, v23  }
0x38c: {  	v41 =	vadd.f32 v62, v57;
	v29 =	vadd.f32 v29, v51  }
0x38d: {  	v42 =	vadd.f32 v63, v59;
	v43 =	vadd.f32 v40, v60  }
0x38e: {  	v26 =	vadd.f32 v58, v26;
	v27 =	vadd.f32 v29, v27  }
0x38f: {  	v28 =	vadd.f32 v41, v28;
	v44 =	vadd.f32 v43, v42  }
0x390: {  	[tilespmem:$0x1A300] =	vst v24;
	v45 =	vadd.f32 v27, v26  }
0x391: {  	[tilespmem:$0x1A310] =	vst v25;
	v46 =	vadd.f32 v44, v28  }
0x392: {  	[tilespmem:$0x1A320] =	vst v45  }
0x393: {  	[tilespmem:$0x1A330] =	vst v46  }
0x394: {  	v24 =	vld [tilespmem:s14+$0x200]  }
0x395: {  	v25 =	vld [tilespmem:s14+$0x210]  }
0x396: {  	v47 =	vld [tilespmem:s14+$0x220]  }
0x397: {  	v53 =	vld [tilespmem:s14+$0x230]  }
0x398: {  	v54 =	vld [tilespmem:s14+$0x240]  }
0x399: {  	v55 =	vld [tilespmem:s14+$0x250]  }
0x39a: {  	v56 =	vld [tilespmem:s14+$0x260]  }
0x39b: {  	v57 =	vld [tilespmem:s14+$0x270]  }
0x39c: {  	v58 =	vld [tilespmem:s14+$0x280]  }
0x39d: {  	v59 =	vld [tilespmem:s14+$0x290]  }
0x39e: {  	v60 =	vld [tilespmem:s14+$0x2A0]  }
0x39f: {  	v61 =	vld [tilespmem:s14+$0x2B0]  }
0x3a0: {  	v62 =	vld [tilespmem:s14+$0x2C0]  }
0x3a1: {  	v63 =	vld [tilespmem:s14+$0x2D0]  }
0x3a2: {  	v48 =	vld [tilespmem:s14+$0x2E0]  }
0x3a3: {  	v49 =	vld [tilespmem:s14+$0x2F0]  }
0x3a4: {  	v50 =	vld [tilespmem:s14+$0x300]  }
0x3a5: {  	v51 =	vld [tilespmem:s14+$0x310];
	v24 =	vmul.f32 v24, v18  }
0x3a6: {  	v52 =	vld [tilespmem:s14+$0x320];
	v25 =	vmul.f32 v25, v19;
	v26 =	vmul.f32 v47, v20  }
0x3a7: {  	v43 =	vld [tilespmem:s14+$0x330];
	v28 =	vmul.f32 v54, v16;
	v29 =	vmul.f32 v55, v17  }
0x3a8: {  	v44 =	vld [tilespmem:s14+$0x340];
	v27 =	vmul.f32 v53, v21;
	v30 =	vmul.f32 v56, v22  }
0x3a9: {  	v45 =	vld [tilespmem:s14+$0x350];
	v53 =	vmul.f32 v57, v23;
	v54 =	vmul.f32 v58, v18  }
0x3aa: {  	v46 =	vld [tilespmem:s14+$0x360];
	v55 =	vmul.f32 v59, v19;
	v56 =	vmul.f32 v60, v20  }
0x3ab: {  	v32 =	vld [tilespmem:s14+$0x380];
	v57 =	vmul.f32 v61, v21;
	v58 =	vmul.f32 v62, v16  }
0x3ac: {  	v34 =	vld [tilespmem:s14+$0x390];
	v59 =	vmul.f32 v63, v17;
	v60 =	vmul.f32 v48, v22  }
0x3ad: {  	v36 =	vld [tilespmem:s14+$0x3A0];
	v61 =	vmul.f32 v49, v23;
	v49 =	vmul.f32 v50, v18  }
0x3ae: {  	v38 =	vld [tilespmem:s14+$0x3B0];
	v50 =	vmul.f32 v51, v19;
	v24 =	vadd.f32 v28, v24;
	v25 =	vadd.f32 v29, v25  }
0x3af: {  	v63 =	vld [tilespmem:s14+$0x3C0];
	v52 =	vmul.f32 v52, v20;
	v26 =	vadd.f32 v30, v26;
	v27 =	vadd.f32 v53, v27  }
0x3b0: {  	v48 =	vld [tilespmem:s14+$0x3D0];
	v62 =	vadd.f32 v59, v55;
	v53 =	vmul.f32 v43, v21;
	v55 =	vmul.f32 v44, v16  }
0x3b1: {  	v51 =	vld [tilespmem:s14+$0x3E0];
	v47 =	vadd.f32 v61, v57;
	v57 =	vmul.f32 v46, v22;
	v59 =	vmul.f32 v34, v19  }
0x3b2: {  	v29 =	vld [tilespmem:s14+$0x370];
	v61 =	vmul.f32 v36, v20;
	v24 =	vadd.f32 v25, v24;
	v25 =	vadd.f32 v58, v54  }
0x3b3: {  	v26 =	vadd.f32 v27, v26;
	v27 =	vadd.f32 v60, v56;
	v54 =	vld [tilespmem:s14+$0x3F0];
	v56 =	vmul.f32 v45, v17  }
0x3b4: {  	v58 =	vmul.f32 v32, v18;
	v63 =	vmul.f32 v63, v16;
	v25 =	vadd.f32 v62, v25  }
0x3b5: {  	v41 =	vmul.f32 v48, v17;
	v27 =	vadd.f32 v47, v27;
	v24 =	vadd.f32 v26, v24  }
0x3b6: {  	v42 =	vmul.f32 v51, v22;
	v26 =	vadd.f32 v55, v49;
	v60 =	vadd.f32 v56, v50  }
0x3b7: {  	v62 =	vmul.f32 v38, v21;
	v29 =	vmul.f32 v29, v23;
	v28 =	vadd.f32 v63, v58  }
0x3b8: {  	v44 =	vadd.f32 v41, v59;
	v25 =	vadd.f32 v27, v25;
	v43 =	vmul.f32 v54, v23  }
0x3b9: {  	v27 =	vadd.f32 v57, v52;
	v29 =	vadd.f32 v29, v53  }
0x3ba: {  	v45 =	vadd.f32 v42, v61;
	v46 =	vadd.f32 v43, v62  }
0x3bb: {  	v26 =	vadd.f32 v60, v26;
	v27 =	vadd.f32 v29, v27  }
0x3bc: {  	v28 =	vadd.f32 v44, v28;
	v47 =	vadd.f32 v46, v45  }
0x3bd: {  	[tilespmem:$0x1A340] =	vst v24;
	v48 =	vadd.f32 v27, v26  }
0x3be: {  	[tilespmem:$0x1A350] =	vst v25;
	v49 =	vadd.f32 v47, v28  }
0x3bf: {  	[tilespmem:$0x1A360] =	vst v48  }
0x3c0: {  	[tilespmem:$0x1A370] =	vst v49  }
0x3c1: {  	v24 =	vld.idx.msk [tilespmem:v0+s28+$0x0], $0xffff  }
0x3c2: {  	v25 =	vld.idx.msk [tilespmem:v1+s28+$0x0], $0xffff;
	_ =	sdelay $0x1  }
0x3c3: {  	v50 =	vld.idx.msk [tilespmem:v2+s28+$0x0], $0xffff;
	_ =	sdelay $0x1  }
0x3c4: {  	v51 =	vld.idx.msk [tilespmem:v3+s28+$0x0], $0xffff  }
0x3c5: {  	v24 =	vadd.f32 v25, v24  }
0x3c6: {  	v52 =	vld.idx.msk [tilespmem:v4+s28+$0x0], $0xffff  }
0x3c7: {  	v24 =	vadd.f32 v50, v24  }
0x3c8: {  	v53 =	vld.idx.msk [tilespmem:v5+s28+$0x0], $0xffff  }
0x3c9: {  	v24 =	vadd.f32 v51, v24  }
0x3ca: {  	v54 =	vld.idx.msk [tilespmem:v6+s28+$0x0], $0xffff  }
0x3cb: {  	v24 =	vadd.f32 v52, v24  }
0x3cc: {  	v55 =	vld.idx.msk [tilespmem:v7+s28+$0x0], $0xffff  }
0x3cd: {  	v24 =	vadd.f32 v53, v24  }
0x3ce: {  	v56 =	vld.idx.msk [tilespmem:v8+s28+$0x0], $0xffff  }
0x3cf: {  	v24 =	vadd.f32 v54, v24  }
0x3d0: {  	v57 =	vld.idx.msk [tilespmem:v9+s28+$0x0], $0xffff  }
0x3d1: {  	v24 =	vadd.f32 v55, v24  }
0x3d2: {  	v58 =	vld.idx.msk [tilespmem:v10+s28+$0x0], $0xffff  }
0x3d3: {  	v24 =	vadd.f32 v56, v24  }
0x3d4: {  	v59 =	vld.idx.msk [tilespmem:v11+s28+$0x0], $0xffff  }
0x3d5: {  	v24 =	vadd.f32 v57, v24  }
0x3d6: {  	v60 =	vld.idx.msk [tilespmem:v12+s28+$0x0], $0xffff  }
0x3d7: {  	v24 =	vadd.f32 v58, v24  }
0x3d8: {  	v61 =	vld.idx.msk [tilespmem:v13+s28+$0x0], $0xffff  }
0x3d9: {  	v24 =	vadd.f32 v59, v24  }
0x3da: {  	v62 =	vld.idx.msk [tilespmem:v14+s28+$0x0], $0xffff  }
0x3db: {  	v24 =	vadd.f32 v60, v24  }
0x3dc: {  	v63 =	vld.idx.msk [tilespmem:v15+s28+$0x0], $0xffff  }
0x3dd: {  	v24 =	vadd.f32 v61, v24  }
0x3de: {  	p0 =	sne.s32 s8, $0x1C0  }
.Ltmp3:
0x3df: {  	v24 =	vadd.f32 v62, v24;
	(pc) =	sbr.rel @p0 .LBB2_9-.Ltmp3, $4  }
0x3e0: {  	_ = 	snop  }
0x3e1: {  	v24 =	vadd.f32 v63, v24  }
0x3e2: {  	s15 =	sshra.s32 s8, $0x2  }
0x3e3: {  	s8 =	sadd.s32 $0x40, s8;
	s14 =	sadd.s32 $0x800, s14;
	[tilespmem:s15+$0x1A100] =	vst v24  }
0x3e4: {  	s12 =	sadd.s32 $0x1, s12  }
0x3e5: {  	s8 =	sor.u32 s13, s11;
	p0 =	sne.s32 s12, $0x80  }
.Ltmp4:
0x3e6: {  	s8 =	sor.u32 s21, s8;
	(pc) =	sbr.rel @p0 .LBB2_2-.Ltmp4, $4  }
0x3e7: {  	s31 =	simm.s32 $0x1A100;
	s30 =	sadd.s32 s5, s8  }
0x3e8: {  	[hbm4b:s30+s4] =	stream.linear.scatter [tilespmem:s31], [sflag:$0x6], $0x80, $0x38;
	[tilespmem:$0x1A380] =	vst v63  }
0x3e9: {  	s8 =	sadd.s32 s6, s8  }
0x3ea: {  	[hbm4b:s8+s4] =	stream.linear.scatter [tilespmem:s17], [sflag:$0x8], $0x80, $0x38;
	[tilespmem:$0x1A380] =	vst v63  }
0x3eb: {  	s8 =	simm.s32 $0x5  }
0x3ec: {  	_ =	swait.ge [sflag:s8], $0x80  }
0x3ed: {  	[sflag:s8] =	ssyncset.done $0x0  }
0x3ee: {  	s30 =	simm.s32 $0x7;
	[sflag:s8] =	ssyncadd.s32 $0xFFFFFF80  }
0x3ef: {  	_ =	swait.ge [sflag:s30], $0x80  }
0x3f0: {  	[sflag:s30] =	ssyncset.done $0x0  }
0x3f1: {  	[sflag:s30] =	ssyncadd.s32 $0xFFFFFF80  }
0x3f2: {  	_ =	swait.ge [sflag:s9], $0x80  }
0x3f3: {  	[sflag:s9] =	ssyncset.done $0x0  }
0x3f4: {  	[sflag:s9] =	ssyncadd.s32 $0xFFFFFF80  }
0x3f5: {  	_ =	swait.ge [sflag:s10], $0x80  }
0x3f6: {  	s11 =	rddreg [dreg:$0xf]  }
0x3f7: {  	s31 =	rddreg [dreg:$0xe];
	s11 =	sadd.s32 $0x1, s11  }
0x3f8: {  	p0 =	sne.s32 s11, s31  }
.Ltmp5:
0x3f9: {  	_ = 	snop;
	(pc) =	sbr.rel @p0 .LBB2_1-.Ltmp5, $3  }
0x3fa: {  	_ =	sdelay $0x1  }
0x3fb: {  	[sflag:s10] =	ssyncset.done $0x0  }
0x3fc: {  	[sflag:s10] =	ssyncadd.s32 $0xFFFFFF80  }
0x3fd: {  	_ =	sfence.sel $0x180000  }
0x3fe: {  	[bflag:$0x0] =	sbarrier.arrive $0xFFFF  }
0x3ff: {  	_ =	strace $0x90000047  }
0x400: {  	s0 =	stileid.u32;
	[bflag:$0x2] =	sbarrier.arrive $0xFFFF  }
0x401: {  	p0 =	sne.s32 s0, $0x0;
	s0 =	rddreg [dreg:$0x7]  }
0x402: {  	s0 =	sadd.s32 @!p0 $0x100000, s0  }
0x403: {  	[sflag:s0] =	ssyncadd.tile.s32 @!p0 $0x1;
	_ =	shalt  }
.Lfunc_end2:
_tile_overlayer_lowered:
.L_overlay_start_2:
0x404: {  	(tag) =	ssettag $0x2  }
0x405: {  	s0 =	rddreg [dreg:$0x0];
	s2 =	stileid.u32  }
0x406: {  	s1 =	rddreg [dreg:$0x1];
	p0 =	sne.s32 s2, $0x0  }
0x407: {  	s3 =	rddreg [dreg:$0x2];
	[bflag:$0x3] =	sbarrier.arrive $0xFFFF;
	s2 =	simm.s32 @!p0 $0x1C0A  }
0x408: {  	[timem:s3], [sflag:s2] =	dma.local @!p0 [hbm:s0], s1  }
0x409: {  	s0 =	simm.s32 @!p0 $0xA  }
0x40a: {  	_ =	swait.ge @!p0 [sflag:s0], s1  }
0x40b: {  	s1 =	ssub.s32 @!p0 $0x0, s1;
	[sflag:s0] =	ssyncset.done @!p0 $0x0  }
0x40c: {  	[sflag:s0] =	ssyncadd.s32 @!p0 s1  }
0x40d: {  	[bflag:$0x3] =	sbarrier.arrive $0xFFFF  }
0x40e: {  	_ =	shalt  }

</sc_bundles>
